<compile_context>
chip_gen: v7x
topology: tpu7x:2x2x1
jax: 0.10.2.dev20260603
libtpu: 0.0.44.dev20260713+nightly
codegen_flags: <defaults>
</compile_context>

<pallas_src>
import functools

import jax
import jax.numpy as jnp
from jax import lax
from jax.experimental import pallas as pl
from jax.experimental.pallas import tpu as pltpu
from jax.experimental.pallas import tpu_sc as plsc

_LANES = 16
_EPS = 1e-5


@functools.lru_cache(maxsize=None)
def _build(B, L, V, H):
    info = plsc.get_sparse_core_info()
    NC, NS = info.num_cores, info.num_subcores
    NW = NC * NS
    assert B % (NW * 128) == 0 and H == 4 * _LANES and L % 2 == 0
    HJ = H // _LANES
    CW = 129

    mesh = plsc.VectorSubcoreMesh(core_axis_name="c", subcore_axis_name="s")

    @functools.partial(
        pl.kernel,
        mesh=mesh,
        out_type=jax.ShapeDtypeStruct((L, H // 8, 32, 8, 128), jnp.float32),
        compiler_params=pltpu.CompilerParams(
            needs_layout_passes=False, use_tc_tiling_on_sc=False),
        scratch_types=[
            pltpu.VMEM((2, 128), jnp.int32),
            pltpu.VMEM((2, 128, H), jnp.float32),
            pltpu.VMEM((2, H, CW), jnp.float32),
            pltpu.VMEM((L, H), jnp.float32),
            pltpu.VMEM((H,), jnp.float32),
            pltpu.VMEM((H,), jnp.float32),
            pltpu.SemaphoreType.DMA,
            pltpu.SemaphoreType.DMA,
            pltpu.SemaphoreType.DMA,
            pltpu.SemaphoreType.DMA,
            pltpu.SemaphoreType.DMA,
            pltpu.SemaphoreType.DMA,
        ],
    )
    def body(tokt_hbm, table_hbm, pos_hbm, gamma_hbm, beta_hbm, out_hbm,
             idx_v, rows_v, outs_v, pos_v, gamma_v, beta_v,
             g0, g1, o0, o1, ix0, ix1):
        wid = lax.axis_index("s") * NC + lax.axis_index("c")
        b0 = wid * 128
        pltpu.sync_copy(pos_hbm, pos_v)
        pltpu.sync_copy(gamma_hbm, gamma_v)
        pltpu.sync_copy(beta_hbm, beta_v)
        g = [gamma_v[pl.ds(j * _LANES, _LANES)] for j in range(HJ)]
        bta = [beta_v[pl.ds(j * _LANES, _LANES)] for j in range(HJ)]
        hvec = [jnp.int32(j * _LANES)
                + lax.iota(jnp.int32, _LANES) for j in range(HJ)]

        def fire_idx(l, b, isem):
            pltpu.async_copy(tokt_hbm.at[l, pl.ds(b0, 128)], idx_v.at[b],
                             isem)

        def wait_idx(b, isem):
            pltpu.make_async_copy(
                tokt_hbm.at[0, pl.ds(b0, 128)], idx_v.at[b], isem).wait()

        def fire_gather(b, gsem):
            pltpu.async_copy(table_hbm.at[idx_v.at[b]], rows_v.at[b], gsem)

        def wait_gather(b, gsem):
            pltpu.make_async_copy(
                table_hbm.at[idx_v.at[b]], rows_v.at[b], gsem).wait()

        def fire_out(l, b, osem):
            for ht in range(H // 8):
                pltpu.async_copy(
                    outs_v.at[b, pl.ds(ht * 8, 8), pl.ds(0, 128)],
                    out_hbm.at[l, ht, wid],
                    osem,
                )

        def wait_out(b, osem):
            for ht in range(H // 8):
                pltpu.make_async_copy(
                    outs_v.at[b, pl.ds(ht * 8, 8), pl.ds(0, 128)],
                    out_hbm.at[0, ht, wid],
                    osem,
                ).wait()

        def compute(l, b):
            p = [pos_v[l, pl.ds(j * _LANES, _LANES)] for j in range(HJ)]
            KU = 4
            magic = jnp.full((_LANES,), 0x5F3759DF, dtype=jnp.int32)

            @plsc.parallel_loop(0, 128, KU, unroll=2)
            def row_group(i4):
                rr = [i4 + k for k in range(KU)]
                y = [[rows_v[b, r, pl.ds(j * _LANES, _LANES)] + p[j]
                      for j in range(HJ)] for r in rr]
                s = [(yk[0] + yk[1]) + (yk[2] + yk[3]) for yk in y]
                t = [(yk[0] * yk[0] + yk[1] * yk[1])
                     + (yk[2] * yk[2] + yk[3] * yk[3]) for yk in y]
                sr = [lax.rev(sk, (0,)) for sk in s]
                tr = [lax.rev(tk, (0,)) for tk in t]
                cs = [jnp.cumsum(sk) for sk in s]
                csr = [jnp.cumsum(sk) for sk in sr]
                ct = [jnp.cumsum(tk) for tk in t]
                ctr = [jnp.cumsum(tk) for tk in tr]
                tot_s = [c + lax.rev(cr, (0,)) - sk
                         for c, cr, sk in zip(cs, csr, s)]
                tot_t = [c + lax.rev(cr, (0,)) - tk
                         for c, cr, tk in zip(ct, ctr, t)]
                mean = [v * (1.0 / H) for v in tot_s]
                var = [v * (1.0 / H) - m * m
                       for v, m in zip(tot_t, mean)]
                a = [v + _EPS for v in var]
                rs = [plsc.bitcast(
                    magic - lax.shift_right_arithmetic(
                        plsc.bitcast(ak, jnp.int32), 1),
                    jnp.float32) for ak in a]
                rs = [rk * (1.5 - 0.5 * ak * rk * rk)
                      for rk, ak in zip(rs, a)]
                rvec = [jnp.full((_LANES,), r, dtype=jnp.int32) for r in rr]
                for k in range(KU):
                    for j in range(HJ):
                        plsc.store_scatter(
                            outs_v.at[b],
                            [hvec[j], rvec[k]],
                            (y[k][j] - mean[k]) * (rs[k] * g[j]) + bta[j],
                        )

        pltpu.sync_copy(tokt_hbm.at[0, pl.ds(b0, 128)], idx_v.at[0])
        fire_gather(0, g0)
        fire_idx(1, 1, ix1)

        def body2(l2, carry):
            l0 = 2 * l2
            l1 = l0 + 1
            wait_idx(1, ix1)
            fire_gather(1, g1)
            wait_gather(0, g0)

            @pl.when(l2 < L // 2 - 1)
            def _():
                fire_idx(l0 + 2, 0, ix0)

            @pl.when(l2 > 0)
            def _():
                wait_out(0, o0)

            compute(l0, 0)
            fire_out(l0, 0, o0)

            @pl.when(l2 < L // 2 - 1)
            def _():
                wait_idx(0, ix0)
                fire_gather(0, g0)

            wait_gather(1, g1)

            @pl.when(l2 < L // 2 - 1)
            def _():
                fire_idx(l1 + 2, 1, ix1)

            @pl.when(l2 > 0)
            def _():
                wait_out(1, o1)

            compute(l1, 1)
            fire_out(l1, 1, o1)
            return carry

        lax.fori_loop(0, L // 2, body2, 0)
        wait_out(0, o0)
        wait_out(1, o1)

    return body


def kernel(tokens, start_pos, token_table, pos_table, gamma, beta):
    B, L = tokens.shape
    V, H = token_table.shape
    tokt = tokens.T.astype(jnp.int32)
    pos_slice = lax.dynamic_slice_in_dim(pos_table, start_pos, L, axis=0)
    body = _build(B, L, V, H)
    out5 = body(tokt, token_table, pos_slice, gamma, beta)
    return out5.transpose(2, 4, 0, 1, 3).reshape(B, L, H)

# --- scband reference (transcript-rebuilt; emitter-appended) ---
"""Pipeline reference for scband-transformer-rnntembedding-4011499454630 (READ-ONLY COPY).

The authoritative reference and input builder live on the scoring server;
editing this copy changes nothing except your own understanding.
"""

import jax, jax.numpy as jnp
import numpy as np

VOCAB = 1000000
HID = 64
MAXLEN = 4096
B = 4096
L = 200


def setup_inputs(seed: int = 0) -> dict:
    key = jax.random.key(seed)
    k1, k2, k3 = jax.random.split(key, 3)
    tokens = jax.random.randint(k1, (B, L), 0, VOCAB, dtype=jnp.int64 if jax.config.jax_enable_x64 else jnp.int32)
    token_table = (jax.random.normal(k2, (VOCAB, HID), dtype=jnp.float32) * 0.02)
    token_table = token_table.at[0].set(0.0)  # padding_idx=0 -> zero row
    pos_table = jax.random.normal(k3, (MAXLEN, HID), dtype=jnp.float32) * 0.02
    gamma = jnp.ones((HID,), dtype=jnp.float32)
    beta = jnp.zeros((HID,), dtype=jnp.float32)
    return {"tokens": tokens, "start_pos": 0, "token_table": token_table, "pos_table": pos_table, "gamma": gamma, "beta": beta}


def reference(tokens, start_pos, token_table, pos_table, gamma, beta):
    # token embedding lookup (gather)
    seq_length = tokens.shape[1]
    position_ids = jnp.arange(seq_length) + start_pos  # [L]
    tok_emb = jnp.take(token_table, tokens, axis=0)               # [B, L, H]
    pos_emb = jnp.take(pos_table, position_ids, axis=0)[None, :, :]  # [1, L, H]
    embeddings = tok_emb + pos_emb
    # LayerNorm(eps=1e-5)
    mean = jnp.mean(embeddings, axis=-1, keepdims=True)
    var = jnp.var(embeddings, axis=-1, keepdims=True)
    out = (embeddings - mean) / jnp.sqrt(var + 1e-5) * gamma + beta
    # dropout p=0.0 -> identity
    return out

if __name__ == "__main__":
    import jax
    _d = setup_inputs()
    print(jax.jit(kernel)(*tuple(_d.values())))

</pallas_src>

<mosaic_0001>
#map = affine_map<(d0, d1) -> (0, 0)>
#map1 = affine_map<(d0, d1) -> (0)>
#map2 = affine_map<(d0, d1) -> (0, 0, 0, 0, 0)>
module attributes {stable_mosaic.version = 14 : i64} {
  func.func @body(%arg0: i32, %arg1: i32, %arg2: memref<200x4096xi32, #tpu.memory_space<hbm>>, %arg3: memref<1000000x64xf32, #tpu.memory_space<hbm>>, %arg4: memref<200x64xf32, #tpu.memory_space<hbm>>, %arg5: memref<64xf32, #tpu.memory_space<hbm>>, %arg6: memref<64xf32, #tpu.memory_space<hbm>>, %arg7: memref<200x8x32x8x128xf32, #tpu.memory_space<hbm>>, %arg8: memref<2x128xi32, #tpu.memory_space<vmem>>, %arg9: memref<2x128x64xf32, #tpu.memory_space<vmem>>, %arg10: memref<2x64x129xf32, #tpu.memory_space<vmem>>, %arg11: memref<200x64xf32, #tpu.memory_space<vmem>>, %arg12: memref<64xf32, #tpu.memory_space<vmem>>, %arg13: memref<64xf32, #tpu.memory_space<vmem>>, %arg14: memref<!tpu.dma_semaphore, #tpu.memory_space<semaphore_mem>>, %arg15: memref<!tpu.dma_semaphore, #tpu.memory_space<semaphore_mem>>, %arg16: memref<!tpu.dma_semaphore, #tpu.memory_space<semaphore_mem>>, %arg17: memref<!tpu.dma_semaphore, #tpu.memory_space<semaphore_mem>>, %arg18: memref<!tpu.dma_semaphore, #tpu.memory_space<semaphore_mem>>, %arg19: memref<!tpu.dma_semaphore, #tpu.memory_space<semaphore_mem>>) attributes {dimension_semantics = [#tpu.dimension_semantics<core_parallel>, #tpu.dimension_semantics<subcore_parallel>], iteration_bounds = array<i64: 2, 16>, scalar_prefetch = 0 : i64, scratch_operands = 12 : i64, tpu.core_type = #tpu.core_type<sc_vector_subcore>, window_params = [{transform_indices = #map}, {transform_indices = #map}, {transform_indices = #map}, {transform_indices = #map1}, {transform_indices = #map1}, {transform_indices = #map2}]} {
    %mul3A = arith.constant 2 : i32
    %mul3A_0 = arith.muli %arg1, %mul3A : i32
    %add3A = arith.addi %mul3A_0, %arg0 : i32
    %mul3A_1 = arith.constant 128 : i32
    %mul3A_2 = arith.muli %add3A, %mul3A_1 : i32
    "tpu.region"() ({
      %run_scoped3A_365 = tpu.sem_alloc : memref<!tpu.dma_semaphore, #tpu.memory_space<semaphore_mem>>
      tpu.enqueue_dma source(%arg4 : memref<200x64xf32, #tpu.memory_space<hbm>>) target(%arg11 : memref<200x64xf32, #tpu.memory_space<vmem>>) target_semaphore(%run_scoped3A_365 : memref<!tpu.dma_semaphore, #tpu.memory_space<semaphore_mem>>)
      tpu.wait_dma2 semaphore(%run_scoped3A_365 : memref<!tpu.dma_semaphore, #tpu.memory_space<semaphore_mem>>) src(%arg4 : memref<200x64xf32, #tpu.memory_space<hbm>>) dst(%arg11 : memref<200x64xf32, #tpu.memory_space<vmem>>)
      tpu.yield
    }) : () -> ()
    "tpu.region"() ({
      %run_scoped3A_365 = tpu.sem_alloc : memref<!tpu.dma_semaphore, #tpu.memory_space<semaphore_mem>>
      tpu.enqueue_dma source(%arg5 : memref<64xf32, #tpu.memory_space<hbm>>) target(%arg12 : memref<64xf32, #tpu.memory_space<vmem>>) target_semaphore(%run_scoped3A_365 : memref<!tpu.dma_semaphore, #tpu.memory_space<semaphore_mem>>)
      tpu.wait_dma2 semaphore(%run_scoped3A_365 : memref<!tpu.dma_semaphore, #tpu.memory_space<semaphore_mem>>) src(%arg5 : memref<64xf32, #tpu.memory_space<hbm>>) dst(%arg12 : memref<64xf32, #tpu.memory_space<vmem>>)
      tpu.yield
    }) : () -> ()
    "tpu.region"() ({
      %run_scoped3A_365 = tpu.sem_alloc : memref<!tpu.dma_semaphore, #tpu.memory_space<semaphore_mem>>
      tpu.enqueue_dma source(%arg6 : memref<64xf32, #tpu.memory_space<hbm>>) target(%arg13 : memref<64xf32, #tpu.memory_space<vmem>>) target_semaphore(%run_scoped3A_365 : memref<!tpu.dma_semaphore, #tpu.memory_space<semaphore_mem>>)
      tpu.wait_dma2 semaphore(%run_scoped3A_365 : memref<!tpu.dma_semaphore, #tpu.memory_space<semaphore_mem>>) src(%arg6 : memref<64xf32, #tpu.memory_space<hbm>>) dst(%arg13 : memref<64xf32, #tpu.memory_space<vmem>>)
      tpu.yield
    }) : () -> ()
    %get3A = arith.constant 0 : index
    %get3A_3 = tpu.vector_load %arg12[%get3A] {strides = array<i32>} : memref<64xf32, #tpu.memory_space<vmem>>, vector<16xf32>,
    %get3A_4 = arith.constant 16 : index
    %get3A_5 = tpu.vector_load %arg12[%get3A_4] {strides = array<i32>} : memref<64xf32, #tpu.memory_space<vmem>>, vector<16xf32>,
    %get3A_6 = arith.constant 32 : index
    %get3A_7 = tpu.vector_load %arg12[%get3A_6] {strides = array<i32>} : memref<64xf32, #tpu.memory_space<vmem>>, vector<16xf32>,
    %get3A_8 = arith.constant 48 : index
    %get3A_9 = tpu.vector_load %arg12[%get3A_8] {strides = array<i32>} : memref<64xf32, #tpu.memory_space<vmem>>, vector<16xf32>,
    %get3A_10 = arith.constant 0 : index
    %get3A_11 = tpu.vector_load %arg13[%get3A_10] {strides = array<i32>} : memref<64xf32, #tpu.memory_space<vmem>>, vector<16xf32>,
    %get3A_12 = arith.constant 16 : index
    %get3A_13 = tpu.vector_load %arg13[%get3A_12] {strides = array<i32>} : memref<64xf32, #tpu.memory_space<vmem>>, vector<16xf32>,
    %get3A_14 = arith.constant 32 : index
    %get3A_15 = tpu.vector_load %arg13[%get3A_14] {strides = array<i32>} : memref<64xf32, #tpu.memory_space<vmem>>, vector<16xf32>,
    %get3A_16 = arith.constant 48 : index
    %get3A_17 = tpu.vector_load %arg13[%get3A_16] {strides = array<i32>} : memref<64xf32, #tpu.memory_space<vmem>>, vector<16xf32>,
    %iota3A = tpu.iota {dimensions = array<i32: 0>} : vector<16xi32>
    %add3A_18 = arith.constant 0 : i32
    %add3A_19 = vector.broadcast %add3A_18 : i32 to vector<16xi32>
    %add3A_20 = arith.addi %add3A_19, %iota3A : vector<16xi32>
    %iota3A_21 = tpu.iota {dimensions = array<i32: 0>} : vector<16xi32>
    %add3A_22 = arith.constant 16 : i32
    %add3A_23 = vector.broadcast %add3A_22 : i32 to vector<16xi32>
    %add3A_24 = arith.addi %add3A_23, %iota3A_21 : vector<16xi32>
    %iota3A_25 = tpu.iota {dimensions = array<i32: 0>} : vector<16xi32>
    %add3A_26 = arith.constant 32 : i32
    %add3A_27 = vector.broadcast %add3A_26 : i32 to vector<16xi32>
    %add3A_28 = arith.addi %add3A_27, %iota3A_25 : vector<16xi32>
    %iota3A_29 = tpu.iota {dimensions = array<i32: 0>} : vector<16xi32>
    %add3A_30 = arith.constant 48 : i32
    %add3A_31 = vector.broadcast %add3A_30 : i32 to vector<16xi32>
    %add3A_32 = arith.addi %add3A_31, %iota3A_29 : vector<16xi32>
    %run_scoped3A = arith.constant 0 : i32
    %run_scoped3A_33 = arith.constant 0 : i32
    "tpu.region"() ({
      %run_scoped3A_365 = tpu.sem_alloc : memref<!tpu.dma_semaphore, #tpu.memory_space<semaphore_mem>>
      %dma_start3A_366 = arith.constant 0 : i32
      %dma_start3A_367 = tpu.memref_slice %arg8[%run_scoped3A_33, %dma_start3A_366] : memref<2x128xi32, #tpu.memory_space<vmem>> -> memref<1x128xi32, #tpu.memory_space<vmem>>
      %dma_start3A_368 = tpu.memref_squeeze %dma_start3A_367 : memref<1x128xi32, #tpu.memory_space<vmem>> -> memref<128xi32, #tpu.memory_space<vmem>>
      %dma_start3A_369 = tpu.memref_slice %arg2[%run_scoped3A, %mul3A_2] : memref<200x4096xi32, #tpu.memory_space<hbm>> -> memref<1x128xi32, #tpu.memory_space<hbm>>
      %dma_start3A_370 = tpu.memref_squeeze %dma_start3A_369 : memref<1x128xi32, #tpu.memory_space<hbm>> -> memref<128xi32, #tpu.memory_space<hbm>>
      %dma_start3A_371 = arith.constant 0 : i32
      %dma_start3A_372 = tpu.memref_slice %arg8[%run_scoped3A_33, %dma_start3A_371] : memref<2x128xi32, #tpu.memory_space<vmem>> -> memref<1x128xi32, #tpu.memory_space<vmem>>
      %dma_start3A_373 = tpu.memref_squeeze %dma_start3A_372 : memref<1x128xi32, #tpu.memory_space<vmem>> -> memref<128xi32, #tpu.memory_space<vmem>>
      %dma_start3A_374 = tpu.memref_slice %arg2[%run_scoped3A, %mul3A_2] : memref<200x4096xi32, #tpu.memory_space<hbm>> -> memref<1x128xi32, #tpu.memory_space<hbm>>
      %dma_start3A_375 = tpu.memref_squeeze %dma_start3A_374 : memref<1x128xi32, #tpu.memory_space<hbm>> -> memref<128xi32, #tpu.memory_space<hbm>>
      tpu.enqueue_dma source(%dma_start3A_375 : memref<128xi32, #tpu.memory_space<hbm>>) target(%dma_start3A_373 : memref<128xi32, #tpu.memory_space<vmem>>) target_semaphore(%run_scoped3A_365 : memref<!tpu.dma_semaphore, #tpu.memory_space<semaphore_mem>>)
      %dma_wait3A_376 = arith.constant 0 : i32
      %dma_wait3A_377 = tpu.memref_slice %arg8[%run_scoped3A_33, %dma_wait3A_376] : memref<2x128xi32, #tpu.memory_space<vmem>> -> memref<1x128xi32, #tpu.memory_space<vmem>>
      %dma_wait3A_378 = tpu.memref_squeeze %dma_wait3A_377 : memref<1x128xi32, #tpu.memory_space<vmem>> -> memref<128xi32, #tpu.memory_space<vmem>>
      %dma_wait3A_379 = tpu.memref_slice %arg2[%run_scoped3A, %mul3A_2] : memref<200x4096xi32, #tpu.memory_space<hbm>> -> memref<1x128xi32, #tpu.memory_space<hbm>>
      %dma_wait3A_380 = tpu.memref_squeeze %dma_wait3A_379 : memref<1x128xi32, #tpu.memory_space<hbm>> -> memref<128xi32, #tpu.memory_space<hbm>>
      %dma_wait3A_381 = arith.constant 0 : i32
      %dma_wait3A_382 = tpu.memref_slice %arg8[%run_scoped3A_33, %dma_wait3A_381] : memref<2x128xi32, #tpu.memory_space<vmem>> -> memref<1x128xi32, #tpu.memory_space<vmem>>
      %dma_wait3A_383 = tpu.memref_squeeze %dma_wait3A_382 : memref<1x128xi32, #tpu.memory_space<vmem>> -> memref<128xi32, #tpu.memory_space<vmem>>
      %dma_wait3A_384 = tpu.memref_slice %arg2[%run_scoped3A, %mul3A_2] : memref<200x4096xi32, #tpu.memory_space<hbm>> -> memref<1x128xi32, #tpu.memory_space<hbm>>
      %dma_wait3A_385 = tpu.memref_squeeze %dma_wait3A_384 : memref<1x128xi32, #tpu.memory_space<hbm>> -> memref<128xi32, #tpu.memory_space<hbm>>
      tpu.wait_dma2 semaphore(%run_scoped3A_365 : memref<!tpu.dma_semaphore, #tpu.memory_space<semaphore_mem>>) src(%dma_wait3A_385 : memref<128xi32, #tpu.memory_space<hbm>>) dst(%dma_wait3A_383 : memref<128xi32, #tpu.memory_space<vmem>>)
      tpu.yield
    }) : () -> ()
    %dma_start3A = arith.constant 0 : i32
    %dma_start3A_34 = arith.constant 0 : i32
    %dma_start3A_35 = arith.constant 0 : i32
    %dma_start3A_36 = arith.constant 0 : i32
    %dma_start3A_37 = tpu.memref_slice %arg9[%dma_start3A_34, %dma_start3A_35, %dma_start3A_36] : memref<2x128x64xf32, #tpu.memory_space<vmem>> -> memref<1x128x64xf32, #tpu.memory_space<vmem>>
    %dma_start3A_38 = tpu.memref_squeeze %dma_start3A_37 : memref<1x128x64xf32, #tpu.memory_space<vmem>> -> memref<128x64xf32, #tpu.memory_space<vmem>>
    %dma_start3A_39 = arith.constant 0 : i32
    %dma_start3A_40 = tpu.memref_slice %arg8[%dma_start3A, %dma_start3A_39] : memref<2x128xi32, #tpu.memory_space<vmem>> -> memref<1x128xi32, #tpu.memory_space<vmem>>
    %dma_start3A_41 = tpu.memref_squeeze %dma_start3A_40 : memref<1x128xi32, #tpu.memory_space<vmem>> -> memref<128xi32, #tpu.memory_space<vmem>>
    %dma_start3A_42 = arith.constant 0 : i32
    %dma_start3A_43 = arith.constant 0 : i32
    %dma_start3A_44 = tpu.memref_slice %arg3[%dma_start3A_42, %dma_start3A_43] : memref<1000000x64xf32, #tpu.memory_space<hbm>> -> memref<1000000x64xf32, #tpu.memory_space<hbm>>
    tpu.enqueue_indirect_dma source(%dma_start3A_44 : memref<1000000x64xf32, #tpu.memory_space<hbm>>) target(%dma_start3A_38 : memref<128x64xf32, #tpu.memory_space<vmem>>) offsets(%dma_start3A_41 : memref<128xi32, #tpu.memory_space<vmem>>) semaphore(%arg14 : memref<!tpu.dma_semaphore, #tpu.memory_space<semaphore_mem>>)
    %dma_start3A_45 = arith.constant 1 : i32
    %dma_start3A_46 = arith.constant 1 : i32
    %dma_start3A_47 = arith.constant 0 : i32
    %dma_start3A_48 = tpu.memref_slice %arg8[%dma_start3A_46, %dma_start3A_47] : memref<2x128xi32, #tpu.memory_space<vmem>> -> memref<1x128xi32, #tpu.memory_space<vmem>>
    %dma_start3A_49 = tpu.memref_squeeze %dma_start3A_48 : memref<1x128xi32, #tpu.memory_space<vmem>> -> memref<128xi32, #tpu.memory_space<vmem>>
    %dma_start3A_50 = tpu.memref_slice %arg2[%dma_start3A_45, %mul3A_2] : memref<200x4096xi32, #tpu.memory_space<hbm>> -> memref<1x128xi32, #tpu.memory_space<hbm>>
    %dma_start3A_51 = tpu.memref_squeeze %dma_start3A_50 : memref<1x128xi32, #tpu.memory_space<hbm>> -> memref<128xi32, #tpu.memory_space<hbm>>
    %dma_start3A_52 = arith.constant 0 : i32
    %dma_start3A_53 = tpu.memref_slice %arg8[%dma_start3A_46, %dma_start3A_52] : memref<2x128xi32, #tpu.memory_space<vmem>> -> memref<1x128xi32, #tpu.memory_space<vmem>>
    %dma_start3A_54 = tpu.memref_squeeze %dma_start3A_53 : memref<1x128xi32, #tpu.memory_space<vmem>> -> memref<128xi32, #tpu.memory_space<vmem>>
    %dma_start3A_55 = tpu.memref_slice %arg2[%dma_start3A_45, %mul3A_2] : memref<200x4096xi32, #tpu.memory_space<hbm>> -> memref<1x128xi32, #tpu.memory_space<hbm>>
    %dma_start3A_56 = tpu.memref_squeeze %dma_start3A_55 : memref<1x128xi32, #tpu.memory_space<hbm>> -> memref<128xi32, #tpu.memory_space<hbm>>
    tpu.enqueue_dma source(%dma_start3A_56 : memref<128xi32, #tpu.memory_space<hbm>>) target(%dma_start3A_54 : memref<128xi32, #tpu.memory_space<vmem>>) target_semaphore(%arg19 : memref<!tpu.dma_semaphore, #tpu.memory_space<semaphore_mem>>)
    %scan3A = arith.constant 0 : i32
    %scan3A_57 = arith.constant 0 : i32
    %scan3A_58 = arith.constant 100 : i32
    %scan3A_59 = arith.addi %scan3A_57, %scan3A_58 : i32
    %scan3A_60 = arith.constant 1 : i32
    scf.for %scan3A_365 = %scan3A_57 to %scan3A_59 step %scan3A_60  : i32 {
      %mul3A_366 = arith.constant 2 : i32
      %mul3A_367 = arith.muli %mul3A_366, %scan3A_365 : i32
      %add3A_368 = arith.constant 1 : i32
      %add3A_369 = arith.addi %mul3A_367, %add3A_368 : i32
      %dma_wait3A_370 = arith.constant 0 : i32
      %dma_wait3A_371 = arith.constant 1 : i32
      %dma_wait3A_372 = arith.constant 0 : i32
      %dma_wait3A_373 = tpu.memref_slice %arg8[%dma_wait3A_371, %dma_wait3A_372] : memref<2x128xi32, #tpu.memory_space<vmem>> -> memref<1x128xi32, #tpu.memory_space<vmem>>
      %dma_wait3A_374 = tpu.memref_squeeze %dma_wait3A_373 : memref<1x128xi32, #tpu.memory_space<vmem>> -> memref<128xi32, #tpu.memory_space<vmem>>
      %dma_wait3A_375 = tpu.memref_slice %arg2[%dma_wait3A_370, %mul3A_2] : memref<200x4096xi32, #tpu.memory_space<hbm>> -> memref<1x128xi32, #tpu.memory_space<hbm>>
      %dma_wait3A_376 = tpu.memref_squeeze %dma_wait3A_375 : memref<1x128xi32, #tpu.memory_space<hbm>> -> memref<128xi32, #tpu.memory_space<hbm>>
      %dma_wait3A_377 = arith.constant 0 : i32
      %dma_wait3A_378 = tpu.memref_slice %arg8[%dma_wait3A_371, %dma_wait3A_377] : memref<2x128xi32, #tpu.memory_space<vmem>> -> memref<1x128xi32, #tpu.memory_space<vmem>>
      %dma_wait3A_379 = tpu.memref_squeeze %dma_wait3A_378 : memref<1x128xi32, #tpu.memory_space<vmem>> -> memref<128xi32, #tpu.memory_space<vmem>>
      %dma_wait3A_380 = tpu.memref_slice %arg2[%dma_wait3A_370, %mul3A_2] : memref<200x4096xi32, #tpu.memory_space<hbm>> -> memref<1x128xi32, #tpu.memory_space<hbm>>
      %dma_wait3A_381 = tpu.memref_squeeze %dma_wait3A_380 : memref<1x128xi32, #tpu.memory_space<hbm>> -> memref<128xi32, #tpu.memory_space<hbm>>
      tpu.wait_dma2 semaphore(%arg19 : memref<!tpu.dma_semaphore, #tpu.memory_space<semaphore_mem>>) src(%dma_wait3A_381 : memref<128xi32, #tpu.memory_space<hbm>>) dst(%dma_wait3A_379 : memref<128xi32, #tpu.memory_space<vmem>>)
      %dma_start3A_382 = arith.constant 1 : i32
      %dma_start3A_383 = arith.constant 1 : i32
      %dma_start3A_384 = arith.constant 0 : i32
      %dma_start3A_385 = arith.constant 0 : i32
      %dma_start3A_386 = tpu.memref_slice %arg9[%dma_start3A_383, %dma_start3A_384, %dma_start3A_385] : memref<2x128x64xf32, #tpu.memory_space<vmem>> -> memref<1x128x64xf32, #tpu.memory_space<vmem>>
      %dma_start3A_387 = tpu.memref_squeeze %dma_start3A_386 : memref<1x128x64xf32, #tpu.memory_space<vmem>> -> memref<128x64xf32, #tpu.memory_space<vmem>>
      %dma_start3A_388 = arith.constant 0 : i32
      %dma_start3A_389 = tpu.memref_slice %arg8[%dma_start3A_382, %dma_start3A_388] : memref<2x128xi32, #tpu.memory_space<vmem>> -> memref<1x128xi32, #tpu.memory_space<vmem>>
      %dma_start3A_390 = tpu.memref_squeeze %dma_start3A_389 : memref<1x128xi32, #tpu.memory_space<vmem>> -> memref<128xi32, #tpu.memory_space<vmem>>
      %dma_start3A_391 = arith.constant 0 : i32
      %dma_start3A_392 = arith.constant 0 : i32
      %dma_start3A_393 = tpu.memref_slice %arg3[%dma_start3A_391, %dma_start3A_392] : memref<1000000x64xf32, #tpu.memory_space<hbm>> -> memref<1000000x64xf32, #tpu.memory_space<hbm>>
      tpu.enqueue_indirect_dma source(%dma_start3A_393 : memref<1000000x64xf32, #tpu.memory_space<hbm>>) target(%dma_start3A_387 : memref<128x64xf32, #tpu.memory_space<vmem>>) offsets(%dma_start3A_390 : memref<128xi32, #tpu.memory_space<vmem>>) semaphore(%arg15 : memref<!tpu.dma_semaphore, #tpu.memory_space<semaphore_mem>>)
      %dma_wait3A_394 = arith.constant 0 : i32
      %dma_wait3A_395 = arith.constant 0 : i32
      %dma_wait3A_396 = arith.constant 0 : i32
      %dma_wait3A_397 = arith.constant 0 : i32
      %dma_wait3A_398 = tpu.memref_slice %arg9[%dma_wait3A_395, %dma_wait3A_396, %dma_wait3A_397] : memref<2x128x64xf32, #tpu.memory_space<vmem>> -> memref<1x128x64xf32, #tpu.memory_space<vmem>>
      %dma_wait3A_399 = tpu.memref_squeeze %dma_wait3A_398 : memref<1x128x64xf32, #tpu.memory_space<vmem>> -> memref<128x64xf32, #tpu.memory_space<vmem>>
      %dma_wait3A_400 = arith.constant 0 : i32
      %dma_wait3A_401 = tpu.memref_slice %arg8[%dma_wait3A_394, %dma_wait3A_400] : memref<2x128xi32, #tpu.memory_space<vmem>> -> memref<1x128xi32, #tpu.memory_space<vmem>>
      %dma_wait3A_402 = tpu.memref_squeeze %dma_wait3A_401 : memref<1x128xi32, #tpu.memory_space<vmem>> -> memref<128xi32, #tpu.memory_space<vmem>>
      %dma_wait3A_403 = arith.constant 0 : i32
      %dma_wait3A_404 = arith.constant 0 : i32
      %dma_wait3A_405 = tpu.memref_slice %arg3[%dma_wait3A_403, %dma_wait3A_404] : memref<1000000x64xf32, #tpu.memory_space<hbm>> -> memref<1000000x64xf32, #tpu.memory_space<hbm>>
      tpu.wait_indirect_dma semaphore(%arg14 : memref<!tpu.dma_semaphore, #tpu.memory_space<semaphore_mem>>) src(%dma_wait3A_405 : memref<1000000x64xf32, #tpu.memory_space<hbm>>) dst(%dma_wait3A_399 : memref<128x64xf32, #tpu.memory_space<vmem>>)
      %lt3A = arith.constant 99 : i32
      %lt3A_406 = arith.cmpi slt, %scan3A_365, %lt3A : i32
      %convert_element_type3A = arith.extui %lt3A_406 : i1 to i32
      %cond3A = arith.constant 0 : i32
      %cond3A_407 = arith.cmpi ne, %convert_element_type3A, %cond3A : i32
      scf.if %cond3A_407 {
        %add3A_759 = arith.constant 2 : i32
        %add3A_760 = arith.addi %mul3A_367, %add3A_759 : i32
        %dma_start3A_761 = arith.constant 0 : i32
        %dma_start3A_762 = arith.constant 0 : i32
        %dma_start3A_763 = tpu.memref_slice %arg8[%dma_start3A_761, %dma_start3A_762] : memref<2x128xi32, #tpu.memory_space<vmem>> -> memref<1x128xi32, #tpu.memory_space<vmem>>
        %dma_start3A_764 = tpu.memref_squeeze %dma_start3A_763 : memref<1x128xi32, #tpu.memory_space<vmem>> -> memref<128xi32, #tpu.memory_space<vmem>>
        %dma_start3A_765 = tpu.memref_slice %arg2[%add3A_760, %mul3A_2] : memref<200x4096xi32, #tpu.memory_space<hbm>> -> memref<1x128xi32, #tpu.memory_space<hbm>>
        %dma_start3A_766 = tpu.memref_squeeze %dma_start3A_765 : memref<1x128xi32, #tpu.memory_space<hbm>> -> memref<128xi32, #tpu.memory_space<hbm>>
        %dma_start3A_767 = arith.constant 0 : i32
        %dma_start3A_768 = tpu.memref_slice %arg8[%dma_start3A_761, %dma_start3A_767] : memref<2x128xi32, #tpu.memory_space<vmem>> -> memref<1x128xi32, #tpu.memory_space<vmem>>
        %dma_start3A_769 = tpu.memref_squeeze %dma_start3A_768 : memref<1x128xi32, #tpu.memory_space<vmem>> -> memref<128xi32, #tpu.memory_space<vmem>>
        %dma_start3A_770 = tpu.memref_slice %arg2[%add3A_760, %mul3A_2] : memref<200x4096xi32, #tpu.memory_space<hbm>> -> memref<1x128xi32, #tpu.memory_space<hbm>>
        %dma_start3A_771 = tpu.memref_squeeze %dma_start3A_770 : memref<1x128xi32, #tpu.memory_space<hbm>> -> memref<128xi32, #tpu.memory_space<hbm>>
        tpu.enqueue_dma source(%dma_start3A_771 : memref<128xi32, #tpu.memory_space<hbm>>) target(%dma_start3A_769 : memref<128xi32, #tpu.memory_space<vmem>>) target_semaphore(%arg18 : memref<!tpu.dma_semaphore, #tpu.memory_space<semaphore_mem>>)
      } else {
      }
      %gt3A = arith.constant 0 : i32
      %gt3A_408 = arith.cmpi sgt, %scan3A_365, %gt3A : i32
      %convert_element_type3A_409 = arith.extui %gt3A_408 : i1 to i32
      %cond3A_410 = arith.constant 0 : i32
      %cond3A_411 = arith.cmpi ne, %convert_element_type3A_409, %cond3A_410 : i32
      scf.if %cond3A_411 {
        %dma_wait3A_759 = arith.constant 0 : i32
        %dma_wait3A_760 = arith.constant 0 : i32
        %dma_wait3A_761 = arith.constant 0 : i32
        %dma_wait3A_762 = arith.constant 0 : i32
        %dma_wait3A_763 = arith.constant 0 : i32
        %dma_wait3A_764 = tpu.memref_slice %arg10[%dma_wait3A_759, %dma_wait3A_762, %dma_wait3A_763] : memref<2x64x129xf32, #tpu.memory_space<vmem>> -> memref<1x8x128xf32, #tpu.memory_space<vmem>>
        %dma_wait3A_765 = tpu.memref_squeeze %dma_wait3A_764 : memref<1x8x128xf32, #tpu.memory_space<vmem>> -> memref<8x128xf32, #tpu.memory_space<vmem>>
        %dma_wait3A_766 = arith.constant 0 : i32
        %dma_wait3A_767 = arith.constant 0 : i32
        %dma_wait3A_768 = tpu.memref_slice %arg7[%dma_wait3A_760, %dma_wait3A_761, %add3A, %dma_wait3A_766, %dma_wait3A_767] : memref<200x8x32x8x128xf32, #tpu.memory_space<hbm>> -> memref<1x1x1x8x128xf32, #tpu.memory_space<hbm>>
        %dma_wait3A_769 = tpu.memref_squeeze %dma_wait3A_768 : memref<1x1x1x8x128xf32, #tpu.memory_space<hbm>> -> memref<8x128xf32, #tpu.memory_space<hbm>>
        %dma_wait3A_770 = arith.constant 0 : i32
        %dma_wait3A_771 = arith.constant 0 : i32
        %dma_wait3A_772 = tpu.memref_slice %arg7[%dma_wait3A_760, %dma_wait3A_761, %add3A, %dma_wait3A_770, %dma_wait3A_771] : memref<200x8x32x8x128xf32, #tpu.memory_space<hbm>> -> memref<1x1x1x8x128xf32, #tpu.memory_space<hbm>>
        %dma_wait3A_773 = tpu.memref_squeeze %dma_wait3A_772 : memref<1x1x1x8x128xf32, #tpu.memory_space<hbm>> -> memref<8x128xf32, #tpu.memory_space<hbm>>
        %dma_wait3A_774 = arith.constant 0 : i32
        %dma_wait3A_775 = arith.constant 0 : i32
        %dma_wait3A_776 = tpu.memref_slice %arg10[%dma_wait3A_759, %dma_wait3A_774, %dma_wait3A_775] : memref<2x64x129xf32, #tpu.memory_space<vmem>> -> memref<1x8x128xf32, #tpu.memory_space<vmem>>
        %dma_wait3A_777 = tpu.memref_squeeze %dma_wait3A_776 : memref<1x8x128xf32, #tpu.memory_space<vmem>> -> memref<8x128xf32, #tpu.memory_space<vmem>>
        tpu.wait_dma2 semaphore(%arg16 : memref<!tpu.dma_semaphore, #tpu.memory_space<semaphore_mem>>) src(%dma_wait3A_777 : memref<8x128xf32, #tpu.memory_space<vmem>>) dst(%dma_wait3A_773 : memref<8x128xf32, #tpu.memory_space<hbm>>)
        %dma_wait3A_778 = arith.constant 0 : i32
        %dma_wait3A_779 = arith.constant 0 : i32
        %dma_wait3A_780 = arith.constant 1 : i32
        %dma_wait3A_781 = arith.constant 8 : i32
        %dma_wait3A_782 = arith.constant 0 : i32
        %dma_wait3A_783 = tpu.memref_slice %arg10[%dma_wait3A_778, %dma_wait3A_781, %dma_wait3A_782] : memref<2x64x129xf32, #tpu.memory_space<vmem>> -> memref<1x8x128xf32, #tpu.memory_space<vmem>>
        %dma_wait3A_784 = tpu.memref_squeeze %dma_wait3A_783 : memref<1x8x128xf32, #tpu.memory_space<vmem>> -> memref<8x128xf32, #tpu.memory_space<vmem>>
        %dma_wait3A_785 = arith.constant 0 : i32
        %dma_wait3A_786 = arith.constant 0 : i32
        %dma_wait3A_787 = tpu.memref_slice %arg7[%dma_wait3A_779, %dma_wait3A_780, %add3A, %dma_wait3A_785, %dma_wait3A_786] : memref<200x8x32x8x128xf32, #tpu.memory_space<hbm>> -> memref<1x1x1x8x128xf32, #tpu.memory_space<hbm>>
        %dma_wait3A_788 = tpu.memref_squeeze %dma_wait3A_787 : memref<1x1x1x8x128xf32, #tpu.memory_space<hbm>> -> memref<8x128xf32, #tpu.memory_space<hbm>>
        %dma_wait3A_789 = arith.constant 0 : i32
        %dma_wait3A_790 = arith.constant 0 : i32
        %dma_wait3A_791 = tpu.memref_slice %arg7[%dma_wait3A_779, %dma_wait3A_780, %add3A, %dma_wait3A_789, %dma_wait3A_790] : memref<200x8x32x8x128xf32, #tpu.memory_space<hbm>> -> memref<1x1x1x8x128xf32, #tpu.memory_space<hbm>>
        %dma_wait3A_792 = tpu.memref_squeeze %dma_wait3A_791 : memref<1x1x1x8x128xf32, #tpu.memory_space<hbm>> -> memref<8x128xf32, #tpu.memory_space<hbm>>
        %dma_wait3A_793 = arith.constant 8 : i32
        %dma_wait3A_794 = arith.constant 0 : i32
        %dma_wait3A_795 = tpu.memref_slice %arg10[%dma_wait3A_778, %dma_wait3A_793, %dma_wait3A_794] : memref<2x64x129xf32, #tpu.memory_space<vmem>> -> memref<1x8x128xf32, #tpu.memory_space<vmem>>
        %dma_wait3A_796 = tpu.memref_squeeze %dma_wait3A_795 : memref<1x8x128xf32, #tpu.memory_space<vmem>> -> memref<8x128xf32, #tpu.memory_space<vmem>>
        tpu.wait_dma2 semaphore(%arg16 : memref<!tpu.dma_semaphore, #tpu.memory_space<semaphore_mem>>) src(%dma_wait3A_796 : memref<8x128xf32, #tpu.memory_space<vmem>>) dst(%dma_wait3A_792 : memref<8x128xf32, #tpu.memory_space<hbm>>)
        %dma_wait3A_797 = arith.constant 0 : i32
        %dma_wait3A_798 = arith.constant 0 : i32
        %dma_wait3A_799 = arith.constant 2 : i32
        %dma_wait3A_800 = arith.constant 16 : i32
        %dma_wait3A_801 = arith.constant 0 : i32
        %dma_wait3A_802 = tpu.memref_slice %arg10[%dma_wait3A_797, %dma_wait3A_800, %dma_wait3A_801] : memref<2x64x129xf32, #tpu.memory_space<vmem>> -> memref<1x8x128xf32, #tpu.memory_space<vmem>>
        %dma_wait3A_803 = tpu.memref_squeeze %dma_wait3A_802 : memref<1x8x128xf32, #tpu.memory_space<vmem>> -> memref<8x128xf32, #tpu.memory_space<vmem>>
        %dma_wait3A_804 = arith.constant 0 : i32
        %dma_wait3A_805 = arith.constant 0 : i32
        %dma_wait3A_806 = tpu.memref_slice %arg7[%dma_wait3A_798, %dma_wait3A_799, %add3A, %dma_wait3A_804, %dma_wait3A_805] : memref<200x8x32x8x128xf32, #tpu.memory_space<hbm>> -> memref<1x1x1x8x128xf32, #tpu.memory_space<hbm>>
        %dma_wait3A_807 = tpu.memref_squeeze %dma_wait3A_806 : memref<1x1x1x8x128xf32, #tpu.memory_space<hbm>> -> memref<8x128xf32, #tpu.memory_space<hbm>>
        %dma_wait3A_808 = arith.constant 0 : i32
        %dma_wait3A_809 = arith.constant 0 : i32
        %dma_wait3A_810 = tpu.memref_slice %arg7[%dma_wait3A_798, %dma_wait3A_799, %add3A, %dma_wait3A_808, %dma_wait3A_809] : memref<200x8x32x8x128xf32, #tpu.memory_space<hbm>> -> memref<1x1x1x8x128xf32, #tpu.memory_space<hbm>>
        %dma_wait3A_811 = tpu.memref_squeeze %dma_wait3A_810 : memref<1x1x1x8x128xf32, #tpu.memory_space<hbm>> -> memref<8x128xf32, #tpu.memory_space<hbm>>
        %dma_wait3A_812 = arith.constant 16 : i32
        %dma_wait3A_813 = arith.constant 0 : i32
        %dma_wait3A_814 = tpu.memref_slice %arg10[%dma_wait3A_797, %dma_wait3A_812, %dma_wait3A_813] : memref<2x64x129xf32, #tpu.memory_space<vmem>> -> memref<1x8x128xf32, #tpu.memory_space<vmem>>
        %dma_wait3A_815 = tpu.memref_squeeze %dma_wait3A_814 : memref<1x8x128xf32, #tpu.memory_space<vmem>> -> memref<8x128xf32, #tpu.memory_space<vmem>>
        tpu.wait_dma2 semaphore(%arg16 : memref<!tpu.dma_semaphore, #tpu.memory_space<semaphore_mem>>) src(%dma_wait3A_815 : memref<8x128xf32, #tpu.memory_space<vmem>>) dst(%dma_wait3A_811 : memref<8x128xf32, #tpu.memory_space<hbm>>)
        %dma_wait3A_816 = arith.constant 0 : i32
        %dma_wait3A_817 = arith.constant 0 : i32
        %dma_wait3A_818 = arith.constant 3 : i32
        %dma_wait3A_819 = arith.constant 24 : i32
        %dma_wait3A_820 = arith.constant 0 : i32
        %dma_wait3A_821 = tpu.memref_slice %arg10[%dma_wait3A_816, %dma_wait3A_819, %dma_wait3A_820] : memref<2x64x129xf32, #tpu.memory_space<vmem>> -> memref<1x8x128xf32, #tpu.memory_space<vmem>>
        %dma_wait3A_822 = tpu.memref_squeeze %dma_wait3A_821 : memref<1x8x128xf32, #tpu.memory_space<vmem>> -> memref<8x128xf32, #tpu.memory_space<vmem>>
        %dma_wait3A_823 = arith.constant 0 : i32
        %dma_wait3A_824 = arith.constant 0 : i32
        %dma_wait3A_825 = tpu.memref_slice %arg7[%dma_wait3A_817, %dma_wait3A_818, %add3A, %dma_wait3A_823, %dma_wait3A_824] : memref<200x8x32x8x128xf32, #tpu.memory_space<hbm>> -> memref<1x1x1x8x128xf32, #tpu.memory_space<hbm>>
        %dma_wait3A_826 = tpu.memref_squeeze %dma_wait3A_825 : memref<1x1x1x8x128xf32, #tpu.memory_space<hbm>> -> memref<8x128xf32, #tpu.memory_space<hbm>>
        %dma_wait3A_827 = arith.constant 0 : i32
        %dma_wait3A_828 = arith.constant 0 : i32
        %dma_wait3A_829 = tpu.memref_slice %arg7[%dma_wait3A_817, %dma_wait3A_818, %add3A, %dma_wait3A_827, %dma_wait3A_828] : memref<200x8x32x8x128xf32, #tpu.memory_space<hbm>> -> memref<1x1x1x8x128xf32, #tpu.memory_space<hbm>>
        %dma_wait3A_830 = tpu.memref_squeeze %dma_wait3A_829 : memref<1x1x1x8x128xf32, #tpu.memory_space<hbm>> -> memref<8x128xf32, #tpu.memory_space<hbm>>
        %dma_wait3A_831 = arith.constant 24 : i32
        %dma_wait3A_832 = arith.constant 0 : i32
        %dma_wait3A_833 = tpu.memref_slice %arg10[%dma_wait3A_816, %dma_wait3A_831, %dma_wait3A_832] : memref<2x64x129xf32, #tpu.memory_space<vmem>> -> memref<1x8x128xf32, #tpu.memory_space<vmem>>
        %dma_wait3A_834 = tpu.memref_squeeze %dma_wait3A_833 : memref<1x8x128xf32, #tpu.memory_space<vmem>> -> memref<8x128xf32, #tpu.memory_space<vmem>>
        tpu.wait_dma2 semaphore(%arg16 : memref<!tpu.dma_semaphore, #tpu.memory_space<semaphore_mem>>) src(%dma_wait3A_834 : memref<8x128xf32, #tpu.memory_space<vmem>>) dst(%dma_wait3A_830 : memref<8x128xf32, #tpu.memory_space<hbm>>)
        %dma_wait3A_835 = arith.constant 0 : i32
        %dma_wait3A_836 = arith.constant 0 : i32
        %dma_wait3A_837 = arith.constant 4 : i32
        %dma_wait3A_838 = arith.constant 32 : i32
        %dma_wait3A_839 = arith.constant 0 : i32
        %dma_wait3A_840 = tpu.memref_slice %arg10[%dma_wait3A_835, %dma_wait3A_838, %dma_wait3A_839] : memref<2x64x129xf32, #tpu.memory_space<vmem>> -> memref<1x8x128xf32, #tpu.memory_space<vmem>>
        %dma_wait3A_841 = tpu.memref_squeeze %dma_wait3A_840 : memref<1x8x128xf32, #tpu.memory_space<vmem>> -> memref<8x128xf32, #tpu.memory_space<vmem>>
        %dma_wait3A_842 = arith.constant 0 : i32
        %dma_wait3A_843 = arith.constant 0 : i32
        %dma_wait3A_844 = tpu.memref_slice %arg7[%dma_wait3A_836, %dma_wait3A_837, %add3A, %dma_wait3A_842, %dma_wait3A_843] : memref<200x8x32x8x128xf32, #tpu.memory_space<hbm>> -> memref<1x1x1x8x128xf32, #tpu.memory_space<hbm>>
        %dma_wait3A_845 = tpu.memref_squeeze %dma_wait3A_844 : memref<1x1x1x8x128xf32, #tpu.memory_space<hbm>> -> memref<8x128xf32, #tpu.memory_space<hbm>>
        %dma_wait3A_846 = arith.constant 0 : i32
        %dma_wait3A_847 = arith.constant 0 : i32
        %dma_wait3A_848 = tpu.memref_slice %arg7[%dma_wait3A_836, %dma_wait3A_837, %add3A, %dma_wait3A_846, %dma_wait3A_847] : memref<200x8x32x8x128xf32, #tpu.memory_space<hbm>> -> memref<1x1x1x8x128xf32, #tpu.memory_space<hbm>>
        %dma_wait3A_849 = tpu.memref_squeeze %dma_wait3A_848 : memref<1x1x1x8x128xf32, #tpu.memory_space<hbm>> -> memref<8x128xf32, #tpu.memory_space<hbm>>
        %dma_wait3A_850 = arith.constant 32 : i32
        %dma_wait3A_851 = arith.constant 0 : i32
        %dma_wait3A_852 = tpu.memref_slice %arg10[%dma_wait3A_835, %dma_wait3A_850, %dma_wait3A_851] : memref<2x64x129xf32, #tpu.memory_space<vmem>> -> memref<1x8x128xf32, #tpu.memory_space<vmem>>
        %dma_wait3A_853 = tpu.memref_squeeze %dma_wait3A_852 : memref<1x8x128xf32, #tpu.memory_space<vmem>> -> memref<8x128xf32, #tpu.memory_space<vmem>>
        tpu.wait_dma2 semaphore(%arg16 : memref<!tpu.dma_semaphore, #tpu.memory_space<semaphore_mem>>) src(%dma_wait3A_853 : memref<8x128xf32, #tpu.memory_space<vmem>>) dst(%dma_wait3A_849 : memref<8x128xf32, #tpu.memory_space<hbm>>)
        %dma_wait3A_854 = arith.constant 0 : i32
        %dma_wait3A_855 = arith.constant 0 : i32
        %dma_wait3A_856 = arith.constant 5 : i32
        %dma_wait3A_857 = arith.constant 40 : i32
        %dma_wait3A_858 = arith.constant 0 : i32
        %dma_wait3A_859 = tpu.memref_slice %arg10[%dma_wait3A_854, %dma_wait3A_857, %dma_wait3A_858] : memref<2x64x129xf32, #tpu.memory_space<vmem>> -> memref<1x8x128xf32, #tpu.memory_space<vmem>>
        %dma_wait3A_860 = tpu.memref_squeeze %dma_wait3A_859 : memref<1x8x128xf32, #tpu.memory_space<vmem>> -> memref<8x128xf32, #tpu.memory_space<vmem>>
        %dma_wait3A_861 = arith.constant 0 : i32
        %dma_wait3A_862 = arith.constant 0 : i32
        %dma_wait3A_863 = tpu.memref_slice %arg7[%dma_wait3A_855, %dma_wait3A_856, %add3A, %dma_wait3A_861, %dma_wait3A_862] : memref<200x8x32x8x128xf32, #tpu.memory_space<hbm>> -> memref<1x1x1x8x128xf32, #tpu.memory_space<hbm>>
        %dma_wait3A_864 = tpu.memref_squeeze %dma_wait3A_863 : memref<1x1x1x8x128xf32, #tpu.memory_space<hbm>> -> memref<8x128xf32, #tpu.memory_space<hbm>>
        %dma_wait3A_865 = arith.constant 0 : i32
        %dma_wait3A_866 = arith.constant 0 : i32
        %dma_wait3A_867 = tpu.memref_slice %arg7[%dma_wait3A_855, %dma_wait3A_856, %add3A, %dma_wait3A_865, %dma_wait3A_866] : memref<200x8x32x8x128xf32, #tpu.memory_space<hbm>> -> memref<1x1x1x8x128xf32, #tpu.memory_space<hbm>>
        %dma_wait3A_868 = tpu.memref_squeeze %dma_wait3A_867 : memref<1x1x1x8x128xf32, #tpu.memory_space<hbm>> -> memref<8x128xf32, #tpu.memory_space<hbm>>
        %dma_wait3A_869 = arith.constant 40 : i32
        %dma_wait3A_870 = arith.constant 0 : i32
        %dma_wait3A_871 = tpu.memref_slice %arg10[%dma_wait3A_854, %dma_wait3A_869, %dma_wait3A_870] : memref<2x64x129xf32, #tpu.memory_space<vmem>> -> memref<1x8x128xf32, #tpu.memory_space<vmem>>
        %dma_wait3A_872 = tpu.memref_squeeze %dma_wait3A_871 : memref<1x8x128xf32, #tpu.memory_space<vmem>> -> memref<8x128xf32, #tpu.memory_space<vmem>>
        tpu.wait_dma2 semaphore(%arg16 : memref<!tpu.dma_semaphore, #tpu.memory_space<semaphore_mem>>) src(%dma_wait3A_872 : memref<8x128xf32, #tpu.memory_space<vmem>>) dst(%dma_wait3A_868 : memref<8x128xf32, #tpu.memory_space<hbm>>)
        %dma_wait3A_873 = arith.constant 0 : i32
        %dma_wait3A_874 = arith.constant 0 : i32
        %dma_wait3A_875 = arith.constant 6 : i32
        %dma_wait3A_876 = arith.constant 48 : i32
        %dma_wait3A_877 = arith.constant 0 : i32
        %dma_wait3A_878 = tpu.memref_slice %arg10[%dma_wait3A_873, %dma_wait3A_876, %dma_wait3A_877] : memref<2x64x129xf32, #tpu.memory_space<vmem>> -> memref<1x8x128xf32, #tpu.memory_space<vmem>>
        %dma_wait3A_879 = tpu.memref_squeeze %dma_wait3A_878 : memref<1x8x128xf32, #tpu.memory_space<vmem>> -> memref<8x128xf32, #tpu.memory_space<vmem>>
        %dma_wait3A_880 = arith.constant 0 : i32
        %dma_wait3A_881 = arith.constant 0 : i32
        %dma_wait3A_882 = tpu.memref_slice %arg7[%dma_wait3A_874, %dma_wait3A_875, %add3A, %dma_wait3A_880, %dma_wait3A_881] : memref<200x8x32x8x128xf32, #tpu.memory_space<hbm>> -> memref<1x1x1x8x128xf32, #tpu.memory_space<hbm>>
        %dma_wait3A_883 = tpu.memref_squeeze %dma_wait3A_882 : memref<1x1x1x8x128xf32, #tpu.memory_space<hbm>> -> memref<8x128xf32, #tpu.memory_space<hbm>>
        %dma_wait3A_884 = arith.constant 0 : i32
        %dma_wait3A_885 = arith.constant 0 : i32
        %dma_wait3A_886 = tpu.memref_slice %arg7[%dma_wait3A_874, %dma_wait3A_875, %add3A, %dma_wait3A_884, %dma_wait3A_885] : memref<200x8x32x8x128xf32, #tpu.memory_space<hbm>> -> memref<1x1x1x8x128xf32, #tpu.memory_space<hbm>>
        %dma_wait3A_887 = tpu.memref_squeeze %dma_wait3A_886 : memref<1x1x1x8x128xf32, #tpu.memory_space<hbm>> -> memref<8x128xf32, #tpu.memory_space<hbm>>
        %dma_wait3A_888 = arith.constant 48 : i32
        %dma_wait3A_889 = arith.constant 0 : i32
        %dma_wait3A_890 = tpu.memref_slice %arg10[%dma_wait3A_873, %dma_wait3A_888, %dma_wait3A_889] : memref<2x64x129xf32, #tpu.memory_space<vmem>> -> memref<1x8x128xf32, #tpu.memory_space<vmem>>
        %dma_wait3A_891 = tpu.memref_squeeze %dma_wait3A_890 : memref<1x8x128xf32, #tpu.memory_space<vmem>> -> memref<8x128xf32, #tpu.memory_space<vmem>>
        tpu.wait_dma2 semaphore(%arg16 : memref<!tpu.dma_semaphore, #tpu.memory_space<semaphore_mem>>) src(%dma_wait3A_891 : memref<8x128xf32, #tpu.memory_space<vmem>>) dst(%dma_wait3A_887 : memref<8x128xf32, #tpu.memory_space<hbm>>)
        %dma_wait3A_892 = arith.constant 0 : i32
        %dma_wait3A_893 = arith.constant 0 : i32
        %dma_wait3A_894 = arith.constant 7 : i32
        %dma_wait3A_895 = arith.constant 56 : i32
        %dma_wait3A_896 = arith.constant 0 : i32
        %dma_wait3A_897 = tpu.memref_slice %arg10[%dma_wait3A_892, %dma_wait3A_895, %dma_wait3A_896] : memref<2x64x129xf32, #tpu.memory_space<vmem>> -> memref<1x8x128xf32, #tpu.memory_space<vmem>>
        %dma_wait3A_898 = tpu.memref_squeeze %dma_wait3A_897 : memref<1x8x128xf32, #tpu.memory_space<vmem>> -> memref<8x128xf32, #tpu.memory_space<vmem>>
        %dma_wait3A_899 = arith.constant 0 : i32
        %dma_wait3A_900 = arith.constant 0 : i32
        %dma_wait3A_901 = tpu.memref_slice %arg7[%dma_wait3A_893, %dma_wait3A_894, %add3A, %dma_wait3A_899, %dma_wait3A_900] : memref<200x8x32x8x128xf32, #tpu.memory_space<hbm>> -> memref<1x1x1x8x128xf32, #tpu.memory_space<hbm>>
        %dma_wait3A_902 = tpu.memref_squeeze %dma_wait3A_901 : memref<1x1x1x8x128xf32, #tpu.memory_space<hbm>> -> memref<8x128xf32, #tpu.memory_space<hbm>>
        %dma_wait3A_903 = arith.constant 0 : i32
        %dma_wait3A_904 = arith.constant 0 : i32
        %dma_wait3A_905 = tpu.memref_slice %arg7[%dma_wait3A_893, %dma_wait3A_894, %add3A, %dma_wait3A_903, %dma_wait3A_904] : memref<200x8x32x8x128xf32, #tpu.memory_space<hbm>> -> memref<1x1x1x8x128xf32, #tpu.memory_space<hbm>>
        %dma_wait3A_906 = tpu.memref_squeeze %dma_wait3A_905 : memref<1x1x1x8x128xf32, #tpu.memory_space<hbm>> -> memref<8x128xf32, #tpu.memory_space<hbm>>
        %dma_wait3A_907 = arith.constant 56 : i32
        %dma_wait3A_908 = arith.constant 0 : i32
        %dma_wait3A_909 = tpu.memref_slice %arg10[%dma_wait3A_892, %dma_wait3A_907, %dma_wait3A_908] : memref<2x64x129xf32, #tpu.memory_space<vmem>> -> memref<1x8x128xf32, #tpu.memory_space<vmem>>
        %dma_wait3A_910 = tpu.memref_squeeze %dma_wait3A_909 : memref<1x8x128xf32, #tpu.memory_space<vmem>> -> memref<8x128xf32, #tpu.memory_space<vmem>>
        tpu.wait_dma2 semaphore(%arg16 : memref<!tpu.dma_semaphore, #tpu.memory_space<semaphore_mem>>) src(%dma_wait3A_910 : memref<8x128xf32, #tpu.memory_space<vmem>>) dst(%dma_wait3A_906 : memref<8x128xf32, #tpu.memory_space<hbm>>)
      } else {
      }
      %get3A_412 = arith.index_cast %mul3A_367 : i32 to index
      %get3A_413 = arith.constant 0 : index
      %get3A_414 = tpu.vector_load %arg11[%get3A_412, %get3A_413] {strides = array<i32>} : memref<200x64xf32, #tpu.memory_space<vmem>>, vector<16xf32>,
      %get3A_415 = arith.index_cast %mul3A_367 : i32 to index
      %get3A_416 = arith.constant 16 : index
      %get3A_417 = tpu.vector_load %arg11[%get3A_415, %get3A_416] {strides = array<i32>} : memref<200x64xf32, #tpu.memory_space<vmem>>, vector<16xf32>,
      %get3A_418 = arith.index_cast %mul3A_367 : i32 to index
      %get3A_419 = arith.constant 32 : index
      %get3A_420 = tpu.vector_load %arg11[%get3A_418, %get3A_419] {strides = array<i32>} : memref<200x64xf32, #tpu.memory_space<vmem>>, vector<16xf32>,
      %get3A_421 = arith.index_cast %mul3A_367 : i32 to index
      %get3A_422 = arith.constant 48 : index
      %get3A_423 = tpu.vector_load %arg11[%get3A_421, %get3A_422] {strides = array<i32>} : memref<200x64xf32, #tpu.memory_space<vmem>>, vector<16xf32>,
      %broadcast_in_dim3A = arith.constant 1597463007 : i32
      %broadcast_in_dim3A_424 = vector.broadcast %broadcast_in_dim3A : i32 to vector<16xi32>
      %parallel_loop3A = arith.constant 0 : i32
      %parallel_loop3A_425 = arith.constant 128 : i32
      %parallel_loop3A_426 = arith.constant 4 : i32
      scf.for %parallel_loop3A_759 = %parallel_loop3A to %parallel_loop3A_425 step %parallel_loop3A_426  : i32 {
        %parallel_loop3A_760 = arith.constant 0 : i32
        %parallel_loop3A_761 = arith.addi %parallel_loop3A_759, %parallel_loop3A_760 : i32
        %parallel_loop3A_762 = arith.constant 1 : i32
        %parallel_loop3A_763 = arith.addi %parallel_loop3A_759, %parallel_loop3A_762 : i32
        %parallel_loop3A_764 = arith.constant 2 : i32
        %parallel_loop3A_765 = arith.addi %parallel_loop3A_759, %parallel_loop3A_764 : i32
        %parallel_loop3A_766 = arith.constant 3 : i32
        %parallel_loop3A_767 = arith.addi %parallel_loop3A_759, %parallel_loop3A_766 : i32
        %parallel_loop3A_768 = arith.constant 0 : i32
        %parallel_loop3A_769 = arith.index_cast %parallel_loop3A_768 : i32 to index
        %parallel_loop3A_770 = arith.index_cast %parallel_loop3A_761 : i32 to index
        %parallel_loop3A_771 = arith.constant 0 : index
        %parallel_loop3A_772 = tpu.vector_load %arg9[%parallel_loop3A_769, %parallel_loop3A_770, %parallel_loop3A_771] {strides = array<i32>} : memref<2x128x64xf32, #tpu.memory_space<vmem>>, vector<16xf32>,
        %parallel_loop3A_773 = arith.addf %parallel_loop3A_772, %get3A_414 : vector<16xf32>
        %parallel_loop3A_774 = arith.constant 0 : i32
        %parallel_loop3A_775 = arith.index_cast %parallel_loop3A_774 : i32 to index
        %parallel_loop3A_776 = arith.index_cast %parallel_loop3A_761 : i32 to index
        %parallel_loop3A_777 = arith.constant 16 : index
        %parallel_loop3A_778 = tpu.vector_load %arg9[%parallel_loop3A_775, %parallel_loop3A_776, %parallel_loop3A_777] {strides = array<i32>} : memref<2x128x64xf32, #tpu.memory_space<vmem>>, vector<16xf32>,
        %parallel_loop3A_779 = arith.addf %parallel_loop3A_778, %get3A_417 : vector<16xf32>
        %parallel_loop3A_780 = arith.constant 0 : i32
        %parallel_loop3A_781 = arith.index_cast %parallel_loop3A_780 : i32 to index
        %parallel_loop3A_782 = arith.index_cast %parallel_loop3A_761 : i32 to index
        %parallel_loop3A_783 = arith.constant 32 : index
        %parallel_loop3A_784 = tpu.vector_load %arg9[%parallel_loop3A_781, %parallel_loop3A_782, %parallel_loop3A_783] {strides = array<i32>} : memref<2x128x64xf32, #tpu.memory_space<vmem>>, vector<16xf32>,
        %parallel_loop3A_785 = arith.addf %parallel_loop3A_784, %get3A_420 : vector<16xf32>
        %parallel_loop3A_786 = arith.constant 0 : i32
        %parallel_loop3A_787 = arith.index_cast %parallel_loop3A_786 : i32 to index
        %parallel_loop3A_788 = arith.index_cast %parallel_loop3A_761 : i32 to index
        %parallel_loop3A_789 = arith.constant 48 : index
        %parallel_loop3A_790 = tpu.vector_load %arg9[%parallel_loop3A_787, %parallel_loop3A_788, %parallel_loop3A_789] {strides = array<i32>} : memref<2x128x64xf32, #tpu.memory_space<vmem>>, vector<16xf32>,
        %parallel_loop3A_791 = arith.addf %parallel_loop3A_790, %get3A_423 : vector<16xf32>
        %parallel_loop3A_792 = arith.constant 0 : i32
        %parallel_loop3A_793 = arith.index_cast %parallel_loop3A_792 : i32 to index
        %parallel_loop3A_794 = arith.index_cast %parallel_loop3A_763 : i32 to index
        %parallel_loop3A_795 = arith.constant 0 : index
        %parallel_loop3A_796 = tpu.vector_load %arg9[%parallel_loop3A_793, %parallel_loop3A_794, %parallel_loop3A_795] {strides = array<i32>} : memref<2x128x64xf32, #tpu.memory_space<vmem>>, vector<16xf32>,
        %parallel_loop3A_797 = arith.addf %parallel_loop3A_796, %get3A_414 : vector<16xf32>
        %parallel_loop3A_798 = arith.constant 0 : i32
        %parallel_loop3A_799 = arith.index_cast %parallel_loop3A_798 : i32 to index
        %parallel_loop3A_800 = arith.index_cast %parallel_loop3A_763 : i32 to index
        %parallel_loop3A_801 = arith.constant 16 : index
        %parallel_loop3A_802 = tpu.vector_load %arg9[%parallel_loop3A_799, %parallel_loop3A_800, %parallel_loop3A_801] {strides = array<i32>} : memref<2x128x64xf32, #tpu.memory_space<vmem>>, vector<16xf32>,
        %parallel_loop3A_803 = arith.addf %parallel_loop3A_802, %get3A_417 : vector<16xf32>
        %parallel_loop3A_804 = arith.constant 0 : i32
        %parallel_loop3A_805 = arith.index_cast %parallel_loop3A_804 : i32 to index
        %parallel_loop3A_806 = arith.index_cast %parallel_loop3A_763 : i32 to index
        %parallel_loop3A_807 = arith.constant 32 : index
        %parallel_loop3A_808 = tpu.vector_load %arg9[%parallel_loop3A_805, %parallel_loop3A_806, %parallel_loop3A_807] {strides = array<i32>} : memref<2x128x64xf32, #tpu.memory_space<vmem>>, vector<16xf32>,
        %parallel_loop3A_809 = arith.addf %parallel_loop3A_808, %get3A_420 : vector<16xf32>
        %parallel_loop3A_810 = arith.constant 0 : i32
        %parallel_loop3A_811 = arith.index_cast %parallel_loop3A_810 : i32 to index
        %parallel_loop3A_812 = arith.index_cast %parallel_loop3A_763 : i32 to index
        %parallel_loop3A_813 = arith.constant 48 : index
        %parallel_loop3A_814 = tpu.vector_load %arg9[%parallel_loop3A_811, %parallel_loop3A_812, %parallel_loop3A_813] {strides = array<i32>} : memref<2x128x64xf32, #tpu.memory_space<vmem>>, vector<16xf32>,
        %parallel_loop3A_815 = arith.addf %parallel_loop3A_814, %get3A_423 : vector<16xf32>
        %parallel_loop3A_816 = arith.constant 0 : i32
        %parallel_loop3A_817 = arith.index_cast %parallel_loop3A_816 : i32 to index
        %parallel_loop3A_818 = arith.index_cast %parallel_loop3A_765 : i32 to index
        %parallel_loop3A_819 = arith.constant 0 : index
        %parallel_loop3A_820 = tpu.vector_load %arg9[%parallel_loop3A_817, %parallel_loop3A_818, %parallel_loop3A_819] {strides = array<i32>} : memref<2x128x64xf32, #tpu.memory_space<vmem>>, vector<16xf32>,
        %parallel_loop3A_821 = arith.addf %parallel_loop3A_820, %get3A_414 : vector<16xf32>
        %parallel_loop3A_822 = arith.constant 0 : i32
        %parallel_loop3A_823 = arith.index_cast %parallel_loop3A_822 : i32 to index
        %parallel_loop3A_824 = arith.index_cast %parallel_loop3A_765 : i32 to index
        %parallel_loop3A_825 = arith.constant 16 : index
        %parallel_loop3A_826 = tpu.vector_load %arg9[%parallel_loop3A_823, %parallel_loop3A_824, %parallel_loop3A_825] {strides = array<i32>} : memref<2x128x64xf32, #tpu.memory_space<vmem>>, vector<16xf32>,
        %parallel_loop3A_827 = arith.addf %parallel_loop3A_826, %get3A_417 : vector<16xf32>
        %parallel_loop3A_828 = arith.constant 0 : i32
        %parallel_loop3A_829 = arith.index_cast %parallel_loop3A_828 : i32 to index
        %parallel_loop3A_830 = arith.index_cast %parallel_loop3A_765 : i32 to index
        %parallel_loop3A_831 = arith.constant 32 : index
        %parallel_loop3A_832 = tpu.vector_load %arg9[%parallel_loop3A_829, %parallel_loop3A_830, %parallel_loop3A_831] {strides = array<i32>} : memref<2x128x64xf32, #tpu.memory_space<vmem>>, vector<16xf32>,
        %parallel_loop3A_833 = arith.addf %parallel_loop3A_832, %get3A_420 : vector<16xf32>
        %parallel_loop3A_834 = arith.constant 0 : i32
        %parallel_loop3A_835 = arith.index_cast %parallel_loop3A_834 : i32 to index
        %parallel_loop3A_836 = arith.index_cast %parallel_loop3A_765 : i32 to index
        %parallel_loop3A_837 = arith.constant 48 : index
        %parallel_loop3A_838 = tpu.vector_load %arg9[%parallel_loop3A_835, %parallel_loop3A_836, %parallel_loop3A_837] {strides = array<i32>} : memref<2x128x64xf32, #tpu.memory_space<vmem>>, vector<16xf32>,
        %parallel_loop3A_839 = arith.addf %parallel_loop3A_838, %get3A_423 : vector<16xf32>
        %parallel_loop3A_840 = arith.constant 0 : i32
        %parallel_loop3A_841 = arith.index_cast %parallel_loop3A_840 : i32 to index
        %parallel_loop3A_842 = arith.index_cast %parallel_loop3A_767 : i32 to index
        %parallel_loop3A_843 = arith.constant 0 : index
        %parallel_loop3A_844 = tpu.vector_load %arg9[%parallel_loop3A_841, %parallel_loop3A_842, %parallel_loop3A_843] {strides = array<i32>} : memref<2x128x64xf32, #tpu.memory_space<vmem>>, vector<16xf32>,
        %parallel_loop3A_845 = arith.addf %parallel_loop3A_844, %get3A_414 : vector<16xf32>
        %parallel_loop3A_846 = arith.constant 0 : i32
        %parallel_loop3A_847 = arith.index_cast %parallel_loop3A_846 : i32 to index
        %parallel_loop3A_848 = arith.index_cast %parallel_loop3A_767 : i32 to index
        %parallel_loop3A_849 = arith.constant 16 : index
        %parallel_loop3A_850 = tpu.vector_load %arg9[%parallel_loop3A_847, %parallel_loop3A_848, %parallel_loop3A_849] {strides = array<i32>} : memref<2x128x64xf32, #tpu.memory_space<vmem>>, vector<16xf32>,
        %parallel_loop3A_851 = arith.addf %parallel_loop3A_850, %get3A_417 : vector<16xf32>
        %parallel_loop3A_852 = arith.constant 0 : i32
        %parallel_loop3A_853 = arith.index_cast %parallel_loop3A_852 : i32 to index
        %parallel_loop3A_854 = arith.index_cast %parallel_loop3A_767 : i32 to index
        %parallel_loop3A_855 = arith.constant 32 : index
        %parallel_loop3A_856 = tpu.vector_load %arg9[%parallel_loop3A_853, %parallel_loop3A_854, %parallel_loop3A_855] {strides = array<i32>} : memref<2x128x64xf32, #tpu.memory_space<vmem>>, vector<16xf32>,
        %parallel_loop3A_857 = arith.addf %parallel_loop3A_856, %get3A_420 : vector<16xf32>
        %parallel_loop3A_858 = arith.constant 0 : i32
        %parallel_loop3A_859 = arith.index_cast %parallel_loop3A_858 : i32 to index
        %parallel_loop3A_860 = arith.index_cast %parallel_loop3A_767 : i32 to index
        %parallel_loop3A_861 = arith.constant 48 : index
        %parallel_loop3A_862 = tpu.vector_load %arg9[%parallel_loop3A_859, %parallel_loop3A_860, %parallel_loop3A_861] {strides = array<i32>} : memref<2x128x64xf32, #tpu.memory_space<vmem>>, vector<16xf32>,
        %parallel_loop3A_863 = arith.addf %parallel_loop3A_862, %get3A_423 : vector<16xf32>
        %parallel_loop3A_864 = arith.addf %parallel_loop3A_773, %parallel_loop3A_779 : vector<16xf32>
        %parallel_loop3A_865 = arith.addf %parallel_loop3A_785, %parallel_loop3A_791 : vector<16xf32>
        %parallel_loop3A_866 = arith.addf %parallel_loop3A_864, %parallel_loop3A_865 : vector<16xf32>
        %parallel_loop3A_867 = arith.addf %parallel_loop3A_797, %parallel_loop3A_803 : vector<16xf32>
        %parallel_loop3A_868 = arith.addf %parallel_loop3A_809, %parallel_loop3A_815 : vector<16xf32>
        %parallel_loop3A_869 = arith.addf %parallel_loop3A_867, %parallel_loop3A_868 : vector<16xf32>
        %parallel_loop3A_870 = arith.addf %parallel_loop3A_821, %parallel_loop3A_827 : vector<16xf32>
        %parallel_loop3A_871 = arith.addf %parallel_loop3A_833, %parallel_loop3A_839 : vector<16xf32>
        %parallel_loop3A_872 = arith.addf %parallel_loop3A_870, %parallel_loop3A_871 : vector<16xf32>
        %parallel_loop3A_873 = arith.addf %parallel_loop3A_845, %parallel_loop3A_851 : vector<16xf32>
        %parallel_loop3A_874 = arith.addf %parallel_loop3A_857, %parallel_loop3A_863 : vector<16xf32>
        %parallel_loop3A_875 = arith.addf %parallel_loop3A_873, %parallel_loop3A_874 : vector<16xf32>
        %parallel_loop3A_876 = arith.mulf %parallel_loop3A_773, %parallel_loop3A_773 : vector<16xf32>
        %parallel_loop3A_877 = arith.mulf %parallel_loop3A_779, %parallel_loop3A_779 : vector<16xf32>
        %parallel_loop3A_878 = arith.addf %parallel_loop3A_876, %parallel_loop3A_877 : vector<16xf32>
        %parallel_loop3A_879 = arith.mulf %parallel_loop3A_785, %parallel_loop3A_785 : vector<16xf32>
        %parallel_loop3A_880 = arith.mulf %parallel_loop3A_791, %parallel_loop3A_791 : vector<16xf32>
        %parallel_loop3A_881 = arith.addf %parallel_loop3A_879, %parallel_loop3A_880 : vector<16xf32>
        %parallel_loop3A_882 = arith.addf %parallel_loop3A_878, %parallel_loop3A_881 : vector<16xf32>
        %parallel_loop3A_883 = arith.mulf %parallel_loop3A_797, %parallel_loop3A_797 : vector<16xf32>
        %parallel_loop3A_884 = arith.mulf %parallel_loop3A_803, %parallel_loop3A_803 : vector<16xf32>
        %parallel_loop3A_885 = arith.addf %parallel_loop3A_883, %parallel_loop3A_884 : vector<16xf32>
        %parallel_loop3A_886 = arith.mulf %parallel_loop3A_809, %parallel_loop3A_809 : vector<16xf32>
        %parallel_loop3A_887 = arith.mulf %parallel_loop3A_815, %parallel_loop3A_815 : vector<16xf32>
        %parallel_loop3A_888 = arith.addf %parallel_loop3A_886, %parallel_loop3A_887 : vector<16xf32>
        %parallel_loop3A_889 = arith.addf %parallel_loop3A_885, %parallel_loop3A_888 : vector<16xf32>
        %parallel_loop3A_890 = arith.mulf %parallel_loop3A_821, %parallel_loop3A_821 : vector<16xf32>
        %parallel_loop3A_891 = arith.mulf %parallel_loop3A_827, %parallel_loop3A_827 : vector<16xf32>
        %parallel_loop3A_892 = arith.addf %parallel_loop3A_890, %parallel_loop3A_891 : vector<16xf32>
        %parallel_loop3A_893 = arith.mulf %parallel_loop3A_833, %parallel_loop3A_833 : vector<16xf32>
        %parallel_loop3A_894 = arith.mulf %parallel_loop3A_839, %parallel_loop3A_839 : vector<16xf32>
        %parallel_loop3A_895 = arith.addf %parallel_loop3A_893, %parallel_loop3A_894 : vector<16xf32>
        %parallel_loop3A_896 = arith.addf %parallel_loop3A_892, %parallel_loop3A_895 : vector<16xf32>
        %parallel_loop3A_897 = arith.mulf %parallel_loop3A_845, %parallel_loop3A_845 : vector<16xf32>
        %parallel_loop3A_898 = arith.mulf %parallel_loop3A_851, %parallel_loop3A_851 : vector<16xf32>
        %parallel_loop3A_899 = arith.addf %parallel_loop3A_897, %parallel_loop3A_898 : vector<16xf32>
        %parallel_loop3A_900 = arith.mulf %parallel_loop3A_857, %parallel_loop3A_857 : vector<16xf32>
        %parallel_loop3A_901 = arith.mulf %parallel_loop3A_863, %parallel_loop3A_863 : vector<16xf32>
        %parallel_loop3A_902 = arith.addf %parallel_loop3A_900, %parallel_loop3A_901 : vector<16xf32>
        %parallel_loop3A_903 = arith.addf %parallel_loop3A_899, %parallel_loop3A_902 : vector<16xf32>
        %parallel_loop3A_904 = arith.constant 15 : i32
        %parallel_loop3A_905 = vector.broadcast %parallel_loop3A_904 : i32 to vector<16xi32>
        %parallel_loop3A_906 = tpu.iota {dimensions = array<i32: 0>} : vector<16xi32>
        %parallel_loop3A_907 = arith.subi %parallel_loop3A_905, %parallel_loop3A_906 : vector<16xi32>
        %parallel_loop3A_908 = tpu.dynamic_gather %parallel_loop3A_866[%parallel_loop3A_907] in [0] : vector<16xf32>, vector<16xi32> -> vector<16xf32>
        %parallel_loop3A_909 = arith.constant 15 : i32
        %parallel_loop3A_910 = vector.broadcast %parallel_loop3A_909 : i32 to vector<16xi32>
        %parallel_loop3A_911 = tpu.iota {dimensions = array<i32: 0>} : vector<16xi32>
        %parallel_loop3A_912 = arith.subi %parallel_loop3A_910, %parallel_loop3A_911 : vector<16xi32>
        %parallel_loop3A_913 = tpu.dynamic_gather %parallel_loop3A_869[%parallel_loop3A_912] in [0] : vector<16xf32>, vector<16xi32> -> vector<16xf32>
        %parallel_loop3A_914 = arith.constant 15 : i32
        %parallel_loop3A_915 = vector.broadcast %parallel_loop3A_914 : i32 to vector<16xi32>
        %parallel_loop3A_916 = tpu.iota {dimensions = array<i32: 0>} : vector<16xi32>
        %parallel_loop3A_917 = arith.subi %parallel_loop3A_915, %parallel_loop3A_916 : vector<16xi32>
        %parallel_loop3A_918 = tpu.dynamic_gather %parallel_loop3A_872[%parallel_loop3A_917] in [0] : vector<16xf32>, vector<16xi32> -> vector<16xf32>
        %parallel_loop3A_919 = arith.constant 15 : i32
        %parallel_loop3A_920 = vector.broadcast %parallel_loop3A_919 : i32 to vector<16xi32>
        %parallel_loop3A_921 = tpu.iota {dimensions = array<i32: 0>} : vector<16xi32>
        %parallel_loop3A_922 = arith.subi %parallel_loop3A_920, %parallel_loop3A_921 : vector<16xi32>
        %parallel_loop3A_923 = tpu.dynamic_gather %parallel_loop3A_875[%parallel_loop3A_922] in [0] : vector<16xf32>, vector<16xi32> -> vector<16xf32>
        %parallel_loop3A_924 = arith.constant 15 : i32
        %parallel_loop3A_925 = vector.broadcast %parallel_loop3A_924 : i32 to vector<16xi32>
        %parallel_loop3A_926 = tpu.iota {dimensions = array<i32: 0>} : vector<16xi32>
        %parallel_loop3A_927 = arith.subi %parallel_loop3A_925, %parallel_loop3A_926 : vector<16xi32>
        %parallel_loop3A_928 = tpu.dynamic_gather %parallel_loop3A_882[%parallel_loop3A_927] in [0] : vector<16xf32>, vector<16xi32> -> vector<16xf32>
        %parallel_loop3A_929 = arith.constant 15 : i32
        %parallel_loop3A_930 = vector.broadcast %parallel_loop3A_929 : i32 to vector<16xi32>
        %parallel_loop3A_931 = tpu.iota {dimensions = array<i32: 0>} : vector<16xi32>
        %parallel_loop3A_932 = arith.subi %parallel_loop3A_930, %parallel_loop3A_931 : vector<16xi32>
        %parallel_loop3A_933 = tpu.dynamic_gather %parallel_loop3A_889[%parallel_loop3A_932] in [0] : vector<16xf32>, vector<16xi32> -> vector<16xf32>
        %parallel_loop3A_934 = arith.constant 15 : i32
        %parallel_loop3A_935 = vector.broadcast %parallel_loop3A_934 : i32 to vector<16xi32>
        %parallel_loop3A_936 = tpu.iota {dimensions = array<i32: 0>} : vector<16xi32>
        %parallel_loop3A_937 = arith.subi %parallel_loop3A_935, %parallel_loop3A_936 : vector<16xi32>
        %parallel_loop3A_938 = tpu.dynamic_gather %parallel_loop3A_896[%parallel_loop3A_937] in [0] : vector<16xf32>, vector<16xi32> -> vector<16xf32>
        %parallel_loop3A_939 = arith.constant 15 : i32
        %parallel_loop3A_940 = vector.broadcast %parallel_loop3A_939 : i32 to vector<16xi32>
        %parallel_loop3A_941 = tpu.iota {dimensions = array<i32: 0>} : vector<16xi32>
        %parallel_loop3A_942 = arith.subi %parallel_loop3A_940, %parallel_loop3A_941 : vector<16xi32>
        %parallel_loop3A_943 = tpu.dynamic_gather %parallel_loop3A_903[%parallel_loop3A_942] in [0] : vector<16xf32>, vector<16xi32> -> vector<16xf32>
        %parallel_loop3A_944 = arith.constant true
        %parallel_loop3A_945 = vector.broadcast %parallel_loop3A_944 : i1 to vector<16xi1>
        %parallel_loop3A_946 = tpu.scan <sum>, %parallel_loop3A_866 masked %parallel_loop3A_945 : vector<16xf32>, vector<16xi1> -> vector<16xf32>
        %parallel_loop3A_947 = arith.constant true
        %parallel_loop3A_948 = vector.broadcast %parallel_loop3A_947 : i1 to vector<16xi1>
        %parallel_loop3A_949 = tpu.scan <sum>, %parallel_loop3A_869 masked %parallel_loop3A_948 : vector<16xf32>, vector<16xi1> -> vector<16xf32>
        %parallel_loop3A_950 = arith.constant true
        %parallel_loop3A_951 = vector.broadcast %parallel_loop3A_950 : i1 to vector<16xi1>
        %parallel_loop3A_952 = tpu.scan <sum>, %parallel_loop3A_872 masked %parallel_loop3A_951 : vector<16xf32>, vector<16xi1> -> vector<16xf32>
        %parallel_loop3A_953 = arith.constant true
        %parallel_loop3A_954 = vector.broadcast %parallel_loop3A_953 : i1 to vector<16xi1>
        %parallel_loop3A_955 = tpu.scan <sum>, %parallel_loop3A_875 masked %parallel_loop3A_954 : vector<16xf32>, vector<16xi1> -> vector<16xf32>
        %parallel_loop3A_956 = arith.constant true
        %parallel_loop3A_957 = vector.broadcast %parallel_loop3A_956 : i1 to vector<16xi1>
        %parallel_loop3A_958 = tpu.scan <sum>, %parallel_loop3A_908 masked %parallel_loop3A_957 : vector<16xf32>, vector<16xi1> -> vector<16xf32>
        %parallel_loop3A_959 = arith.constant true
        %parallel_loop3A_960 = vector.broadcast %parallel_loop3A_959 : i1 to vector<16xi1>
        %parallel_loop3A_961 = tpu.scan <sum>, %parallel_loop3A_913 masked %parallel_loop3A_960 : vector<16xf32>, vector<16xi1> -> vector<16xf32>
        %parallel_loop3A_962 = arith.constant true
        %parallel_loop3A_963 = vector.broadcast %parallel_loop3A_962 : i1 to vector<16xi1>
        %parallel_loop3A_964 = tpu.scan <sum>, %parallel_loop3A_918 masked %parallel_loop3A_963 : vector<16xf32>, vector<16xi1> -> vector<16xf32>
        %parallel_loop3A_965 = arith.constant true
        %parallel_loop3A_966 = vector.broadcast %parallel_loop3A_965 : i1 to vector<16xi1>
        %parallel_loop3A_967 = tpu.scan <sum>, %parallel_loop3A_923 masked %parallel_loop3A_966 : vector<16xf32>, vector<16xi1> -> vector<16xf32>
        %parallel_loop3A_968 = arith.constant true
        %parallel_loop3A_969 = vector.broadcast %parallel_loop3A_968 : i1 to vector<16xi1>
        %parallel_loop3A_970 = tpu.scan <sum>, %parallel_loop3A_882 masked %parallel_loop3A_969 : vector<16xf32>, vector<16xi1> -> vector<16xf32>
        %parallel_loop3A_971 = arith.constant true
        %parallel_loop3A_972 = vector.broadcast %parallel_loop3A_971 : i1 to vector<16xi1>
        %parallel_loop3A_973 = tpu.scan <sum>, %parallel_loop3A_889 masked %parallel_loop3A_972 : vector<16xf32>, vector<16xi1> -> vector<16xf32>
        %parallel_loop3A_974 = arith.constant true
        %parallel_loop3A_975 = vector.broadcast %parallel_loop3A_974 : i1 to vector<16xi1>
        %parallel_loop3A_976 = tpu.scan <sum>, %parallel_loop3A_896 masked %parallel_loop3A_975 : vector<16xf32>, vector<16xi1> -> vector<16xf32>
        %parallel_loop3A_977 = arith.constant true
        %parallel_loop3A_978 = vector.broadcast %parallel_loop3A_977 : i1 to vector<16xi1>
        %parallel_loop3A_979 = tpu.scan <sum>, %parallel_loop3A_903 masked %parallel_loop3A_978 : vector<16xf32>, vector<16xi1> -> vector<16xf32>
        %parallel_loop3A_980 = arith.constant true
        %parallel_loop3A_981 = vector.broadcast %parallel_loop3A_980 : i1 to vector<16xi1>
        %parallel_loop3A_982 = tpu.scan <sum>, %parallel_loop3A_928 masked %parallel_loop3A_981 : vector<16xf32>, vector<16xi1> -> vector<16xf32>
        %parallel_loop3A_983 = arith.constant true
        %parallel_loop3A_984 = vector.broadcast %parallel_loop3A_983 : i1 to vector<16xi1>
        %parallel_loop3A_985 = tpu.scan <sum>, %parallel_loop3A_933 masked %parallel_loop3A_984 : vector<16xf32>, vector<16xi1> -> vector<16xf32>
        %parallel_loop3A_986 = arith.constant true
        %parallel_loop3A_987 = vector.broadcast %parallel_loop3A_986 : i1 to vector<16xi1>
        %parallel_loop3A_988 = tpu.scan <sum>, %parallel_loop3A_938 masked %parallel_loop3A_987 : vector<16xf32>, vector<16xi1> -> vector<16xf32>
        %parallel_loop3A_989 = arith.constant true
        %parallel_loop3A_990 = vector.broadcast %parallel_loop3A_989 : i1 to vector<16xi1>
        %parallel_loop3A_991 = tpu.scan <sum>, %parallel_loop3A_943 masked %parallel_loop3A_990 : vector<16xf32>, vector<16xi1> -> vector<16xf32>
        %parallel_loop3A_992 = arith.constant 15 : i32
        %parallel_loop3A_993 = vector.broadcast %parallel_loop3A_992 : i32 to vector<16xi32>
        %parallel_loop3A_994 = tpu.iota {dimensions = array<i32: 0>} : vector<16xi32>
        %parallel_loop3A_995 = arith.subi %parallel_loop3A_993, %parallel_loop3A_994 : vector<16xi32>
        %parallel_loop3A_996 = tpu.dynamic_gather %parallel_loop3A_958[%parallel_loop3A_995] in [0] : vector<16xf32>, vector<16xi32> -> vector<16xf32>
        %parallel_loop3A_997 = arith.addf %parallel_loop3A_946, %parallel_loop3A_996 : vector<16xf32>
        %parallel_loop3A_998 = arith.subf %parallel_loop3A_997, %parallel_loop3A_866 : vector<16xf32>
        %parallel_loop3A_999 = arith.constant 15 : i32
        %parallel_loop3A_1000 = vector.broadcast %parallel_loop3A_999 : i32 to vector<16xi32>
        %parallel_loop3A_1001 = tpu.iota {dimensions = array<i32: 0>} : vector<16xi32>
        %parallel_loop3A_1002 = arith.subi %parallel_loop3A_1000, %parallel_loop3A_1001 : vector<16xi32>
        %parallel_loop3A_1003 = tpu.dynamic_gather %parallel_loop3A_961[%parallel_loop3A_1002] in [0] : vector<16xf32>, vector<16xi32> -> vector<16xf32>
        %parallel_loop3A_1004 = arith.addf %parallel_loop3A_949, %parallel_loop3A_1003 : vector<16xf32>
        %parallel_loop3A_1005 = arith.subf %parallel_loop3A_1004, %parallel_loop3A_869 : vector<16xf32>
        %parallel_loop3A_1006 = arith.constant 15 : i32
        %parallel_loop3A_1007 = vector.broadcast %parallel_loop3A_1006 : i32 to vector<16xi32>
        %parallel_loop3A_1008 = tpu.iota {dimensions = array<i32: 0>} : vector<16xi32>
        %parallel_loop3A_1009 = arith.subi %parallel_loop3A_1007, %parallel_loop3A_1008 : vector<16xi32>
        %parallel_loop3A_1010 = tpu.dynamic_gather %parallel_loop3A_964[%parallel_loop3A_1009] in [0] : vector<16xf32>, vector<16xi32> -> vector<16xf32>
        %parallel_loop3A_1011 = arith.addf %parallel_loop3A_952, %parallel_loop3A_1010 : vector<16xf32>
        %parallel_loop3A_1012 = arith.subf %parallel_loop3A_1011, %parallel_loop3A_872 : vector<16xf32>
        %parallel_loop3A_1013 = arith.constant 15 : i32
        %parallel_loop3A_1014 = vector.broadcast %parallel_loop3A_1013 : i32 to vector<16xi32>
        %parallel_loop3A_1015 = tpu.iota {dimensions = array<i32: 0>} : vector<16xi32>
        %parallel_loop3A_1016 = arith.subi %parallel_loop3A_1014, %parallel_loop3A_1015 : vector<16xi32>
        %parallel_loop3A_1017 = tpu.dynamic_gather %parallel_loop3A_967[%parallel_loop3A_1016] in [0] : vector<16xf32>, vector<16xi32> -> vector<16xf32>
        %parallel_loop3A_1018 = arith.addf %parallel_loop3A_955, %parallel_loop3A_1017 : vector<16xf32>
        %parallel_loop3A_1019 = arith.subf %parallel_loop3A_1018, %parallel_loop3A_875 : vector<16xf32>
        %parallel_loop3A_1020 = arith.constant 15 : i32
        %parallel_loop3A_1021 = vector.broadcast %parallel_loop3A_1020 : i32 to vector<16xi32>
        %parallel_loop3A_1022 = tpu.iota {dimensions = array<i32: 0>} : vector<16xi32>
        %parallel_loop3A_1023 = arith.subi %parallel_loop3A_1021, %parallel_loop3A_1022 : vector<16xi32>
        %parallel_loop3A_1024 = tpu.dynamic_gather %parallel_loop3A_982[%parallel_loop3A_1023] in [0] : vector<16xf32>, vector<16xi32> -> vector<16xf32>
        %parallel_loop3A_1025 = arith.addf %parallel_loop3A_970, %parallel_loop3A_1024 : vector<16xf32>
        %parallel_loop3A_1026 = arith.subf %parallel_loop3A_1025, %parallel_loop3A_882 : vector<16xf32>
        %parallel_loop3A_1027 = arith.constant 15 : i32
        %parallel_loop3A_1028 = vector.broadcast %parallel_loop3A_1027 : i32 to vector<16xi32>
        %parallel_loop3A_1029 = tpu.iota {dimensions = array<i32: 0>} : vector<16xi32>
        %parallel_loop3A_1030 = arith.subi %parallel_loop3A_1028, %parallel_loop3A_1029 : vector<16xi32>
        %parallel_loop3A_1031 = tpu.dynamic_gather %parallel_loop3A_985[%parallel_loop3A_1030] in [0] : vector<16xf32>, vector<16xi32> -> vector<16xf32>
        %parallel_loop3A_1032 = arith.addf %parallel_loop3A_973, %parallel_loop3A_1031 : vector<16xf32>
        %parallel_loop3A_1033 = arith.subf %parallel_loop3A_1032, %parallel_loop3A_889 : vector<16xf32>
        %parallel_loop3A_1034 = arith.constant 15 : i32
        %parallel_loop3A_1035 = vector.broadcast %parallel_loop3A_1034 : i32 to vector<16xi32>
        %parallel_loop3A_1036 = tpu.iota {dimensions = array<i32: 0>} : vector<16xi32>
        %parallel_loop3A_1037 = arith.subi %parallel_loop3A_1035, %parallel_loop3A_1036 : vector<16xi32>
        %parallel_loop3A_1038 = tpu.dynamic_gather %parallel_loop3A_988[%parallel_loop3A_1037] in [0] : vector<16xf32>, vector<16xi32> -> vector<16xf32>
        %parallel_loop3A_1039 = arith.addf %parallel_loop3A_976, %parallel_loop3A_1038 : vector<16xf32>
        %parallel_loop3A_1040 = arith.subf %parallel_loop3A_1039, %parallel_loop3A_896 : vector<16xf32>
        %parallel_loop3A_1041 = arith.constant 15 : i32
        %parallel_loop3A_1042 = vector.broadcast %parallel_loop3A_1041 : i32 to vector<16xi32>
        %parallel_loop3A_1043 = tpu.iota {dimensions = array<i32: 0>} : vector<16xi32>
        %parallel_loop3A_1044 = arith.subi %parallel_loop3A_1042, %parallel_loop3A_1043 : vector<16xi32>
        %parallel_loop3A_1045 = tpu.dynamic_gather %parallel_loop3A_991[%parallel_loop3A_1044] in [0] : vector<16xf32>, vector<16xi32> -> vector<16xf32>
        %parallel_loop3A_1046 = arith.addf %parallel_loop3A_979, %parallel_loop3A_1045 : vector<16xf32>
        %parallel_loop3A_1047 = arith.subf %parallel_loop3A_1046, %parallel_loop3A_903 : vector<16xf32>
        %parallel_loop3A_1048 = arith.constant 1.562500e-02 : f32
        %parallel_loop3A_1049 = vector.broadcast %parallel_loop3A_1048 : f32 to vector<16xf32>
        %parallel_loop3A_1050 = arith.mulf %parallel_loop3A_998, %parallel_loop3A_1049 : vector<16xf32>
        %parallel_loop3A_1051 = arith.constant 1.562500e-02 : f32
        %parallel_loop3A_1052 = vector.broadcast %parallel_loop3A_1051 : f32 to vector<16xf32>
        %parallel_loop3A_1053 = arith.mulf %parallel_loop3A_1005, %parallel_loop3A_1052 : vector<16xf32>
        %parallel_loop3A_1054 = arith.constant 1.562500e-02 : f32
        %parallel_loop3A_1055 = vector.broadcast %parallel_loop3A_1054 : f32 to vector<16xf32>
        %parallel_loop3A_1056 = arith.mulf %parallel_loop3A_1012, %parallel_loop3A_1055 : vector<16xf32>
        %parallel_loop3A_1057 = arith.constant 1.562500e-02 : f32
        %parallel_loop3A_1058 = vector.broadcast %parallel_loop3A_1057 : f32 to vector<16xf32>
        %parallel_loop3A_1059 = arith.mulf %parallel_loop3A_1019, %parallel_loop3A_1058 : vector<16xf32>
        %parallel_loop3A_1060 = arith.constant 1.562500e-02 : f32
        %parallel_loop3A_1061 = vector.broadcast %parallel_loop3A_1060 : f32 to vector<16xf32>
        %parallel_loop3A_1062 = arith.mulf %parallel_loop3A_1026, %parallel_loop3A_1061 : vector<16xf32>
        %parallel_loop3A_1063 = arith.mulf %parallel_loop3A_1050, %parallel_loop3A_1050 : vector<16xf32>
        %parallel_loop3A_1064 = arith.subf %parallel_loop3A_1062, %parallel_loop3A_1063 : vector<16xf32>
        %parallel_loop3A_1065 = arith.constant 1.562500e-02 : f32
        %parallel_loop3A_1066 = vector.broadcast %parallel_loop3A_1065 : f32 to vector<16xf32>
        %parallel_loop3A_1067 = arith.mulf %parallel_loop3A_1033, %parallel_loop3A_1066 : vector<16xf32>
        %parallel_loop3A_1068 = arith.mulf %parallel_loop3A_1053, %parallel_loop3A_1053 : vector<16xf32>
        %parallel_loop3A_1069 = arith.subf %parallel_loop3A_1067, %parallel_loop3A_1068 : vector<16xf32>
        %parallel_loop3A_1070 = arith.constant 1.562500e-02 : f32
        %parallel_loop3A_1071 = vector.broadcast %parallel_loop3A_1070 : f32 to vector<16xf32>
        %parallel_loop3A_1072 = arith.mulf %parallel_loop3A_1040, %parallel_loop3A_1071 : vector<16xf32>
        %parallel_loop3A_1073 = arith.mulf %parallel_loop3A_1056, %parallel_loop3A_1056 : vector<16xf32>
        %parallel_loop3A_1074 = arith.subf %parallel_loop3A_1072, %parallel_loop3A_1073 : vector<16xf32>
        %parallel_loop3A_1075 = arith.constant 1.562500e-02 : f32
        %parallel_loop3A_1076 = vector.broadcast %parallel_loop3A_1075 : f32 to vector<16xf32>
        %parallel_loop3A_1077 = arith.mulf %parallel_loop3A_1047, %parallel_loop3A_1076 : vector<16xf32>
        %parallel_loop3A_1078 = arith.mulf %parallel_loop3A_1059, %parallel_loop3A_1059 : vector<16xf32>
        %parallel_loop3A_1079 = arith.subf %parallel_loop3A_1077, %parallel_loop3A_1078 : vector<16xf32>
        %parallel_loop3A_1080 = arith.constant 9.99999974E-6 : f32
        %parallel_loop3A_1081 = vector.broadcast %parallel_loop3A_1080 : f32 to vector<16xf32>
        %parallel_loop3A_1082 = arith.addf %parallel_loop3A_1064, %parallel_loop3A_1081 : vector<16xf32>
        %parallel_loop3A_1083 = arith.constant 9.99999974E-6 : f32
        %parallel_loop3A_1084 = vector.broadcast %parallel_loop3A_1083 : f32 to vector<16xf32>
        %parallel_loop3A_1085 = arith.addf %parallel_loop3A_1069, %parallel_loop3A_1084 : vector<16xf32>
        %parallel_loop3A_1086 = arith.constant 9.99999974E-6 : f32
        %parallel_loop3A_1087 = vector.broadcast %parallel_loop3A_1086 : f32 to vector<16xf32>
        %parallel_loop3A_1088 = arith.addf %parallel_loop3A_1074, %parallel_loop3A_1087 : vector<16xf32>
        %parallel_loop3A_1089 = arith.constant 9.99999974E-6 : f32
        %parallel_loop3A_1090 = vector.broadcast %parallel_loop3A_1089 : f32 to vector<16xf32>
        %parallel_loop3A_1091 = arith.addf %parallel_loop3A_1079, %parallel_loop3A_1090 : vector<16xf32>
        %parallel_loop3A_1092 = vector.bitcast %parallel_loop3A_1082 : vector<16xf32> to vector<16xi32>
        %parallel_loop3A_1093 = arith.constant 1 : i32
        %parallel_loop3A_1094 = vector.broadcast %parallel_loop3A_1093 : i32 to vector<16xi32>
        %parallel_loop3A_1095 = arith.shrsi %parallel_loop3A_1092, %parallel_loop3A_1094 : vector<16xi32>
        %parallel_loop3A_1096 = arith.subi %broadcast_in_dim3A_424, %parallel_loop3A_1095 : vector<16xi32>
        %parallel_loop3A_1097 = vector.bitcast %parallel_loop3A_1096 : vector<16xi32> to vector<16xf32>
        %parallel_loop3A_1098 = vector.bitcast %parallel_loop3A_1085 : vector<16xf32> to vector<16xi32>
        %parallel_loop3A_1099 = arith.constant 1 : i32
        %parallel_loop3A_1100 = vector.broadcast %parallel_loop3A_1099 : i32 to vector<16xi32>
        %parallel_loop3A_1101 = arith.shrsi %parallel_loop3A_1098, %parallel_loop3A_1100 : vector<16xi32>
        %parallel_loop3A_1102 = arith.subi %broadcast_in_dim3A_424, %parallel_loop3A_1101 : vector<16xi32>
        %parallel_loop3A_1103 = vector.bitcast %parallel_loop3A_1102 : vector<16xi32> to vector<16xf32>
        %parallel_loop3A_1104 = vector.bitcast %parallel_loop3A_1088 : vector<16xf32> to vector<16xi32>
        %parallel_loop3A_1105 = arith.constant 1 : i32
        %parallel_loop3A_1106 = vector.broadcast %parallel_loop3A_1105 : i32 to vector<16xi32>
        %parallel_loop3A_1107 = arith.shrsi %parallel_loop3A_1104, %parallel_loop3A_1106 : vector<16xi32>
        %parallel_loop3A_1108 = arith.subi %broadcast_in_dim3A_424, %parallel_loop3A_1107 : vector<16xi32>
        %parallel_loop3A_1109 = vector.bitcast %parallel_loop3A_1108 : vector<16xi32> to vector<16xf32>
        %parallel_loop3A_1110 = vector.bitcast %parallel_loop3A_1091 : vector<16xf32> to vector<16xi32>
        %parallel_loop3A_1111 = arith.constant 1 : i32
        %parallel_loop3A_1112 = vector.broadcast %parallel_loop3A_1111 : i32 to vector<16xi32>
        %parallel_loop3A_1113 = arith.shrsi %parallel_loop3A_1110, %parallel_loop3A_1112 : vector<16xi32>
        %parallel_loop3A_1114 = arith.subi %broadcast_in_dim3A_424, %parallel_loop3A_1113 : vector<16xi32>
        %parallel_loop3A_1115 = vector.bitcast %parallel_loop3A_1114 : vector<16xi32> to vector<16xf32>
        %parallel_loop3A_1116 = arith.constant 5.000000e-01 : f32
        %parallel_loop3A_1117 = vector.broadcast %parallel_loop3A_1116 : f32 to vector<16xf32>
        %parallel_loop3A_1118 = arith.mulf %parallel_loop3A_1117, %parallel_loop3A_1082 : vector<16xf32>
        %parallel_loop3A_1119 = arith.mulf %parallel_loop3A_1118, %parallel_loop3A_1097 : vector<16xf32>
        %parallel_loop3A_1120 = arith.mulf %parallel_loop3A_1119, %parallel_loop3A_1097 : vector<16xf32>
        %parallel_loop3A_1121 = arith.constant 1.500000e+00 : f32
        %parallel_loop3A_1122 = vector.broadcast %parallel_loop3A_1121 : f32 to vector<16xf32>
        %parallel_loop3A_1123 = arith.subf %parallel_loop3A_1122, %parallel_loop3A_1120 : vector<16xf32>
        %parallel_loop3A_1124 = arith.mulf %parallel_loop3A_1097, %parallel_loop3A_1123 : vector<16xf32>
        %parallel_loop3A_1125 = arith.constant 5.000000e-01 : f32
        %parallel_loop3A_1126 = vector.broadcast %parallel_loop3A_1125 : f32 to vector<16xf32>
        %parallel_loop3A_1127 = arith.mulf %parallel_loop3A_1126, %parallel_loop3A_1085 : vector<16xf32>
        %parallel_loop3A_1128 = arith.mulf %parallel_loop3A_1127, %parallel_loop3A_1103 : vector<16xf32>
        %parallel_loop3A_1129 = arith.mulf %parallel_loop3A_1128, %parallel_loop3A_1103 : vector<16xf32>
        %parallel_loop3A_1130 = arith.constant 1.500000e+00 : f32
        %parallel_loop3A_1131 = vector.broadcast %parallel_loop3A_1130 : f32 to vector<16xf32>
        %parallel_loop3A_1132 = arith.subf %parallel_loop3A_1131, %parallel_loop3A_1129 : vector<16xf32>
        %parallel_loop3A_1133 = arith.mulf %parallel_loop3A_1103, %parallel_loop3A_1132 : vector<16xf32>
        %parallel_loop3A_1134 = arith.constant 5.000000e-01 : f32
        %parallel_loop3A_1135 = vector.broadcast %parallel_loop3A_1134 : f32 to vector<16xf32>
        %parallel_loop3A_1136 = arith.mulf %parallel_loop3A_1135, %parallel_loop3A_1088 : vector<16xf32>
        %parallel_loop3A_1137 = arith.mulf %parallel_loop3A_1136, %parallel_loop3A_1109 : vector<16xf32>
        %parallel_loop3A_1138 = arith.mulf %parallel_loop3A_1137, %parallel_loop3A_1109 : vector<16xf32>
        %parallel_loop3A_1139 = arith.constant 1.500000e+00 : f32
        %parallel_loop3A_1140 = vector.broadcast %parallel_loop3A_1139 : f32 to vector<16xf32>
        %parallel_loop3A_1141 = arith.subf %parallel_loop3A_1140, %parallel_loop3A_1138 : vector<16xf32>
        %parallel_loop3A_1142 = arith.mulf %parallel_loop3A_1109, %parallel_loop3A_1141 : vector<16xf32>
        %parallel_loop3A_1143 = arith.constant 5.000000e-01 : f32
        %parallel_loop3A_1144 = vector.broadcast %parallel_loop3A_1143 : f32 to vector<16xf32>
        %parallel_loop3A_1145 = arith.mulf %parallel_loop3A_1144, %parallel_loop3A_1091 : vector<16xf32>
        %parallel_loop3A_1146 = arith.mulf %parallel_loop3A_1145, %parallel_loop3A_1115 : vector<16xf32>
        %parallel_loop3A_1147 = arith.mulf %parallel_loop3A_1146, %parallel_loop3A_1115 : vector<16xf32>
        %parallel_loop3A_1148 = arith.constant 1.500000e+00 : f32
        %parallel_loop3A_1149 = vector.broadcast %parallel_loop3A_1148 : f32 to vector<16xf32>
        %parallel_loop3A_1150 = arith.subf %parallel_loop3A_1149, %parallel_loop3A_1147 : vector<16xf32>
        %parallel_loop3A_1151 = arith.mulf %parallel_loop3A_1115, %parallel_loop3A_1150 : vector<16xf32>
        %parallel_loop3A_1152 = vector.broadcast %parallel_loop3A_761 : i32 to vector<16xi32>
        %parallel_loop3A_1153 = vector.broadcast %parallel_loop3A_763 : i32 to vector<16xi32>
        %parallel_loop3A_1154 = vector.broadcast %parallel_loop3A_765 : i32 to vector<16xi32>
        %parallel_loop3A_1155 = vector.broadcast %parallel_loop3A_767 : i32 to vector<16xi32>
        %parallel_loop3A_1156 = arith.subf %parallel_loop3A_773, %parallel_loop3A_1050 : vector<16xf32>
        %parallel_loop3A_1157 = arith.mulf %parallel_loop3A_1124, %get3A_3 : vector<16xf32>
        %parallel_loop3A_1158 = arith.mulf %parallel_loop3A_1156, %parallel_loop3A_1157 : vector<16xf32>
        %parallel_loop3A_1159 = arith.addf %parallel_loop3A_1158, %get3A_11 : vector<16xf32>
        %parallel_loop3A_1160 = arith.constant 0 : i32
        %parallel_loop3A_1161 = arith.constant 0 : i32
        %parallel_loop3A_1162 = arith.constant 0 : i32
        %parallel_loop3A_1163 = tpu.memref_slice %arg10[%parallel_loop3A_1160, %parallel_loop3A_1161, %parallel_loop3A_1162] : memref<2x64x129xf32, #tpu.memory_space<vmem>> -> memref<1x64x129xf32, #tpu.memory_space<vmem>>
        %parallel_loop3A_1164 = tpu.memref_squeeze %parallel_loop3A_1163 : memref<1x64x129xf32, #tpu.memory_space<vmem>> -> memref<64x129xf32, #tpu.memory_space<vmem>>
        tpu.vector_store_idx %parallel_loop3A_1164[%add3A_20, %parallel_loop3A_1152], %parallel_loop3A_1159 : memref<64x129xf32, #tpu.memory_space<vmem>>[vector<16xi32>, vector<16xi32>], vector<16xf32>,
        %parallel_loop3A_1165 = arith.subf %parallel_loop3A_779, %parallel_loop3A_1050 : vector<16xf32>
        %parallel_loop3A_1166 = arith.mulf %parallel_loop3A_1124, %get3A_5 : vector<16xf32>
        %parallel_loop3A_1167 = arith.mulf %parallel_loop3A_1165, %parallel_loop3A_1166 : vector<16xf32>
        %parallel_loop3A_1168 = arith.addf %parallel_loop3A_1167, %get3A_13 : vector<16xf32>
        %parallel_loop3A_1169 = arith.constant 0 : i32
        %parallel_loop3A_1170 = arith.constant 0 : i32
        %parallel_loop3A_1171 = arith.constant 0 : i32
        %parallel_loop3A_1172 = tpu.memref_slice %arg10[%parallel_loop3A_1169, %parallel_loop3A_1170, %parallel_loop3A_1171] : memref<2x64x129xf32, #tpu.memory_space<vmem>> -> memref<1x64x129xf32, #tpu.memory_space<vmem>>
        %parallel_loop3A_1173 = tpu.memref_squeeze %parallel_loop3A_1172 : memref<1x64x129xf32, #tpu.memory_space<vmem>> -> memref<64x129xf32, #tpu.memory_space<vmem>>
        tpu.vector_store_idx %parallel_loop3A_1173[%add3A_24, %parallel_loop3A_1152], %parallel_loop3A_1168 : memref<64x129xf32, #tpu.memory_space<vmem>>[vector<16xi32>, vector<16xi32>], vector<16xf32>,
        %parallel_loop3A_1174 = arith.subf %parallel_loop3A_785, %parallel_loop3A_1050 : vector<16xf32>
        %parallel_loop3A_1175 = arith.mulf %parallel_loop3A_1124, %get3A_7 : vector<16xf32>
        %parallel_loop3A_1176 = arith.mulf %parallel_loop3A_1174, %parallel_loop3A_1175 : vector<16xf32>
        %parallel_loop3A_1177 = arith.addf %parallel_loop3A_1176, %get3A_15 : vector<16xf32>
        %parallel_loop3A_1178 = arith.constant 0 : i32
        %parallel_loop3A_1179 = arith.constant 0 : i32
        %parallel_loop3A_1180 = arith.constant 0 : i32
        %parallel_loop3A_1181 = tpu.memref_slice %arg10[%parallel_loop3A_1178, %parallel_loop3A_1179, %parallel_loop3A_1180] : memref<2x64x129xf32, #tpu.memory_space<vmem>> -> memref<1x64x129xf32, #tpu.memory_space<vmem>>
        %parallel_loop3A_1182 = tpu.memref_squeeze %parallel_loop3A_1181 : memref<1x64x129xf32, #tpu.memory_space<vmem>> -> memref<64x129xf32, #tpu.memory_space<vmem>>
        tpu.vector_store_idx %parallel_loop3A_1182[%add3A_28, %parallel_loop3A_1152], %parallel_loop3A_1177 : memref<64x129xf32, #tpu.memory_space<vmem>>[vector<16xi32>, vector<16xi32>], vector<16xf32>,
        %parallel_loop3A_1183 = arith.subf %parallel_loop3A_791, %parallel_loop3A_1050 : vector<16xf32>
        %parallel_loop3A_1184 = arith.mulf %parallel_loop3A_1124, %get3A_9 : vector<16xf32>
        %parallel_loop3A_1185 = arith.mulf %parallel_loop3A_1183, %parallel_loop3A_1184 : vector<16xf32>
        %parallel_loop3A_1186 = arith.addf %parallel_loop3A_1185, %get3A_17 : vector<16xf32>
        %parallel_loop3A_1187 = arith.constant 0 : i32
        %parallel_loop3A_1188 = arith.constant 0 : i32
        %parallel_loop3A_1189 = arith.constant 0 : i32
        %parallel_loop3A_1190 = tpu.memref_slice %arg10[%parallel_loop3A_1187, %parallel_loop3A_1188, %parallel_loop3A_1189] : memref<2x64x129xf32, #tpu.memory_space<vmem>> -> memref<1x64x129xf32, #tpu.memory_space<vmem>>
        %parallel_loop3A_1191 = tpu.memref_squeeze %parallel_loop3A_1190 : memref<1x64x129xf32, #tpu.memory_space<vmem>> -> memref<64x129xf32, #tpu.memory_space<vmem>>
        tpu.vector_store_idx %parallel_loop3A_1191[%add3A_32, %parallel_loop3A_1152], %parallel_loop3A_1186 : memref<64x129xf32, #tpu.memory_space<vmem>>[vector<16xi32>, vector<16xi32>], vector<16xf32>,
        %parallel_loop3A_1192 = arith.subf %parallel_loop3A_797, %parallel_loop3A_1053 : vector<16xf32>
        %parallel_loop3A_1193 = arith.mulf %parallel_loop3A_1133, %get3A_3 : vector<16xf32>
        %parallel_loop3A_1194 = arith.mulf %parallel_loop3A_1192, %parallel_loop3A_1193 : vector<16xf32>
        %parallel_loop3A_1195 = arith.addf %parallel_loop3A_1194, %get3A_11 : vector<16xf32>
        %parallel_loop3A_1196 = arith.constant 0 : i32
        %parallel_loop3A_1197 = arith.constant 0 : i32
        %parallel_loop3A_1198 = arith.constant 0 : i32
        %parallel_loop3A_1199 = tpu.memref_slice %arg10[%parallel_loop3A_1196, %parallel_loop3A_1197, %parallel_loop3A_1198] : memref<2x64x129xf32, #tpu.memory_space<vmem>> -> memref<1x64x129xf32, #tpu.memory_space<vmem>>
        %parallel_loop3A_1200 = tpu.memref_squeeze %parallel_loop3A_1199 : memref<1x64x129xf32, #tpu.memory_space<vmem>> -> memref<64x129xf32, #tpu.memory_space<vmem>>
        tpu.vector_store_idx %parallel_loop3A_1200[%add3A_20, %parallel_loop3A_1153], %parallel_loop3A_1195 : memref<64x129xf32, #tpu.memory_space<vmem>>[vector<16xi32>, vector<16xi32>], vector<16xf32>,
        %parallel_loop3A_1201 = arith.subf %parallel_loop3A_803, %parallel_loop3A_1053 : vector<16xf32>
        %parallel_loop3A_1202 = arith.mulf %parallel_loop3A_1133, %get3A_5 : vector<16xf32>
        %parallel_loop3A_1203 = arith.mulf %parallel_loop3A_1201, %parallel_loop3A_1202 : vector<16xf32>
        %parallel_loop3A_1204 = arith.addf %parallel_loop3A_1203, %get3A_13 : vector<16xf32>
        %parallel_loop3A_1205 = arith.constant 0 : i32
        %parallel_loop3A_1206 = arith.constant 0 : i32
        %parallel_loop3A_1207 = arith.constant 0 : i32
        %parallel_loop3A_1208 = tpu.memref_slice %arg10[%parallel_loop3A_1205, %parallel_loop3A_1206, %parallel_loop3A_1207] : memref<2x64x129xf32, #tpu.memory_space<vmem>> -> memref<1x64x129xf32, #tpu.memory_space<vmem>>
        %parallel_loop3A_1209 = tpu.memref_squeeze %parallel_loop3A_1208 : memref<1x64x129xf32, #tpu.memory_space<vmem>> -> memref<64x129xf32, #tpu.memory_space<vmem>>
        tpu.vector_store_idx %parallel_loop3A_1209[%add3A_24, %parallel_loop3A_1153], %parallel_loop3A_1204 : memref<64x129xf32, #tpu.memory_space<vmem>>[vector<16xi32>, vector<16xi32>], vector<16xf32>,
        %parallel_loop3A_1210 = arith.subf %parallel_loop3A_809, %parallel_loop3A_1053 : vector<16xf32>
        %parallel_loop3A_1211 = arith.mulf %parallel_loop3A_1133, %get3A_7 : vector<16xf32>
        %parallel_loop3A_1212 = arith.mulf %parallel_loop3A_1210, %parallel_loop3A_1211 : vector<16xf32>
        %parallel_loop3A_1213 = arith.addf %parallel_loop3A_1212, %get3A_15 : vector<16xf32>
        %parallel_loop3A_1214 = arith.constant 0 : i32
        %parallel_loop3A_1215 = arith.constant 0 : i32
        %parallel_loop3A_1216 = arith.constant 0 : i32
        %parallel_loop3A_1217 = tpu.memref_slice %arg10[%parallel_loop3A_1214, %parallel_loop3A_1215, %parallel_loop3A_1216] : memref<2x64x129xf32, #tpu.memory_space<vmem>> -> memref<1x64x129xf32, #tpu.memory_space<vmem>>
        %parallel_loop3A_1218 = tpu.memref_squeeze %parallel_loop3A_1217 : memref<1x64x129xf32, #tpu.memory_space<vmem>> -> memref<64x129xf32, #tpu.memory_space<vmem>>
        tpu.vector_store_idx %parallel_loop3A_1218[%add3A_28, %parallel_loop3A_1153], %parallel_loop3A_1213 : memref<64x129xf32, #tpu.memory_space<vmem>>[vector<16xi32>, vector<16xi32>], vector<16xf32>,
        %parallel_loop3A_1219 = arith.subf %parallel_loop3A_815, %parallel_loop3A_1053 : vector<16xf32>
        %parallel_loop3A_1220 = arith.mulf %parallel_loop3A_1133, %get3A_9 : vector<16xf32>
        %parallel_loop3A_1221 = arith.mulf %parallel_loop3A_1219, %parallel_loop3A_1220 : vector<16xf32>
        %parallel_loop3A_1222 = arith.addf %parallel_loop3A_1221, %get3A_17 : vector<16xf32>
        %parallel_loop3A_1223 = arith.constant 0 : i32
        %parallel_loop3A_1224 = arith.constant 0 : i32
        %parallel_loop3A_1225 = arith.constant 0 : i32
        %parallel_loop3A_1226 = tpu.memref_slice %arg10[%parallel_loop3A_1223, %parallel_loop3A_1224, %parallel_loop3A_1225] : memref<2x64x129xf32, #tpu.memory_space<vmem>> -> memref<1x64x129xf32, #tpu.memory_space<vmem>>
        %parallel_loop3A_1227 = tpu.memref_squeeze %parallel_loop3A_1226 : memref<1x64x129xf32, #tpu.memory_space<vmem>> -> memref<64x129xf32, #tpu.memory_space<vmem>>
        tpu.vector_store_idx %parallel_loop3A_1227[%add3A_32, %parallel_loop3A_1153], %parallel_loop3A_1222 : memref<64x129xf32, #tpu.memory_space<vmem>>[vector<16xi32>, vector<16xi32>], vector<16xf32>,
        %parallel_loop3A_1228 = arith.subf %parallel_loop3A_821, %parallel_loop3A_1056 : vector<16xf32>
        %parallel_loop3A_1229 = arith.mulf %parallel_loop3A_1142, %get3A_3 : vector<16xf32>
        %parallel_loop3A_1230 = arith.mulf %parallel_loop3A_1228, %parallel_loop3A_1229 : vector<16xf32>
        %parallel_loop3A_1231 = arith.addf %parallel_loop3A_1230, %get3A_11 : vector<16xf32>
        %parallel_loop3A_1232 = arith.constant 0 : i32
        %parallel_loop3A_1233 = arith.constant 0 : i32
        %parallel_loop3A_1234 = arith.constant 0 : i32
        %parallel_loop3A_1235 = tpu.memref_slice %arg10[%parallel_loop3A_1232, %parallel_loop3A_1233, %parallel_loop3A_1234] : memref<2x64x129xf32, #tpu.memory_space<vmem>> -> memref<1x64x129xf32, #tpu.memory_space<vmem>>
        %parallel_loop3A_1236 = tpu.memref_squeeze %parallel_loop3A_1235 : memref<1x64x129xf32, #tpu.memory_space<vmem>> -> memref<64x129xf32, #tpu.memory_space<vmem>>
        tpu.vector_store_idx %parallel_loop3A_1236[%add3A_20, %parallel_loop3A_1154], %parallel_loop3A_1231 : memref<64x129xf32, #tpu.memory_space<vmem>>[vector<16xi32>, vector<16xi32>], vector<16xf32>,
        %parallel_loop3A_1237 = arith.subf %parallel_loop3A_827, %parallel_loop3A_1056 : vector<16xf32>
        %parallel_loop3A_1238 = arith.mulf %parallel_loop3A_1142, %get3A_5 : vector<16xf32>
        %parallel_loop3A_1239 = arith.mulf %parallel_loop3A_1237, %parallel_loop3A_1238 : vector<16xf32>
        %parallel_loop3A_1240 = arith.addf %parallel_loop3A_1239, %get3A_13 : vector<16xf32>
        %parallel_loop3A_1241 = arith.constant 0 : i32
        %parallel_loop3A_1242 = arith.constant 0 : i32
        %parallel_loop3A_1243 = arith.constant 0 : i32
        %parallel_loop3A_1244 = tpu.memref_slice %arg10[%parallel_loop3A_1241, %parallel_loop3A_1242, %parallel_loop3A_1243] : memref<2x64x129xf32, #tpu.memory_space<vmem>> -> memref<1x64x129xf32, #tpu.memory_space<vmem>>
        %parallel_loop3A_1245 = tpu.memref_squeeze %parallel_loop3A_1244 : memref<1x64x129xf32, #tpu.memory_space<vmem>> -> memref<64x129xf32, #tpu.memory_space<vmem>>
        tpu.vector_store_idx %parallel_loop3A_1245[%add3A_24, %parallel_loop3A_1154], %parallel_loop3A_1240 : memref<64x129xf32, #tpu.memory_space<vmem>>[vector<16xi32>, vector<16xi32>], vector<16xf32>,
        %parallel_loop3A_1246 = arith.subf %parallel_loop3A_833, %parallel_loop3A_1056 : vector<16xf32>
        %parallel_loop3A_1247 = arith.mulf %parallel_loop3A_1142, %get3A_7 : vector<16xf32>
        %parallel_loop3A_1248 = arith.mulf %parallel_loop3A_1246, %parallel_loop3A_1247 : vector<16xf32>
        %parallel_loop3A_1249 = arith.addf %parallel_loop3A_1248, %get3A_15 : vector<16xf32>
        %parallel_loop3A_1250 = arith.constant 0 : i32
        %parallel_loop3A_1251 = arith.constant 0 : i32
        %parallel_loop3A_1252 = arith.constant 0 : i32
        %parallel_loop3A_1253 = tpu.memref_slice %arg10[%parallel_loop3A_1250, %parallel_loop3A_1251, %parallel_loop3A_1252] : memref<2x64x129xf32, #tpu.memory_space<vmem>> -> memref<1x64x129xf32, #tpu.memory_space<vmem>>
        %parallel_loop3A_1254 = tpu.memref_squeeze %parallel_loop3A_1253 : memref<1x64x129xf32, #tpu.memory_space<vmem>> -> memref<64x129xf32, #tpu.memory_space<vmem>>
        tpu.vector_store_idx %parallel_loop3A_1254[%add3A_28, %parallel_loop3A_1154], %parallel_loop3A_1249 : memref<64x129xf32, #tpu.memory_space<vmem>>[vector<16xi32>, vector<16xi32>], vector<16xf32>,
        %parallel_loop3A_1255 = arith.subf %parallel_loop3A_839, %parallel_loop3A_1056 : vector<16xf32>
        %parallel_loop3A_1256 = arith.mulf %parallel_loop3A_1142, %get3A_9 : vector<16xf32>
        %parallel_loop3A_1257 = arith.mulf %parallel_loop3A_1255, %parallel_loop3A_1256 : vector<16xf32>
        %parallel_loop3A_1258 = arith.addf %parallel_loop3A_1257, %get3A_17 : vector<16xf32>
        %parallel_loop3A_1259 = arith.constant 0 : i32
        %parallel_loop3A_1260 = arith.constant 0 : i32
        %parallel_loop3A_1261 = arith.constant 0 : i32
        %parallel_loop3A_1262 = tpu.memref_slice %arg10[%parallel_loop3A_1259, %parallel_loop3A_1260, %parallel_loop3A_1261] : memref<2x64x129xf32, #tpu.memory_space<vmem>> -> memref<1x64x129xf32, #tpu.memory_space<vmem>>
        %parallel_loop3A_1263 = tpu.memref_squeeze %parallel_loop3A_1262 : memref<1x64x129xf32, #tpu.memory_space<vmem>> -> memref<64x129xf32, #tpu.memory_space<vmem>>
        tpu.vector_store_idx %parallel_loop3A_1263[%add3A_32, %parallel_loop3A_1154], %parallel_loop3A_1258 : memref<64x129xf32, #tpu.memory_space<vmem>>[vector<16xi32>, vector<16xi32>], vector<16xf32>,
        %parallel_loop3A_1264 = arith.subf %parallel_loop3A_845, %parallel_loop3A_1059 : vector<16xf32>
        %parallel_loop3A_1265 = arith.mulf %parallel_loop3A_1151, %get3A_3 : vector<16xf32>
        %parallel_loop3A_1266 = arith.mulf %parallel_loop3A_1264, %parallel_loop3A_1265 : vector<16xf32>
        %parallel_loop3A_1267 = arith.addf %parallel_loop3A_1266, %get3A_11 : vector<16xf32>
        %parallel_loop3A_1268 = arith.constant 0 : i32
        %parallel_loop3A_1269 = arith.constant 0 : i32
        %parallel_loop3A_1270 = arith.constant 0 : i32
        %parallel_loop3A_1271 = tpu.memref_slice %arg10[%parallel_loop3A_1268, %parallel_loop3A_1269, %parallel_loop3A_1270] : memref<2x64x129xf32, #tpu.memory_space<vmem>> -> memref<1x64x129xf32, #tpu.memory_space<vmem>>
        %parallel_loop3A_1272 = tpu.memref_squeeze %parallel_loop3A_1271 : memref<1x64x129xf32, #tpu.memory_space<vmem>> -> memref<64x129xf32, #tpu.memory_space<vmem>>
        tpu.vector_store_idx %parallel_loop3A_1272[%add3A_20, %parallel_loop3A_1155], %parallel_loop3A_1267 : memref<64x129xf32, #tpu.memory_space<vmem>>[vector<16xi32>, vector<16xi32>], vector<16xf32>,
        %parallel_loop3A_1273 = arith.subf %parallel_loop3A_851, %parallel_loop3A_1059 : vector<16xf32>
        %parallel_loop3A_1274 = arith.mulf %parallel_loop3A_1151, %get3A_5 : vector<16xf32>
        %parallel_loop3A_1275 = arith.mulf %parallel_loop3A_1273, %parallel_loop3A_1274 : vector<16xf32>
        %parallel_loop3A_1276 = arith.addf %parallel_loop3A_1275, %get3A_13 : vector<16xf32>
        %parallel_loop3A_1277 = arith.constant 0 : i32
        %parallel_loop3A_1278 = arith.constant 0 : i32
        %parallel_loop3A_1279 = arith.constant 0 : i32
        %parallel_loop3A_1280 = tpu.memref_slice %arg10[%parallel_loop3A_1277, %parallel_loop3A_1278, %parallel_loop3A_1279] : memref<2x64x129xf32, #tpu.memory_space<vmem>> -> memref<1x64x129xf32, #tpu.memory_space<vmem>>
        %parallel_loop3A_1281 = tpu.memref_squeeze %parallel_loop3A_1280 : memref<1x64x129xf32, #tpu.memory_space<vmem>> -> memref<64x129xf32, #tpu.memory_space<vmem>>
        tpu.vector_store_idx %parallel_loop3A_1281[%add3A_24, %parallel_loop3A_1155], %parallel_loop3A_1276 : memref<64x129xf32, #tpu.memory_space<vmem>>[vector<16xi32>, vector<16xi32>], vector<16xf32>,
        %parallel_loop3A_1282 = arith.subf %parallel_loop3A_857, %parallel_loop3A_1059 : vector<16xf32>
        %parallel_loop3A_1283 = arith.mulf %parallel_loop3A_1151, %get3A_7 : vector<16xf32>
        %parallel_loop3A_1284 = arith.mulf %parallel_loop3A_1282, %parallel_loop3A_1283 : vector<16xf32>
        %parallel_loop3A_1285 = arith.addf %parallel_loop3A_1284, %get3A_15 : vector<16xf32>
        %parallel_loop3A_1286 = arith.constant 0 : i32
        %parallel_loop3A_1287 = arith.constant 0 : i32
        %parallel_loop3A_1288 = arith.constant 0 : i32
        %parallel_loop3A_1289 = tpu.memref_slice %arg10[%parallel_loop3A_1286, %parallel_loop3A_1287, %parallel_loop3A_1288] : memref<2x64x129xf32, #tpu.memory_space<vmem>> -> memref<1x64x129xf32, #tpu.memory_space<vmem>>
        %parallel_loop3A_1290 = tpu.memref_squeeze %parallel_loop3A_1289 : memref<1x64x129xf32, #tpu.memory_space<vmem>> -> memref<64x129xf32, #tpu.memory_space<vmem>>
        tpu.vector_store_idx %parallel_loop3A_1290[%add3A_28, %parallel_loop3A_1155], %parallel_loop3A_1285 : memref<64x129xf32, #tpu.memory_space<vmem>>[vector<16xi32>, vector<16xi32>], vector<16xf32>,
        %parallel_loop3A_1291 = arith.subf %parallel_loop3A_863, %parallel_loop3A_1059 : vector<16xf32>
        %parallel_loop3A_1292 = arith.mulf %parallel_loop3A_1151, %get3A_9 : vector<16xf32>
        %parallel_loop3A_1293 = arith.mulf %parallel_loop3A_1291, %parallel_loop3A_1292 : vector<16xf32>
        %parallel_loop3A_1294 = arith.addf %parallel_loop3A_1293, %get3A_17 : vector<16xf32>
        %parallel_loop3A_1295 = arith.constant 0 : i32
        %parallel_loop3A_1296 = arith.constant 0 : i32
        %parallel_loop3A_1297 = arith.constant 0 : i32
        %parallel_loop3A_1298 = tpu.memref_slice %arg10[%parallel_loop3A_1295, %parallel_loop3A_1296, %parallel_loop3A_1297] : memref<2x64x129xf32, #tpu.memory_space<vmem>> -> memref<1x64x129xf32, #tpu.memory_space<vmem>>
        %parallel_loop3A_1299 = tpu.memref_squeeze %parallel_loop3A_1298 : memref<1x64x129xf32, #tpu.memory_space<vmem>> -> memref<64x129xf32, #tpu.memory_space<vmem>>
        tpu.vector_store_idx %parallel_loop3A_1299[%add3A_32, %parallel_loop3A_1155], %parallel_loop3A_1294 : memref<64x129xf32, #tpu.memory_space<vmem>>[vector<16xi32>, vector<16xi32>], vector<16xf32>,
      } {sc.loop_unroll_factor = 2 : i64, sc.parallel_access}
      %dma_start3A_427 = arith.constant 0 : i32
      %dma_start3A_428 = arith.constant 0 : i32
      %dma_start3A_429 = arith.constant 0 : i32
      %dma_start3A_430 = arith.constant 0 : i32
      %dma_start3A_431 = tpu.memref_slice %arg10[%dma_start3A_427, %dma_start3A_429, %dma_start3A_430] : memref<2x64x129xf32, #tpu.memory_space<vmem>> -> memref<1x8x128xf32, #tpu.memory_space<vmem>>
      %dma_start3A_432 = tpu.memref_squeeze %dma_start3A_431 : memref<1x8x128xf32, #tpu.memory_space<vmem>> -> memref<8x128xf32, #tpu.memory_space<vmem>>
      %dma_start3A_433 = arith.constant 0 : i32
      %dma_start3A_434 = arith.constant 0 : i32
      %dma_start3A_435 = tpu.memref_slice %arg7[%mul3A_367, %dma_start3A_428, %add3A, %dma_start3A_433, %dma_start3A_434] : memref<200x8x32x8x128xf32, #tpu.memory_space<hbm>> -> memref<1x1x1x8x128xf32, #tpu.memory_space<hbm>>
      %dma_start3A_436 = tpu.memref_squeeze %dma_start3A_435 : memref<1x1x1x8x128xf32, #tpu.memory_space<hbm>> -> memref<8x128xf32, #tpu.memory_space<hbm>>
      %dma_start3A_437 = arith.constant 0 : i32
      %dma_start3A_438 = arith.constant 0 : i32
      %dma_start3A_439 = tpu.memref_slice %arg7[%mul3A_367, %dma_start3A_428, %add3A, %dma_start3A_437, %dma_start3A_438] : memref<200x8x32x8x128xf32, #tpu.memory_space<hbm>> -> memref<1x1x1x8x128xf32, #tpu.memory_space<hbm>>
      %dma_start3A_440 = tpu.memref_squeeze %dma_start3A_439 : memref<1x1x1x8x128xf32, #tpu.memory_space<hbm>> -> memref<8x128xf32, #tpu.memory_space<hbm>>
      %dma_start3A_441 = arith.constant 0 : i32
      %dma_start3A_442 = arith.constant 0 : i32
      %dma_start3A_443 = tpu.memref_slice %arg10[%dma_start3A_427, %dma_start3A_441, %dma_start3A_442] : memref<2x64x129xf32, #tpu.memory_space<vmem>> -> memref<1x8x128xf32, #tpu.memory_space<vmem>>
      %dma_start3A_444 = tpu.memref_squeeze %dma_start3A_443 : memref<1x8x128xf32, #tpu.memory_space<vmem>> -> memref<8x128xf32, #tpu.memory_space<vmem>>
      tpu.enqueue_dma source(%dma_start3A_444 : memref<8x128xf32, #tpu.memory_space<vmem>>) target(%dma_start3A_440 : memref<8x128xf32, #tpu.memory_space<hbm>>) target_semaphore(%arg16 : memref<!tpu.dma_semaphore, #tpu.memory_space<semaphore_mem>>)
      %dma_start3A_445 = arith.constant 0 : i32
      %dma_start3A_446 = arith.constant 1 : i32
      %dma_start3A_447 = arith.constant 8 : i32
      %dma_start3A_448 = arith.constant 0 : i32
      %dma_start3A_449 = tpu.memref_slice %arg10[%dma_start3A_445, %dma_start3A_447, %dma_start3A_448] : memref<2x64x129xf32, #tpu.memory_space<vmem>> -> memref<1x8x128xf32, #tpu.memory_space<vmem>>
      %dma_start3A_450 = tpu.memref_squeeze %dma_start3A_449 : memref<1x8x128xf32, #tpu.memory_space<vmem>> -> memref<8x128xf32, #tpu.memory_space<vmem>>
      %dma_start3A_451 = arith.constant 0 : i32
      %dma_start3A_452 = arith.constant 0 : i32
      %dma_start3A_453 = tpu.memref_slice %arg7[%mul3A_367, %dma_start3A_446, %add3A, %dma_start3A_451, %dma_start3A_452] : memref<200x8x32x8x128xf32, #tpu.memory_space<hbm>> -> memref<1x1x1x8x128xf32, #tpu.memory_space<hbm>>
      %dma_start3A_454 = tpu.memref_squeeze %dma_start3A_453 : memref<1x1x1x8x128xf32, #tpu.memory_space<hbm>> -> memref<8x128xf32, #tpu.memory_space<hbm>>
      %dma_start3A_455 = arith.constant 0 : i32
      %dma_start3A_456 = arith.constant 0 : i32
      %dma_start3A_457 = tpu.memref_slice %arg7[%mul3A_367, %dma_start3A_446, %add3A, %dma_start3A_455, %dma_start3A_456] : memref<200x8x32x8x128xf32, #tpu.memory_space<hbm>> -> memref<1x1x1x8x128xf32, #tpu.memory_space<hbm>>
      %dma_start3A_458 = tpu.memref_squeeze %dma_start3A_457 : memref<1x1x1x8x128xf32, #tpu.memory_space<hbm>> -> memref<8x128xf32, #tpu.memory_space<hbm>>
      %dma_start3A_459 = arith.constant 8 : i32
      %dma_start3A_460 = arith.constant 0 : i32
      %dma_start3A_461 = tpu.memref_slice %arg10[%dma_start3A_445, %dma_start3A_459, %dma_start3A_460] : memref<2x64x129xf32, #tpu.memory_space<vmem>> -> memref<1x8x128xf32, #tpu.memory_space<vmem>>
      %dma_start3A_462 = tpu.memref_squeeze %dma_start3A_461 : memref<1x8x128xf32, #tpu.memory_space<vmem>> -> memref<8x128xf32, #tpu.memory_space<vmem>>
      tpu.enqueue_dma source(%dma_start3A_462 : memref<8x128xf32, #tpu.memory_space<vmem>>) target(%dma_start3A_458 : memref<8x128xf32, #tpu.memory_space<hbm>>) target_semaphore(%arg16 : memref<!tpu.dma_semaphore, #tpu.memory_space<semaphore_mem>>)
      %dma_start3A_463 = arith.constant 0 : i32
      %dma_start3A_464 = arith.constant 2 : i32
      %dma_start3A_465 = arith.constant 16 : i32
      %dma_start3A_466 = arith.constant 0 : i32
      %dma_start3A_467 = tpu.memref_slice %arg10[%dma_start3A_463, %dma_start3A_465, %dma_start3A_466] : memref<2x64x129xf32, #tpu.memory_space<vmem>> -> memref<1x8x128xf32, #tpu.memory_space<vmem>>
      %dma_start3A_468 = tpu.memref_squeeze %dma_start3A_467 : memref<1x8x128xf32, #tpu.memory_space<vmem>> -> memref<8x128xf32, #tpu.memory_space<vmem>>
      %dma_start3A_469 = arith.constant 0 : i32
      %dma_start3A_470 = arith.constant 0 : i32
      %dma_start3A_471 = tpu.memref_slice %arg7[%mul3A_367, %dma_start3A_464, %add3A, %dma_start3A_469, %dma_start3A_470] : memref<200x8x32x8x128xf32, #tpu.memory_space<hbm>> -> memref<1x1x1x8x128xf32, #tpu.memory_space<hbm>>
      %dma_start3A_472 = tpu.memref_squeeze %dma_start3A_471 : memref<1x1x1x8x128xf32, #tpu.memory_space<hbm>> -> memref<8x128xf32, #tpu.memory_space<hbm>>
      %dma_start3A_473 = arith.constant 0 : i32
      %dma_start3A_474 = arith.constant 0 : i32
      %dma_start3A_475 = tpu.memref_slice %arg7[%mul3A_367, %dma_start3A_464, %add3A, %dma_start3A_473, %dma_start3A_474] : memref<200x8x32x8x128xf32, #tpu.memory_space<hbm>> -> memref<1x1x1x8x128xf32, #tpu.memory_space<hbm>>
      %dma_start3A_476 = tpu.memref_squeeze %dma_start3A_475 : memref<1x1x1x8x128xf32, #tpu.memory_space<hbm>> -> memref<8x128xf32, #tpu.memory_space<hbm>>
      %dma_start3A_477 = arith.constant 16 : i32
      %dma_start3A_478 = arith.constant 0 : i32
      %dma_start3A_479 = tpu.memref_slice %arg10[%dma_start3A_463, %dma_start3A_477, %dma_start3A_478] : memref<2x64x129xf32, #tpu.memory_space<vmem>> -> memref<1x8x128xf32, #tpu.memory_space<vmem>>
      %dma_start3A_480 = tpu.memref_squeeze %dma_start3A_479 : memref<1x8x128xf32, #tpu.memory_space<vmem>> -> memref<8x128xf32, #tpu.memory_space<vmem>>
      tpu.enqueue_dma source(%dma_start3A_480 : memref<8x128xf32, #tpu.memory_space<vmem>>) target(%dma_start3A_476 : memref<8x128xf32, #tpu.memory_space<hbm>>) target_semaphore(%arg16 : memref<!tpu.dma_semaphore, #tpu.memory_space<semaphore_mem>>)
      %dma_start3A_481 = arith.constant 0 : i32
      %dma_start3A_482 = arith.constant 3 : i32
      %dma_start3A_483 = arith.constant 24 : i32
      %dma_start3A_484 = arith.constant 0 : i32
      %dma_start3A_485 = tpu.memref_slice %arg10[%dma_start3A_481, %dma_start3A_483, %dma_start3A_484] : memref<2x64x129xf32, #tpu.memory_space<vmem>> -> memref<1x8x128xf32, #tpu.memory_space<vmem>>
      %dma_start3A_486 = tpu.memref_squeeze %dma_start3A_485 : memref<1x8x128xf32, #tpu.memory_space<vmem>> -> memref<8x128xf32, #tpu.memory_space<vmem>>
      %dma_start3A_487 = arith.constant 0 : i32
      %dma_start3A_488 = arith.constant 0 : i32
      %dma_start3A_489 = tpu.memref_slice %arg7[%mul3A_367, %dma_start3A_482, %add3A, %dma_start3A_487, %dma_start3A_488] : memref<200x8x32x8x128xf32, #tpu.memory_space<hbm>> -> memref<1x1x1x8x128xf32, #tpu.memory_space<hbm>>
      %dma_start3A_490 = tpu.memref_squeeze %dma_start3A_489 : memref<1x1x1x8x128xf32, #tpu.memory_space<hbm>> -> memref<8x128xf32, #tpu.memory_space<hbm>>
      %dma_start3A_491 = arith.constant 0 : i32
      %dma_start3A_492 = arith.constant 0 : i32
      %dma_start3A_493 = tpu.memref_slice %arg7[%mul3A_367, %dma_start3A_482, %add3A, %dma_start3A_491, %dma_start3A_492] : memref<200x8x32x8x128xf32, #tpu.memory_space<hbm>> -> memref<1x1x1x8x128xf32, #tpu.memory_space<hbm>>
      %dma_start3A_494 = tpu.memref_squeeze %dma_start3A_493 : memref<1x1x1x8x128xf32, #tpu.memory_space<hbm>> -> memref<8x128xf32, #tpu.memory_space<hbm>>
      %dma_start3A_495 = arith.constant 24 : i32
      %dma_start3A_496 = arith.constant 0 : i32
      %dma_start3A_497 = tpu.memref_slice %arg10[%dma_start3A_481, %dma_start3A_495, %dma_start3A_496] : memref<2x64x129xf32, #tpu.memory_space<vmem>> -> memref<1x8x128xf32, #tpu.memory_space<vmem>>
      %dma_start3A_498 = tpu.memref_squeeze %dma_start3A_497 : memref<1x8x128xf32, #tpu.memory_space<vmem>> -> memref<8x128xf32, #tpu.memory_space<vmem>>
      tpu.enqueue_dma source(%dma_start3A_498 : memref<8x128xf32, #tpu.memory_space<vmem>>) target(%dma_start3A_494 : memref<8x128xf32, #tpu.memory_space<hbm>>) target_semaphore(%arg16 : memref<!tpu.dma_semaphore, #tpu.memory_space<semaphore_mem>>)
      %dma_start3A_499 = arith.constant 0 : i32
      %dma_start3A_500 = arith.constant 4 : i32
      %dma_start3A_501 = arith.constant 32 : i32
      %dma_start3A_502 = arith.constant 0 : i32
      %dma_start3A_503 = tpu.memref_slice %arg10[%dma_start3A_499, %dma_start3A_501, %dma_start3A_502] : memref<2x64x129xf32, #tpu.memory_space<vmem>> -> memref<1x8x128xf32, #tpu.memory_space<vmem>>
      %dma_start3A_504 = tpu.memref_squeeze %dma_start3A_503 : memref<1x8x128xf32, #tpu.memory_space<vmem>> -> memref<8x128xf32, #tpu.memory_space<vmem>>
      %dma_start3A_505 = arith.constant 0 : i32
      %dma_start3A_506 = arith.constant 0 : i32
      %dma_start3A_507 = tpu.memref_slice %arg7[%mul3A_367, %dma_start3A_500, %add3A, %dma_start3A_505, %dma_start3A_506] : memref<200x8x32x8x128xf32, #tpu.memory_space<hbm>> -> memref<1x1x1x8x128xf32, #tpu.memory_space<hbm>>
      %dma_start3A_508 = tpu.memref_squeeze %dma_start3A_507 : memref<1x1x1x8x128xf32, #tpu.memory_space<hbm>> -> memref<8x128xf32, #tpu.memory_space<hbm>>
      %dma_start3A_509 = arith.constant 0 : i32
      %dma_start3A_510 = arith.constant 0 : i32
      %dma_start3A_511 = tpu.memref_slice %arg7[%mul3A_367, %dma_start3A_500, %add3A, %dma_start3A_509, %dma_start3A_510] : memref<200x8x32x8x128xf32, #tpu.memory_space<hbm>> -> memref<1x1x1x8x128xf32, #tpu.memory_space<hbm>>
      %dma_start3A_512 = tpu.memref_squeeze %dma_start3A_511 : memref<1x1x1x8x128xf32, #tpu.memory_space<hbm>> -> memref<8x128xf32, #tpu.memory_space<hbm>>
      %dma_start3A_513 = arith.constant 32 : i32
      %dma_start3A_514 = arith.constant 0 : i32
      %dma_start3A_515 = tpu.memref_slice %arg10[%dma_start3A_499, %dma_start3A_513, %dma_start3A_514] : memref<2x64x129xf32, #tpu.memory_space<vmem>> -> memref<1x8x128xf32, #tpu.memory_space<vmem>>
      %dma_start3A_516 = tpu.memref_squeeze %dma_start3A_515 : memref<1x8x128xf32, #tpu.memory_space<vmem>> -> memref<8x128xf32, #tpu.memory_space<vmem>>
      tpu.enqueue_dma source(%dma_start3A_516 : memref<8x128xf32, #tpu.memory_space<vmem>>) target(%dma_start3A_512 : memref<8x128xf32, #tpu.memory_space<hbm>>) target_semaphore(%arg16 : memref<!tpu.dma_semaphore, #tpu.memory_space<semaphore_mem>>)
      %dma_start3A_517 = arith.constant 0 : i32
      %dma_start3A_518 = arith.constant 5 : i32
      %dma_start3A_519 = arith.constant 40 : i32
      %dma_start3A_520 = arith.constant 0 : i32
      %dma_start3A_521 = tpu.memref_slice %arg10[%dma_start3A_517, %dma_start3A_519, %dma_start3A_520] : memref<2x64x129xf32, #tpu.memory_space<vmem>> -> memref<1x8x128xf32, #tpu.memory_space<vmem>>
      %dma_start3A_522 = tpu.memref_squeeze %dma_start3A_521 : memref<1x8x128xf32, #tpu.memory_space<vmem>> -> memref<8x128xf32, #tpu.memory_space<vmem>>
      %dma_start3A_523 = arith.constant 0 : i32
      %dma_start3A_524 = arith.constant 0 : i32
      %dma_start3A_525 = tpu.memref_slice %arg7[%mul3A_367, %dma_start3A_518, %add3A, %dma_start3A_523, %dma_start3A_524] : memref<200x8x32x8x128xf32, #tpu.memory_space<hbm>> -> memref<1x1x1x8x128xf32, #tpu.memory_space<hbm>>
      %dma_start3A_526 = tpu.memref_squeeze %dma_start3A_525 : memref<1x1x1x8x128xf32, #tpu.memory_space<hbm>> -> memref<8x128xf32, #tpu.memory_space<hbm>>
      %dma_start3A_527 = arith.constant 0 : i32
      %dma_start3A_528 = arith.constant 0 : i32
      %dma_start3A_529 = tpu.memref_slice %arg7[%mul3A_367, %dma_start3A_518, %add3A, %dma_start3A_527, %dma_start3A_528] : memref<200x8x32x8x128xf32, #tpu.memory_space<hbm>> -> memref<1x1x1x8x128xf32, #tpu.memory_space<hbm>>
      %dma_start3A_530 = tpu.memref_squeeze %dma_start3A_529 : memref<1x1x1x8x128xf32, #tpu.memory_space<hbm>> -> memref<8x128xf32, #tpu.memory_space<hbm>>
      %dma_start3A_531 = arith.constant 40 : i32
      %dma_start3A_532 = arith.constant 0 : i32
      %dma_start3A_533 = tpu.memref_slice %arg10[%dma_start3A_517, %dma_start3A_531, %dma_start3A_532] : memref<2x64x129xf32, #tpu.memory_space<vmem>> -> memref<1x8x128xf32, #tpu.memory_space<vmem>>
      %dma_start3A_534 = tpu.memref_squeeze %dma_start3A_533 : memref<1x8x128xf32, #tpu.memory_space<vmem>> -> memref<8x128xf32, #tpu.memory_space<vmem>>
      tpu.enqueue_dma source(%dma_start3A_534 : memref<8x128xf32, #tpu.memory_space<vmem>>) target(%dma_start3A_530 : memref<8x128xf32, #tpu.memory_space<hbm>>) target_semaphore(%arg16 : memref<!tpu.dma_semaphore, #tpu.memory_space<semaphore_mem>>)
      %dma_start3A_535 = arith.constant 0 : i32
      %dma_start3A_536 = arith.constant 6 : i32
      %dma_start3A_537 = arith.constant 48 : i32
      %dma_start3A_538 = arith.constant 0 : i32
      %dma_start3A_539 = tpu.memref_slice %arg10[%dma_start3A_535, %dma_start3A_537, %dma_start3A_538] : memref<2x64x129xf32, #tpu.memory_space<vmem>> -> memref<1x8x128xf32, #tpu.memory_space<vmem>>
      %dma_start3A_540 = tpu.memref_squeeze %dma_start3A_539 : memref<1x8x128xf32, #tpu.memory_space<vmem>> -> memref<8x128xf32, #tpu.memory_space<vmem>>
      %dma_start3A_541 = arith.constant 0 : i32
      %dma_start3A_542 = arith.constant 0 : i32
      %dma_start3A_543 = tpu.memref_slice %arg7[%mul3A_367, %dma_start3A_536, %add3A, %dma_start3A_541, %dma_start3A_542] : memref<200x8x32x8x128xf32, #tpu.memory_space<hbm>> -> memref<1x1x1x8x128xf32, #tpu.memory_space<hbm>>
      %dma_start3A_544 = tpu.memref_squeeze %dma_start3A_543 : memref<1x1x1x8x128xf32, #tpu.memory_space<hbm>> -> memref<8x128xf32, #tpu.memory_space<hbm>>
      %dma_start3A_545 = arith.constant 0 : i32
      %dma_start3A_546 = arith.constant 0 : i32
      %dma_start3A_547 = tpu.memref_slice %arg7[%mul3A_367, %dma_start3A_536, %add3A, %dma_start3A_545, %dma_start3A_546] : memref<200x8x32x8x128xf32, #tpu.memory_space<hbm>> -> memref<1x1x1x8x128xf32, #tpu.memory_space<hbm>>
      %dma_start3A_548 = tpu.memref_squeeze %dma_start3A_547 : memref<1x1x1x8x128xf32, #tpu.memory_space<hbm>> -> memref<8x128xf32, #tpu.memory_space<hbm>>
      %dma_start3A_549 = arith.constant 48 : i32
      %dma_start3A_550 = arith.constant 0 : i32
      %dma_start3A_551 = tpu.memref_slice %arg10[%dma_start3A_535, %dma_start3A_549, %dma_start3A_550] : memref<2x64x129xf32, #tpu.memory_space<vmem>> -> memref<1x8x128xf32, #tpu.memory_space<vmem>>
      %dma_start3A_552 = tpu.memref_squeeze %dma_start3A_551 : memref<1x8x128xf32, #tpu.memory_space<vmem>> -> memref<8x128xf32, #tpu.memory_space<vmem>>
      tpu.enqueue_dma source(%dma_start3A_552 : memref<8x128xf32, #tpu.memory_space<vmem>>) target(%dma_start3A_548 : memref<8x128xf32, #tpu.memory_space<hbm>>) target_semaphore(%arg16 : memref<!tpu.dma_semaphore, #tpu.memory_space<semaphore_mem>>)
      %dma_start3A_553 = arith.constant 0 : i32
      %dma_start3A_554 = arith.constant 7 : i32
      %dma_start3A_555 = arith.constant 56 : i32
      %dma_start3A_556 = arith.constant 0 : i32
      %dma_start3A_557 = tpu.memref_slice %arg10[%dma_start3A_553, %dma_start3A_555, %dma_start3A_556] : memref<2x64x129xf32, #tpu.memory_space<vmem>> -> memref<1x8x128xf32, #tpu.memory_space<vmem>>
      %dma_start3A_558 = tpu.memref_squeeze %dma_start3A_557 : memref<1x8x128xf32, #tpu.memory_space<vmem>> -> memref<8x128xf32, #tpu.memory_space<vmem>>
      %dma_start3A_559 = arith.constant 0 : i32
      %dma_start3A_560 = arith.constant 0 : i32
      %dma_start3A_561 = tpu.memref_slice %arg7[%mul3A_367, %dma_start3A_554, %add3A, %dma_start3A_559, %dma_start3A_560] : memref<200x8x32x8x128xf32, #tpu.memory_space<hbm>> -> memref<1x1x1x8x128xf32, #tpu.memory_space<hbm>>
      %dma_start3A_562 = tpu.memref_squeeze %dma_start3A_561 : memref<1x1x1x8x128xf32, #tpu.memory_space<hbm>> -> memref<8x128xf32, #tpu.memory_space<hbm>>
      %dma_start3A_563 = arith.constant 0 : i32
      %dma_start3A_564 = arith.constant 0 : i32
      %dma_start3A_565 = tpu.memref_slice %arg7[%mul3A_367, %dma_start3A_554, %add3A, %dma_start3A_563, %dma_start3A_564] : memref<200x8x32x8x128xf32, #tpu.memory_space<hbm>> -> memref<1x1x1x8x128xf32, #tpu.memory_space<hbm>>
      %dma_start3A_566 = tpu.memref_squeeze %dma_start3A_565 : memref<1x1x1x8x128xf32, #tpu.memory_space<hbm>> -> memref<8x128xf32, #tpu.memory_space<hbm>>
      %dma_start3A_567 = arith.constant 56 : i32
      %dma_start3A_568 = arith.constant 0 : i32
      %dma_start3A_569 = tpu.memref_slice %arg10[%dma_start3A_553, %dma_start3A_567, %dma_start3A_568] : memref<2x64x129xf32, #tpu.memory_space<vmem>> -> memref<1x8x128xf32, #tpu.memory_space<vmem>>
      %dma_start3A_570 = tpu.memref_squeeze %dma_start3A_569 : memref<1x8x128xf32, #tpu.memory_space<vmem>> -> memref<8x128xf32, #tpu.memory_space<vmem>>
      tpu.enqueue_dma source(%dma_start3A_570 : memref<8x128xf32, #tpu.memory_space<vmem>>) target(%dma_start3A_566 : memref<8x128xf32, #tpu.memory_space<hbm>>) target_semaphore(%arg16 : memref<!tpu.dma_semaphore, #tpu.memory_space<semaphore_mem>>)
      %lt3A_571 = arith.constant 99 : i32
      %lt3A_572 = arith.cmpi slt, %scan3A_365, %lt3A_571 : i32
      %convert_element_type3A_573 = arith.extui %lt3A_572 : i1 to i32
      %cond3A_574 = arith.constant 0 : i32
      %cond3A_575 = arith.cmpi ne, %convert_element_type3A_573, %cond3A_574 : i32
      scf.if %cond3A_575 {
        %dma_wait3A_759 = arith.constant 0 : i32
        %dma_wait3A_760 = arith.constant 0 : i32
        %dma_wait3A_761 = arith.constant 0 : i32
        %dma_wait3A_762 = tpu.memref_slice %arg8[%dma_wait3A_760, %dma_wait3A_761] : memref<2x128xi32, #tpu.memory_space<vmem>> -> memref<1x128xi32, #tpu.memory_space<vmem>>
        %dma_wait3A_763 = tpu.memref_squeeze %dma_wait3A_762 : memref<1x128xi32, #tpu.memory_space<vmem>> -> memref<128xi32, #tpu.memory_space<vmem>>
        %dma_wait3A_764 = tpu.memref_slice %arg2[%dma_wait3A_759, %mul3A_2] : memref<200x4096xi32, #tpu.memory_space<hbm>> -> memref<1x128xi32, #tpu.memory_space<hbm>>
        %dma_wait3A_765 = tpu.memref_squeeze %dma_wait3A_764 : memref<1x128xi32, #tpu.memory_space<hbm>> -> memref<128xi32, #tpu.memory_space<hbm>>
        %dma_wait3A_766 = arith.constant 0 : i32
        %dma_wait3A_767 = tpu.memref_slice %arg8[%dma_wait3A_760, %dma_wait3A_766] : memref<2x128xi32, #tpu.memory_space<vmem>> -> memref<1x128xi32, #tpu.memory_space<vmem>>
        %dma_wait3A_768 = tpu.memref_squeeze %dma_wait3A_767 : memref<1x128xi32, #tpu.memory_space<vmem>> -> memref<128xi32, #tpu.memory_space<vmem>>
        %dma_wait3A_769 = tpu.memref_slice %arg2[%dma_wait3A_759, %mul3A_2] : memref<200x4096xi32, #tpu.memory_space<hbm>> -> memref<1x128xi32, #tpu.memory_space<hbm>>
        %dma_wait3A_770 = tpu.memref_squeeze %dma_wait3A_769 : memref<1x128xi32, #tpu.memory_space<hbm>> -> memref<128xi32, #tpu.memory_space<hbm>>
        tpu.wait_dma2 semaphore(%arg18 : memref<!tpu.dma_semaphore, #tpu.memory_space<semaphore_mem>>) src(%dma_wait3A_770 : memref<128xi32, #tpu.memory_space<hbm>>) dst(%dma_wait3A_768 : memref<128xi32, #tpu.memory_space<vmem>>)
        %dma_start3A_771 = arith.constant 0 : i32
        %dma_start3A_772 = arith.constant 0 : i32
        %dma_start3A_773 = arith.constant 0 : i32
        %dma_start3A_774 = arith.constant 0 : i32
        %dma_start3A_775 = tpu.memref_slice %arg9[%dma_start3A_772, %dma_start3A_773, %dma_start3A_774] : memref<2x128x64xf32, #tpu.memory_space<vmem>> -> memref<1x128x64xf32, #tpu.memory_space<vmem>>
        %dma_start3A_776 = tpu.memref_squeeze %dma_start3A_775 : memref<1x128x64xf32, #tpu.memory_space<vmem>> -> memref<128x64xf32, #tpu.memory_space<vmem>>
        %dma_start3A_777 = arith.constant 0 : i32
        %dma_start3A_778 = tpu.memref_slice %arg8[%dma_start3A_771, %dma_start3A_777] : memref<2x128xi32, #tpu.memory_space<vmem>> -> memref<1x128xi32, #tpu.memory_space<vmem>>
        %dma_start3A_779 = tpu.memref_squeeze %dma_start3A_778 : memref<1x128xi32, #tpu.memory_space<vmem>> -> memref<128xi32, #tpu.memory_space<vmem>>
        %dma_start3A_780 = arith.constant 0 : i32
        %dma_start3A_781 = arith.constant 0 : i32
        %dma_start3A_782 = tpu.memref_slice %arg3[%dma_start3A_780, %dma_start3A_781] : memref<1000000x64xf32, #tpu.memory_space<hbm>> -> memref<1000000x64xf32, #tpu.memory_space<hbm>>
        tpu.enqueue_indirect_dma source(%dma_start3A_782 : memref<1000000x64xf32, #tpu.memory_space<hbm>>) target(%dma_start3A_776 : memref<128x64xf32, #tpu.memory_space<vmem>>) offsets(%dma_start3A_779 : memref<128xi32, #tpu.memory_space<vmem>>) semaphore(%arg14 : memref<!tpu.dma_semaphore, #tpu.memory_space<semaphore_mem>>)
      } else {
      }
      %dma_wait3A_576 = arith.constant 1 : i32
      %dma_wait3A_577 = arith.constant 1 : i32
      %dma_wait3A_578 = arith.constant 0 : i32
      %dma_wait3A_579 = arith.constant 0 : i32
      %dma_wait3A_580 = tpu.memref_slice %arg9[%dma_wait3A_577, %dma_wait3A_578, %dma_wait3A_579] : memref<2x128x64xf32, #tpu.memory_space<vmem>> -> memref<1x128x64xf32, #tpu.memory_space<vmem>>
      %dma_wait3A_581 = tpu.memref_squeeze %dma_wait3A_580 : memref<1x128x64xf32, #tpu.memory_space<vmem>> -> memref<128x64xf32, #tpu.memory_space<vmem>>
      %dma_wait3A_582 = arith.constant 0 : i32
      %dma_wait3A_583 = tpu.memref_slice %arg8[%dma_wait3A_576, %dma_wait3A_582] : memref<2x128xi32, #tpu.memory_space<vmem>> -> memref<1x128xi32, #tpu.memory_space<vmem>>
      %dma_wait3A_584 = tpu.memref_squeeze %dma_wait3A_583 : memref<1x128xi32, #tpu.memory_space<vmem>> -> memref<128xi32, #tpu.memory_space<vmem>>
      %dma_wait3A_585 = arith.constant 0 : i32
      %dma_wait3A_586 = arith.constant 0 : i32
      %dma_wait3A_587 = tpu.memref_slice %arg3[%dma_wait3A_585, %dma_wait3A_586] : memref<1000000x64xf32, #tpu.memory_space<hbm>> -> memref<1000000x64xf32, #tpu.memory_space<hbm>>
      tpu.wait_indirect_dma semaphore(%arg15 : memref<!tpu.dma_semaphore, #tpu.memory_space<semaphore_mem>>) src(%dma_wait3A_587 : memref<1000000x64xf32, #tpu.memory_space<hbm>>) dst(%dma_wait3A_581 : memref<128x64xf32, #tpu.memory_space<vmem>>)
      %lt3A_588 = arith.constant 99 : i32
      %lt3A_589 = arith.cmpi slt, %scan3A_365, %lt3A_588 : i32
      %convert_element_type3A_590 = arith.extui %lt3A_589 : i1 to i32
      %cond3A_591 = arith.constant 0 : i32
      %cond3A_592 = arith.cmpi ne, %convert_element_type3A_590, %cond3A_591 : i32
      scf.if %cond3A_592 {
        %add3A_759 = arith.constant 2 : i32
        %add3A_760 = arith.addi %add3A_369, %add3A_759 : i32
        %dma_start3A_761 = arith.constant 1 : i32
        %dma_start3A_762 = arith.constant 0 : i32
        %dma_start3A_763 = tpu.memref_slice %arg8[%dma_start3A_761, %dma_start3A_762] : memref<2x128xi32, #tpu.memory_space<vmem>> -> memref<1x128xi32, #tpu.memory_space<vmem>>
        %dma_start3A_764 = tpu.memref_squeeze %dma_start3A_763 : memref<1x128xi32, #tpu.memory_space<vmem>> -> memref<128xi32, #tpu.memory_space<vmem>>
        %dma_start3A_765 = tpu.memref_slice %arg2[%add3A_760, %mul3A_2] : memref<200x4096xi32, #tpu.memory_space<hbm>> -> memref<1x128xi32, #tpu.memory_space<hbm>>
        %dma_start3A_766 = tpu.memref_squeeze %dma_start3A_765 : memref<1x128xi32, #tpu.memory_space<hbm>> -> memref<128xi32, #tpu.memory_space<hbm>>
        %dma_start3A_767 = arith.constant 0 : i32
        %dma_start3A_768 = tpu.memref_slice %arg8[%dma_start3A_761, %dma_start3A_767] : memref<2x128xi32, #tpu.memory_space<vmem>> -> memref<1x128xi32, #tpu.memory_space<vmem>>
        %dma_start3A_769 = tpu.memref_squeeze %dma_start3A_768 : memref<1x128xi32, #tpu.memory_space<vmem>> -> memref<128xi32, #tpu.memory_space<vmem>>
        %dma_start3A_770 = tpu.memref_slice %arg2[%add3A_760, %mul3A_2] : memref<200x4096xi32, #tpu.memory_space<hbm>> -> memref<1x128xi32, #tpu.memory_space<hbm>>
        %dma_start3A_771 = tpu.memref_squeeze %dma_start3A_770 : memref<1x128xi32, #tpu.memory_space<hbm>> -> memref<128xi32, #tpu.memory_space<hbm>>
        tpu.enqueue_dma source(%dma_start3A_771 : memref<128xi32, #tpu.memory_space<hbm>>) target(%dma_start3A_769 : memref<128xi32, #tpu.memory_space<vmem>>) target_semaphore(%arg19 : memref<!tpu.dma_semaphore, #tpu.memory_space<semaphore_mem>>)
      } else {
      }
      %gt3A_593 = arith.constant 0 : i32
      %gt3A_594 = arith.cmpi sgt, %scan3A_365, %gt3A_593 : i32
      %convert_element_type3A_595 = arith.extui %gt3A_594 : i1 to i32
      %cond3A_596 = arith.constant 0 : i32
      %cond3A_597 = arith.cmpi ne, %convert_element_type3A_595, %cond3A_596 : i32
      scf.if %cond3A_597 {
        %dma_wait3A_759 = arith.constant 1 : i32
        %dma_wait3A_760 = arith.constant 0 : i32
        %dma_wait3A_761 = arith.constant 0 : i32
        %dma_wait3A_762 = arith.constant 0 : i32
        %dma_wait3A_763 = arith.constant 0 : i32
        %dma_wait3A_764 = tpu.memref_slice %arg10[%dma_wait3A_759, %dma_wait3A_762, %dma_wait3A_763] : memref<2x64x129xf32, #tpu.memory_space<vmem>> -> memref<1x8x128xf32, #tpu.memory_space<vmem>>
        %dma_wait3A_765 = tpu.memref_squeeze %dma_wait3A_764 : memref<1x8x128xf32, #tpu.memory_space<vmem>> -> memref<8x128xf32, #tpu.memory_space<vmem>>
        %dma_wait3A_766 = arith.constant 0 : i32
        %dma_wait3A_767 = arith.constant 0 : i32
        %dma_wait3A_768 = tpu.memref_slice %arg7[%dma_wait3A_760, %dma_wait3A_761, %add3A, %dma_wait3A_766, %dma_wait3A_767] : memref<200x8x32x8x128xf32, #tpu.memory_space<hbm>> -> memref<1x1x1x8x128xf32, #tpu.memory_space<hbm>>
        %dma_wait3A_769 = tpu.memref_squeeze %dma_wait3A_768 : memref<1x1x1x8x128xf32, #tpu.memory_space<hbm>> -> memref<8x128xf32, #tpu.memory_space<hbm>>
        %dma_wait3A_770 = arith.constant 0 : i32
        %dma_wait3A_771 = arith.constant 0 : i32
        %dma_wait3A_772 = tpu.memref_slice %arg7[%dma_wait3A_760, %dma_wait3A_761, %add3A, %dma_wait3A_770, %dma_wait3A_771] : memref<200x8x32x8x128xf32, #tpu.memory_space<hbm>> -> memref<1x1x1x8x128xf32, #tpu.memory_space<hbm>>
        %dma_wait3A_773 = tpu.memref_squeeze %dma_wait3A_772 : memref<1x1x1x8x128xf32, #tpu.memory_space<hbm>> -> memref<8x128xf32, #tpu.memory_space<hbm>>
        %dma_wait3A_774 = arith.constant 0 : i32
        %dma_wait3A_775 = arith.constant 0 : i32
        %dma_wait3A_776 = tpu.memref_slice %arg10[%dma_wait3A_759, %dma_wait3A_774, %dma_wait3A_775] : memref<2x64x129xf32, #tpu.memory_space<vmem>> -> memref<1x8x128xf32, #tpu.memory_space<vmem>>
        %dma_wait3A_777 = tpu.memref_squeeze %dma_wait3A_776 : memref<1x8x128xf32, #tpu.memory_space<vmem>> -> memref<8x128xf32, #tpu.memory_space<vmem>>
        tpu.wait_dma2 semaphore(%arg17 : memref<!tpu.dma_semaphore, #tpu.memory_space<semaphore_mem>>) src(%dma_wait3A_777 : memref<8x128xf32, #tpu.memory_space<vmem>>) dst(%dma_wait3A_773 : memref<8x128xf32, #tpu.memory_space<hbm>>)
        %dma_wait3A_778 = arith.constant 1 : i32
        %dma_wait3A_779 = arith.constant 0 : i32
        %dma_wait3A_780 = arith.constant 1 : i32
        %dma_wait3A_781 = arith.constant 8 : i32
        %dma_wait3A_782 = arith.constant 0 : i32
        %dma_wait3A_783 = tpu.memref_slice %arg10[%dma_wait3A_778, %dma_wait3A_781, %dma_wait3A_782] : memref<2x64x129xf32, #tpu.memory_space<vmem>> -> memref<1x8x128xf32, #tpu.memory_space<vmem>>
        %dma_wait3A_784 = tpu.memref_squeeze %dma_wait3A_783 : memref<1x8x128xf32, #tpu.memory_space<vmem>> -> memref<8x128xf32, #tpu.memory_space<vmem>>
        %dma_wait3A_785 = arith.constant 0 : i32
        %dma_wait3A_786 = arith.constant 0 : i32
        %dma_wait3A_787 = tpu.memref_slice %arg7[%dma_wait3A_779, %dma_wait3A_780, %add3A, %dma_wait3A_785, %dma_wait3A_786] : memref<200x8x32x8x128xf32, #tpu.memory_space<hbm>> -> memref<1x1x1x8x128xf32, #tpu.memory_space<hbm>>
        %dma_wait3A_788 = tpu.memref_squeeze %dma_wait3A_787 : memref<1x1x1x8x128xf32, #tpu.memory_space<hbm>> -> memref<8x128xf32, #tpu.memory_space<hbm>>
        %dma_wait3A_789 = arith.constant 0 : i32
        %dma_wait3A_790 = arith.constant 0 : i32
        %dma_wait3A_791 = tpu.memref_slice %arg7[%dma_wait3A_779, %dma_wait3A_780, %add3A, %dma_wait3A_789, %dma_wait3A_790] : memref<200x8x32x8x128xf32, #tpu.memory_space<hbm>> -> memref<1x1x1x8x128xf32, #tpu.memory_space<hbm>>
        %dma_wait3A_792 = tpu.memref_squeeze %dma_wait3A_791 : memref<1x1x1x8x128xf32, #tpu.memory_space<hbm>> -> memref<8x128xf32, #tpu.memory_space<hbm>>
        %dma_wait3A_793 = arith.constant 8 : i32
        %dma_wait3A_794 = arith.constant 0 : i32
        %dma_wait3A_795 = tpu.memref_slice %arg10[%dma_wait3A_778, %dma_wait3A_793, %dma_wait3A_794] : memref<2x64x129xf32, #tpu.memory_space<vmem>> -> memref<1x8x128xf32, #tpu.memory_space<vmem>>
        %dma_wait3A_796 = tpu.memref_squeeze %dma_wait3A_795 : memref<1x8x128xf32, #tpu.memory_space<vmem>> -> memref<8x128xf32, #tpu.memory_space<vmem>>
        tpu.wait_dma2 semaphore(%arg17 : memref<!tpu.dma_semaphore, #tpu.memory_space<semaphore_mem>>) src(%dma_wait3A_796 : memref<8x128xf32, #tpu.memory_space<vmem>>) dst(%dma_wait3A_792 : memref<8x128xf32, #tpu.memory_space<hbm>>)
        %dma_wait3A_797 = arith.constant 1 : i32
        %dma_wait3A_798 = arith.constant 0 : i32
        %dma_wait3A_799 = arith.constant 2 : i32
        %dma_wait3A_800 = arith.constant 16 : i32
        %dma_wait3A_801 = arith.constant 0 : i32
        %dma_wait3A_802 = tpu.memref_slice %arg10[%dma_wait3A_797, %dma_wait3A_800, %dma_wait3A_801] : memref<2x64x129xf32, #tpu.memory_space<vmem>> -> memref<1x8x128xf32, #tpu.memory_space<vmem>>
        %dma_wait3A_803 = tpu.memref_squeeze %dma_wait3A_802 : memref<1x8x128xf32, #tpu.memory_space<vmem>> -> memref<8x128xf32, #tpu.memory_space<vmem>>
        %dma_wait3A_804 = arith.constant 0 : i32
        %dma_wait3A_805 = arith.constant 0 : i32
        %dma_wait3A_806 = tpu.memref_slice %arg7[%dma_wait3A_798, %dma_wait3A_799, %add3A, %dma_wait3A_804, %dma_wait3A_805] : memref<200x8x32x8x128xf32, #tpu.memory_space<hbm>> -> memref<1x1x1x8x128xf32, #tpu.memory_space<hbm>>
        %dma_wait3A_807 = tpu.memref_squeeze %dma_wait3A_806 : memref<1x1x1x8x128xf32, #tpu.memory_space<hbm>> -> memref<8x128xf32, #tpu.memory_space<hbm>>
        %dma_wait3A_808 = arith.constant 0 : i32
        %dma_wait3A_809 = arith.constant 0 : i32
        %dma_wait3A_810 = tpu.memref_slice %arg7[%dma_wait3A_798, %dma_wait3A_799, %add3A, %dma_wait3A_808, %dma_wait3A_809] : memref<200x8x32x8x128xf32, #tpu.memory_space<hbm>> -> memref<1x1x1x8x128xf32, #tpu.memory_space<hbm>>
        %dma_wait3A_811 = tpu.memref_squeeze %dma_wait3A_810 : memref<1x1x1x8x128xf32, #tpu.memory_space<hbm>> -> memref<8x128xf32, #tpu.memory_space<hbm>>
        %dma_wait3A_812 = arith.constant 16 : i32
        %dma_wait3A_813 = arith.constant 0 : i32
        %dma_wait3A_814 = tpu.memref_slice %arg10[%dma_wait3A_797, %dma_wait3A_812, %dma_wait3A_813] : memref<2x64x129xf32, #tpu.memory_space<vmem>> -> memref<1x8x128xf32, #tpu.memory_space<vmem>>
        %dma_wait3A_815 = tpu.memref_squeeze %dma_wait3A_814 : memref<1x8x128xf32, #tpu.memory_space<vmem>> -> memref<8x128xf32, #tpu.memory_space<vmem>>
        tpu.wait_dma2 semaphore(%arg17 : memref<!tpu.dma_semaphore, #tpu.memory_space<semaphore_mem>>) src(%dma_wait3A_815 : memref<8x128xf32, #tpu.memory_space<vmem>>) dst(%dma_wait3A_811 : memref<8x128xf32, #tpu.memory_space<hbm>>)
        %dma_wait3A_816 = arith.constant 1 : i32
        %dma_wait3A_817 = arith.constant 0 : i32
        %dma_wait3A_818 = arith.constant 3 : i32
        %dma_wait3A_819 = arith.constant 24 : i32
        %dma_wait3A_820 = arith.constant 0 : i32
        %dma_wait3A_821 = tpu.memref_slice %arg10[%dma_wait3A_816, %dma_wait3A_819, %dma_wait3A_820] : memref<2x64x129xf32, #tpu.memory_space<vmem>> -> memref<1x8x128xf32, #tpu.memory_space<vmem>>
        %dma_wait3A_822 = tpu.memref_squeeze %dma_wait3A_821 : memref<1x8x128xf32, #tpu.memory_space<vmem>> -> memref<8x128xf32, #tpu.memory_space<vmem>>
        %dma_wait3A_823 = arith.constant 0 : i32
        %dma_wait3A_824 = arith.constant 0 : i32
        %dma_wait3A_825 = tpu.memref_slice %arg7[%dma_wait3A_817, %dma_wait3A_818, %add3A, %dma_wait3A_823, %dma_wait3A_824] : memref<200x8x32x8x128xf32, #tpu.memory_space<hbm>> -> memref<1x1x1x8x128xf32, #tpu.memory_space<hbm>>
        %dma_wait3A_826 = tpu.memref_squeeze %dma_wait3A_825 : memref<1x1x1x8x128xf32, #tpu.memory_space<hbm>> -> memref<8x128xf32, #tpu.memory_space<hbm>>
        %dma_wait3A_827 = arith.constant 0 : i32
        %dma_wait3A_828 = arith.constant 0 : i32
        %dma_wait3A_829 = tpu.memref_slice %arg7[%dma_wait3A_817, %dma_wait3A_818, %add3A, %dma_wait3A_827, %dma_wait3A_828] : memref<200x8x32x8x128xf32, #tpu.memory_space<hbm>> -> memref<1x1x1x8x128xf32, #tpu.memory_space<hbm>>
        %dma_wait3A_830 = tpu.memref_squeeze %dma_wait3A_829 : memref<1x1x1x8x128xf32, #tpu.memory_space<hbm>> -> memref<8x128xf32, #tpu.memory_space<hbm>>
        %dma_wait3A_831 = arith.constant 24 : i32
        %dma_wait3A_832 = arith.constant 0 : i32
        %dma_wait3A_833 = tpu.memref_slice %arg10[%dma_wait3A_816, %dma_wait3A_831, %dma_wait3A_832] : memref<2x64x129xf32, #tpu.memory_space<vmem>> -> memref<1x8x128xf32, #tpu.memory_space<vmem>>
        %dma_wait3A_834 = tpu.memref_squeeze %dma_wait3A_833 : memref<1x8x128xf32, #tpu.memory_space<vmem>> -> memref<8x128xf32, #tpu.memory_space<vmem>>
        tpu.wait_dma2 semaphore(%arg17 : memref<!tpu.dma_semaphore, #tpu.memory_space<semaphore_mem>>) src(%dma_wait3A_834 : memref<8x128xf32, #tpu.memory_space<vmem>>) dst(%dma_wait3A_830 : memref<8x128xf32, #tpu.memory_space<hbm>>)
        %dma_wait3A_835 = arith.constant 1 : i32
        %dma_wait3A_836 = arith.constant 0 : i32
        %dma_wait3A_837 = arith.constant 4 : i32
        %dma_wait3A_838 = arith.constant 32 : i32
        %dma_wait3A_839 = arith.constant 0 : i32
        %dma_wait3A_840 = tpu.memref_slice %arg10[%dma_wait3A_835, %dma_wait3A_838, %dma_wait3A_839] : memref<2x64x129xf32, #tpu.memory_space<vmem>> -> memref<1x8x128xf32, #tpu.memory_space<vmem>>
        %dma_wait3A_841 = tpu.memref_squeeze %dma_wait3A_840 : memref<1x8x128xf32, #tpu.memory_space<vmem>> -> memref<8x128xf32, #tpu.memory_space<vmem>>
        %dma_wait3A_842 = arith.constant 0 : i32
        %dma_wait3A_843 = arith.constant 0 : i32
        %dma_wait3A_844 = tpu.memref_slice %arg7[%dma_wait3A_836, %dma_wait3A_837, %add3A, %dma_wait3A_842, %dma_wait3A_843] : memref<200x8x32x8x128xf32, #tpu.memory_space<hbm>> -> memref<1x1x1x8x128xf32, #tpu.memory_space<hbm>>
        %dma_wait3A_845 = tpu.memref_squeeze %dma_wait3A_844 : memref<1x1x1x8x128xf32, #tpu.memory_space<hbm>> -> memref<8x128xf32, #tpu.memory_space<hbm>>
        %dma_wait3A_846 = arith.constant 0 : i32
        %dma_wait3A_847 = arith.constant 0 : i32
        %dma_wait3A_848 = tpu.memref_slice %arg7[%dma_wait3A_836, %dma_wait3A_837, %add3A, %dma_wait3A_846, %dma_wait3A_847] : memref<200x8x32x8x128xf32, #tpu.memory_space<hbm>> -> memref<1x1x1x8x128xf32, #tpu.memory_space<hbm>>
        %dma_wait3A_849 = tpu.memref_squeeze %dma_wait3A_848 : memref<1x1x1x8x128xf32, #tpu.memory_space<hbm>> -> memref<8x128xf32, #tpu.memory_space<hbm>>
        %dma_wait3A_850 = arith.constant 32 : i32
        %dma_wait3A_851 = arith.constant 0 : i32
        %dma_wait3A_852 = tpu.memref_slice %arg10[%dma_wait3A_835, %dma_wait3A_850, %dma_wait3A_851] : memref<2x64x129xf32, #tpu.memory_space<vmem>> -> memref<1x8x128xf32, #tpu.memory_space<vmem>>
        %dma_wait3A_853 = tpu.memref_squeeze %dma_wait3A_852 : memref<1x8x128xf32, #tpu.memory_space<vmem>> -> memref<8x128xf32, #tpu.memory_space<vmem>>
        tpu.wait_dma2 semaphore(%arg17 : memref<!tpu.dma_semaphore, #tpu.memory_space<semaphore_mem>>) src(%dma_wait3A_853 : memref<8x128xf32, #tpu.memory_space<vmem>>) dst(%dma_wait3A_849 : memref<8x128xf32, #tpu.memory_space<hbm>>)
        %dma_wait3A_854 = arith.constant 1 : i32
        %dma_wait3A_855 = arith.constant 0 : i32
        %dma_wait3A_856 = arith.constant 5 : i32
        %dma_wait3A_857 = arith.constant 40 : i32
        %dma_wait3A_858 = arith.constant 0 : i32
        %dma_wait3A_859 = tpu.memref_slice %arg10[%dma_wait3A_854, %dma_wait3A_857, %dma_wait3A_858] : memref<2x64x129xf32, #tpu.memory_space<vmem>> -> memref<1x8x128xf32, #tpu.memory_space<vmem>>
        %dma_wait3A_860 = tpu.memref_squeeze %dma_wait3A_859 : memref<1x8x128xf32, #tpu.memory_space<vmem>> -> memref<8x128xf32, #tpu.memory_space<vmem>>
        %dma_wait3A_861 = arith.constant 0 : i32
        %dma_wait3A_862 = arith.constant 0 : i32
        %dma_wait3A_863 = tpu.memref_slice %arg7[%dma_wait3A_855, %dma_wait3A_856, %add3A, %dma_wait3A_861, %dma_wait3A_862] : memref<200x8x32x8x128xf32, #tpu.memory_space<hbm>> -> memref<1x1x1x8x128xf32, #tpu.memory_space<hbm>>
        %dma_wait3A_864 = tpu.memref_squeeze %dma_wait3A_863 : memref<1x1x1x8x128xf32, #tpu.memory_space<hbm>> -> memref<8x128xf32, #tpu.memory_space<hbm>>
        %dma_wait3A_865 = arith.constant 0 : i32
        %dma_wait3A_866 = arith.constant 0 : i32
        %dma_wait3A_867 = tpu.memref_slice %arg7[%dma_wait3A_855, %dma_wait3A_856, %add3A, %dma_wait3A_865, %dma_wait3A_866] : memref<200x8x32x8x128xf32, #tpu.memory_space<hbm>> -> memref<1x1x1x8x128xf32, #tpu.memory_space<hbm>>
        %dma_wait3A_868 = tpu.memref_squeeze %dma_wait3A_867 : memref<1x1x1x8x128xf32, #tpu.memory_space<hbm>> -> memref<8x128xf32, #tpu.memory_space<hbm>>
        %dma_wait3A_869 = arith.constant 40 : i32
        %dma_wait3A_870 = arith.constant 0 : i32
        %dma_wait3A_871 = tpu.memref_slice %arg10[%dma_wait3A_854, %dma_wait3A_869, %dma_wait3A_870] : memref<2x64x129xf32, #tpu.memory_space<vmem>> -> memref<1x8x128xf32, #tpu.memory_space<vmem>>
        %dma_wait3A_872 = tpu.memref_squeeze %dma_wait3A_871 : memref<1x8x128xf32, #tpu.memory_space<vmem>> -> memref<8x128xf32, #tpu.memory_space<vmem>>
        tpu.wait_dma2 semaphore(%arg17 : memref<!tpu.dma_semaphore, #tpu.memory_space<semaphore_mem>>) src(%dma_wait3A_872 : memref<8x128xf32, #tpu.memory_space<vmem>>) dst(%dma_wait3A_868 : memref<8x128xf32, #tpu.memory_space<hbm>>)
        %dma_wait3A_873 = arith.constant 1 : i32
        %dma_wait3A_874 = arith.constant 0 : i32
        %dma_wait3A_875 = arith.constant 6 : i32
        %dma_wait3A_876 = arith.constant 48 : i32
        %dma_wait3A_877 = arith.constant 0 : i32
        %dma_wait3A_878 = tpu.memref_slice %arg10[%dma_wait3A_873, %dma_wait3A_876, %dma_wait3A_877] : memref<2x64x129xf32, #tpu.memory_space<vmem>> -> memref<1x8x128xf32, #tpu.memory_space<vmem>>
        %dma_wait3A_879 = tpu.memref_squeeze %dma_wait3A_878 : memref<1x8x128xf32, #tpu.memory_space<vmem>> -> memref<8x128xf32, #tpu.memory_space<vmem>>
        %dma_wait3A_880 = arith.constant 0 : i32
        %dma_wait3A_881 = arith.constant 0 : i32
        %dma_wait3A_882 = tpu.memref_slice %arg7[%dma_wait3A_874, %dma_wait3A_875, %add3A, %dma_wait3A_880, %dma_wait3A_881] : memref<200x8x32x8x128xf32, #tpu.memory_space<hbm>> -> memref<1x1x1x8x128xf32, #tpu.memory_space<hbm>>
        %dma_wait3A_883 = tpu.memref_squeeze %dma_wait3A_882 : memref<1x1x1x8x128xf32, #tpu.memory_space<hbm>> -> memref<8x128xf32, #tpu.memory_space<hbm>>
        %dma_wait3A_884 = arith.constant 0 : i32
        %dma_wait3A_885 = arith.constant 0 : i32
        %dma_wait3A_886 = tpu.memref_slice %arg7[%dma_wait3A_874, %dma_wait3A_875, %add3A, %dma_wait3A_884, %dma_wait3A_885] : memref<200x8x32x8x128xf32, #tpu.memory_space<hbm>> -> memref<1x1x1x8x128xf32, #tpu.memory_space<hbm>>
        %dma_wait3A_887 = tpu.memref_squeeze %dma_wait3A_886 : memref<1x1x1x8x128xf32, #tpu.memory_space<hbm>> -> memref<8x128xf32, #tpu.memory_space<hbm>>
        %dma_wait3A_888 = arith.constant 48 : i32
        %dma_wait3A_889 = arith.constant 0 : i32
        %dma_wait3A_890 = tpu.memref_slice %arg10[%dma_wait3A_873, %dma_wait3A_888, %dma_wait3A_889] : memref<2x64x129xf32, #tpu.memory_space<vmem>> -> memref<1x8x128xf32, #tpu.memory_space<vmem>>
        %dma_wait3A_891 = tpu.memref_squeeze %dma_wait3A_890 : memref<1x8x128xf32, #tpu.memory_space<vmem>> -> memref<8x128xf32, #tpu.memory_space<vmem>>
        tpu.wait_dma2 semaphore(%arg17 : memref<!tpu.dma_semaphore, #tpu.memory_space<semaphore_mem>>) src(%dma_wait3A_891 : memref<8x128xf32, #tpu.memory_space<vmem>>) dst(%dma_wait3A_887 : memref<8x128xf32, #tpu.memory_space<hbm>>)
        %dma_wait3A_892 = arith.constant 1 : i32
        %dma_wait3A_893 = arith.constant 0 : i32
        %dma_wait3A_894 = arith.constant 7 : i32
        %dma_wait3A_895 = arith.constant 56 : i32
        %dma_wait3A_896 = arith.constant 0 : i32
        %dma_wait3A_897 = tpu.memref_slice %arg10[%dma_wait3A_892, %dma_wait3A_895, %dma_wait3A_896] : memref<2x64x129xf32, #tpu.memory_space<vmem>> -> memref<1x8x128xf32, #tpu.memory_space<vmem>>
        %dma_wait3A_898 = tpu.memref_squeeze %dma_wait3A_897 : memref<1x8x128xf32, #tpu.memory_space<vmem>> -> memref<8x128xf32, #tpu.memory_space<vmem>>
        %dma_wait3A_899 = arith.constant 0 : i32
        %dma_wait3A_900 = arith.constant 0 : i32
        %dma_wait3A_901 = tpu.memref_slice %arg7[%dma_wait3A_893, %dma_wait3A_894, %add3A, %dma_wait3A_899, %dma_wait3A_900] : memref<200x8x32x8x128xf32, #tpu.memory_space<hbm>> -> memref<1x1x1x8x128xf32, #tpu.memory_space<hbm>>
        %dma_wait3A_902 = tpu.memref_squeeze %dma_wait3A_901 : memref<1x1x1x8x128xf32, #tpu.memory_space<hbm>> -> memref<8x128xf32, #tpu.memory_space<hbm>>
        %dma_wait3A_903 = arith.constant 0 : i32
        %dma_wait3A_904 = arith.constant 0 : i32
        %dma_wait3A_905 = tpu.memref_slice %arg7[%dma_wait3A_893, %dma_wait3A_894, %add3A, %dma_wait3A_903, %dma_wait3A_904] : memref<200x8x32x8x128xf32, #tpu.memory_space<hbm>> -> memref<1x1x1x8x128xf32, #tpu.memory_space<hbm>>
        %dma_wait3A_906 = tpu.memref_squeeze %dma_wait3A_905 : memref<1x1x1x8x128xf32, #tpu.memory_space<hbm>> -> memref<8x128xf32, #tpu.memory_space<hbm>>
        %dma_wait3A_907 = arith.constant 56 : i32
        %dma_wait3A_908 = arith.constant 0 : i32
        %dma_wait3A_909 = tpu.memref_slice %arg10[%dma_wait3A_892, %dma_wait3A_907, %dma_wait3A_908] : memref<2x64x129xf32, #tpu.memory_space<vmem>> -> memref<1x8x128xf32, #tpu.memory_space<vmem>>
        %dma_wait3A_910 = tpu.memref_squeeze %dma_wait3A_909 : memref<1x8x128xf32, #tpu.memory_space<vmem>> -> memref<8x128xf32, #tpu.memory_space<vmem>>
        tpu.wait_dma2 semaphore(%arg17 : memref<!tpu.dma_semaphore, #tpu.memory_space<semaphore_mem>>) src(%dma_wait3A_910 : memref<8x128xf32, #tpu.memory_space<vmem>>) dst(%dma_wait3A_906 : memref<8x128xf32, #tpu.memory_space<hbm>>)
      } else {
      }
      %get3A_598 = arith.index_cast %add3A_369 : i32 to index
      %get3A_599 = arith.constant 0 : index
      %get3A_600 = tpu.vector_load %arg11[%get3A_598, %get3A_599] {strides = array<i32>} : memref<200x64xf32, #tpu.memory_space<vmem>>, vector<16xf32>,
      %get3A_601 = arith.index_cast %add3A_369 : i32 to index
      %get3A_602 = arith.constant 16 : index
      %get3A_603 = tpu.vector_load %arg11[%get3A_601, %get3A_602] {strides = array<i32>} : memref<200x64xf32, #tpu.memory_space<vmem>>, vector<16xf32>,
      %get3A_604 = arith.index_cast %add3A_369 : i32 to index
      %get3A_605 = arith.constant 32 : index
      %get3A_606 = tpu.vector_load %arg11[%get3A_604, %get3A_605] {strides = array<i32>} : memref<200x64xf32, #tpu.memory_space<vmem>>, vector<16xf32>,
      %get3A_607 = arith.index_cast %add3A_369 : i32 to index
      %get3A_608 = arith.constant 48 : index
      %get3A_609 = tpu.vector_load %arg11[%get3A_607, %get3A_608] {strides = array<i32>} : memref<200x64xf32, #tpu.memory_space<vmem>>, vector<16xf32>,
      %broadcast_in_dim3A_610 = arith.constant 1597463007 : i32
      %broadcast_in_dim3A_611 = vector.broadcast %broadcast_in_dim3A_610 : i32 to vector<16xi32>
      %parallel_loop3A_612 = arith.constant 0 : i32
      %parallel_loop3A_613 = arith.constant 128 : i32
      %parallel_loop3A_614 = arith.constant 4 : i32
      scf.for %parallel_loop3A_759 = %parallel_loop3A_612 to %parallel_loop3A_613 step %parallel_loop3A_614  : i32 {
        %parallel_loop3A_760 = arith.constant 0 : i32
        %parallel_loop3A_761 = arith.addi %parallel_loop3A_759, %parallel_loop3A_760 : i32
        %parallel_loop3A_762 = arith.constant 1 : i32
        %parallel_loop3A_763 = arith.addi %parallel_loop3A_759, %parallel_loop3A_762 : i32
        %parallel_loop3A_764 = arith.constant 2 : i32
        %parallel_loop3A_765 = arith.addi %parallel_loop3A_759, %parallel_loop3A_764 : i32
        %parallel_loop3A_766 = arith.constant 3 : i32
        %parallel_loop3A_767 = arith.addi %parallel_loop3A_759, %parallel_loop3A_766 : i32
        %parallel_loop3A_768 = arith.constant 1 : i32
        %parallel_loop3A_769 = arith.index_cast %parallel_loop3A_768 : i32 to index
        %parallel_loop3A_770 = arith.index_cast %parallel_loop3A_761 : i32 to index
        %parallel_loop3A_771 = arith.constant 0 : index
        %parallel_loop3A_772 = tpu.vector_load %arg9[%parallel_loop3A_769, %parallel_loop3A_770, %parallel_loop3A_771] {strides = array<i32>} : memref<2x128x64xf32, #tpu.memory_space<vmem>>, vector<16xf32>,
        %parallel_loop3A_773 = arith.addf %parallel_loop3A_772, %get3A_600 : vector<16xf32>
        %parallel_loop3A_774 = arith.constant 1 : i32
        %parallel_loop3A_775 = arith.index_cast %parallel_loop3A_774 : i32 to index
        %parallel_loop3A_776 = arith.index_cast %parallel_loop3A_761 : i32 to index
        %parallel_loop3A_777 = arith.constant 16 : index
        %parallel_loop3A_778 = tpu.vector_load %arg9[%parallel_loop3A_775, %parallel_loop3A_776, %parallel_loop3A_777] {strides = array<i32>} : memref<2x128x64xf32, #tpu.memory_space<vmem>>, vector<16xf32>,
        %parallel_loop3A_779 = arith.addf %parallel_loop3A_778, %get3A_603 : vector<16xf32>
        %parallel_loop3A_780 = arith.constant 1 : i32
        %parallel_loop3A_781 = arith.index_cast %parallel_loop3A_780 : i32 to index
        %parallel_loop3A_782 = arith.index_cast %parallel_loop3A_761 : i32 to index
        %parallel_loop3A_783 = arith.constant 32 : index
        %parallel_loop3A_784 = tpu.vector_load %arg9[%parallel_loop3A_781, %parallel_loop3A_782, %parallel_loop3A_783] {strides = array<i32>} : memref<2x128x64xf32, #tpu.memory_space<vmem>>, vector<16xf32>,
        %parallel_loop3A_785 = arith.addf %parallel_loop3A_784, %get3A_606 : vector<16xf32>
        %parallel_loop3A_786 = arith.constant 1 : i32
        %parallel_loop3A_787 = arith.index_cast %parallel_loop3A_786 : i32 to index
        %parallel_loop3A_788 = arith.index_cast %parallel_loop3A_761 : i32 to index
        %parallel_loop3A_789 = arith.constant 48 : index
        %parallel_loop3A_790 = tpu.vector_load %arg9[%parallel_loop3A_787, %parallel_loop3A_788, %parallel_loop3A_789] {strides = array<i32>} : memref<2x128x64xf32, #tpu.memory_space<vmem>>, vector<16xf32>,
        %parallel_loop3A_791 = arith.addf %parallel_loop3A_790, %get3A_609 : vector<16xf32>
        %parallel_loop3A_792 = arith.constant 1 : i32
        %parallel_loop3A_793 = arith.index_cast %parallel_loop3A_792 : i32 to index
        %parallel_loop3A_794 = arith.index_cast %parallel_loop3A_763 : i32 to index
        %parallel_loop3A_795 = arith.constant 0 : index
        %parallel_loop3A_796 = tpu.vector_load %arg9[%parallel_loop3A_793, %parallel_loop3A_794, %parallel_loop3A_795] {strides = array<i32>} : memref<2x128x64xf32, #tpu.memory_space<vmem>>, vector<16xf32>,
        %parallel_loop3A_797 = arith.addf %parallel_loop3A_796, %get3A_600 : vector<16xf32>
        %parallel_loop3A_798 = arith.constant 1 : i32
        %parallel_loop3A_799 = arith.index_cast %parallel_loop3A_798 : i32 to index
        %parallel_loop3A_800 = arith.index_cast %parallel_loop3A_763 : i32 to index
        %parallel_loop3A_801 = arith.constant 16 : index
        %parallel_loop3A_802 = tpu.vector_load %arg9[%parallel_loop3A_799, %parallel_loop3A_800, %parallel_loop3A_801] {strides = array<i32>} : memref<2x128x64xf32, #tpu.memory_space<vmem>>, vector<16xf32>,
        %parallel_loop3A_803 = arith.addf %parallel_loop3A_802, %get3A_603 : vector<16xf32>
        %parallel_loop3A_804 = arith.constant 1 : i32
        %parallel_loop3A_805 = arith.index_cast %parallel_loop3A_804 : i32 to index
        %parallel_loop3A_806 = arith.index_cast %parallel_loop3A_763 : i32 to index
        %parallel_loop3A_807 = arith.constant 32 : index
        %parallel_loop3A_808 = tpu.vector_load %arg9[%parallel_loop3A_805, %parallel_loop3A_806, %parallel_loop3A_807] {strides = array<i32>} : memref<2x128x64xf32, #tpu.memory_space<vmem>>, vector<16xf32>,
        %parallel_loop3A_809 = arith.addf %parallel_loop3A_808, %get3A_606 : vector<16xf32>
        %parallel_loop3A_810 = arith.constant 1 : i32
        %parallel_loop3A_811 = arith.index_cast %parallel_loop3A_810 : i32 to index
        %parallel_loop3A_812 = arith.index_cast %parallel_loop3A_763 : i32 to index
        %parallel_loop3A_813 = arith.constant 48 : index
        %parallel_loop3A_814 = tpu.vector_load %arg9[%parallel_loop3A_811, %parallel_loop3A_812, %parallel_loop3A_813] {strides = array<i32>} : memref<2x128x64xf32, #tpu.memory_space<vmem>>, vector<16xf32>,
        %parallel_loop3A_815 = arith.addf %parallel_loop3A_814, %get3A_609 : vector<16xf32>
        %parallel_loop3A_816 = arith.constant 1 : i32
        %parallel_loop3A_817 = arith.index_cast %parallel_loop3A_816 : i32 to index
        %parallel_loop3A_818 = arith.index_cast %parallel_loop3A_765 : i32 to index
        %parallel_loop3A_819 = arith.constant 0 : index
        %parallel_loop3A_820 = tpu.vector_load %arg9[%parallel_loop3A_817, %parallel_loop3A_818, %parallel_loop3A_819] {strides = array<i32>} : memref<2x128x64xf32, #tpu.memory_space<vmem>>, vector<16xf32>,
        %parallel_loop3A_821 = arith.addf %parallel_loop3A_820, %get3A_600 : vector<16xf32>
        %parallel_loop3A_822 = arith.constant 1 : i32
        %parallel_loop3A_823 = arith.index_cast %parallel_loop3A_822 : i32 to index
        %parallel_loop3A_824 = arith.index_cast %parallel_loop3A_765 : i32 to index
        %parallel_loop3A_825 = arith.constant 16 : index
        %parallel_loop3A_826 = tpu.vector_load %arg9[%parallel_loop3A_823, %parallel_loop3A_824, %parallel_loop3A_825] {strides = array<i32>} : memref<2x128x64xf32, #tpu.memory_space<vmem>>, vector<16xf32>,
        %parallel_loop3A_827 = arith.addf %parallel_loop3A_826, %get3A_603 : vector<16xf32>
        %parallel_loop3A_828 = arith.constant 1 : i32
        %parallel_loop3A_829 = arith.index_cast %parallel_loop3A_828 : i32 to index
        %parallel_loop3A_830 = arith.index_cast %parallel_loop3A_765 : i32 to index
        %parallel_loop3A_831 = arith.constant 32 : index
        %parallel_loop3A_832 = tpu.vector_load %arg9[%parallel_loop3A_829, %parallel_loop3A_830, %parallel_loop3A_831] {strides = array<i32>} : memref<2x128x64xf32, #tpu.memory_space<vmem>>, vector<16xf32>,
        %parallel_loop3A_833 = arith.addf %parallel_loop3A_832, %get3A_606 : vector<16xf32>
        %parallel_loop3A_834 = arith.constant 1 : i32
        %parallel_loop3A_835 = arith.index_cast %parallel_loop3A_834 : i32 to index
        %parallel_loop3A_836 = arith.index_cast %parallel_loop3A_765 : i32 to index
        %parallel_loop3A_837 = arith.constant 48 : index
        %parallel_loop3A_838 = tpu.vector_load %arg9[%parallel_loop3A_835, %parallel_loop3A_836, %parallel_loop3A_837] {strides = array<i32>} : memref<2x128x64xf32, #tpu.memory_space<vmem>>, vector<16xf32>,
        %parallel_loop3A_839 = arith.addf %parallel_loop3A_838, %get3A_609 : vector<16xf32>
        %parallel_loop3A_840 = arith.constant 1 : i32
        %parallel_loop3A_841 = arith.index_cast %parallel_loop3A_840 : i32 to index
        %parallel_loop3A_842 = arith.index_cast %parallel_loop3A_767 : i32 to index
        %parallel_loop3A_843 = arith.constant 0 : index
        %parallel_loop3A_844 = tpu.vector_load %arg9[%parallel_loop3A_841, %parallel_loop3A_842, %parallel_loop3A_843] {strides = array<i32>} : memref<2x128x64xf32, #tpu.memory_space<vmem>>, vector<16xf32>,
        %parallel_loop3A_845 = arith.addf %parallel_loop3A_844, %get3A_600 : vector<16xf32>
        %parallel_loop3A_846 = arith.constant 1 : i32
        %parallel_loop3A_847 = arith.index_cast %parallel_loop3A_846 : i32 to index
        %parallel_loop3A_848 = arith.index_cast %parallel_loop3A_767 : i32 to index
        %parallel_loop3A_849 = arith.constant 16 : index
        %parallel_loop3A_850 = tpu.vector_load %arg9[%parallel_loop3A_847, %parallel_loop3A_848, %parallel_loop3A_849] {strides = array<i32>} : memref<2x128x64xf32, #tpu.memory_space<vmem>>, vector<16xf32>,
        %parallel_loop3A_851 = arith.addf %parallel_loop3A_850, %get3A_603 : vector<16xf32>
        %parallel_loop3A_852 = arith.constant 1 : i32
        %parallel_loop3A_853 = arith.index_cast %parallel_loop3A_852 : i32 to index
        %parallel_loop3A_854 = arith.index_cast %parallel_loop3A_767 : i32 to index
        %parallel_loop3A_855 = arith.constant 32 : index
        %parallel_loop3A_856 = tpu.vector_load %arg9[%parallel_loop3A_853, %parallel_loop3A_854, %parallel_loop3A_855] {strides = array<i32>} : memref<2x128x64xf32, #tpu.memory_space<vmem>>, vector<16xf32>,
        %parallel_loop3A_857 = arith.addf %parallel_loop3A_856, %get3A_606 : vector<16xf32>
        %parallel_loop3A_858 = arith.constant 1 : i32
        %parallel_loop3A_859 = arith.index_cast %parallel_loop3A_858 : i32 to index
        %parallel_loop3A_860 = arith.index_cast %parallel_loop3A_767 : i32 to index
        %parallel_loop3A_861 = arith.constant 48 : index
        %parallel_loop3A_862 = tpu.vector_load %arg9[%parallel_loop3A_859, %parallel_loop3A_860, %parallel_loop3A_861] {strides = array<i32>} : memref<2x128x64xf32, #tpu.memory_space<vmem>>, vector<16xf32>,
        %parallel_loop3A_863 = arith.addf %parallel_loop3A_862, %get3A_609 : vector<16xf32>
        %parallel_loop3A_864 = arith.addf %parallel_loop3A_773, %parallel_loop3A_779 : vector<16xf32>
        %parallel_loop3A_865 = arith.addf %parallel_loop3A_785, %parallel_loop3A_791 : vector<16xf32>
        %parallel_loop3A_866 = arith.addf %parallel_loop3A_864, %parallel_loop3A_865 : vector<16xf32>
        %parallel_loop3A_867 = arith.addf %parallel_loop3A_797, %parallel_loop3A_803 : vector<16xf32>
        %parallel_loop3A_868 = arith.addf %parallel_loop3A_809, %parallel_loop3A_815 : vector<16xf32>
        %parallel_loop3A_869 = arith.addf %parallel_loop3A_867, %parallel_loop3A_868 : vector<16xf32>
        %parallel_loop3A_870 = arith.addf %parallel_loop3A_821, %parallel_loop3A_827 : vector<16xf32>
        %parallel_loop3A_871 = arith.addf %parallel_loop3A_833, %parallel_loop3A_839 : vector<16xf32>
        %parallel_loop3A_872 = arith.addf %parallel_loop3A_870, %parallel_loop3A_871 : vector<16xf32>
        %parallel_loop3A_873 = arith.addf %parallel_loop3A_845, %parallel_loop3A_851 : vector<16xf32>
        %parallel_loop3A_874 = arith.addf %parallel_loop3A_857, %parallel_loop3A_863 : vector<16xf32>
        %parallel_loop3A_875 = arith.addf %parallel_loop3A_873, %parallel_loop3A_874 : vector<16xf32>
        %parallel_loop3A_876 = arith.mulf %parallel_loop3A_773, %parallel_loop3A_773 : vector<16xf32>
        %parallel_loop3A_877 = arith.mulf %parallel_loop3A_779, %parallel_loop3A_779 : vector<16xf32>
        %parallel_loop3A_878 = arith.addf %parallel_loop3A_876, %parallel_loop3A_877 : vector<16xf32>
        %parallel_loop3A_879 = arith.mulf %parallel_loop3A_785, %parallel_loop3A_785 : vector<16xf32>
        %parallel_loop3A_880 = arith.mulf %parallel_loop3A_791, %parallel_loop3A_791 : vector<16xf32>
        %parallel_loop3A_881 = arith.addf %parallel_loop3A_879, %parallel_loop3A_880 : vector<16xf32>
        %parallel_loop3A_882 = arith.addf %parallel_loop3A_878, %parallel_loop3A_881 : vector<16xf32>
        %parallel_loop3A_883 = arith.mulf %parallel_loop3A_797, %parallel_loop3A_797 : vector<16xf32>
        %parallel_loop3A_884 = arith.mulf %parallel_loop3A_803, %parallel_loop3A_803 : vector<16xf32>
        %parallel_loop3A_885 = arith.addf %parallel_loop3A_883, %parallel_loop3A_884 : vector<16xf32>
        %parallel_loop3A_886 = arith.mulf %parallel_loop3A_809, %parallel_loop3A_809 : vector<16xf32>
        %parallel_loop3A_887 = arith.mulf %parallel_loop3A_815, %parallel_loop3A_815 : vector<16xf32>
        %parallel_loop3A_888 = arith.addf %parallel_loop3A_886, %parallel_loop3A_887 : vector<16xf32>
        %parallel_loop3A_889 = arith.addf %parallel_loop3A_885, %parallel_loop3A_888 : vector<16xf32>
        %parallel_loop3A_890 = arith.mulf %parallel_loop3A_821, %parallel_loop3A_821 : vector<16xf32>
        %parallel_loop3A_891 = arith.mulf %parallel_loop3A_827, %parallel_loop3A_827 : vector<16xf32>
        %parallel_loop3A_892 = arith.addf %parallel_loop3A_890, %parallel_loop3A_891 : vector<16xf32>
        %parallel_loop3A_893 = arith.mulf %parallel_loop3A_833, %parallel_loop3A_833 : vector<16xf32>
        %parallel_loop3A_894 = arith.mulf %parallel_loop3A_839, %parallel_loop3A_839 : vector<16xf32>
        %parallel_loop3A_895 = arith.addf %parallel_loop3A_893, %parallel_loop3A_894 : vector<16xf32>
        %parallel_loop3A_896 = arith.addf %parallel_loop3A_892, %parallel_loop3A_895 : vector<16xf32>
        %parallel_loop3A_897 = arith.mulf %parallel_loop3A_845, %parallel_loop3A_845 : vector<16xf32>
        %parallel_loop3A_898 = arith.mulf %parallel_loop3A_851, %parallel_loop3A_851 : vector<16xf32>
        %parallel_loop3A_899 = arith.addf %parallel_loop3A_897, %parallel_loop3A_898 : vector<16xf32>
        %parallel_loop3A_900 = arith.mulf %parallel_loop3A_857, %parallel_loop3A_857 : vector<16xf32>
        %parallel_loop3A_901 = arith.mulf %parallel_loop3A_863, %parallel_loop3A_863 : vector<16xf32>
        %parallel_loop3A_902 = arith.addf %parallel_loop3A_900, %parallel_loop3A_901 : vector<16xf32>
        %parallel_loop3A_903 = arith.addf %parallel_loop3A_899, %parallel_loop3A_902 : vector<16xf32>
        %parallel_loop3A_904 = arith.constant 15 : i32
        %parallel_loop3A_905 = vector.broadcast %parallel_loop3A_904 : i32 to vector<16xi32>
        %parallel_loop3A_906 = tpu.iota {dimensions = array<i32: 0>} : vector<16xi32>
        %parallel_loop3A_907 = arith.subi %parallel_loop3A_905, %parallel_loop3A_906 : vector<16xi32>
        %parallel_loop3A_908 = tpu.dynamic_gather %parallel_loop3A_866[%parallel_loop3A_907] in [0] : vector<16xf32>, vector<16xi32> -> vector<16xf32>
        %parallel_loop3A_909 = arith.constant 15 : i32
        %parallel_loop3A_910 = vector.broadcast %parallel_loop3A_909 : i32 to vector<16xi32>
        %parallel_loop3A_911 = tpu.iota {dimensions = array<i32: 0>} : vector<16xi32>
        %parallel_loop3A_912 = arith.subi %parallel_loop3A_910, %parallel_loop3A_911 : vector<16xi32>
        %parallel_loop3A_913 = tpu.dynamic_gather %parallel_loop3A_869[%parallel_loop3A_912] in [0] : vector<16xf32>, vector<16xi32> -> vector<16xf32>
        %parallel_loop3A_914 = arith.constant 15 : i32
        %parallel_loop3A_915 = vector.broadcast %parallel_loop3A_914 : i32 to vector<16xi32>
        %parallel_loop3A_916 = tpu.iota {dimensions = array<i32: 0>} : vector<16xi32>
        %parallel_loop3A_917 = arith.subi %parallel_loop3A_915, %parallel_loop3A_916 : vector<16xi32>
        %parallel_loop3A_918 = tpu.dynamic_gather %parallel_loop3A_872[%parallel_loop3A_917] in [0] : vector<16xf32>, vector<16xi32> -> vector<16xf32>
        %parallel_loop3A_919 = arith.constant 15 : i32
        %parallel_loop3A_920 = vector.broadcast %parallel_loop3A_919 : i32 to vector<16xi32>
        %parallel_loop3A_921 = tpu.iota {dimensions = array<i32: 0>} : vector<16xi32>
        %parallel_loop3A_922 = arith.subi %parallel_loop3A_920, %parallel_loop3A_921 : vector<16xi32>
        %parallel_loop3A_923 = tpu.dynamic_gather %parallel_loop3A_875[%parallel_loop3A_922] in [0] : vector<16xf32>, vector<16xi32> -> vector<16xf32>
        %parallel_loop3A_924 = arith.constant 15 : i32
        %parallel_loop3A_925 = vector.broadcast %parallel_loop3A_924 : i32 to vector<16xi32>
        %parallel_loop3A_926 = tpu.iota {dimensions = array<i32: 0>} : vector<16xi32>
        %parallel_loop3A_927 = arith.subi %parallel_loop3A_925, %parallel_loop3A_926 : vector<16xi32>
        %parallel_loop3A_928 = tpu.dynamic_gather %parallel_loop3A_882[%parallel_loop3A_927] in [0] : vector<16xf32>, vector<16xi32> -> vector<16xf32>
        %parallel_loop3A_929 = arith.constant 15 : i32
        %parallel_loop3A_930 = vector.broadcast %parallel_loop3A_929 : i32 to vector<16xi32>
        %parallel_loop3A_931 = tpu.iota {dimensions = array<i32: 0>} : vector<16xi32>
        %parallel_loop3A_932 = arith.subi %parallel_loop3A_930, %parallel_loop3A_931 : vector<16xi32>
        %parallel_loop3A_933 = tpu.dynamic_gather %parallel_loop3A_889[%parallel_loop3A_932] in [0] : vector<16xf32>, vector<16xi32> -> vector<16xf32>
        %parallel_loop3A_934 = arith.constant 15 : i32
        %parallel_loop3A_935 = vector.broadcast %parallel_loop3A_934 : i32 to vector<16xi32>
        %parallel_loop3A_936 = tpu.iota {dimensions = array<i32: 0>} : vector<16xi32>
        %parallel_loop3A_937 = arith.subi %parallel_loop3A_935, %parallel_loop3A_936 : vector<16xi32>
        %parallel_loop3A_938 = tpu.dynamic_gather %parallel_loop3A_896[%parallel_loop3A_937] in [0] : vector<16xf32>, vector<16xi32> -> vector<16xf32>
        %parallel_loop3A_939 = arith.constant 15 : i32
        %parallel_loop3A_940 = vector.broadcast %parallel_loop3A_939 : i32 to vector<16xi32>
        %parallel_loop3A_941 = tpu.iota {dimensions = array<i32: 0>} : vector<16xi32>
        %parallel_loop3A_942 = arith.subi %parallel_loop3A_940, %parallel_loop3A_941 : vector<16xi32>
        %parallel_loop3A_943 = tpu.dynamic_gather %parallel_loop3A_903[%parallel_loop3A_942] in [0] : vector<16xf32>, vector<16xi32> -> vector<16xf32>
        %parallel_loop3A_944 = arith.constant true
        %parallel_loop3A_945 = vector.broadcast %parallel_loop3A_944 : i1 to vector<16xi1>
        %parallel_loop3A_946 = tpu.scan <sum>, %parallel_loop3A_866 masked %parallel_loop3A_945 : vector<16xf32>, vector<16xi1> -> vector<16xf32>
        %parallel_loop3A_947 = arith.constant true
        %parallel_loop3A_948 = vector.broadcast %parallel_loop3A_947 : i1 to vector<16xi1>
        %parallel_loop3A_949 = tpu.scan <sum>, %parallel_loop3A_869 masked %parallel_loop3A_948 : vector<16xf32>, vector<16xi1> -> vector<16xf32>
        %parallel_loop3A_950 = arith.constant true
        %parallel_loop3A_951 = vector.broadcast %parallel_loop3A_950 : i1 to vector<16xi1>
        %parallel_loop3A_952 = tpu.scan <sum>, %parallel_loop3A_872 masked %parallel_loop3A_951 : vector<16xf32>, vector<16xi1> -> vector<16xf32>
        %parallel_loop3A_953 = arith.constant true
        %parallel_loop3A_954 = vector.broadcast %parallel_loop3A_953 : i1 to vector<16xi1>
        %parallel_loop3A_955 = tpu.scan <sum>, %parallel_loop3A_875 masked %parallel_loop3A_954 : vector<16xf32>, vector<16xi1> -> vector<16xf32>
        %parallel_loop3A_956 = arith.constant true
        %parallel_loop3A_957 = vector.broadcast %parallel_loop3A_956 : i1 to vector<16xi1>
        %parallel_loop3A_958 = tpu.scan <sum>, %parallel_loop3A_908 masked %parallel_loop3A_957 : vector<16xf32>, vector<16xi1> -> vector<16xf32>
        %parallel_loop3A_959 = arith.constant true
        %parallel_loop3A_960 = vector.broadcast %parallel_loop3A_959 : i1 to vector<16xi1>
        %parallel_loop3A_961 = tpu.scan <sum>, %parallel_loop3A_913 masked %parallel_loop3A_960 : vector<16xf32>, vector<16xi1> -> vector<16xf32>
        %parallel_loop3A_962 = arith.constant true
        %parallel_loop3A_963 = vector.broadcast %parallel_loop3A_962 : i1 to vector<16xi1>
        %parallel_loop3A_964 = tpu.scan <sum>, %parallel_loop3A_918 masked %parallel_loop3A_963 : vector<16xf32>, vector<16xi1> -> vector<16xf32>
        %parallel_loop3A_965 = arith.constant true
        %parallel_loop3A_966 = vector.broadcast %parallel_loop3A_965 : i1 to vector<16xi1>
        %parallel_loop3A_967 = tpu.scan <sum>, %parallel_loop3A_923 masked %parallel_loop3A_966 : vector<16xf32>, vector<16xi1> -> vector<16xf32>
        %parallel_loop3A_968 = arith.constant true
        %parallel_loop3A_969 = vector.broadcast %parallel_loop3A_968 : i1 to vector<16xi1>
        %parallel_loop3A_970 = tpu.scan <sum>, %parallel_loop3A_882 masked %parallel_loop3A_969 : vector<16xf32>, vector<16xi1> -> vector<16xf32>
        %parallel_loop3A_971 = arith.constant true
        %parallel_loop3A_972 = vector.broadcast %parallel_loop3A_971 : i1 to vector<16xi1>
        %parallel_loop3A_973 = tpu.scan <sum>, %parallel_loop3A_889 masked %parallel_loop3A_972 : vector<16xf32>, vector<16xi1> -> vector<16xf32>
        %parallel_loop3A_974 = arith.constant true
        %parallel_loop3A_975 = vector.broadcast %parallel_loop3A_974 : i1 to vector<16xi1>
        %parallel_loop3A_976 = tpu.scan <sum>, %parallel_loop3A_896 masked %parallel_loop3A_975 : vector<16xf32>, vector<16xi1> -> vector<16xf32>
        %parallel_loop3A_977 = arith.constant true
        %parallel_loop3A_978 = vector.broadcast %parallel_loop3A_977 : i1 to vector<16xi1>
        %parallel_loop3A_979 = tpu.scan <sum>, %parallel_loop3A_903 masked %parallel_loop3A_978 : vector<16xf32>, vector<16xi1> -> vector<16xf32>
        %parallel_loop3A_980 = arith.constant true
        %parallel_loop3A_981 = vector.broadcast %parallel_loop3A_980 : i1 to vector<16xi1>
        %parallel_loop3A_982 = tpu.scan <sum>, %parallel_loop3A_928 masked %parallel_loop3A_981 : vector<16xf32>, vector<16xi1> -> vector<16xf32>
        %parallel_loop3A_983 = arith.constant true
        %parallel_loop3A_984 = vector.broadcast %parallel_loop3A_983 : i1 to vector<16xi1>
        %parallel_loop3A_985 = tpu.scan <sum>, %parallel_loop3A_933 masked %parallel_loop3A_984 : vector<16xf32>, vector<16xi1> -> vector<16xf32>
        %parallel_loop3A_986 = arith.constant true
        %parallel_loop3A_987 = vector.broadcast %parallel_loop3A_986 : i1 to vector<16xi1>
        %parallel_loop3A_988 = tpu.scan <sum>, %parallel_loop3A_938 masked %parallel_loop3A_987 : vector<16xf32>, vector<16xi1> -> vector<16xf32>
        %parallel_loop3A_989 = arith.constant true
        %parallel_loop3A_990 = vector.broadcast %parallel_loop3A_989 : i1 to vector<16xi1>
        %parallel_loop3A_991 = tpu.scan <sum>, %parallel_loop3A_943 masked %parallel_loop3A_990 : vector<16xf32>, vector<16xi1> -> vector<16xf32>
        %parallel_loop3A_992 = arith.constant 15 : i32
        %parallel_loop3A_993 = vector.broadcast %parallel_loop3A_992 : i32 to vector<16xi32>
        %parallel_loop3A_994 = tpu.iota {dimensions = array<i32: 0>} : vector<16xi32>
        %parallel_loop3A_995 = arith.subi %parallel_loop3A_993, %parallel_loop3A_994 : vector<16xi32>
        %parallel_loop3A_996 = tpu.dynamic_gather %parallel_loop3A_958[%parallel_loop3A_995] in [0] : vector<16xf32>, vector<16xi32> -> vector<16xf32>
        %parallel_loop3A_997 = arith.addf %parallel_loop3A_946, %parallel_loop3A_996 : vector<16xf32>
        %parallel_loop3A_998 = arith.subf %parallel_loop3A_997, %parallel_loop3A_866 : vector<16xf32>
        %parallel_loop3A_999 = arith.constant 15 : i32
        %parallel_loop3A_1000 = vector.broadcast %parallel_loop3A_999 : i32 to vector<16xi32>
        %parallel_loop3A_1001 = tpu.iota {dimensions = array<i32: 0>} : vector<16xi32>
        %parallel_loop3A_1002 = arith.subi %parallel_loop3A_1000, %parallel_loop3A_1001 : vector<16xi32>
        %parallel_loop3A_1003 = tpu.dynamic_gather %parallel_loop3A_961[%parallel_loop3A_1002] in [0] : vector<16xf32>, vector<16xi32> -> vector<16xf32>
        %parallel_loop3A_1004 = arith.addf %parallel_loop3A_949, %parallel_loop3A_1003 : vector<16xf32>
        %parallel_loop3A_1005 = arith.subf %parallel_loop3A_1004, %parallel_loop3A_869 : vector<16xf32>
        %parallel_loop3A_1006 = arith.constant 15 : i32
        %parallel_loop3A_1007 = vector.broadcast %parallel_loop3A_1006 : i32 to vector<16xi32>
        %parallel_loop3A_1008 = tpu.iota {dimensions = array<i32: 0>} : vector<16xi32>
        %parallel_loop3A_1009 = arith.subi %parallel_loop3A_1007, %parallel_loop3A_1008 : vector<16xi32>
        %parallel_loop3A_1010 = tpu.dynamic_gather %parallel_loop3A_964[%parallel_loop3A_1009] in [0] : vector<16xf32>, vector<16xi32> -> vector<16xf32>
        %parallel_loop3A_1011 = arith.addf %parallel_loop3A_952, %parallel_loop3A_1010 : vector<16xf32>
        %parallel_loop3A_1012 = arith.subf %parallel_loop3A_1011, %parallel_loop3A_872 : vector<16xf32>
        %parallel_loop3A_1013 = arith.constant 15 : i32
        %parallel_loop3A_1014 = vector.broadcast %parallel_loop3A_1013 : i32 to vector<16xi32>
        %parallel_loop3A_1015 = tpu.iota {dimensions = array<i32: 0>} : vector<16xi32>
        %parallel_loop3A_1016 = arith.subi %parallel_loop3A_1014, %parallel_loop3A_1015 : vector<16xi32>
        %parallel_loop3A_1017 = tpu.dynamic_gather %parallel_loop3A_967[%parallel_loop3A_1016] in [0] : vector<16xf32>, vector<16xi32> -> vector<16xf32>
        %parallel_loop3A_1018 = arith.addf %parallel_loop3A_955, %parallel_loop3A_1017 : vector<16xf32>
        %parallel_loop3A_1019 = arith.subf %parallel_loop3A_1018, %parallel_loop3A_875 : vector<16xf32>
        %parallel_loop3A_1020 = arith.constant 15 : i32
        %parallel_loop3A_1021 = vector.broadcast %parallel_loop3A_1020 : i32 to vector<16xi32>
        %parallel_loop3A_1022 = tpu.iota {dimensions = array<i32: 0>} : vector<16xi32>
        %parallel_loop3A_1023 = arith.subi %parallel_loop3A_1021, %parallel_loop3A_1022 : vector<16xi32>
        %parallel_loop3A_1024 = tpu.dynamic_gather %parallel_loop3A_982[%parallel_loop3A_1023] in [0] : vector<16xf32>, vector<16xi32> -> vector<16xf32>
        %parallel_loop3A_1025 = arith.addf %parallel_loop3A_970, %parallel_loop3A_1024 : vector<16xf32>
        %parallel_loop3A_1026 = arith.subf %parallel_loop3A_1025, %parallel_loop3A_882 : vector<16xf32>
        %parallel_loop3A_1027 = arith.constant 15 : i32
        %parallel_loop3A_1028 = vector.broadcast %parallel_loop3A_1027 : i32 to vector<16xi32>
        %parallel_loop3A_1029 = tpu.iota {dimensions = array<i32: 0>} : vector<16xi32>
        %parallel_loop3A_1030 = arith.subi %parallel_loop3A_1028, %parallel_loop3A_1029 : vector<16xi32>
        %parallel_loop3A_1031 = tpu.dynamic_gather %parallel_loop3A_985[%parallel_loop3A_1030] in [0] : vector<16xf32>, vector<16xi32> -> vector<16xf32>
        %parallel_loop3A_1032 = arith.addf %parallel_loop3A_973, %parallel_loop3A_1031 : vector<16xf32>
        %parallel_loop3A_1033 = arith.subf %parallel_loop3A_1032, %parallel_loop3A_889 : vector<16xf32>
        %parallel_loop3A_1034 = arith.constant 15 : i32
        %parallel_loop3A_1035 = vector.broadcast %parallel_loop3A_1034 : i32 to vector<16xi32>
        %parallel_loop3A_1036 = tpu.iota {dimensions = array<i32: 0>} : vector<16xi32>
        %parallel_loop3A_1037 = arith.subi %parallel_loop3A_1035, %parallel_loop3A_1036 : vector<16xi32>
        %parallel_loop3A_1038 = tpu.dynamic_gather %parallel_loop3A_988[%parallel_loop3A_1037] in [0] : vector<16xf32>, vector<16xi32> -> vector<16xf32>
        %parallel_loop3A_1039 = arith.addf %parallel_loop3A_976, %parallel_loop3A_1038 : vector<16xf32>
        %parallel_loop3A_1040 = arith.subf %parallel_loop3A_1039, %parallel_loop3A_896 : vector<16xf32>
        %parallel_loop3A_1041 = arith.constant 15 : i32
        %parallel_loop3A_1042 = vector.broadcast %parallel_loop3A_1041 : i32 to vector<16xi32>
        %parallel_loop3A_1043 = tpu.iota {dimensions = array<i32: 0>} : vector<16xi32>
        %parallel_loop3A_1044 = arith.subi %parallel_loop3A_1042, %parallel_loop3A_1043 : vector<16xi32>
        %parallel_loop3A_1045 = tpu.dynamic_gather %parallel_loop3A_991[%parallel_loop3A_1044] in [0] : vector<16xf32>, vector<16xi32> -> vector<16xf32>
        %parallel_loop3A_1046 = arith.addf %parallel_loop3A_979, %parallel_loop3A_1045 : vector<16xf32>
        %parallel_loop3A_1047 = arith.subf %parallel_loop3A_1046, %parallel_loop3A_903 : vector<16xf32>
        %parallel_loop3A_1048 = arith.constant 1.562500e-02 : f32
        %parallel_loop3A_1049 = vector.broadcast %parallel_loop3A_1048 : f32 to vector<16xf32>
        %parallel_loop3A_1050 = arith.mulf %parallel_loop3A_998, %parallel_loop3A_1049 : vector<16xf32>
        %parallel_loop3A_1051 = arith.constant 1.562500e-02 : f32
        %parallel_loop3A_1052 = vector.broadcast %parallel_loop3A_1051 : f32 to vector<16xf32>
        %parallel_loop3A_1053 = arith.mulf %parallel_loop3A_1005, %parallel_loop3A_1052 : vector<16xf32>
        %parallel_loop3A_1054 = arith.constant 1.562500e-02 : f32
        %parallel_loop3A_1055 = vector.broadcast %parallel_loop3A_1054 : f32 to vector<16xf32>
        %parallel_loop3A_1056 = arith.mulf %parallel_loop3A_1012, %parallel_loop3A_1055 : vector<16xf32>
        %parallel_loop3A_1057 = arith.constant 1.562500e-02 : f32
        %parallel_loop3A_1058 = vector.broadcast %parallel_loop3A_1057 : f32 to vector<16xf32>
        %parallel_loop3A_1059 = arith.mulf %parallel_loop3A_1019, %parallel_loop3A_1058 : vector<16xf32>
        %parallel_loop3A_1060 = arith.constant 1.562500e-02 : f32
        %parallel_loop3A_1061 = vector.broadcast %parallel_loop3A_1060 : f32 to vector<16xf32>
        %parallel_loop3A_1062 = arith.mulf %parallel_loop3A_1026, %parallel_loop3A_1061 : vector<16xf32>
        %parallel_loop3A_1063 = arith.mulf %parallel_loop3A_1050, %parallel_loop3A_1050 : vector<16xf32>
        %parallel_loop3A_1064 = arith.subf %parallel_loop3A_1062, %parallel_loop3A_1063 : vector<16xf32>
        %parallel_loop3A_1065 = arith.constant 1.562500e-02 : f32
        %parallel_loop3A_1066 = vector.broadcast %parallel_loop3A_1065 : f32 to vector<16xf32>
        %parallel_loop3A_1067 = arith.mulf %parallel_loop3A_1033, %parallel_loop3A_1066 : vector<16xf32>
        %parallel_loop3A_1068 = arith.mulf %parallel_loop3A_1053, %parallel_loop3A_1053 : vector<16xf32>
        %parallel_loop3A_1069 = arith.subf %parallel_loop3A_1067, %parallel_loop3A_1068 : vector<16xf32>
        %parallel_loop3A_1070 = arith.constant 1.562500e-02 : f32
        %parallel_loop3A_1071 = vector.broadcast %parallel_loop3A_1070 : f32 to vector<16xf32>
        %parallel_loop3A_1072 = arith.mulf %parallel_loop3A_1040, %parallel_loop3A_1071 : vector<16xf32>
        %parallel_loop3A_1073 = arith.mulf %parallel_loop3A_1056, %parallel_loop3A_1056 : vector<16xf32>
        %parallel_loop3A_1074 = arith.subf %parallel_loop3A_1072, %parallel_loop3A_1073 : vector<16xf32>
        %parallel_loop3A_1075 = arith.constant 1.562500e-02 : f32
        %parallel_loop3A_1076 = vector.broadcast %parallel_loop3A_1075 : f32 to vector<16xf32>
        %parallel_loop3A_1077 = arith.mulf %parallel_loop3A_1047, %parallel_loop3A_1076 : vector<16xf32>
        %parallel_loop3A_1078 = arith.mulf %parallel_loop3A_1059, %parallel_loop3A_1059 : vector<16xf32>
        %parallel_loop3A_1079 = arith.subf %parallel_loop3A_1077, %parallel_loop3A_1078 : vector<16xf32>
        %parallel_loop3A_1080 = arith.constant 9.99999974E-6 : f32
        %parallel_loop3A_1081 = vector.broadcast %parallel_loop3A_1080 : f32 to vector<16xf32>
        %parallel_loop3A_1082 = arith.addf %parallel_loop3A_1064, %parallel_loop3A_1081 : vector<16xf32>
        %parallel_loop3A_1083 = arith.constant 9.99999974E-6 : f32
        %parallel_loop3A_1084 = vector.broadcast %parallel_loop3A_1083 : f32 to vector<16xf32>
        %parallel_loop3A_1085 = arith.addf %parallel_loop3A_1069, %parallel_loop3A_1084 : vector<16xf32>
        %parallel_loop3A_1086 = arith.constant 9.99999974E-6 : f32
        %parallel_loop3A_1087 = vector.broadcast %parallel_loop3A_1086 : f32 to vector<16xf32>
        %parallel_loop3A_1088 = arith.addf %parallel_loop3A_1074, %parallel_loop3A_1087 : vector<16xf32>
        %parallel_loop3A_1089 = arith.constant 9.99999974E-6 : f32
        %parallel_loop3A_1090 = vector.broadcast %parallel_loop3A_1089 : f32 to vector<16xf32>
        %parallel_loop3A_1091 = arith.addf %parallel_loop3A_1079, %parallel_loop3A_1090 : vector<16xf32>
        %parallel_loop3A_1092 = vector.bitcast %parallel_loop3A_1082 : vector<16xf32> to vector<16xi32>
        %parallel_loop3A_1093 = arith.constant 1 : i32
        %parallel_loop3A_1094 = vector.broadcast %parallel_loop3A_1093 : i32 to vector<16xi32>
        %parallel_loop3A_1095 = arith.shrsi %parallel_loop3A_1092, %parallel_loop3A_1094 : vector<16xi32>
        %parallel_loop3A_1096 = arith.subi %broadcast_in_dim3A_611, %parallel_loop3A_1095 : vector<16xi32>
        %parallel_loop3A_1097 = vector.bitcast %parallel_loop3A_1096 : vector<16xi32> to vector<16xf32>
        %parallel_loop3A_1098 = vector.bitcast %parallel_loop3A_1085 : vector<16xf32> to vector<16xi32>
        %parallel_loop3A_1099 = arith.constant 1 : i32
        %parallel_loop3A_1100 = vector.broadcast %parallel_loop3A_1099 : i32 to vector<16xi32>
        %parallel_loop3A_1101 = arith.shrsi %parallel_loop3A_1098, %parallel_loop3A_1100 : vector<16xi32>
        %parallel_loop3A_1102 = arith.subi %broadcast_in_dim3A_611, %parallel_loop3A_1101 : vector<16xi32>
        %parallel_loop3A_1103 = vector.bitcast %parallel_loop3A_1102 : vector<16xi32> to vector<16xf32>
        %parallel_loop3A_1104 = vector.bitcast %parallel_loop3A_1088 : vector<16xf32> to vector<16xi32>
        %parallel_loop3A_1105 = arith.constant 1 : i32
        %parallel_loop3A_1106 = vector.broadcast %parallel_loop3A_1105 : i32 to vector<16xi32>
        %parallel_loop3A_1107 = arith.shrsi %parallel_loop3A_1104, %parallel_loop3A_1106 : vector<16xi32>
        %parallel_loop3A_1108 = arith.subi %broadcast_in_dim3A_611, %parallel_loop3A_1107 : vector<16xi32>
        %parallel_loop3A_1109 = vector.bitcast %parallel_loop3A_1108 : vector<16xi32> to vector<16xf32>
        %parallel_loop3A_1110 = vector.bitcast %parallel_loop3A_1091 : vector<16xf32> to vector<16xi32>
        %parallel_loop3A_1111 = arith.constant 1 : i32
        %parallel_loop3A_1112 = vector.broadcast %parallel_loop3A_1111 : i32 to vector<16xi32>
        %parallel_loop3A_1113 = arith.shrsi %parallel_loop3A_1110, %parallel_loop3A_1112 : vector<16xi32>
        %parallel_loop3A_1114 = arith.subi %broadcast_in_dim3A_611, %parallel_loop3A_1113 : vector<16xi32>
        %parallel_loop3A_1115 = vector.bitcast %parallel_loop3A_1114 : vector<16xi32> to vector<16xf32>
        %parallel_loop3A_1116 = arith.constant 5.000000e-01 : f32
        %parallel_loop3A_1117 = vector.broadcast %parallel_loop3A_1116 : f32 to vector<16xf32>
        %parallel_loop3A_1118 = arith.mulf %parallel_loop3A_1117, %parallel_loop3A_1082 : vector<16xf32>
        %parallel_loop3A_1119 = arith.mulf %parallel_loop3A_1118, %parallel_loop3A_1097 : vector<16xf32>
        %parallel_loop3A_1120 = arith.mulf %parallel_loop3A_1119, %parallel_loop3A_1097 : vector<16xf32>
        %parallel_loop3A_1121 = arith.constant 1.500000e+00 : f32
        %parallel_loop3A_1122 = vector.broadcast %parallel_loop3A_1121 : f32 to vector<16xf32>
        %parallel_loop3A_1123 = arith.subf %parallel_loop3A_1122, %parallel_loop3A_1120 : vector<16xf32>
        %parallel_loop3A_1124 = arith.mulf %parallel_loop3A_1097, %parallel_loop3A_1123 : vector<16xf32>
        %parallel_loop3A_1125 = arith.constant 5.000000e-01 : f32
        %parallel_loop3A_1126 = vector.broadcast %parallel_loop3A_1125 : f32 to vector<16xf32>
        %parallel_loop3A_1127 = arith.mulf %parallel_loop3A_1126, %parallel_loop3A_1085 : vector<16xf32>
        %parallel_loop3A_1128 = arith.mulf %parallel_loop3A_1127, %parallel_loop3A_1103 : vector<16xf32>
        %parallel_loop3A_1129 = arith.mulf %parallel_loop3A_1128, %parallel_loop3A_1103 : vector<16xf32>
        %parallel_loop3A_1130 = arith.constant 1.500000e+00 : f32
        %parallel_loop3A_1131 = vector.broadcast %parallel_loop3A_1130 : f32 to vector<16xf32>
        %parallel_loop3A_1132 = arith.subf %parallel_loop3A_1131, %parallel_loop3A_1129 : vector<16xf32>
        %parallel_loop3A_1133 = arith.mulf %parallel_loop3A_1103, %parallel_loop3A_1132 : vector<16xf32>
        %parallel_loop3A_1134 = arith.constant 5.000000e-01 : f32
        %parallel_loop3A_1135 = vector.broadcast %parallel_loop3A_1134 : f32 to vector<16xf32>
        %parallel_loop3A_1136 = arith.mulf %parallel_loop3A_1135, %parallel_loop3A_1088 : vector<16xf32>
        %parallel_loop3A_1137 = arith.mulf %parallel_loop3A_1136, %parallel_loop3A_1109 : vector<16xf32>
        %parallel_loop3A_1138 = arith.mulf %parallel_loop3A_1137, %parallel_loop3A_1109 : vector<16xf32>
        %parallel_loop3A_1139 = arith.constant 1.500000e+00 : f32
        %parallel_loop3A_1140 = vector.broadcast %parallel_loop3A_1139 : f32 to vector<16xf32>
        %parallel_loop3A_1141 = arith.subf %parallel_loop3A_1140, %parallel_loop3A_1138 : vector<16xf32>
        %parallel_loop3A_1142 = arith.mulf %parallel_loop3A_1109, %parallel_loop3A_1141 : vector<16xf32>
        %parallel_loop3A_1143 = arith.constant 5.000000e-01 : f32
        %parallel_loop3A_1144 = vector.broadcast %parallel_loop3A_1143 : f32 to vector<16xf32>
        %parallel_loop3A_1145 = arith.mulf %parallel_loop3A_1144, %parallel_loop3A_1091 : vector<16xf32>
        %parallel_loop3A_1146 = arith.mulf %parallel_loop3A_1145, %parallel_loop3A_1115 : vector<16xf32>
        %parallel_loop3A_1147 = arith.mulf %parallel_loop3A_1146, %parallel_loop3A_1115 : vector<16xf32>
        %parallel_loop3A_1148 = arith.constant 1.500000e+00 : f32
        %parallel_loop3A_1149 = vector.broadcast %parallel_loop3A_1148 : f32 to vector<16xf32>
        %parallel_loop3A_1150 = arith.subf %parallel_loop3A_1149, %parallel_loop3A_1147 : vector<16xf32>
        %parallel_loop3A_1151 = arith.mulf %parallel_loop3A_1115, %parallel_loop3A_1150 : vector<16xf32>
        %parallel_loop3A_1152 = vector.broadcast %parallel_loop3A_761 : i32 to vector<16xi32>
        %parallel_loop3A_1153 = vector.broadcast %parallel_loop3A_763 : i32 to vector<16xi32>
        %parallel_loop3A_1154 = vector.broadcast %parallel_loop3A_765 : i32 to vector<16xi32>
        %parallel_loop3A_1155 = vector.broadcast %parallel_loop3A_767 : i32 to vector<16xi32>
        %parallel_loop3A_1156 = arith.subf %parallel_loop3A_773, %parallel_loop3A_1050 : vector<16xf32>
        %parallel_loop3A_1157 = arith.mulf %parallel_loop3A_1124, %get3A_3 : vector<16xf32>
        %parallel_loop3A_1158 = arith.mulf %parallel_loop3A_1156, %parallel_loop3A_1157 : vector<16xf32>
        %parallel_loop3A_1159 = arith.addf %parallel_loop3A_1158, %get3A_11 : vector<16xf32>
        %parallel_loop3A_1160 = arith.constant 1 : i32
        %parallel_loop3A_1161 = arith.constant 0 : i32
        %parallel_loop3A_1162 = arith.constant 0 : i32
        %parallel_loop3A_1163 = tpu.memref_slice %arg10[%parallel_loop3A_1160, %parallel_loop3A_1161, %parallel_loop3A_1162] : memref<2x64x129xf32, #tpu.memory_space<vmem>> -> memref<1x64x129xf32, #tpu.memory_space<vmem>>
        %parallel_loop3A_1164 = tpu.memref_squeeze %parallel_loop3A_1163 : memref<1x64x129xf32, #tpu.memory_space<vmem>> -> memref<64x129xf32, #tpu.memory_space<vmem>>
        tpu.vector_store_idx %parallel_loop3A_1164[%add3A_20, %parallel_loop3A_1152], %parallel_loop3A_1159 : memref<64x129xf32, #tpu.memory_space<vmem>>[vector<16xi32>, vector<16xi32>], vector<16xf32>,
        %parallel_loop3A_1165 = arith.subf %parallel_loop3A_779, %parallel_loop3A_1050 : vector<16xf32>
        %parallel_loop3A_1166 = arith.mulf %parallel_loop3A_1124, %get3A_5 : vector<16xf32>
        %parallel_loop3A_1167 = arith.mulf %parallel_loop3A_1165, %parallel_loop3A_1166 : vector<16xf32>
        %parallel_loop3A_1168 = arith.addf %parallel_loop3A_1167, %get3A_13 : vector<16xf32>
        %parallel_loop3A_1169 = arith.constant 1 : i32
        %parallel_loop3A_1170 = arith.constant 0 : i32
        %parallel_loop3A_1171 = arith.constant 0 : i32
        %parallel_loop3A_1172 = tpu.memref_slice %arg10[%parallel_loop3A_1169, %parallel_loop3A_1170, %parallel_loop3A_1171] : memref<2x64x129xf32, #tpu.memory_space<vmem>> -> memref<1x64x129xf32, #tpu.memory_space<vmem>>
        %parallel_loop3A_1173 = tpu.memref_squeeze %parallel_loop3A_1172 : memref<1x64x129xf32, #tpu.memory_space<vmem>> -> memref<64x129xf32, #tpu.memory_space<vmem>>
        tpu.vector_store_idx %parallel_loop3A_1173[%add3A_24, %parallel_loop3A_1152], %parallel_loop3A_1168 : memref<64x129xf32, #tpu.memory_space<vmem>>[vector<16xi32>, vector<16xi32>], vector<16xf32>,
        %parallel_loop3A_1174 = arith.subf %parallel_loop3A_785, %parallel_loop3A_1050 : vector<16xf32>
        %parallel_loop3A_1175 = arith.mulf %parallel_loop3A_1124, %get3A_7 : vector<16xf32>
        %parallel_loop3A_1176 = arith.mulf %parallel_loop3A_1174, %parallel_loop3A_1175 : vector<16xf32>
        %parallel_loop3A_1177 = arith.addf %parallel_loop3A_1176, %get3A_15 : vector<16xf32>
        %parallel_loop3A_1178 = arith.constant 1 : i32
        %parallel_loop3A_1179 = arith.constant 0 : i32
        %parallel_loop3A_1180 = arith.constant 0 : i32
        %parallel_loop3A_1181 = tpu.memref_slice %arg10[%parallel_loop3A_1178, %parallel_loop3A_1179, %parallel_loop3A_1180] : memref<2x64x129xf32, #tpu.memory_space<vmem>> -> memref<1x64x129xf32, #tpu.memory_space<vmem>>
        %parallel_loop3A_1182 = tpu.memref_squeeze %parallel_loop3A_1181 : memref<1x64x129xf32, #tpu.memory_space<vmem>> -> memref<64x129xf32, #tpu.memory_space<vmem>>
        tpu.vector_store_idx %parallel_loop3A_1182[%add3A_28, %parallel_loop3A_1152], %parallel_loop3A_1177 : memref<64x129xf32, #tpu.memory_space<vmem>>[vector<16xi32>, vector<16xi32>], vector<16xf32>,
        %parallel_loop3A_1183 = arith.subf %parallel_loop3A_791, %parallel_loop3A_1050 : vector<16xf32>
        %parallel_loop3A_1184 = arith.mulf %parallel_loop3A_1124, %get3A_9 : vector<16xf32>
        %parallel_loop3A_1185 = arith.mulf %parallel_loop3A_1183, %parallel_loop3A_1184 : vector<16xf32>
        %parallel_loop3A_1186 = arith.addf %parallel_loop3A_1185, %get3A_17 : vector<16xf32>
        %parallel_loop3A_1187 = arith.constant 1 : i32
        %parallel_loop3A_1188 = arith.constant 0 : i32
        %parallel_loop3A_1189 = arith.constant 0 : i32
        %parallel_loop3A_1190 = tpu.memref_slice %arg10[%parallel_loop3A_1187, %parallel_loop3A_1188, %parallel_loop3A_1189] : memref<2x64x129xf32, #tpu.memory_space<vmem>> -> memref<1x64x129xf32, #tpu.memory_space<vmem>>
        %parallel_loop3A_1191 = tpu.memref_squeeze %parallel_loop3A_1190 : memref<1x64x129xf32, #tpu.memory_space<vmem>> -> memref<64x129xf32, #tpu.memory_space<vmem>>
        tpu.vector_store_idx %parallel_loop3A_1191[%add3A_32, %parallel_loop3A_1152], %parallel_loop3A_1186 : memref<64x129xf32, #tpu.memory_space<vmem>>[vector<16xi32>, vector<16xi32>], vector<16xf32>,
        %parallel_loop3A_1192 = arith.subf %parallel_loop3A_797, %parallel_loop3A_1053 : vector<16xf32>
        %parallel_loop3A_1193 = arith.mulf %parallel_loop3A_1133, %get3A_3 : vector<16xf32>
        %parallel_loop3A_1194 = arith.mulf %parallel_loop3A_1192, %parallel_loop3A_1193 : vector<16xf32>
        %parallel_loop3A_1195 = arith.addf %parallel_loop3A_1194, %get3A_11 : vector<16xf32>
        %parallel_loop3A_1196 = arith.constant 1 : i32
        %parallel_loop3A_1197 = arith.constant 0 : i32
        %parallel_loop3A_1198 = arith.constant 0 : i32
        %parallel_loop3A_1199 = tpu.memref_slice %arg10[%parallel_loop3A_1196, %parallel_loop3A_1197, %parallel_loop3A_1198] : memref<2x64x129xf32, #tpu.memory_space<vmem>> -> memref<1x64x129xf32, #tpu.memory_space<vmem>>
        %parallel_loop3A_1200 = tpu.memref_squeeze %parallel_loop3A_1199 : memref<1x64x129xf32, #tpu.memory_space<vmem>> -> memref<64x129xf32, #tpu.memory_space<vmem>>
        tpu.vector_store_idx %parallel_loop3A_1200[%add3A_20, %parallel_loop3A_1153], %parallel_loop3A_1195 : memref<64x129xf32, #tpu.memory_space<vmem>>[vector<16xi32>, vector<16xi32>], vector<16xf32>,
        %parallel_loop3A_1201 = arith.subf %parallel_loop3A_803, %parallel_loop3A_1053 : vector<16xf32>
        %parallel_loop3A_1202 = arith.mulf %parallel_loop3A_1133, %get3A_5 : vector<16xf32>
        %parallel_loop3A_1203 = arith.mulf %parallel_loop3A_1201, %parallel_loop3A_1202 : vector<16xf32>
        %parallel_loop3A_1204 = arith.addf %parallel_loop3A_1203, %get3A_13 : vector<16xf32>
        %parallel_loop3A_1205 = arith.constant 1 : i32
        %parallel_loop3A_1206 = arith.constant 0 : i32
        %parallel_loop3A_1207 = arith.constant 0 : i32
        %parallel_loop3A_1208 = tpu.memref_slice %arg10[%parallel_loop3A_1205, %parallel_loop3A_1206, %parallel_loop3A_1207] : memref<2x64x129xf32, #tpu.memory_space<vmem>> -> memref<1x64x129xf32, #tpu.memory_space<vmem>>
        %parallel_loop3A_1209 = tpu.memref_squeeze %parallel_loop3A_1208 : memref<1x64x129xf32, #tpu.memory_space<vmem>> -> memref<64x129xf32, #tpu.memory_space<vmem>>
        tpu.vector_store_idx %parallel_loop3A_1209[%add3A_24, %parallel_loop3A_1153], %parallel_loop3A_1204 : memref<64x129xf32, #tpu.memory_space<vmem>>[vector<16xi32>, vector<16xi32>], vector<16xf32>,
        %parallel_loop3A_1210 = arith.subf %parallel_loop3A_809, %parallel_loop3A_1053 : vector<16xf32>
        %parallel_loop3A_1211 = arith.mulf %parallel_loop3A_1133, %get3A_7 : vector<16xf32>
        %parallel_loop3A_1212 = arith.mulf %parallel_loop3A_1210, %parallel_loop3A_1211 : vector<16xf32>
        %parallel_loop3A_1213 = arith.addf %parallel_loop3A_1212, %get3A_15 : vector<16xf32>
        %parallel_loop3A_1214 = arith.constant 1 : i32
        %parallel_loop3A_1215 = arith.constant 0 : i32
        %parallel_loop3A_1216 = arith.constant 0 : i32
        %parallel_loop3A_1217 = tpu.memref_slice %arg10[%parallel_loop3A_1214, %parallel_loop3A_1215, %parallel_loop3A_1216] : memref<2x64x129xf32, #tpu.memory_space<vmem>> -> memref<1x64x129xf32, #tpu.memory_space<vmem>>
        %parallel_loop3A_1218 = tpu.memref_squeeze %parallel_loop3A_1217 : memref<1x64x129xf32, #tpu.memory_space<vmem>> -> memref<64x129xf32, #tpu.memory_space<vmem>>
        tpu.vector_store_idx %parallel_loop3A_1218[%add3A_28, %parallel_loop3A_1153], %parallel_loop3A_1213 : memref<64x129xf32, #tpu.memory_space<vmem>>[vector<16xi32>, vector<16xi32>], vector<16xf32>,
        %parallel_loop3A_1219 = arith.subf %parallel_loop3A_815, %parallel_loop3A_1053 : vector<16xf32>
        %parallel_loop3A_1220 = arith.mulf %parallel_loop3A_1133, %get3A_9 : vector<16xf32>
        %parallel_loop3A_1221 = arith.mulf %parallel_loop3A_1219, %parallel_loop3A_1220 : vector<16xf32>
        %parallel_loop3A_1222 = arith.addf %parallel_loop3A_1221, %get3A_17 : vector<16xf32>
        %parallel_loop3A_1223 = arith.constant 1 : i32
        %parallel_loop3A_1224 = arith.constant 0 : i32
        %parallel_loop3A_1225 = arith.constant 0 : i32
        %parallel_loop3A_1226 = tpu.memref_slice %arg10[%parallel_loop3A_1223, %parallel_loop3A_1224, %parallel_loop3A_1225] : memref<2x64x129xf32, #tpu.memory_space<vmem>> -> memref<1x64x129xf32, #tpu.memory_space<vmem>>
        %parallel_loop3A_1227 = tpu.memref_squeeze %parallel_loop3A_1226 : memref<1x64x129xf32, #tpu.memory_space<vmem>> -> memref<64x129xf32, #tpu.memory_space<vmem>>
        tpu.vector_store_idx %parallel_loop3A_1227[%add3A_32, %parallel_loop3A_1153], %parallel_loop3A_1222 : memref<64x129xf32, #tpu.memory_space<vmem>>[vector<16xi32>, vector<16xi32>], vector<16xf32>,
        %parallel_loop3A_1228 = arith.subf %parallel_loop3A_821, %parallel_loop3A_1056 : vector<16xf32>
        %parallel_loop3A_1229 = arith.mulf %parallel_loop3A_1142, %get3A_3 : vector<16xf32>
        %parallel_loop3A_1230 = arith.mulf %parallel_loop3A_1228, %parallel_loop3A_1229 : vector<16xf32>
        %parallel_loop3A_1231 = arith.addf %parallel_loop3A_1230, %get3A_11 : vector<16xf32>
        %parallel_loop3A_1232 = arith.constant 1 : i32
        %parallel_loop3A_1233 = arith.constant 0 : i32
        %parallel_loop3A_1234 = arith.constant 0 : i32
        %parallel_loop3A_1235 = tpu.memref_slice %arg10[%parallel_loop3A_1232, %parallel_loop3A_1233, %parallel_loop3A_1234] : memref<2x64x129xf32, #tpu.memory_space<vmem>> -> memref<1x64x129xf32, #tpu.memory_space<vmem>>
        %parallel_loop3A_1236 = tpu.memref_squeeze %parallel_loop3A_1235 : memref<1x64x129xf32, #tpu.memory_space<vmem>> -> memref<64x129xf32, #tpu.memory_space<vmem>>
        tpu.vector_store_idx %parallel_loop3A_1236[%add3A_20, %parallel_loop3A_1154], %parallel_loop3A_1231 : memref<64x129xf32, #tpu.memory_space<vmem>>[vector<16xi32>, vector<16xi32>], vector<16xf32>,
        %parallel_loop3A_1237 = arith.subf %parallel_loop3A_827, %parallel_loop3A_1056 : vector<16xf32>
        %parallel_loop3A_1238 = arith.mulf %parallel_loop3A_1142, %get3A_5 : vector<16xf32>
        %parallel_loop3A_1239 = arith.mulf %parallel_loop3A_1237, %parallel_loop3A_1238 : vector<16xf32>
        %parallel_loop3A_1240 = arith.addf %parallel_loop3A_1239, %get3A_13 : vector<16xf32>
        %parallel_loop3A_1241 = arith.constant 1 : i32
        %parallel_loop3A_1242 = arith.constant 0 : i32
        %parallel_loop3A_1243 = arith.constant 0 : i32
        %parallel_loop3A_1244 = tpu.memref_slice %arg10[%parallel_loop3A_1241, %parallel_loop3A_1242, %parallel_loop3A_1243] : memref<2x64x129xf32, #tpu.memory_space<vmem>> -> memref<1x64x129xf32, #tpu.memory_space<vmem>>
        %parallel_loop3A_1245 = tpu.memref_squeeze %parallel_loop3A_1244 : memref<1x64x129xf32, #tpu.memory_space<vmem>> -> memref<64x129xf32, #tpu.memory_space<vmem>>
        tpu.vector_store_idx %parallel_loop3A_1245[%add3A_24, %parallel_loop3A_1154], %parallel_loop3A_1240 : memref<64x129xf32, #tpu.memory_space<vmem>>[vector<16xi32>, vector<16xi32>], vector<16xf32>,
        %parallel_loop3A_1246 = arith.subf %parallel_loop3A_833, %parallel_loop3A_1056 : vector<16xf32>
        %parallel_loop3A_1247 = arith.mulf %parallel_loop3A_1142, %get3A_7 : vector<16xf32>
        %parallel_loop3A_1248 = arith.mulf %parallel_loop3A_1246, %parallel_loop3A_1247 : vector<16xf32>
        %parallel_loop3A_1249 = arith.addf %parallel_loop3A_1248, %get3A_15 : vector<16xf32>
        %parallel_loop3A_1250 = arith.constant 1 : i32
        %parallel_loop3A_1251 = arith.constant 0 : i32
        %parallel_loop3A_1252 = arith.constant 0 : i32
        %parallel_loop3A_1253 = tpu.memref_slice %arg10[%parallel_loop3A_1250, %parallel_loop3A_1251, %parallel_loop3A_1252] : memref<2x64x129xf32, #tpu.memory_space<vmem>> -> memref<1x64x129xf32, #tpu.memory_space<vmem>>
        %parallel_loop3A_1254 = tpu.memref_squeeze %parallel_loop3A_1253 : memref<1x64x129xf32, #tpu.memory_space<vmem>> -> memref<64x129xf32, #tpu.memory_space<vmem>>
        tpu.vector_store_idx %parallel_loop3A_1254[%add3A_28, %parallel_loop3A_1154], %parallel_loop3A_1249 : memref<64x129xf32, #tpu.memory_space<vmem>>[vector<16xi32>, vector<16xi32>], vector<16xf32>,
        %parallel_loop3A_1255 = arith.subf %parallel_loop3A_839, %parallel_loop3A_1056 : vector<16xf32>
        %parallel_loop3A_1256 = arith.mulf %parallel_loop3A_1142, %get3A_9 : vector<16xf32>
        %parallel_loop3A_1257 = arith.mulf %parallel_loop3A_1255, %parallel_loop3A_1256 : vector<16xf32>
        %parallel_loop3A_1258 = arith.addf %parallel_loop3A_1257, %get3A_17 : vector<16xf32>
        %parallel_loop3A_1259 = arith.constant 1 : i32
        %parallel_loop3A_1260 = arith.constant 0 : i32
        %parallel_loop3A_1261 = arith.constant 0 : i32
        %parallel_loop3A_1262 = tpu.memref_slice %arg10[%parallel_loop3A_1259, %parallel_loop3A_1260, %parallel_loop3A_1261] : memref<2x64x129xf32, #tpu.memory_space<vmem>> -> memref<1x64x129xf32, #tpu.memory_space<vmem>>
        %parallel_loop3A_1263 = tpu.memref_squeeze %parallel_loop3A_1262 : memref<1x64x129xf32, #tpu.memory_space<vmem>> -> memref<64x129xf32, #tpu.memory_space<vmem>>
        tpu.vector_store_idx %parallel_loop3A_1263[%add3A_32, %parallel_loop3A_1154], %parallel_loop3A_1258 : memref<64x129xf32, #tpu.memory_space<vmem>>[vector<16xi32>, vector<16xi32>], vector<16xf32>,
        %parallel_loop3A_1264 = arith.subf %parallel_loop3A_845, %parallel_loop3A_1059 : vector<16xf32>
        %parallel_loop3A_1265 = arith.mulf %parallel_loop3A_1151, %get3A_3 : vector<16xf32>
        %parallel_loop3A_1266 = arith.mulf %parallel_loop3A_1264, %parallel_loop3A_1265 : vector<16xf32>
        %parallel_loop3A_1267 = arith.addf %parallel_loop3A_1266, %get3A_11 : vector<16xf32>
        %parallel_loop3A_1268 = arith.constant 1 : i32
        %parallel_loop3A_1269 = arith.constant 0 : i32
        %parallel_loop3A_1270 = arith.constant 0 : i32
        %parallel_loop3A_1271 = tpu.memref_slice %arg10[%parallel_loop3A_1268, %parallel_loop3A_1269, %parallel_loop3A_1270] : memref<2x64x129xf32, #tpu.memory_space<vmem>> -> memref<1x64x129xf32, #tpu.memory_space<vmem>>
        %parallel_loop3A_1272 = tpu.memref_squeeze %parallel_loop3A_1271 : memref<1x64x129xf32, #tpu.memory_space<vmem>> -> memref<64x129xf32, #tpu.memory_space<vmem>>
        tpu.vector_store_idx %parallel_loop3A_1272[%add3A_20, %parallel_loop3A_1155], %parallel_loop3A_1267 : memref<64x129xf32, #tpu.memory_space<vmem>>[vector<16xi32>, vector<16xi32>], vector<16xf32>,
        %parallel_loop3A_1273 = arith.subf %parallel_loop3A_851, %parallel_loop3A_1059 : vector<16xf32>
        %parallel_loop3A_1274 = arith.mulf %parallel_loop3A_1151, %get3A_5 : vector<16xf32>
        %parallel_loop3A_1275 = arith.mulf %parallel_loop3A_1273, %parallel_loop3A_1274 : vector<16xf32>
        %parallel_loop3A_1276 = arith.addf %parallel_loop3A_1275, %get3A_13 : vector<16xf32>
        %parallel_loop3A_1277 = arith.constant 1 : i32
        %parallel_loop3A_1278 = arith.constant 0 : i32
        %parallel_loop3A_1279 = arith.constant 0 : i32
        %parallel_loop3A_1280 = tpu.memref_slice %arg10[%parallel_loop3A_1277, %parallel_loop3A_1278, %parallel_loop3A_1279] : memref<2x64x129xf32, #tpu.memory_space<vmem>> -> memref<1x64x129xf32, #tpu.memory_space<vmem>>
        %parallel_loop3A_1281 = tpu.memref_squeeze %parallel_loop3A_1280 : memref<1x64x129xf32, #tpu.memory_space<vmem>> -> memref<64x129xf32, #tpu.memory_space<vmem>>
        tpu.vector_store_idx %parallel_loop3A_1281[%add3A_24, %parallel_loop3A_1155], %parallel_loop3A_1276 : memref<64x129xf32, #tpu.memory_space<vmem>>[vector<16xi32>, vector<16xi32>], vector<16xf32>,
        %parallel_loop3A_1282 = arith.subf %parallel_loop3A_857, %parallel_loop3A_1059 : vector<16xf32>
        %parallel_loop3A_1283 = arith.mulf %parallel_loop3A_1151, %get3A_7 : vector<16xf32>
        %parallel_loop3A_1284 = arith.mulf %parallel_loop3A_1282, %parallel_loop3A_1283 : vector<16xf32>
        %parallel_loop3A_1285 = arith.addf %parallel_loop3A_1284, %get3A_15 : vector<16xf32>
        %parallel_loop3A_1286 = arith.constant 1 : i32
        %parallel_loop3A_1287 = arith.constant 0 : i32
        %parallel_loop3A_1288 = arith.constant 0 : i32
        %parallel_loop3A_1289 = tpu.memref_slice %arg10[%parallel_loop3A_1286, %parallel_loop3A_1287, %parallel_loop3A_1288] : memref<2x64x129xf32, #tpu.memory_space<vmem>> -> memref<1x64x129xf32, #tpu.memory_space<vmem>>
        %parallel_loop3A_1290 = tpu.memref_squeeze %parallel_loop3A_1289 : memref<1x64x129xf32, #tpu.memory_space<vmem>> -> memref<64x129xf32, #tpu.memory_space<vmem>>
        tpu.vector_store_idx %parallel_loop3A_1290[%add3A_28, %parallel_loop3A_1155], %parallel_loop3A_1285 : memref<64x129xf32, #tpu.memory_space<vmem>>[vector<16xi32>, vector<16xi32>], vector<16xf32>,
        %parallel_loop3A_1291 = arith.subf %parallel_loop3A_863, %parallel_loop3A_1059 : vector<16xf32>
        %parallel_loop3A_1292 = arith.mulf %parallel_loop3A_1151, %get3A_9 : vector<16xf32>
        %parallel_loop3A_1293 = arith.mulf %parallel_loop3A_1291, %parallel_loop3A_1292 : vector<16xf32>
        %parallel_loop3A_1294 = arith.addf %parallel_loop3A_1293, %get3A_17 : vector<16xf32>
        %parallel_loop3A_1295 = arith.constant 1 : i32
        %parallel_loop3A_1296 = arith.constant 0 : i32
        %parallel_loop3A_1297 = arith.constant 0 : i32
        %parallel_loop3A_1298 = tpu.memref_slice %arg10[%parallel_loop3A_1295, %parallel_loop3A_1296, %parallel_loop3A_1297] : memref<2x64x129xf32, #tpu.memory_space<vmem>> -> memref<1x64x129xf32, #tpu.memory_space<vmem>>
        %parallel_loop3A_1299 = tpu.memref_squeeze %parallel_loop3A_1298 : memref<1x64x129xf32, #tpu.memory_space<vmem>> -> memref<64x129xf32, #tpu.memory_space<vmem>>
        tpu.vector_store_idx %parallel_loop3A_1299[%add3A_32, %parallel_loop3A_1155], %parallel_loop3A_1294 : memref<64x129xf32, #tpu.memory_space<vmem>>[vector<16xi32>, vector<16xi32>], vector<16xf32>,
      } {sc.loop_unroll_factor = 2 : i64, sc.parallel_access}
      %dma_start3A_615 = arith.constant 1 : i32
      %dma_start3A_616 = arith.constant 0 : i32
      %dma_start3A_617 = arith.constant 0 : i32
      %dma_start3A_618 = arith.constant 0 : i32
      %dma_start3A_619 = tpu.memref_slice %arg10[%dma_start3A_615, %dma_start3A_617, %dma_start3A_618] : memref<2x64x129xf32, #tpu.memory_space<vmem>> -> memref<1x8x128xf32, #tpu.memory_space<vmem>>
      %dma_start3A_620 = tpu.memref_squeeze %dma_start3A_619 : memref<1x8x128xf32, #tpu.memory_space<vmem>> -> memref<8x128xf32, #tpu.memory_space<vmem>>
      %dma_start3A_621 = arith.constant 0 : i32
      %dma_start3A_622 = arith.constant 0 : i32
      %dma_start3A_623 = tpu.memref_slice %arg7[%add3A_369, %dma_start3A_616, %add3A, %dma_start3A_621, %dma_start3A_622] : memref<200x8x32x8x128xf32, #tpu.memory_space<hbm>> -> memref<1x1x1x8x128xf32, #tpu.memory_space<hbm>>
      %dma_start3A_624 = tpu.memref_squeeze %dma_start3A_623 : memref<1x1x1x8x128xf32, #tpu.memory_space<hbm>> -> memref<8x128xf32, #tpu.memory_space<hbm>>
      %dma_start3A_625 = arith.constant 0 : i32
      %dma_start3A_626 = arith.constant 0 : i32
      %dma_start3A_627 = tpu.memref_slice %arg7[%add3A_369, %dma_start3A_616, %add3A, %dma_start3A_625, %dma_start3A_626] : memref<200x8x32x8x128xf32, #tpu.memory_space<hbm>> -> memref<1x1x1x8x128xf32, #tpu.memory_space<hbm>>
      %dma_start3A_628 = tpu.memref_squeeze %dma_start3A_627 : memref<1x1x1x8x128xf32, #tpu.memory_space<hbm>> -> memref<8x128xf32, #tpu.memory_space<hbm>>
      %dma_start3A_629 = arith.constant 0 : i32
      %dma_start3A_630 = arith.constant 0 : i32
      %dma_start3A_631 = tpu.memref_slice %arg10[%dma_start3A_615, %dma_start3A_629, %dma_start3A_630] : memref<2x64x129xf32, #tpu.memory_space<vmem>> -> memref<1x8x128xf32, #tpu.memory_space<vmem>>
      %dma_start3A_632 = tpu.memref_squeeze %dma_start3A_631 : memref<1x8x128xf32, #tpu.memory_space<vmem>> -> memref<8x128xf32, #tpu.memory_space<vmem>>
      tpu.enqueue_dma source(%dma_start3A_632 : memref<8x128xf32, #tpu.memory_space<vmem>>) target(%dma_start3A_628 : memref<8x128xf32, #tpu.memory_space<hbm>>) target_semaphore(%arg17 : memref<!tpu.dma_semaphore, #tpu.memory_space<semaphore_mem>>)
      %dma_start3A_633 = arith.constant 1 : i32
      %dma_start3A_634 = arith.constant 1 : i32
      %dma_start3A_635 = arith.constant 8 : i32
      %dma_start3A_636 = arith.constant 0 : i32
      %dma_start3A_637 = tpu.memref_slice %arg10[%dma_start3A_633, %dma_start3A_635, %dma_start3A_636] : memref<2x64x129xf32, #tpu.memory_space<vmem>> -> memref<1x8x128xf32, #tpu.memory_space<vmem>>
      %dma_start3A_638 = tpu.memref_squeeze %dma_start3A_637 : memref<1x8x128xf32, #tpu.memory_space<vmem>> -> memref<8x128xf32, #tpu.memory_space<vmem>>
      %dma_start3A_639 = arith.constant 0 : i32
      %dma_start3A_640 = arith.constant 0 : i32
      %dma_start3A_641 = tpu.memref_slice %arg7[%add3A_369, %dma_start3A_634, %add3A, %dma_start3A_639, %dma_start3A_640] : memref<200x8x32x8x128xf32, #tpu.memory_space<hbm>> -> memref<1x1x1x8x128xf32, #tpu.memory_space<hbm>>
      %dma_start3A_642 = tpu.memref_squeeze %dma_start3A_641 : memref<1x1x1x8x128xf32, #tpu.memory_space<hbm>> -> memref<8x128xf32, #tpu.memory_space<hbm>>
      %dma_start3A_643 = arith.constant 0 : i32
      %dma_start3A_644 = arith.constant 0 : i32
      %dma_start3A_645 = tpu.memref_slice %arg7[%add3A_369, %dma_start3A_634, %add3A, %dma_start3A_643, %dma_start3A_644] : memref<200x8x32x8x128xf32, #tpu.memory_space<hbm>> -> memref<1x1x1x8x128xf32, #tpu.memory_space<hbm>>
      %dma_start3A_646 = tpu.memref_squeeze %dma_start3A_645 : memref<1x1x1x8x128xf32, #tpu.memory_space<hbm>> -> memref<8x128xf32, #tpu.memory_space<hbm>>
      %dma_start3A_647 = arith.constant 8 : i32
      %dma_start3A_648 = arith.constant 0 : i32
      %dma_start3A_649 = tpu.memref_slice %arg10[%dma_start3A_633, %dma_start3A_647, %dma_start3A_648] : memref<2x64x129xf32, #tpu.memory_space<vmem>> -> memref<1x8x128xf32, #tpu.memory_space<vmem>>
      %dma_start3A_650 = tpu.memref_squeeze %dma_start3A_649 : memref<1x8x128xf32, #tpu.memory_space<vmem>> -> memref<8x128xf32, #tpu.memory_space<vmem>>
      tpu.enqueue_dma source(%dma_start3A_650 : memref<8x128xf32, #tpu.memory_space<vmem>>) target(%dma_start3A_646 : memref<8x128xf32, #tpu.memory_space<hbm>>) target_semaphore(%arg17 : memref<!tpu.dma_semaphore, #tpu.memory_space<semaphore_mem>>)
      %dma_start3A_651 = arith.constant 1 : i32
      %dma_start3A_652 = arith.constant 2 : i32
      %dma_start3A_653 = arith.constant 16 : i32
      %dma_start3A_654 = arith.constant 0 : i32
      %dma_start3A_655 = tpu.memref_slice %arg10[%dma_start3A_651, %dma_start3A_653, %dma_start3A_654] : memref<2x64x129xf32, #tpu.memory_space<vmem>> -> memref<1x8x128xf32, #tpu.memory_space<vmem>>
      %dma_start3A_656 = tpu.memref_squeeze %dma_start3A_655 : memref<1x8x128xf32, #tpu.memory_space<vmem>> -> memref<8x128xf32, #tpu.memory_space<vmem>>
      %dma_start3A_657 = arith.constant 0 : i32
      %dma_start3A_658 = arith.constant 0 : i32
      %dma_start3A_659 = tpu.memref_slice %arg7[%add3A_369, %dma_start3A_652, %add3A, %dma_start3A_657, %dma_start3A_658] : memref<200x8x32x8x128xf32, #tpu.memory_space<hbm>> -> memref<1x1x1x8x128xf32, #tpu.memory_space<hbm>>
      %dma_start3A_660 = tpu.memref_squeeze %dma_start3A_659 : memref<1x1x1x8x128xf32, #tpu.memory_space<hbm>> -> memref<8x128xf32, #tpu.memory_space<hbm>>
      %dma_start3A_661 = arith.constant 0 : i32
      %dma_start3A_662 = arith.constant 0 : i32
      %dma_start3A_663 = tpu.memref_slice %arg7[%add3A_369, %dma_start3A_652, %add3A, %dma_start3A_661, %dma_start3A_662] : memref<200x8x32x8x128xf32, #tpu.memory_space<hbm>> -> memref<1x1x1x8x128xf32, #tpu.memory_space<hbm>>
      %dma_start3A_664 = tpu.memref_squeeze %dma_start3A_663 : memref<1x1x1x8x128xf32, #tpu.memory_space<hbm>> -> memref<8x128xf32, #tpu.memory_space<hbm>>
      %dma_start3A_665 = arith.constant 16 : i32
      %dma_start3A_666 = arith.constant 0 : i32
      %dma_start3A_667 = tpu.memref_slice %arg10[%dma_start3A_651, %dma_start3A_665, %dma_start3A_666] : memref<2x64x129xf32, #tpu.memory_space<vmem>> -> memref<1x8x128xf32, #tpu.memory_space<vmem>>
      %dma_start3A_668 = tpu.memref_squeeze %dma_start3A_667 : memref<1x8x128xf32, #tpu.memory_space<vmem>> -> memref<8x128xf32, #tpu.memory_space<vmem>>
      tpu.enqueue_dma source(%dma_start3A_668 : memref<8x128xf32, #tpu.memory_space<vmem>>) target(%dma_start3A_664 : memref<8x128xf32, #tpu.memory_space<hbm>>) target_semaphore(%arg17 : memref<!tpu.dma_semaphore, #tpu.memory_space<semaphore_mem>>)
      %dma_start3A_669 = arith.constant 1 : i32
      %dma_start3A_670 = arith.constant 3 : i32
      %dma_start3A_671 = arith.constant 24 : i32
      %dma_start3A_672 = arith.constant 0 : i32
      %dma_start3A_673 = tpu.memref_slice %arg10[%dma_start3A_669, %dma_start3A_671, %dma_start3A_672] : memref<2x64x129xf32, #tpu.memory_space<vmem>> -> memref<1x8x128xf32, #tpu.memory_space<vmem>>
      %dma_start3A_674 = tpu.memref_squeeze %dma_start3A_673 : memref<1x8x128xf32, #tpu.memory_space<vmem>> -> memref<8x128xf32, #tpu.memory_space<vmem>>
      %dma_start3A_675 = arith.constant 0 : i32
      %dma_start3A_676 = arith.constant 0 : i32
      %dma_start3A_677 = tpu.memref_slice %arg7[%add3A_369, %dma_start3A_670, %add3A, %dma_start3A_675, %dma_start3A_676] : memref<200x8x32x8x128xf32, #tpu.memory_space<hbm>> -> memref<1x1x1x8x128xf32, #tpu.memory_space<hbm>>
      %dma_start3A_678 = tpu.memref_squeeze %dma_start3A_677 : memref<1x1x1x8x128xf32, #tpu.memory_space<hbm>> -> memref<8x128xf32, #tpu.memory_space<hbm>>
      %dma_start3A_679 = arith.constant 0 : i32
      %dma_start3A_680 = arith.constant 0 : i32
      %dma_start3A_681 = tpu.memref_slice %arg7[%add3A_369, %dma_start3A_670, %add3A, %dma_start3A_679, %dma_start3A_680] : memref<200x8x32x8x128xf32, #tpu.memory_space<hbm>> -> memref<1x1x1x8x128xf32, #tpu.memory_space<hbm>>
      %dma_start3A_682 = tpu.memref_squeeze %dma_start3A_681 : memref<1x1x1x8x128xf32, #tpu.memory_space<hbm>> -> memref<8x128xf32, #tpu.memory_space<hbm>>
      %dma_start3A_683 = arith.constant 24 : i32
      %dma_start3A_684 = arith.constant 0 : i32
      %dma_start3A_685 = tpu.memref_slice %arg10[%dma_start3A_669, %dma_start3A_683, %dma_start3A_684] : memref<2x64x129xf32, #tpu.memory_space<vmem>> -> memref<1x8x128xf32, #tpu.memory_space<vmem>>
      %dma_start3A_686 = tpu.memref_squeeze %dma_start3A_685 : memref<1x8x128xf32, #tpu.memory_space<vmem>> -> memref<8x128xf32, #tpu.memory_space<vmem>>
      tpu.enqueue_dma source(%dma_start3A_686 : memref<8x128xf32, #tpu.memory_space<vmem>>) target(%dma_start3A_682 : memref<8x128xf32, #tpu.memory_space<hbm>>) target_semaphore(%arg17 : memref<!tpu.dma_semaphore, #tpu.memory_space<semaphore_mem>>)
      %dma_start3A_687 = arith.constant 1 : i32
      %dma_start3A_688 = arith.constant 4 : i32
      %dma_start3A_689 = arith.constant 32 : i32
      %dma_start3A_690 = arith.constant 0 : i32
      %dma_start3A_691 = tpu.memref_slice %arg10[%dma_start3A_687, %dma_start3A_689, %dma_start3A_690] : memref<2x64x129xf32, #tpu.memory_space<vmem>> -> memref<1x8x128xf32, #tpu.memory_space<vmem>>
      %dma_start3A_692 = tpu.memref_squeeze %dma_start3A_691 : memref<1x8x128xf32, #tpu.memory_space<vmem>> -> memref<8x128xf32, #tpu.memory_space<vmem>>
      %dma_start3A_693 = arith.constant 0 : i32
      %dma_start3A_694 = arith.constant 0 : i32
      %dma_start3A_695 = tpu.memref_slice %arg7[%add3A_369, %dma_start3A_688, %add3A, %dma_start3A_693, %dma_start3A_694] : memref<200x8x32x8x128xf32, #tpu.memory_space<hbm>> -> memref<1x1x1x8x128xf32, #tpu.memory_space<hbm>>
      %dma_start3A_696 = tpu.memref_squeeze %dma_start3A_695 : memref<1x1x1x8x128xf32, #tpu.memory_space<hbm>> -> memref<8x128xf32, #tpu.memory_space<hbm>>
      %dma_start3A_697 = arith.constant 0 : i32
      %dma_start3A_698 = arith.constant 0 : i32
      %dma_start3A_699 = tpu.memref_slice %arg7[%add3A_369, %dma_start3A_688, %add3A, %dma_start3A_697, %dma_start3A_698] : memref<200x8x32x8x128xf32, #tpu.memory_space<hbm>> -> memref<1x1x1x8x128xf32, #tpu.memory_space<hbm>>
      %dma_start3A_700 = tpu.memref_squeeze %dma_start3A_699 : memref<1x1x1x8x128xf32, #tpu.memory_space<hbm>> -> memref<8x128xf32, #tpu.memory_space<hbm>>
      %dma_start3A_701 = arith.constant 32 : i32
      %dma_start3A_702 = arith.constant 0 : i32
      %dma_start3A_703 = tpu.memref_slice %arg10[%dma_start3A_687, %dma_start3A_701, %dma_start3A_702] : memref<2x64x129xf32, #tpu.memory_space<vmem>> -> memref<1x8x128xf32, #tpu.memory_space<vmem>>
      %dma_start3A_704 = tpu.memref_squeeze %dma_start3A_703 : memref<1x8x128xf32, #tpu.memory_space<vmem>> -> memref<8x128xf32, #tpu.memory_space<vmem>>
      tpu.enqueue_dma source(%dma_start3A_704 : memref<8x128xf32, #tpu.memory_space<vmem>>) target(%dma_start3A_700 : memref<8x128xf32, #tpu.memory_space<hbm>>) target_semaphore(%arg17 : memref<!tpu.dma_semaphore, #tpu.memory_space<semaphore_mem>>)
      %dma_start3A_705 = arith.constant 1 : i32
      %dma_start3A_706 = arith.constant 5 : i32
      %dma_start3A_707 = arith.constant 40 : i32
      %dma_start3A_708 = arith.constant 0 : i32
      %dma_start3A_709 = tpu.memref_slice %arg10[%dma_start3A_705, %dma_start3A_707, %dma_start3A_708] : memref<2x64x129xf32, #tpu.memory_space<vmem>> -> memref<1x8x128xf32, #tpu.memory_space<vmem>>
      %dma_start3A_710 = tpu.memref_squeeze %dma_start3A_709 : memref<1x8x128xf32, #tpu.memory_space<vmem>> -> memref<8x128xf32, #tpu.memory_space<vmem>>
      %dma_start3A_711 = arith.constant 0 : i32
      %dma_start3A_712 = arith.constant 0 : i32
      %dma_start3A_713 = tpu.memref_slice %arg7[%add3A_369, %dma_start3A_706, %add3A, %dma_start3A_711, %dma_start3A_712] : memref<200x8x32x8x128xf32, #tpu.memory_space<hbm>> -> memref<1x1x1x8x128xf32, #tpu.memory_space<hbm>>
      %dma_start3A_714 = tpu.memref_squeeze %dma_start3A_713 : memref<1x1x1x8x128xf32, #tpu.memory_space<hbm>> -> memref<8x128xf32, #tpu.memory_space<hbm>>
      %dma_start3A_715 = arith.constant 0 : i32
      %dma_start3A_716 = arith.constant 0 : i32
      %dma_start3A_717 = tpu.memref_slice %arg7[%add3A_369, %dma_start3A_706, %add3A, %dma_start3A_715, %dma_start3A_716] : memref<200x8x32x8x128xf32, #tpu.memory_space<hbm>> -> memref<1x1x1x8x128xf32, #tpu.memory_space<hbm>>
      %dma_start3A_718 = tpu.memref_squeeze %dma_start3A_717 : memref<1x1x1x8x128xf32, #tpu.memory_space<hbm>> -> memref<8x128xf32, #tpu.memory_space<hbm>>
      %dma_start3A_719 = arith.constant 40 : i32
      %dma_start3A_720 = arith.constant 0 : i32
      %dma_start3A_721 = tpu.memref_slice %arg10[%dma_start3A_705, %dma_start3A_719, %dma_start3A_720] : memref<2x64x129xf32, #tpu.memory_space<vmem>> -> memref<1x8x128xf32, #tpu.memory_space<vmem>>
      %dma_start3A_722 = tpu.memref_squeeze %dma_start3A_721 : memref<1x8x128xf32, #tpu.memory_space<vmem>> -> memref<8x128xf32, #tpu.memory_space<vmem>>
      tpu.enqueue_dma source(%dma_start3A_722 : memref<8x128xf32, #tpu.memory_space<vmem>>) target(%dma_start3A_718 : memref<8x128xf32, #tpu.memory_space<hbm>>) target_semaphore(%arg17 : memref<!tpu.dma_semaphore, #tpu.memory_space<semaphore_mem>>)
      %dma_start3A_723 = arith.constant 1 : i32
      %dma_start3A_724 = arith.constant 6 : i32
      %dma_start3A_725 = arith.constant 48 : i32
      %dma_start3A_726 = arith.constant 0 : i32
      %dma_start3A_727 = tpu.memref_slice %arg10[%dma_start3A_723, %dma_start3A_725, %dma_start3A_726] : memref<2x64x129xf32, #tpu.memory_space<vmem>> -> memref<1x8x128xf32, #tpu.memory_space<vmem>>
      %dma_start3A_728 = tpu.memref_squeeze %dma_start3A_727 : memref<1x8x128xf32, #tpu.memory_space<vmem>> -> memref<8x128xf32, #tpu.memory_space<vmem>>
      %dma_start3A_729 = arith.constant 0 : i32
      %dma_start3A_730 = arith.constant 0 : i32
      %dma_start3A_731 = tpu.memref_slice %arg7[%add3A_369, %dma_start3A_724, %add3A, %dma_start3A_729, %dma_start3A_730] : memref<200x8x32x8x128xf32, #tpu.memory_space<hbm>> -> memref<1x1x1x8x128xf32, #tpu.memory_space<hbm>>
      %dma_start3A_732 = tpu.memref_squeeze %dma_start3A_731 : memref<1x1x1x8x128xf32, #tpu.memory_space<hbm>> -> memref<8x128xf32, #tpu.memory_space<hbm>>
      %dma_start3A_733 = arith.constant 0 : i32
      %dma_start3A_734 = arith.constant 0 : i32
      %dma_start3A_735 = tpu.memref_slice %arg7[%add3A_369, %dma_start3A_724, %add3A, %dma_start3A_733, %dma_start3A_734] : memref<200x8x32x8x128xf32, #tpu.memory_space<hbm>> -> memref<1x1x1x8x128xf32, #tpu.memory_space<hbm>>
      %dma_start3A_736 = tpu.memref_squeeze %dma_start3A_735 : memref<1x1x1x8x128xf32, #tpu.memory_space<hbm>> -> memref<8x128xf32, #tpu.memory_space<hbm>>
      %dma_start3A_737 = arith.constant 48 : i32
      %dma_start3A_738 = arith.constant 0 : i32
      %dma_start3A_739 = tpu.memref_slice %arg10[%dma_start3A_723, %dma_start3A_737, %dma_start3A_738] : memref<2x64x129xf32, #tpu.memory_space<vmem>> -> memref<1x8x128xf32, #tpu.memory_space<vmem>>
      %dma_start3A_740 = tpu.memref_squeeze %dma_start3A_739 : memref<1x8x128xf32, #tpu.memory_space<vmem>> -> memref<8x128xf32, #tpu.memory_space<vmem>>
      tpu.enqueue_dma source(%dma_start3A_740 : memref<8x128xf32, #tpu.memory_space<vmem>>) target(%dma_start3A_736 : memref<8x128xf32, #tpu.memory_space<hbm>>) target_semaphore(%arg17 : memref<!tpu.dma_semaphore, #tpu.memory_space<semaphore_mem>>)
      %dma_start3A_741 = arith.constant 1 : i32
      %dma_start3A_742 = arith.constant 7 : i32
      %dma_start3A_743 = arith.constant 56 : i32
      %dma_start3A_744 = arith.constant 0 : i32
      %dma_start3A_745 = tpu.memref_slice %arg10[%dma_start3A_741, %dma_start3A_743, %dma_start3A_744] : memref<2x64x129xf32, #tpu.memory_space<vmem>> -> memref<1x8x128xf32, #tpu.memory_space<vmem>>
      %dma_start3A_746 = tpu.memref_squeeze %dma_start3A_745 : memref<1x8x128xf32, #tpu.memory_space<vmem>> -> memref<8x128xf32, #tpu.memory_space<vmem>>
      %dma_start3A_747 = arith.constant 0 : i32
      %dma_start3A_748 = arith.constant 0 : i32
      %dma_start3A_749 = tpu.memref_slice %arg7[%add3A_369, %dma_start3A_742, %add3A, %dma_start3A_747, %dma_start3A_748] : memref<200x8x32x8x128xf32, #tpu.memory_space<hbm>> -> memref<1x1x1x8x128xf32, #tpu.memory_space<hbm>>
      %dma_start3A_750 = tpu.memref_squeeze %dma_start3A_749 : memref<1x1x1x8x128xf32, #tpu.memory_space<hbm>> -> memref<8x128xf32, #tpu.memory_space<hbm>>
      %dma_start3A_751 = arith.constant 0 : i32
      %dma_start3A_752 = arith.constant 0 : i32
      %dma_start3A_753 = tpu.memref_slice %arg7[%add3A_369, %dma_start3A_742, %add3A, %dma_start3A_751, %dma_start3A_752] : memref<200x8x32x8x128xf32, #tpu.memory_space<hbm>> -> memref<1x1x1x8x128xf32, #tpu.memory_space<hbm>>
      %dma_start3A_754 = tpu.memref_squeeze %dma_start3A_753 : memref<1x1x1x8x128xf32, #tpu.memory_space<hbm>> -> memref<8x128xf32, #tpu.memory_space<hbm>>
      %dma_start3A_755 = arith.constant 56 : i32
      %dma_start3A_756 = arith.constant 0 : i32
      %dma_start3A_757 = tpu.memref_slice %arg10[%dma_start3A_741, %dma_start3A_755, %dma_start3A_756] : memref<2x64x129xf32, #tpu.memory_space<vmem>> -> memref<1x8x128xf32, #tpu.memory_space<vmem>>
      %dma_start3A_758 = tpu.memref_squeeze %dma_start3A_757 : memref<1x8x128xf32, #tpu.memory_space<vmem>> -> memref<8x128xf32, #tpu.memory_space<vmem>>
      tpu.enqueue_dma source(%dma_start3A_758 : memref<8x128xf32, #tpu.memory_space<vmem>>) target(%dma_start3A_754 : memref<8x128xf32, #tpu.memory_space<hbm>>) target_semaphore(%arg17 : memref<!tpu.dma_semaphore, #tpu.memory_space<semaphore_mem>>)
    }
    %scan3A_61 = arith.constant 100 : i32
    %dma_wait3A = arith.constant 0 : i32
    %dma_wait3A_62 = arith.constant 0 : i32
    %dma_wait3A_63 = arith.constant 0 : i32
    %dma_wait3A_64 = arith.constant 0 : i32
    %dma_wait3A_65 = arith.constant 0 : i32
    %dma_wait3A_66 = tpu.memref_slice %arg10[%dma_wait3A, %dma_wait3A_64, %dma_wait3A_65] : memref<2x64x129xf32, #tpu.memory_space<vmem>> -> memref<1x8x128xf32, #tpu.memory_space<vmem>>
    %dma_wait3A_67 = tpu.memref_squeeze %dma_wait3A_66 : memref<1x8x128xf32, #tpu.memory_space<vmem>> -> memref<8x128xf32, #tpu.memory_space<vmem>>
    %dma_wait3A_68 = arith.constant 0 : i32
    %dma_wait3A_69 = arith.constant 0 : i32
    %dma_wait3A_70 = tpu.memref_slice %arg7[%dma_wait3A_62, %dma_wait3A_63, %add3A, %dma_wait3A_68, %dma_wait3A_69] : memref<200x8x32x8x128xf32, #tpu.memory_space<hbm>> -> memref<1x1x1x8x128xf32, #tpu.memory_space<hbm>>
    %dma_wait3A_71 = tpu.memref_squeeze %dma_wait3A_70 : memref<1x1x1x8x128xf32, #tpu.memory_space<hbm>> -> memref<8x128xf32, #tpu.memory_space<hbm>>
    %dma_wait3A_72 = arith.constant 0 : i32
    %dma_wait3A_73 = arith.constant 0 : i32
    %dma_wait3A_74 = tpu.memref_slice %arg7[%dma_wait3A_62, %dma_wait3A_63, %add3A, %dma_wait3A_72, %dma_wait3A_73] : memref<200x8x32x8x128xf32, #tpu.memory_space<hbm>> -> memref<1x1x1x8x128xf32, #tpu.memory_space<hbm>>
    %dma_wait3A_75 = tpu.memref_squeeze %dma_wait3A_74 : memref<1x1x1x8x128xf32, #tpu.memory_space<hbm>> -> memref<8x128xf32, #tpu.memory_space<hbm>>
    %dma_wait3A_76 = arith.constant 0 : i32
    %dma_wait3A_77 = arith.constant 0 : i32
    %dma_wait3A_78 = tpu.memref_slice %arg10[%dma_wait3A, %dma_wait3A_76, %dma_wait3A_77] : memref<2x64x129xf32, #tpu.memory_space<vmem>> -> memref<1x8x128xf32, #tpu.memory_space<vmem>>
    %dma_wait3A_79 = tpu.memref_squeeze %dma_wait3A_78 : memref<1x8x128xf32, #tpu.memory_space<vmem>> -> memref<8x128xf32, #tpu.memory_space<vmem>>
    tpu.wait_dma2 semaphore(%arg16 : memref<!tpu.dma_semaphore, #tpu.memory_space<semaphore_mem>>) src(%dma_wait3A_79 : memref<8x128xf32, #tpu.memory_space<vmem>>) dst(%dma_wait3A_75 : memref<8x128xf32, #tpu.memory_space<hbm>>)
    %dma_wait3A_80 = arith.constant 0 : i32
    %dma_wait3A_81 = arith.constant 0 : i32
    %dma_wait3A_82 = arith.constant 1 : i32
    %dma_wait3A_83 = arith.constant 8 : i32
    %dma_wait3A_84 = arith.constant 0 : i32
    %dma_wait3A_85 = tpu.memref_slice %arg10[%dma_wait3A_80, %dma_wait3A_83, %dma_wait3A_84] : memref<2x64x129xf32, #tpu.memory_space<vmem>> -> memref<1x8x128xf32, #tpu.memory_space<vmem>>
    %dma_wait3A_86 = tpu.memref_squeeze %dma_wait3A_85 : memref<1x8x128xf32, #tpu.memory_space<vmem>> -> memref<8x128xf32, #tpu.memory_space<vmem>>
    %dma_wait3A_87 = arith.constant 0 : i32
    %dma_wait3A_88 = arith.constant 0 : i32
    %dma_wait3A_89 = tpu.memref_slice %arg7[%dma_wait3A_81, %dma_wait3A_82, %add3A, %dma_wait3A_87, %dma_wait3A_88] : memref<200x8x32x8x128xf32, #tpu.memory_space<hbm>> -> memref<1x1x1x8x128xf32, #tpu.memory_space<hbm>>
    %dma_wait3A_90 = tpu.memref_squeeze %dma_wait3A_89 : memref<1x1x1x8x128xf32, #tpu.memory_space<hbm>> -> memref<8x128xf32, #tpu.memory_space<hbm>>
    %dma_wait3A_91 = arith.constant 0 : i32
    %dma_wait3A_92 = arith.constant 0 : i32
    %dma_wait3A_93 = tpu.memref_slice %arg7[%dma_wait3A_81, %dma_wait3A_82, %add3A, %dma_wait3A_91, %dma_wait3A_92] : memref<200x8x32x8x128xf32, #tpu.memory_space<hbm>> -> memref<1x1x1x8x128xf32, #tpu.memory_space<hbm>>
    %dma_wait3A_94 = tpu.memref_squeeze %dma_wait3A_93 : memref<1x1x1x8x128xf32, #tpu.memory_space<hbm>> -> memref<8x128xf32, #tpu.memory_space<hbm>>
    %dma_wait3A_95 = arith.constant 8 : i32
    %dma_wait3A_96 = arith.constant 0 : i32
    %dma_wait3A_97 = tpu.memref_slice %arg10[%dma_wait3A_80, %dma_wait3A_95, %dma_wait3A_96] : memref<2x64x129xf32, #tpu.memory_space<vmem>> -> memref<1x8x128xf32, #tpu.memory_space<vmem>>
    %dma_wait3A_98 = tpu.memref_squeeze %dma_wait3A_97 : memref<1x8x128xf32, #tpu.memory_space<vmem>> -> memref<8x128xf32, #tpu.memory_space<vmem>>
    tpu.wait_dma2 semaphore(%arg16 : memref<!tpu.dma_semaphore, #tpu.memory_space<semaphore_mem>>) src(%dma_wait3A_98 : memref<8x128xf32, #tpu.memory_space<vmem>>) dst(%dma_wait3A_94 : memref<8x128xf32, #tpu.memory_space<hbm>>)
    %dma_wait3A_99 = arith.constant 0 : i32
    %dma_wait3A_100 = arith.constant 0 : i32
    %dma_wait3A_101 = arith.constant 2 : i32
    %dma_wait3A_102 = arith.constant 16 : i32
    %dma_wait3A_103 = arith.constant 0 : i32
    %dma_wait3A_104 = tpu.memref_slice %arg10[%dma_wait3A_99, %dma_wait3A_102, %dma_wait3A_103] : memref<2x64x129xf32, #tpu.memory_space<vmem>> -> memref<1x8x128xf32, #tpu.memory_space<vmem>>
    %dma_wait3A_105 = tpu.memref_squeeze %dma_wait3A_104 : memref<1x8x128xf32, #tpu.memory_space<vmem>> -> memref<8x128xf32, #tpu.memory_space<vmem>>
    %dma_wait3A_106 = arith.constant 0 : i32
    %dma_wait3A_107 = arith.constant 0 : i32
    %dma_wait3A_108 = tpu.memref_slice %arg7[%dma_wait3A_100, %dma_wait3A_101, %add3A, %dma_wait3A_106, %dma_wait3A_107] : memref<200x8x32x8x128xf32, #tpu.memory_space<hbm>> -> memref<1x1x1x8x128xf32, #tpu.memory_space<hbm>>
    %dma_wait3A_109 = tpu.memref_squeeze %dma_wait3A_108 : memref<1x1x1x8x128xf32, #tpu.memory_space<hbm>> -> memref<8x128xf32, #tpu.memory_space<hbm>>
    %dma_wait3A_110 = arith.constant 0 : i32
    %dma_wait3A_111 = arith.constant 0 : i32
    %dma_wait3A_112 = tpu.memref_slice %arg7[%dma_wait3A_100, %dma_wait3A_101, %add3A, %dma_wait3A_110, %dma_wait3A_111] : memref<200x8x32x8x128xf32, #tpu.memory_space<hbm>> -> memref<1x1x1x8x128xf32, #tpu.memory_space<hbm>>
    %dma_wait3A_113 = tpu.memref_squeeze %dma_wait3A_112 : memref<1x1x1x8x128xf32, #tpu.memory_space<hbm>> -> memref<8x128xf32, #tpu.memory_space<hbm>>
    %dma_wait3A_114 = arith.constant 16 : i32
    %dma_wait3A_115 = arith.constant 0 : i32
    %dma_wait3A_116 = tpu.memref_slice %arg10[%dma_wait3A_99, %dma_wait3A_114, %dma_wait3A_115] : memref<2x64x129xf32, #tpu.memory_space<vmem>> -> memref<1x8x128xf32, #tpu.memory_space<vmem>>
    %dma_wait3A_117 = tpu.memref_squeeze %dma_wait3A_116 : memref<1x8x128xf32, #tpu.memory_space<vmem>> -> memref<8x128xf32, #tpu.memory_space<vmem>>
    tpu.wait_dma2 semaphore(%arg16 : memref<!tpu.dma_semaphore, #tpu.memory_space<semaphore_mem>>) src(%dma_wait3A_117 : memref<8x128xf32, #tpu.memory_space<vmem>>) dst(%dma_wait3A_113 : memref<8x128xf32, #tpu.memory_space<hbm>>)
    %dma_wait3A_118 = arith.constant 0 : i32
    %dma_wait3A_119 = arith.constant 0 : i32
    %dma_wait3A_120 = arith.constant 3 : i32
    %dma_wait3A_121 = arith.constant 24 : i32
    %dma_wait3A_122 = arith.constant 0 : i32
    %dma_wait3A_123 = tpu.memref_slice %arg10[%dma_wait3A_118, %dma_wait3A_121, %dma_wait3A_122] : memref<2x64x129xf32, #tpu.memory_space<vmem>> -> memref<1x8x128xf32, #tpu.memory_space<vmem>>
    %dma_wait3A_124 = tpu.memref_squeeze %dma_wait3A_123 : memref<1x8x128xf32, #tpu.memory_space<vmem>> -> memref<8x128xf32, #tpu.memory_space<vmem>>
    %dma_wait3A_125 = arith.constant 0 : i32
    %dma_wait3A_126 = arith.constant 0 : i32
    %dma_wait3A_127 = tpu.memref_slice %arg7[%dma_wait3A_119, %dma_wait3A_120, %add3A, %dma_wait3A_125, %dma_wait3A_126] : memref<200x8x32x8x128xf32, #tpu.memory_space<hbm>> -> memref<1x1x1x8x128xf32, #tpu.memory_space<hbm>>
    %dma_wait3A_128 = tpu.memref_squeeze %dma_wait3A_127 : memref<1x1x1x8x128xf32, #tpu.memory_space<hbm>> -> memref<8x128xf32, #tpu.memory_space<hbm>>
    %dma_wait3A_129 = arith.constant 0 : i32
    %dma_wait3A_130 = arith.constant 0 : i32
    %dma_wait3A_131 = tpu.memref_slice %arg7[%dma_wait3A_119, %dma_wait3A_120, %add3A, %dma_wait3A_129, %dma_wait3A_130] : memref<200x8x32x8x128xf32, #tpu.memory_space<hbm>> -> memref<1x1x1x8x128xf32, #tpu.memory_space<hbm>>
    %dma_wait3A_132 = tpu.memref_squeeze %dma_wait3A_131 : memref<1x1x1x8x128xf32, #tpu.memory_space<hbm>> -> memref<8x128xf32, #tpu.memory_space<hbm>>
    %dma_wait3A_133 = arith.constant 24 : i32
    %dma_wait3A_134 = arith.constant 0 : i32
    %dma_wait3A_135 = tpu.memref_slice %arg10[%dma_wait3A_118, %dma_wait3A_133, %dma_wait3A_134] : memref<2x64x129xf32, #tpu.memory_space<vmem>> -> memref<1x8x128xf32, #tpu.memory_space<vmem>>
    %dma_wait3A_136 = tpu.memref_squeeze %dma_wait3A_135 : memref<1x8x128xf32, #tpu.memory_space<vmem>> -> memref<8x128xf32, #tpu.memory_space<vmem>>
    tpu.wait_dma2 semaphore(%arg16 : memref<!tpu.dma_semaphore, #tpu.memory_space<semaphore_mem>>) src(%dma_wait3A_136 : memref<8x128xf32, #tpu.memory_space<vmem>>) dst(%dma_wait3A_132 : memref<8x128xf32, #tpu.memory_space<hbm>>)
    %dma_wait3A_137 = arith.constant 0 : i32
    %dma_wait3A_138 = arith.constant 0 : i32
    %dma_wait3A_139 = arith.constant 4 : i32
    %dma_wait3A_140 = arith.constant 32 : i32
    %dma_wait3A_141 = arith.constant 0 : i32
    %dma_wait3A_142 = tpu.memref_slice %arg10[%dma_wait3A_137, %dma_wait3A_140, %dma_wait3A_141] : memref<2x64x129xf32, #tpu.memory_space<vmem>> -> memref<1x8x128xf32, #tpu.memory_space<vmem>>
    %dma_wait3A_143 = tpu.memref_squeeze %dma_wait3A_142 : memref<1x8x128xf32, #tpu.memory_space<vmem>> -> memref<8x128xf32, #tpu.memory_space<vmem>>
    %dma_wait3A_144 = arith.constant 0 : i32
    %dma_wait3A_145 = arith.constant 0 : i32
    %dma_wait3A_146 = tpu.memref_slice %arg7[%dma_wait3A_138, %dma_wait3A_139, %add3A, %dma_wait3A_144, %dma_wait3A_145] : memref<200x8x32x8x128xf32, #tpu.memory_space<hbm>> -> memref<1x1x1x8x128xf32, #tpu.memory_space<hbm>>
    %dma_wait3A_147 = tpu.memref_squeeze %dma_wait3A_146 : memref<1x1x1x8x128xf32, #tpu.memory_space<hbm>> -> memref<8x128xf32, #tpu.memory_space<hbm>>
    %dma_wait3A_148 = arith.constant 0 : i32
    %dma_wait3A_149 = arith.constant 0 : i32
    %dma_wait3A_150 = tpu.memref_slice %arg7[%dma_wait3A_138, %dma_wait3A_139, %add3A, %dma_wait3A_148, %dma_wait3A_149] : memref<200x8x32x8x128xf32, #tpu.memory_space<hbm>> -> memref<1x1x1x8x128xf32, #tpu.memory_space<hbm>>
    %dma_wait3A_151 = tpu.memref_squeeze %dma_wait3A_150 : memref<1x1x1x8x128xf32, #tpu.memory_space<hbm>> -> memref<8x128xf32, #tpu.memory_space<hbm>>
    %dma_wait3A_152 = arith.constant 32 : i32
    %dma_wait3A_153 = arith.constant 0 : i32
    %dma_wait3A_154 = tpu.memref_slice %arg10[%dma_wait3A_137, %dma_wait3A_152, %dma_wait3A_153] : memref<2x64x129xf32, #tpu.memory_space<vmem>> -> memref<1x8x128xf32, #tpu.memory_space<vmem>>
    %dma_wait3A_155 = tpu.memref_squeeze %dma_wait3A_154 : memref<1x8x128xf32, #tpu.memory_space<vmem>> -> memref<8x128xf32, #tpu.memory_space<vmem>>
    tpu.wait_dma2 semaphore(%arg16 : memref<!tpu.dma_semaphore, #tpu.memory_space<semaphore_mem>>) src(%dma_wait3A_155 : memref<8x128xf32, #tpu.memory_space<vmem>>) dst(%dma_wait3A_151 : memref<8x128xf32, #tpu.memory_space<hbm>>)
    %dma_wait3A_156 = arith.constant 0 : i32
    %dma_wait3A_157 = arith.constant 0 : i32
    %dma_wait3A_158 = arith.constant 5 : i32
    %dma_wait3A_159 = arith.constant 40 : i32
    %dma_wait3A_160 = arith.constant 0 : i32
    %dma_wait3A_161 = tpu.memref_slice %arg10[%dma_wait3A_156, %dma_wait3A_159, %dma_wait3A_160] : memref<2x64x129xf32, #tpu.memory_space<vmem>> -> memref<1x8x128xf32, #tpu.memory_space<vmem>>
    %dma_wait3A_162 = tpu.memref_squeeze %dma_wait3A_161 : memref<1x8x128xf32, #tpu.memory_space<vmem>> -> memref<8x128xf32, #tpu.memory_space<vmem>>
    %dma_wait3A_163 = arith.constant 0 : i32
    %dma_wait3A_164 = arith.constant 0 : i32
    %dma_wait3A_165 = tpu.memref_slice %arg7[%dma_wait3A_157, %dma_wait3A_158, %add3A, %dma_wait3A_163, %dma_wait3A_164] : memref<200x8x32x8x128xf32, #tpu.memory_space<hbm>> -> memref<1x1x1x8x128xf32, #tpu.memory_space<hbm>>
    %dma_wait3A_166 = tpu.memref_squeeze %dma_wait3A_165 : memref<1x1x1x8x128xf32, #tpu.memory_space<hbm>> -> memref<8x128xf32, #tpu.memory_space<hbm>>
    %dma_wait3A_167 = arith.constant 0 : i32
    %dma_wait3A_168 = arith.constant 0 : i32
    %dma_wait3A_169 = tpu.memref_slice %arg7[%dma_wait3A_157, %dma_wait3A_158, %add3A, %dma_wait3A_167, %dma_wait3A_168] : memref<200x8x32x8x128xf32, #tpu.memory_space<hbm>> -> memref<1x1x1x8x128xf32, #tpu.memory_space<hbm>>
    %dma_wait3A_170 = tpu.memref_squeeze %dma_wait3A_169 : memref<1x1x1x8x128xf32, #tpu.memory_space<hbm>> -> memref<8x128xf32, #tpu.memory_space<hbm>>
    %dma_wait3A_171 = arith.constant 40 : i32
    %dma_wait3A_172 = arith.constant 0 : i32
    %dma_wait3A_173 = tpu.memref_slice %arg10[%dma_wait3A_156, %dma_wait3A_171, %dma_wait3A_172] : memref<2x64x129xf32, #tpu.memory_space<vmem>> -> memref<1x8x128xf32, #tpu.memory_space<vmem>>
    %dma_wait3A_174 = tpu.memref_squeeze %dma_wait3A_173 : memref<1x8x128xf32, #tpu.memory_space<vmem>> -> memref<8x128xf32, #tpu.memory_space<vmem>>
    tpu.wait_dma2 semaphore(%arg16 : memref<!tpu.dma_semaphore, #tpu.memory_space<semaphore_mem>>) src(%dma_wait3A_174 : memref<8x128xf32, #tpu.memory_space<vmem>>) dst(%dma_wait3A_170 : memref<8x128xf32, #tpu.memory_space<hbm>>)
    %dma_wait3A_175 = arith.constant 0 : i32
    %dma_wait3A_176 = arith.constant 0 : i32
    %dma_wait3A_177 = arith.constant 6 : i32
    %dma_wait3A_178 = arith.constant 48 : i32
    %dma_wait3A_179 = arith.constant 0 : i32
    %dma_wait3A_180 = tpu.memref_slice %arg10[%dma_wait3A_175, %dma_wait3A_178, %dma_wait3A_179] : memref<2x64x129xf32, #tpu.memory_space<vmem>> -> memref<1x8x128xf32, #tpu.memory_space<vmem>>
    %dma_wait3A_181 = tpu.memref_squeeze %dma_wait3A_180 : memref<1x8x128xf32, #tpu.memory_space<vmem>> -> memref<8x128xf32, #tpu.memory_space<vmem>>
    %dma_wait3A_182 = arith.constant 0 : i32
    %dma_wait3A_183 = arith.constant 0 : i32
    %dma_wait3A_184 = tpu.memref_slice %arg7[%dma_wait3A_176, %dma_wait3A_177, %add3A, %dma_wait3A_182, %dma_wait3A_183] : memref<200x8x32x8x128xf32, #tpu.memory_space<hbm>> -> memref<1x1x1x8x128xf32, #tpu.memory_space<hbm>>
    %dma_wait3A_185 = tpu.memref_squeeze %dma_wait3A_184 : memref<1x1x1x8x128xf32, #tpu.memory_space<hbm>> -> memref<8x128xf32, #tpu.memory_space<hbm>>
    %dma_wait3A_186 = arith.constant 0 : i32
    %dma_wait3A_187 = arith.constant 0 : i32
    %dma_wait3A_188 = tpu.memref_slice %arg7[%dma_wait3A_176, %dma_wait3A_177, %add3A, %dma_wait3A_186, %dma_wait3A_187] : memref<200x8x32x8x128xf32, #tpu.memory_space<hbm>> -> memref<1x1x1x8x128xf32, #tpu.memory_space<hbm>>
    %dma_wait3A_189 = tpu.memref_squeeze %dma_wait3A_188 : memref<1x1x1x8x128xf32, #tpu.memory_space<hbm>> -> memref<8x128xf32, #tpu.memory_space<hbm>>
    %dma_wait3A_190 = arith.constant 48 : i32
    %dma_wait3A_191 = arith.constant 0 : i32
    %dma_wait3A_192 = tpu.memref_slice %arg10[%dma_wait3A_175, %dma_wait3A_190, %dma_wait3A_191] : memref<2x64x129xf32, #tpu.memory_space<vmem>> -> memref<1x8x128xf32, #tpu.memory_space<vmem>>
    %dma_wait3A_193 = tpu.memref_squeeze %dma_wait3A_192 : memref<1x8x128xf32, #tpu.memory_space<vmem>> -> memref<8x128xf32, #tpu.memory_space<vmem>>
    tpu.wait_dma2 semaphore(%arg16 : memref<!tpu.dma_semaphore, #tpu.memory_space<semaphore_mem>>) src(%dma_wait3A_193 : memref<8x128xf32, #tpu.memory_space<vmem>>) dst(%dma_wait3A_189 : memref<8x128xf32, #tpu.memory_space<hbm>>)
    %dma_wait3A_194 = arith.constant 0 : i32
    %dma_wait3A_195 = arith.constant 0 : i32
    %dma_wait3A_196 = arith.constant 7 : i32
    %dma_wait3A_197 = arith.constant 56 : i32
    %dma_wait3A_198 = arith.constant 0 : i32
    %dma_wait3A_199 = tpu.memref_slice %arg10[%dma_wait3A_194, %dma_wait3A_197, %dma_wait3A_198] : memref<2x64x129xf32, #tpu.memory_space<vmem>> -> memref<1x8x128xf32, #tpu.memory_space<vmem>>
    %dma_wait3A_200 = tpu.memref_squeeze %dma_wait3A_199 : memref<1x8x128xf32, #tpu.memory_space<vmem>> -> memref<8x128xf32, #tpu.memory_space<vmem>>
    %dma_wait3A_201 = arith.constant 0 : i32
    %dma_wait3A_202 = arith.constant 0 : i32
    %dma_wait3A_203 = tpu.memref_slice %arg7[%dma_wait3A_195, %dma_wait3A_196, %add3A, %dma_wait3A_201, %dma_wait3A_202] : memref<200x8x32x8x128xf32, #tpu.memory_space<hbm>> -> memref<1x1x1x8x128xf32, #tpu.memory_space<hbm>>
    %dma_wait3A_204 = tpu.memref_squeeze %dma_wait3A_203 : memref<1x1x1x8x128xf32, #tpu.memory_space<hbm>> -> memref<8x128xf32, #tpu.memory_space<hbm>>
    %dma_wait3A_205 = arith.constant 0 : i32
    %dma_wait3A_206 = arith.constant 0 : i32
    %dma_wait3A_207 = tpu.memref_slice %arg7[%dma_wait3A_195, %dma_wait3A_196, %add3A, %dma_wait3A_205, %dma_wait3A_206] : memref<200x8x32x8x128xf32, #tpu.memory_space<hbm>> -> memref<1x1x1x8x128xf32, #tpu.memory_space<hbm>>
    %dma_wait3A_208 = tpu.memref_squeeze %dma_wait3A_207 : memref<1x1x1x8x128xf32, #tpu.memory_space<hbm>> -> memref<8x128xf32, #tpu.memory_space<hbm>>
    %dma_wait3A_209 = arith.constant 56 : i32
    %dma_wait3A_210 = arith.constant 0 : i32
    %dma_wait3A_211 = tpu.memref_slice %arg10[%dma_wait3A_194, %dma_wait3A_209, %dma_wait3A_210] : memref<2x64x129xf32, #tpu.memory_space<vmem>> -> memref<1x8x128xf32, #tpu.memory_space<vmem>>
    %dma_wait3A_212 = tpu.memref_squeeze %dma_wait3A_211 : memref<1x8x128xf32, #tpu.memory_space<vmem>> -> memref<8x128xf32, #tpu.memory_space<vmem>>
    tpu.wait_dma2 semaphore(%arg16 : memref<!tpu.dma_semaphore, #tpu.memory_space<semaphore_mem>>) src(%dma_wait3A_212 : memref<8x128xf32, #tpu.memory_space<vmem>>) dst(%dma_wait3A_208 : memref<8x128xf32, #tpu.memory_space<hbm>>)
    %dma_wait3A_213 = arith.constant 1 : i32
    %dma_wait3A_214 = arith.constant 0 : i32
    %dma_wait3A_215 = arith.constant 0 : i32
    %dma_wait3A_216 = arith.constant 0 : i32
    %dma_wait3A_217 = arith.constant 0 : i32
    %dma_wait3A_218 = tpu.memref_slice %arg10[%dma_wait3A_213, %dma_wait3A_216, %dma_wait3A_217] : memref<2x64x129xf32, #tpu.memory_space<vmem>> -> memref<1x8x128xf32, #tpu.memory_space<vmem>>
    %dma_wait3A_219 = tpu.memref_squeeze %dma_wait3A_218 : memref<1x8x128xf32, #tpu.memory_space<vmem>> -> memref<8x128xf32, #tpu.memory_space<vmem>>
    %dma_wait3A_220 = arith.constant 0 : i32
    %dma_wait3A_221 = arith.constant 0 : i32
    %dma_wait3A_222 = tpu.memref_slice %arg7[%dma_wait3A_214, %dma_wait3A_215, %add3A, %dma_wait3A_220, %dma_wait3A_221] : memref<200x8x32x8x128xf32, #tpu.memory_space<hbm>> -> memref<1x1x1x8x128xf32, #tpu.memory_space<hbm>>
    %dma_wait3A_223 = tpu.memref_squeeze %dma_wait3A_222 : memref<1x1x1x8x128xf32, #tpu.memory_space<hbm>> -> memref<8x128xf32, #tpu.memory_space<hbm>>
    %dma_wait3A_224 = arith.constant 0 : i32
    %dma_wait3A_225 = arith.constant 0 : i32
    %dma_wait3A_226 = tpu.memref_slice %arg7[%dma_wait3A_214, %dma_wait3A_215, %add3A, %dma_wait3A_224, %dma_wait3A_225] : memref<200x8x32x8x128xf32, #tpu.memory_space<hbm>> -> memref<1x1x1x8x128xf32, #tpu.memory_space<hbm>>
    %dma_wait3A_227 = tpu.memref_squeeze %dma_wait3A_226 : memref<1x1x1x8x128xf32, #tpu.memory_space<hbm>> -> memref<8x128xf32, #tpu.memory_space<hbm>>
    %dma_wait3A_228 = arith.constant 0 : i32
    %dma_wait3A_229 = arith.constant 0 : i32
    %dma_wait3A_230 = tpu.memref_slice %arg10[%dma_wait3A_213, %dma_wait3A_228, %dma_wait3A_229] : memref<2x64x129xf32, #tpu.memory_space<vmem>> -> memref<1x8x128xf32, #tpu.memory_space<vmem>>
    %dma_wait3A_231 = tpu.memref_squeeze %dma_wait3A_230 : memref<1x8x128xf32, #tpu.memory_space<vmem>> -> memref<8x128xf32, #tpu.memory_space<vmem>>
    tpu.wait_dma2 semaphore(%arg17 : memref<!tpu.dma_semaphore, #tpu.memory_space<semaphore_mem>>) src(%dma_wait3A_231 : memref<8x128xf32, #tpu.memory_space<vmem>>) dst(%dma_wait3A_227 : memref<8x128xf32, #tpu.memory_space<hbm>>)
    %dma_wait3A_232 = arith.constant 1 : i32
    %dma_wait3A_233 = arith.constant 0 : i32
    %dma_wait3A_234 = arith.constant 1 : i32
    %dma_wait3A_235 = arith.constant 8 : i32
    %dma_wait3A_236 = arith.constant 0 : i32
    %dma_wait3A_237 = tpu.memref_slice %arg10[%dma_wait3A_232, %dma_wait3A_235, %dma_wait3A_236] : memref<2x64x129xf32, #tpu.memory_space<vmem>> -> memref<1x8x128xf32, #tpu.memory_space<vmem>>
    %dma_wait3A_238 = tpu.memref_squeeze %dma_wait3A_237 : memref<1x8x128xf32, #tpu.memory_space<vmem>> -> memref<8x128xf32, #tpu.memory_space<vmem>>
    %dma_wait3A_239 = arith.constant 0 : i32
    %dma_wait3A_240 = arith.constant 0 : i32
    %dma_wait3A_241 = tpu.memref_slice %arg7[%dma_wait3A_233, %dma_wait3A_234, %add3A, %dma_wait3A_239, %dma_wait3A_240] : memref<200x8x32x8x128xf32, #tpu.memory_space<hbm>> -> memref<1x1x1x8x128xf32, #tpu.memory_space<hbm>>
    %dma_wait3A_242 = tpu.memref_squeeze %dma_wait3A_241 : memref<1x1x1x8x128xf32, #tpu.memory_space<hbm>> -> memref<8x128xf32, #tpu.memory_space<hbm>>
    %dma_wait3A_243 = arith.constant 0 : i32
    %dma_wait3A_244 = arith.constant 0 : i32
    %dma_wait3A_245 = tpu.memref_slice %arg7[%dma_wait3A_233, %dma_wait3A_234, %add3A, %dma_wait3A_243, %dma_wait3A_244] : memref<200x8x32x8x128xf32, #tpu.memory_space<hbm>> -> memref<1x1x1x8x128xf32, #tpu.memory_space<hbm>>
    %dma_wait3A_246 = tpu.memref_squeeze %dma_wait3A_245 : memref<1x1x1x8x128xf32, #tpu.memory_space<hbm>> -> memref<8x128xf32, #tpu.memory_space<hbm>>
    %dma_wait3A_247 = arith.constant 8 : i32
    %dma_wait3A_248 = arith.constant 0 : i32
    %dma_wait3A_249 = tpu.memref_slice %arg10[%dma_wait3A_232, %dma_wait3A_247, %dma_wait3A_248] : memref<2x64x129xf32, #tpu.memory_space<vmem>> -> memref<1x8x128xf32, #tpu.memory_space<vmem>>
    %dma_wait3A_250 = tpu.memref_squeeze %dma_wait3A_249 : memref<1x8x128xf32, #tpu.memory_space<vmem>> -> memref<8x128xf32, #tpu.memory_space<vmem>>
    tpu.wait_dma2 semaphore(%arg17 : memref<!tpu.dma_semaphore, #tpu.memory_space<semaphore_mem>>) src(%dma_wait3A_250 : memref<8x128xf32, #tpu.memory_space<vmem>>) dst(%dma_wait3A_246 : memref<8x128xf32, #tpu.memory_space<hbm>>)
    %dma_wait3A_251 = arith.constant 1 : i32
    %dma_wait3A_252 = arith.constant 0 : i32
    %dma_wait3A_253 = arith.constant 2 : i32
    %dma_wait3A_254 = arith.constant 16 : i32
    %dma_wait3A_255 = arith.constant 0 : i32
    %dma_wait3A_256 = tpu.memref_slice %arg10[%dma_wait3A_251, %dma_wait3A_254, %dma_wait3A_255] : memref<2x64x129xf32, #tpu.memory_space<vmem>> -> memref<1x8x128xf32, #tpu.memory_space<vmem>>
    %dma_wait3A_257 = tpu.memref_squeeze %dma_wait3A_256 : memref<1x8x128xf32, #tpu.memory_space<vmem>> -> memref<8x128xf32, #tpu.memory_space<vmem>>
    %dma_wait3A_258 = arith.constant 0 : i32
    %dma_wait3A_259 = arith.constant 0 : i32
    %dma_wait3A_260 = tpu.memref_slice %arg7[%dma_wait3A_252, %dma_wait3A_253, %add3A, %dma_wait3A_258, %dma_wait3A_259] : memref<200x8x32x8x128xf32, #tpu.memory_space<hbm>> -> memref<1x1x1x8x128xf32, #tpu.memory_space<hbm>>
    %dma_wait3A_261 = tpu.memref_squeeze %dma_wait3A_260 : memref<1x1x1x8x128xf32, #tpu.memory_space<hbm>> -> memref<8x128xf32, #tpu.memory_space<hbm>>
    %dma_wait3A_262 = arith.constant 0 : i32
    %dma_wait3A_263 = arith.constant 0 : i32
    %dma_wait3A_264 = tpu.memref_slice %arg7[%dma_wait3A_252, %dma_wait3A_253, %add3A, %dma_wait3A_262, %dma_wait3A_263] : memref<200x8x32x8x128xf32, #tpu.memory_space<hbm>> -> memref<1x1x1x8x128xf32, #tpu.memory_space<hbm>>
    %dma_wait3A_265 = tpu.memref_squeeze %dma_wait3A_264 : memref<1x1x1x8x128xf32, #tpu.memory_space<hbm>> -> memref<8x128xf32, #tpu.memory_space<hbm>>
    %dma_wait3A_266 = arith.constant 16 : i32
    %dma_wait3A_267 = arith.constant 0 : i32
    %dma_wait3A_268 = tpu.memref_slice %arg10[%dma_wait3A_251, %dma_wait3A_266, %dma_wait3A_267] : memref<2x64x129xf32, #tpu.memory_space<vmem>> -> memref<1x8x128xf32, #tpu.memory_space<vmem>>
    %dma_wait3A_269 = tpu.memref_squeeze %dma_wait3A_268 : memref<1x8x128xf32, #tpu.memory_space<vmem>> -> memref<8x128xf32, #tpu.memory_space<vmem>>
    tpu.wait_dma2 semaphore(%arg17 : memref<!tpu.dma_semaphore, #tpu.memory_space<semaphore_mem>>) src(%dma_wait3A_269 : memref<8x128xf32, #tpu.memory_space<vmem>>) dst(%dma_wait3A_265 : memref<8x128xf32, #tpu.memory_space<hbm>>)
    %dma_wait3A_270 = arith.constant 1 : i32
    %dma_wait3A_271 = arith.constant 0 : i32
    %dma_wait3A_272 = arith.constant 3 : i32
    %dma_wait3A_273 = arith.constant 24 : i32
    %dma_wait3A_274 = arith.constant 0 : i32
    %dma_wait3A_275 = tpu.memref_slice %arg10[%dma_wait3A_270, %dma_wait3A_273, %dma_wait3A_274] : memref<2x64x129xf32, #tpu.memory_space<vmem>> -> memref<1x8x128xf32, #tpu.memory_space<vmem>>
    %dma_wait3A_276 = tpu.memref_squeeze %dma_wait3A_275 : memref<1x8x128xf32, #tpu.memory_space<vmem>> -> memref<8x128xf32, #tpu.memory_space<vmem>>
    %dma_wait3A_277 = arith.constant 0 : i32
    %dma_wait3A_278 = arith.constant 0 : i32
    %dma_wait3A_279 = tpu.memref_slice %arg7[%dma_wait3A_271, %dma_wait3A_272, %add3A, %dma_wait3A_277, %dma_wait3A_278] : memref<200x8x32x8x128xf32, #tpu.memory_space<hbm>> -> memref<1x1x1x8x128xf32, #tpu.memory_space<hbm>>
    %dma_wait3A_280 = tpu.memref_squeeze %dma_wait3A_279 : memref<1x1x1x8x128xf32, #tpu.memory_space<hbm>> -> memref<8x128xf32, #tpu.memory_space<hbm>>
    %dma_wait3A_281 = arith.constant 0 : i32
    %dma_wait3A_282 = arith.constant 0 : i32
    %dma_wait3A_283 = tpu.memref_slice %arg7[%dma_wait3A_271, %dma_wait3A_272, %add3A, %dma_wait3A_281, %dma_wait3A_282] : memref<200x8x32x8x128xf32, #tpu.memory_space<hbm>> -> memref<1x1x1x8x128xf32, #tpu.memory_space<hbm>>
    %dma_wait3A_284 = tpu.memref_squeeze %dma_wait3A_283 : memref<1x1x1x8x128xf32, #tpu.memory_space<hbm>> -> memref<8x128xf32, #tpu.memory_space<hbm>>
    %dma_wait3A_285 = arith.constant 24 : i32
    %dma_wait3A_286 = arith.constant 0 : i32
    %dma_wait3A_287 = tpu.memref_slice %arg10[%dma_wait3A_270, %dma_wait3A_285, %dma_wait3A_286] : memref<2x64x129xf32, #tpu.memory_space<vmem>> -> memref<1x8x128xf32, #tpu.memory_space<vmem>>
    %dma_wait3A_288 = tpu.memref_squeeze %dma_wait3A_287 : memref<1x8x128xf32, #tpu.memory_space<vmem>> -> memref<8x128xf32, #tpu.memory_space<vmem>>
    tpu.wait_dma2 semaphore(%arg17 : memref<!tpu.dma_semaphore, #tpu.memory_space<semaphore_mem>>) src(%dma_wait3A_288 : memref<8x128xf32, #tpu.memory_space<vmem>>) dst(%dma_wait3A_284 : memref<8x128xf32, #tpu.memory_space<hbm>>)
    %dma_wait3A_289 = arith.constant 1 : i32
    %dma_wait3A_290 = arith.constant 0 : i32
    %dma_wait3A_291 = arith.constant 4 : i32
    %dma_wait3A_292 = arith.constant 32 : i32
    %dma_wait3A_293 = arith.constant 0 : i32
    %dma_wait3A_294 = tpu.memref_slice %arg10[%dma_wait3A_289, %dma_wait3A_292, %dma_wait3A_293] : memref<2x64x129xf32, #tpu.memory_space<vmem>> -> memref<1x8x128xf32, #tpu.memory_space<vmem>>
    %dma_wait3A_295 = tpu.memref_squeeze %dma_wait3A_294 : memref<1x8x128xf32, #tpu.memory_space<vmem>> -> memref<8x128xf32, #tpu.memory_space<vmem>>
    %dma_wait3A_296 = arith.constant 0 : i32
    %dma_wait3A_297 = arith.constant 0 : i32
    %dma_wait3A_298 = tpu.memref_slice %arg7[%dma_wait3A_290, %dma_wait3A_291, %add3A, %dma_wait3A_296, %dma_wait3A_297] : memref<200x8x32x8x128xf32, #tpu.memory_space<hbm>> -> memref<1x1x1x8x128xf32, #tpu.memory_space<hbm>>
    %dma_wait3A_299 = tpu.memref_squeeze %dma_wait3A_298 : memref<1x1x1x8x128xf32, #tpu.memory_space<hbm>> -> memref<8x128xf32, #tpu.memory_space<hbm>>
    %dma_wait3A_300 = arith.constant 0 : i32
    %dma_wait3A_301 = arith.constant 0 : i32
    %dma_wait3A_302 = tpu.memref_slice %arg7[%dma_wait3A_290, %dma_wait3A_291, %add3A, %dma_wait3A_300, %dma_wait3A_301] : memref<200x8x32x8x128xf32, #tpu.memory_space<hbm>> -> memref<1x1x1x8x128xf32, #tpu.memory_space<hbm>>
    %dma_wait3A_303 = tpu.memref_squeeze %dma_wait3A_302 : memref<1x1x1x8x128xf32, #tpu.memory_space<hbm>> -> memref<8x128xf32, #tpu.memory_space<hbm>>
    %dma_wait3A_304 = arith.constant 32 : i32
    %dma_wait3A_305 = arith.constant 0 : i32
    %dma_wait3A_306 = tpu.memref_slice %arg10[%dma_wait3A_289, %dma_wait3A_304, %dma_wait3A_305] : memref<2x64x129xf32, #tpu.memory_space<vmem>> -> memref<1x8x128xf32, #tpu.memory_space<vmem>>
    %dma_wait3A_307 = tpu.memref_squeeze %dma_wait3A_306 : memref<1x8x128xf32, #tpu.memory_space<vmem>> -> memref<8x128xf32, #tpu.memory_space<vmem>>
    tpu.wait_dma2 semaphore(%arg17 : memref<!tpu.dma_semaphore, #tpu.memory_space<semaphore_mem>>) src(%dma_wait3A_307 : memref<8x128xf32, #tpu.memory_space<vmem>>) dst(%dma_wait3A_303 : memref<8x128xf32, #tpu.memory_space<hbm>>)
    %dma_wait3A_308 = arith.constant 1 : i32
    %dma_wait3A_309 = arith.constant 0 : i32
    %dma_wait3A_310 = arith.constant 5 : i32
    %dma_wait3A_311 = arith.constant 40 : i32
    %dma_wait3A_312 = arith.constant 0 : i32
    %dma_wait3A_313 = tpu.memref_slice %arg10[%dma_wait3A_308, %dma_wait3A_311, %dma_wait3A_312] : memref<2x64x129xf32, #tpu.memory_space<vmem>> -> memref<1x8x128xf32, #tpu.memory_space<vmem>>
    %dma_wait3A_314 = tpu.memref_squeeze %dma_wait3A_313 : memref<1x8x128xf32, #tpu.memory_space<vmem>> -> memref<8x128xf32, #tpu.memory_space<vmem>>
    %dma_wait3A_315 = arith.constant 0 : i32
    %dma_wait3A_316 = arith.constant 0 : i32
    %dma_wait3A_317 = tpu.memref_slice %arg7[%dma_wait3A_309, %dma_wait3A_310, %add3A, %dma_wait3A_315, %dma_wait3A_316] : memref<200x8x32x8x128xf32, #tpu.memory_space<hbm>> -> memref<1x1x1x8x128xf32, #tpu.memory_space<hbm>>
    %dma_wait3A_318 = tpu.memref_squeeze %dma_wait3A_317 : memref<1x1x1x8x128xf32, #tpu.memory_space<hbm>> -> memref<8x128xf32, #tpu.memory_space<hbm>>
    %dma_wait3A_319 = arith.constant 0 : i32
    %dma_wait3A_320 = arith.constant 0 : i32
    %dma_wait3A_321 = tpu.memref_slice %arg7[%dma_wait3A_309, %dma_wait3A_310, %add3A, %dma_wait3A_319, %dma_wait3A_320] : memref<200x8x32x8x128xf32, #tpu.memory_space<hbm>> -> memref<1x1x1x8x128xf32, #tpu.memory_space<hbm>>
    %dma_wait3A_322 = tpu.memref_squeeze %dma_wait3A_321 : memref<1x1x1x8x128xf32, #tpu.memory_space<hbm>> -> memref<8x128xf32, #tpu.memory_space<hbm>>
    %dma_wait3A_323 = arith.constant 40 : i32
    %dma_wait3A_324 = arith.constant 0 : i32
    %dma_wait3A_325 = tpu.memref_slice %arg10[%dma_wait3A_308, %dma_wait3A_323, %dma_wait3A_324] : memref<2x64x129xf32, #tpu.memory_space<vmem>> -> memref<1x8x128xf32, #tpu.memory_space<vmem>>
    %dma_wait3A_326 = tpu.memref_squeeze %dma_wait3A_325 : memref<1x8x128xf32, #tpu.memory_space<vmem>> -> memref<8x128xf32, #tpu.memory_space<vmem>>
    tpu.wait_dma2 semaphore(%arg17 : memref<!tpu.dma_semaphore, #tpu.memory_space<semaphore_mem>>) src(%dma_wait3A_326 : memref<8x128xf32, #tpu.memory_space<vmem>>) dst(%dma_wait3A_322 : memref<8x128xf32, #tpu.memory_space<hbm>>)
    %dma_wait3A_327 = arith.constant 1 : i32
    %dma_wait3A_328 = arith.constant 0 : i32
    %dma_wait3A_329 = arith.constant 6 : i32
    %dma_wait3A_330 = arith.constant 48 : i32
    %dma_wait3A_331 = arith.constant 0 : i32
    %dma_wait3A_332 = tpu.memref_slice %arg10[%dma_wait3A_327, %dma_wait3A_330, %dma_wait3A_331] : memref<2x64x129xf32, #tpu.memory_space<vmem>> -> memref<1x8x128xf32, #tpu.memory_space<vmem>>
    %dma_wait3A_333 = tpu.memref_squeeze %dma_wait3A_332 : memref<1x8x128xf32, #tpu.memory_space<vmem>> -> memref<8x128xf32, #tpu.memory_space<vmem>>
    %dma_wait3A_334 = arith.constant 0 : i32
    %dma_wait3A_335 = arith.constant 0 : i32
    %dma_wait3A_336 = tpu.memref_slice %arg7[%dma_wait3A_328, %dma_wait3A_329, %add3A, %dma_wait3A_334, %dma_wait3A_335] : memref<200x8x32x8x128xf32, #tpu.memory_space<hbm>> -> memref<1x1x1x8x128xf32, #tpu.memory_space<hbm>>
    %dma_wait3A_337 = tpu.memref_squeeze %dma_wait3A_336 : memref<1x1x1x8x128xf32, #tpu.memory_space<hbm>> -> memref<8x128xf32, #tpu.memory_space<hbm>>
    %dma_wait3A_338 = arith.constant 0 : i32
    %dma_wait3A_339 = arith.constant 0 : i32
    %dma_wait3A_340 = tpu.memref_slice %arg7[%dma_wait3A_328, %dma_wait3A_329, %add3A, %dma_wait3A_338, %dma_wait3A_339] : memref<200x8x32x8x128xf32, #tpu.memory_space<hbm>> -> memref<1x1x1x8x128xf32, #tpu.memory_space<hbm>>
    %dma_wait3A_341 = tpu.memref_squeeze %dma_wait3A_340 : memref<1x1x1x8x128xf32, #tpu.memory_space<hbm>> -> memref<8x128xf32, #tpu.memory_space<hbm>>
    %dma_wait3A_342 = arith.constant 48 : i32
    %dma_wait3A_343 = arith.constant 0 : i32
    %dma_wait3A_344 = tpu.memref_slice %arg10[%dma_wait3A_327, %dma_wait3A_342, %dma_wait3A_343] : memref<2x64x129xf32, #tpu.memory_space<vmem>> -> memref<1x8x128xf32, #tpu.memory_space<vmem>>
    %dma_wait3A_345 = tpu.memref_squeeze %dma_wait3A_344 : memref<1x8x128xf32, #tpu.memory_space<vmem>> -> memref<8x128xf32, #tpu.memory_space<vmem>>
    tpu.wait_dma2 semaphore(%arg17 : memref<!tpu.dma_semaphore, #tpu.memory_space<semaphore_mem>>) src(%dma_wait3A_345 : memref<8x128xf32, #tpu.memory_space<vmem>>) dst(%dma_wait3A_341 : memref<8x128xf32, #tpu.memory_space<hbm>>)
    %dma_wait3A_346 = arith.constant 1 : i32
    %dma_wait3A_347 = arith.constant 0 : i32
    %dma_wait3A_348 = arith.constant 7 : i32
    %dma_wait3A_349 = arith.constant 56 : i32
    %dma_wait3A_350 = arith.constant 0 : i32
    %dma_wait3A_351 = tpu.memref_slice %arg10[%dma_wait3A_346, %dma_wait3A_349, %dma_wait3A_350] : memref<2x64x129xf32, #tpu.memory_space<vmem>> -> memref<1x8x128xf32, #tpu.memory_space<vmem>>
    %dma_wait3A_352 = tpu.memref_squeeze %dma_wait3A_351 : memref<1x8x128xf32, #tpu.memory_space<vmem>> -> memref<8x128xf32, #tpu.memory_space<vmem>>
    %dma_wait3A_353 = arith.constant 0 : i32
    %dma_wait3A_354 = arith.constant 0 : i32
    %dma_wait3A_355 = tpu.memref_slice %arg7[%dma_wait3A_347, %dma_wait3A_348, %add3A, %dma_wait3A_353, %dma_wait3A_354] : memref<200x8x32x8x128xf32, #tpu.memory_space<hbm>> -> memref<1x1x1x8x128xf32, #tpu.memory_space<hbm>>
    %dma_wait3A_356 = tpu.memref_squeeze %dma_wait3A_355 : memref<1x1x1x8x128xf32, #tpu.memory_space<hbm>> -> memref<8x128xf32, #tpu.memory_space<hbm>>
    %dma_wait3A_357 = arith.constant 0 : i32
    %dma_wait3A_358 = arith.constant 0 : i32
    %dma_wait3A_359 = tpu.memref_slice %arg7[%dma_wait3A_347, %dma_wait3A_348, %add3A, %dma_wait3A_357, %dma_wait3A_358] : memref<200x8x32x8x128xf32, #tpu.memory_space<hbm>> -> memref<1x1x1x8x128xf32, #tpu.memory_space<hbm>>
    %dma_wait3A_360 = tpu.memref_squeeze %dma_wait3A_359 : memref<1x1x1x8x128xf32, #tpu.memory_space<hbm>> -> memref<8x128xf32, #tpu.memory_space<hbm>>
    %dma_wait3A_361 = arith.constant 56 : i32
    %dma_wait3A_362 = arith.constant 0 : i32
    %dma_wait3A_363 = tpu.memref_slice %arg10[%dma_wait3A_346, %dma_wait3A_361, %dma_wait3A_362] : memref<2x64x129xf32, #tpu.memory_space<vmem>> -> memref<1x8x128xf32, #tpu.memory_space<vmem>>
    %dma_wait3A_364 = tpu.memref_squeeze %dma_wait3A_363 : memref<1x8x128xf32, #tpu.memory_space<vmem>> -> memref<8x128xf32, #tpu.memory_space<vmem>>
    tpu.wait_dma2 semaphore(%arg17 : memref<!tpu.dma_semaphore, #tpu.memory_space<semaphore_mem>>) src(%dma_wait3A_364 : memref<8x128xf32, #tpu.memory_space<vmem>>) dst(%dma_wait3A_360 : memref<8x128xf32, #tpu.memory_space<hbm>>)
    return
  }
}

</mosaic_0001>

<sc_bundles>
// kernel: kernel.3.cloned.1.call-start
scs
__scs_entry_jumppad:
0x0: {  	(pc) =	sbr.rel $0x88, $3  }
0x1: {  	(tag) =	ssettag $0x0;
	lr =	simm.s32 $0x1  }
0x2: {  	[smem:$0x3F9B] =	sst lr;
	_ =	strace $0xD0000000  }
0x3: {  	_ = 	snop  }
0x4: {  	_ = 	snop  }
0x5: {  	_ = 	snop  }
0x6: {  	_ = 	snop  }
0x7: {  	_ = 	snop  }
__scs_overlays_trampoline_lowered:
0x8: {  	[smem:$0x3FAA] =	sst s0  }
0x9: {  	[smem:$0x3FAB] =	sst s1  }
0xa: {  	[smem:$0x3FAC] =	sst s2  }
0xb: {  	[smem:$0x3FAD] =	sst s3  }
0xc: {  	[smem:$0x3FAE] =	sst s4  }
0xd: {  	[smem:$0x3FAF] =	sst s5  }
0xe: {  	[smem:$0x3FB0] =	sst s6  }
0xf: {  	[smem:$0x3FB1] =	sst s7  }
0x10: {  	[smem:$0x3FB2] =	sst s8  }
0x11: {  	[smem:$0x3FB3] =	sst s9;
	s0 =	simm.s32 @!p0 $0x0  }
0x12: {  	s1 =	sld [smem:$0x3F99];
	s0 =	simm.s32 @p0 $0x1  }
0x13: {  	[smem:$0x3FB4] =	sst s0;
	s0 =	simm.s32 @!p1 $0x0  }
0x14: {  	s2 =	sld [smem:$0x3F98];
	s0 =	simm.s32 @p1 $0x1  }
0x15: {  	[smem:$0x3FB5] =	sst s0;
	s0 =	simm.s32 @!p2 $0x0  }
0x16: {  	s3 =	sld [smem:$0x3FDB];
	s0 =	simm.s32 @p2 $0x1  }
0x17: {  	s4 =	simm.s32 $0x1BF5;
	[smem:$0x3FB7] =	sst s0  }
0x18: {  	s0 =	sld [smem:$0x3F9A];
	_ =	swait.ge [sflag:s4], $0x0  }
0x19: {  	s7 =	sld [smem:$0x3F9B]  }
0x1a: {  	s8 =	sadd.s32 $0xFFFFE003, lr  }
0x1b: {  	s9 =	sadd.s32 $0xFFFFFEF7, lr;
	s5 =	simm.s32 $0xFFFFFFFF;
	p2 =	slt.u32 s8, $0xFFFFF086  }
0x1c: {  	p1 =	slt.u32 s9, $0xF7A;
	s5 =	simm.s32 @!p2 $0x0  }
0x1d: {  	s5 =	simm.s32 @p1 $0x1;
	p0 =	seq.s32 s7, s2  }
0x1e: {  	s7 =	smul.u32 @!p0 $0xF7A, s2;
	p2 =	seq.s32 @!p0 s5, $0x0  }
0x1f: {  	s9 =	smul.u32 $0xF7A, s1;
	s8 =	simm.s32 @!p0 $0x1BF5;
	p2 =	por !p2, p0  }
0x20: {  	[sflag:s8] =	ssyncset.s32 @!p0 $0xFFFFF086;
	s6 =	sadd.s32 @!p0 s3, s7;
	s7 =	simm.s32 @!p0 $0x108  }
0x21: {  	s3 =	sadd.s32 s3, s9;
	s6 =	sadd.s32 @!p0 $0x88, s6;
	s7 =	simm.s32 @p2 $0x1082  }
0x22: {  	[simem:s7], [sflag:s8] =	dma.local @!p0 [hbm:s6], $0xF7A  }
0x23: {  	s9 =	sor.u32 $0xD0000000, s2;
	s6 =	simm.s32 $0x108;
	_ =	swait.ge @!p0 [sflag:s8], $0x0  }
0x24: {  	s3 =	sadd.s32 $0x88, s3;
	s6 =	simm.s32 @!p1 $0x1082;
	[sflag:s4] =	ssyncset.s32 $0xFFFFF086  }
0x25: {  	[simem:s6], [sflag:s4] =	dma.local [hbm:s3], $0xF7A  }
0x26: {  	[smem:$0x3F9B] =	sst s1;
	(tag) =	ssettag s2;
	_ =	strace s9  }
0x27: {  	s1 =	sld [smem:$0x3FAB]  }
0x28: {  	s2 =	sld [smem:$0x3FAC]  }
0x29: {  	s4 =	sld [smem:$0x3FAE]  }
0x2a: {  	p0 =	seq.s32 s5, $0x0;
	s5 =	sld [smem:$0x3FAF]  }
0x2b: {  	s6 =	sld [smem:$0x3FB0]  }
0x2c: {  	s7 =	sld [smem:$0x3FB1]  }
0x2d: {  	s3 =	simm.s32 $0x108;
	s8 =	sld [smem:$0x3FB2]  }
0x2e: {  	s3 =	simm.s32 @!p0 $0x1082;
	s9 =	sld [smem:$0x3FB3]  }
0x2f: {  	lr =	sadd.s32 s0, s3;
	s0 =	sld [smem:$0x3FAA]  }
0x30: {  	s3 =	sld [smem:$0x3FAD]  }
0x31: {  	[smem:$0x3FB6] =	sst s10  }
0x32: {  	s10 =	sld [smem:$0x3FB4];
	_ =	sdelay $0x3  }
0x33: {  	p0 =	seq.s32 s10, $0x1;
	s10 =	sld [smem:$0x3FB6];
	_ =	sdelay $0x3  }
0x34: {  	[smem:$0x3FB6] =	sst s10  }
0x35: {  	s10 =	sld [smem:$0x3FB5];
	_ =	sdelay $0x3  }
0x36: {  	p1 =	seq.s32 s10, $0x1;
	s10 =	sld [smem:$0x3FB6];
	_ =	sdelay $0x3  }
0x37: {  	[smem:$0x3FB6] =	sst s10  }
0x38: {  	s10 =	sld [smem:$0x3FB7]  }
0x39: {  	_ = 	snop;
	(pc) =	sbr.ind lr, $3  }
0x3a: {  	_ = 	snop  }
0x3b: {  	_ = 	snop  }
0x3c: {  	p2 =	seq.s32 s10, $0x1;
	s10 =	sld [smem:$0x3FB6]  }
0x3d: {  	_ =	shalt  }
0x3e: {  	_ =	shalt  }
0x3f: {  	_ =	shalt  }
0x40: {  	_ =	shalt  }
0x41: {  	_ =	shalt  }
0x42: {  	_ =	shalt  }
0x43: {  	_ =	shalt  }
0x44: {  	_ =	shalt  }
0x45: {  	_ =	shalt  }
0x46: {  	_ =	shalt  }
0x47: {  	_ =	shalt  }
0x48: {  	_ =	shalt  }
0x49: {  	_ =	shalt  }
0x4a: {  	_ =	shalt  }
0x4b: {  	_ =	shalt  }
0x4c: {  	_ =	shalt  }
0x4d: {  	_ =	shalt  }
0x4e: {  	_ =	shalt  }
0x4f: {  	_ =	shalt  }
0x50: {  	_ =	shalt  }
0x51: {  	_ =	shalt  }
0x52: {  	_ =	shalt  }
0x53: {  	_ =	shalt  }
0x54: {  	_ =	shalt  }
0x55: {  	_ =	shalt  }
0x56: {  	_ =	shalt  }
0x57: {  	_ =	shalt  }
0x58: {  	_ =	shalt  }
0x59: {  	_ =	shalt  }
0x5a: {  	_ =	shalt  }
0x5b: {  	_ =	shalt  }
0x5c: {  	_ =	shalt  }
0x5d: {  	_ =	shalt  }
0x5e: {  	_ =	shalt  }
0x5f: {  	_ =	shalt  }
0x60: {  	_ =	shalt  }
0x61: {  	_ =	shalt  }
0x62: {  	_ =	shalt  }
0x63: {  	_ =	shalt  }
0x64: {  	_ =	shalt  }
0x65: {  	_ =	shalt  }
0x66: {  	_ =	shalt  }
0x67: {  	_ =	shalt  }
0x68: {  	_ =	shalt  }
0x69: {  	_ =	shalt  }
0x6a: {  	_ =	shalt  }
0x6b: {  	_ =	shalt  }
0x6c: {  	_ =	shalt  }
0x6d: {  	_ =	shalt  }
0x6e: {  	_ =	shalt  }
0x6f: {  	_ =	shalt  }
0x70: {  	_ =	shalt  }
0x71: {  	_ =	shalt  }
0x72: {  	_ =	shalt  }
0x73: {  	_ =	shalt  }
0x74: {  	_ =	shalt  }
0x75: {  	_ =	shalt  }
0x76: {  	_ =	shalt  }
0x77: {  	_ =	shalt  }
0x78: {  	_ =	shalt  }
0x79: {  	_ =	shalt  }
0x7a: {  	_ =	shalt  }
0x7b: {  	_ =	shalt  }
0x7c: {  	_ =	shalt  }
0x7d: {  	_ =	shalt  }
0x7e: {  	_ =	shalt  }
0x7f: {  	_ =	shalt  }
0x80: {  	_ =	shalt  }
0x81: {  	_ =	shalt  }
0x82: {  	_ =	shalt  }
0x83: {  	_ =	shalt  }
0x84: {  	_ =	shalt  }
0x85: {  	_ =	shalt  }
0x86: {  	_ =	shalt  }
0x87: {  	_ =	shalt  }
.Lfunc_end0:
.L_simem_size_0:
called_computation_lowered:
.L_overlay_start_0:
0x88: {  	s2 =	sld [smem:$0x3FD9]  }
0x89: {  	s3 =	sld [smem:$0x3FFE];
	_ =	sdelay $0x1  }
0x8a: {  	s1 =	srdreg.scid  }
0x8b: {  	s0 =	sand.u32 $0x1, s1  }
0x8c: {  	s17 =	sshll.u32 s0, $0xA;
	s2 =	sadd.s32 s3, s2  }
0x8d: {  	s2 =	sadd.s32 s2, s17  }
0x8e: {  	[smem:$0x3FC2] =	sst s2  }
0x8f: {  	_ = 	snop  }
0x90: {  	s2 =	sld [smem:$0x3FC5]  }
0x91: {  	s18 =	sld [smem:$0x3FC4]  }
0x92: {  	s4 =	sld [smem:$0x3FD0];
	(tm) =	ssettm $0x1  }
0x93: {  	s5 =	sld [smem:$0x3FFB];
	_ =	sdelay $0x3  }
0x94: {  	_ =	strace s5  }
0x95: {  	s5 =	sld [smem:$0x3FFC];
	_ =	sdelay $0x3  }
0x96: {  	_ =	strace s5  }
0x97: {  	s5 =	sld [smem:$0x3FFD];
	_ =	sdelay $0x3  }
0x98: {  	_ =	strace s5  }
0x99: {  	_ =	strace $0x8FFFFFFF  }
0x9a: {  	s19 =	sld [smem:$0x3FDB];
	_ =	sdelay $0x1  }
0x9b: {  	s6 =	simm.s32 $_scs_section_size  }
0x9c: {  	s7 =	simm.s32 $_size__tile_overlayer_lowered;
	s8 =	simm.s32 $_tile_overlayer_lowered  }
0x9d: {  	s22 =	simm.s32 $0x1BFF;
	s21 =	sshll.u32 s8, $0x1;
	s5 =	sadd.s32 s6, s19  }
0x9e: {  	s9 =	simm.s32 $0x0;
	s20 =	sshll.u32 s7, $0x1;
	s7 =	sadd.s32 s21, s5  }
0x9f: {  	[timem:s9], [sflag:s22] =	dma.local [hbm:s7], s20  }
0xa0: {  	_ =	swait.ge [sflag:s22], s20  }
0xa1: {  	s6 =	ssub.s32 $0x0, s20;
	[sflag:s22] =	ssyncset.done $0x0  }
0xa2: {  	[sflag:s22] =	ssyncadd.s32 s6;
	_ =	sdelay $0x1  }
0xa3: {  	s23 =	simm.s32 $0x1B8B  }
0xa4: {  	_ =	swait.ge [sflag:s23], $0x1  }
0xa5: {  	[sflag:s23] =	ssyncset.done $0x0  }
0xa6: {  	s25 =	simm.s32 $0x1B8E;
	s24 =	sld [smem:$0x3FFE];
	[sflag:s23] =	ssyncadd.s32 $0xFFFFFFFF  }
0xa7: {  	s26 =	simm.s32 $execute0_lowered;
	[smem:$0x3FD2] =	sst s25  }
0xa8: {  	s7 =	sshll.u32 s26, $0x1;
	_ =	strace $0x80000046;
	[dreg:$0x1] =	wrdreg $0xFFFFFFFF  }
0xa9: {  	s28 =	simm.s32 $_size_execute0_lowered;
	s5 =	sadd.s32 s5, s7;
	[dreg:$0x0] =	wrdreg $0x0  }
0xaa: {  	s7 =	sshll.u32 s28, $0x1;
	[dreg:$0x2] =	wrdreg s5  }
0xab: {  	[dreg:$0x3] =	wrdreg s7  }
0xac: {  	[dreg:$0x4] =	wrdreg $0xC0  }
0xad: {  	_ =	task [dreg:s9], $0x5FFFF  }
0xae: {  	[dreg:$0x1] =	wrdreg $0xFFFFFFFF  }
0xaf: {  	[dreg:$0x0] =	wrdreg $0x60  }
0xb0: {  	[dreg:$0x2] =	wrdreg s24  }
0xb1: {  	[dreg:$0x3] =	wrdreg s2  }
0xb2: {  	[dreg:$0x4] =	wrdreg s18  }
0xb3: {  	[dreg:$0x5] =	wrdreg s4  }
0xb4: {  	[dreg:$0x6] =	wrdreg $0x9  }
0xb5: {  	_ =	task.clear_ibuf [dreg:s9], $0x7FFFF;
	_ =	strace $0x90000046  }
0xb6: {  	s29 =	simm.s32 $0x9;
	_ =	strace $0x80000048  }
0xb7: {  	_ =	swait.ge [sflag:s29], $0x1  }
0xb8: {  	[sflag:s29] =	ssyncadd.s32 $0xFFFFFFFF  }
0xb9: {  	_ =	strace $0x90000048  }
0xba: {  	_ =	sfence  }
0xbb: {  	s30 =	sld [smem:$0x0];
	_ =	sdelay $0x2  }
0xbc: {  	s31 =	sshll.u32 s1, $0xD;
	s1 =	sshrl.u32 s1, $0x2  }
0xbd: {  	s3 =	sand.u32 $0x4000, s31;
	s1 =	sadd.s32 s1, s30  }
0xbe: {  	s0 =	sor.u32 s3, s0;
	s1 =	sshll.u32 s1, $0x11  }
0xbf: {  	s0 =	sor.u32 s1, s0  }
0xc0: {  	s0 =	sadd.s32 $0x8F2B, s0  }
0xc1: {  	[sflag:s0] =	ssyncadd.remote.s32 $0x1  }
0xc2: {  	_ =	sfence.sel $0xFFFF  }
0xc3: {  	[dreg:$0x0] =	wrdreg $0xFFFFFFFF;
	(pc) =	sbr.abs _section_cstart, $3  }
0xc4: {  	[dreg:$0x1] =	wrdreg $0xFFFFFFFF  }
0xc5: {  	_ =	task.clear_ibuf [dreg:s9], $0x2FFFF;
	_ =	strace $0x9FFFFFFF  }
0xc6: {  	(tm) =	ssettm $0x7FFFFFFF  }
0xc7: {  	_ =	shalt  }
tec
execute0_lowered:
.L_overlay_start_1:
0x0: {  	(tag) =	ssettag $0x1  }
0x1: {  	s0 =	rddreg [dreg:$0x0];
	s5 =	simm.s32 $0x0;
	v0 =	vlaneseq.u32;
	v32 =	vimm.s32 $0x0;
	vm0 =	vcmask $0x300  }
0x2: {  	[smem:$0x7FF] =	sst s5;
	v45 =	vmul.u32 $0x88, v0;
	v12 =	vsel vm0, $0x3, v32  }
0x3: {  	s3 =	rddreg [dreg:$0x3];
	_ =	strace $0x80000047;
	[tilespmem:$0x1FFD0] =	vst v12  }
0x4: {  	v33 =	vor.u32 $0x2, v45;
	[tilespmem:$0x1FFC0] =	vst v45  }
0x5: {  	v34 =	vadd.s32 $0x882, v45;
	[tilespmem:$0x1FDE0] =	vst v33  }
0x6: {  	v35 =	vadd.s32 $0x1102, v45;
	[tilespmem:$0x1FDF0] =	vst v34  }
0x7: {  	v36 =	vadd.s32 $0x1982, v45;
	[tilespmem:$0x1FE00] =	vst v35  }
0x8: {  	v37 =	vor.u32 $0x3, v45;
	[tilespmem:$0x1FE10] =	vst v36  }
0x9: {  	v38 =	vadd.s32 $0x883, v45;
	[tilespmem:$0x1FE20] =	vst v37  }
0xa: {  	v39 =	vadd.s32 $0x1103, v45;
	[tilespmem:$0x1FE30] =	vst v38  }
0xb: {  	v41 =	vadd.s32 $0x1983, v45;
	[tilespmem:$0x1FE40] =	vst v39  }
0xc: {  	v46 =	vor.u32 $0x4, v45;
	[tilespmem:$0x1FE50] =	vst v41  }
0xd: {  	v47 =	vadd.s32 $0x884, v45;
	[tilespmem:$0x1FE60] =	vst v46  }
0xe: {  	v48 =	vadd.s32 $0x1104, v45;
	[tilespmem:$0x1FE70] =	vst v47  }
0xf: {  	v49 =	vadd.s32 $0x1984, v45;
	[tilespmem:$0x1FE80] =	vst v48  }
0x10: {  	v50 =	vor.u32 $0x5, v45;
	[tilespmem:$0x1FE90] =	vst v49  }
0x11: {  	v51 =	vadd.s32 $0x885, v45;
	[tilespmem:$0x1FEA0] =	vst v50  }
0x12: {  	v52 =	vadd.s32 $0x1105, v45;
	[tilespmem:$0x1FEB0] =	vst v51  }
0x13: {  	v55 =	vadd.s32 $0x1985, v45;
	[tilespmem:$0x1FEC0] =	vst v52  }
0x14: {  	v56 =	vor.u32 $0x6, v45;
	[tilespmem:$0x1FED0] =	vst v55  }
0x15: {  	v57 =	vadd.s32 $0x886, v45;
	[tilespmem:$0x1FEE0] =	vst v56  }
0x16: {  	v58 =	vadd.s32 $0x1106, v45;
	[tilespmem:$0x1FEF0] =	vst v57  }
0x17: {  	s1 =	srdreg.scid;
	s2 =	stileid.u32;
	v59 =	vadd.s32 $0x1986, v45;
	[tilespmem:$0x1FF00] =	vst v58  }
0x18: {  	s29 =	simm.s32 $0x6;
	s31 =	simm.s32 $0x1;
	s23 =	simm.s32 $0x6300;
	v60 =	vor.u32 $0x7, v45;
	[tilespmem:$0x1FF10] =	vst v59  }
0x19: {  	s9 =	simm.s32 $0x82E0;
	s30 =	simm.s32 $0x8368;
	s21 =	simm.s32 $0x0;
	v61 =	vadd.s32 $0x887, v45;
	[tilespmem:$0x1FF20] =	vst v60  }
0x1a: {  	s1 =	sand.u32 $0x1, s1;
	s2 =	sshll.u32 s2, $0x1;
	s6 =	sadd.s32 $0x1000, s0;
	v62 =	vadd.s32 $0x1107, v45;
	[tilespmem:$0x1FF30] =	vst v61  }
0x1b: {  	s7 =	sadd.s32 $0xF43400, s0;
	s0 =	sadd.s32 $0x800, s0;
	s14 =	sadd.s32 $0x1000, s3;
	v63 =	vadd.s32 $0x1987, v45;
	[tilespmem:$0x1FF40] =	vst v62  }
0x1c: {  	s15 =	sadd.s32 $0x2000, s3;
	s16 =	sadd.s32 $0x3000, s3;
	s17 =	sadd.s32 $0x4000, s3;
	v54 =	vadd.s32 $0x1981, v45;
	[tilespmem:$0x1FF50] =	vst v63  }
0x1d: {  	s18 =	sadd.s32 $0x5000, s3;
	s19 =	sadd.s32 $0x6000, s3;
	s20 =	sadd.s32 $0x7000, s3;
	v53 =	vadd.s32 $0x1101, v45;
	[tilespmem:$0x1FF60] =	vst v54  }
0x1e: {  	s2 =	sor.u32 s1, s2;
	[dreg:$0x5] =	wrdreg s0;
	s26 =	ssub.s32 $0x2, s1;
	v42 =	vadd.s32 $0x1100, v45;
	[tilespmem:$0x1FF70] =	vst v53  }
0x1f: {  	s28 =	sshll.u32 s2, $0x4;
	s4 =	sshrl.u32 s26, $0x1;
	s8 =	sshll.u32 s2, $0x7;
	v43 =	vadd.s32 $0x1980, v45;
	[tilespmem:$0x1FF80] =	vst v42  }
0x20: {  	s13 =	sshll.u32 s2, $0xA;
	v44 =	vor.u32 $0x1, v45;
	s2 =	simm.s32 $0x3;
	s1 =	sadd.s32 s6, s28;
	[tilespmem:$0x1FF90] =	vst v43  }
0x21: {  	v1 =	vmul.u32 $0xFFFFFFFF, v0;
	v11 =	vadd.s32 $0x881, v45;
	s0 =	ssub.s32 s26, s4;
	s11 =	sor.u32 $0x2000, s8;
	s12 =	sor.u32 $0x3000, s8;
	[tilespmem:$0x1FFA0] =	vst v44  }
0x22: {  	v14 =	vadd.s32 $0x880, v45;
	s26 =	simm.s32 $0x80;
	[tilespmem:$0x1FFB0] =	vst v11;
	[dreg:$0x6] =	wrdreg s1;
	s1 =	sadd.s32 $0x200, s1  }
0x23: {  	v40 =	vadd.s32 $0xF, v1;
	s4 =	simm.s32 $0x83F0;
	[tilespmem:$0x1FFE0] =	vst v14;
	s0 =	smax.u32 s0, $0x1;
	[dreg:$0x7] =	wrdreg s1  }
0x24: {  	[tilespmem:$0x1FFF0] =	vst v40;
	[dreg:$0x8] =	wrdreg s0;
	s0 =	simm.s32 $0x4100;
	s1 =	simm.s32 $0x8478  }
.LBB2_1:
0x25: {  	s8 =	rddreg [dreg:$0x5];
	s10 =	simm.s32 $0x8500  }
0x26: {  	[tilespmem:s10], [sflag:$0x7] =	stream.linear.gather [hbm4b:s8+s5], $0x3200, $0x38;
	[tilespmem:$0xB780] =	vst v63  }
0x27: {  	[dreg:$0x9] =	wrdreg s21;
	s10 =	simm.s32 $0x7  }
0x28: {  	_ =	swait.ge [sflag:s10], $0x3200  }
0x29: {  	[sflag:s10] =	ssyncset.done $0x0  }
0x2a: {  	[sflag:s10] =	ssyncadd.s32 $0xFFFFCE00  }
0x2b: {  	s28 =	simm.s32 $0xB700;
	s25 =	rddreg [dreg:$0x1]  }
0x2c: {  	[tilespmem:s28], [sflag:$0x7] =	stream.linear.gather [hbm4b:s25+s5], $0x40, $0x38;
	[tilespmem:$0xB780] =	vst v63  }
0x2d: {  	_ =	swait.ge [sflag:s10], $0x40  }
0x2e: {  	[sflag:s10] =	ssyncset.done $0x0  }
0x2f: {  	[sflag:s10] =	ssyncadd.s32 $0xFFFFFFC0  }
0x30: {  	s22 =	simm.s32 $0xB740;
	s21 =	rddreg [dreg:$0x2]  }
0x31: {  	[tilespmem:s22], [sflag:$0x7] =	stream.linear.gather [hbm4b:s21+s5], $0x40, $0x38;
	[tilespmem:$0xB780] =	vst v63  }
0x32: {  	_ =	swait.ge [sflag:s10], $0x40  }
0x33: {  	[sflag:s10] =	ssyncset.done $0x0  }
0x34: {  	[sflag:s10] =	ssyncadd.s32 $0xFFFFFFC0  }
0x35: {  	v0 =	vld [tilespmem:$0xB700]  }
0x36: {  	v57 =	vld [tilespmem:$0xB710]  }
0x37: {  	v58 =	vld [tilespmem:$0xB720]  }
0x38: {  	v59 =	vld [tilespmem:$0xB730]  }
0x39: {  	v60 =	vld [tilespmem:$0xB740]  }
0x3a: {  	v61 =	vld [tilespmem:$0xB750]  }
0x3b: {  	s24 =	rddreg [dreg:$0x6];
	v62 =	vld [tilespmem:$0xB760]  }
0x3c: {  	v63 =	vld [tilespmem:$0xB770];
	[tilespmem:s5], [sflag:$0x7] =	stream.linear.gather [hbm4b:s24+s5], $0x80, $0x38  }
0x3d: {  	[tilespmem:$0x1FD60] =	vst v0  }
0x3e: {  	[tilespmem:$0x1FD70] =	vst v57  }
0x3f: {  	[tilespmem:$0x1FD80] =	vst v58  }
0x40: {  	[tilespmem:$0x1FD90] =	vst v59  }
0x41: {  	[tilespmem:$0x1FDA0] =	vst v60  }
0x42: {  	[tilespmem:$0x1FDB0] =	vst v61  }
0x43: {  	[tilespmem:$0x1FDC0] =	vst v62  }
0x44: {  	[tilespmem:$0x1FDD0] =	vst v63  }
0x45: {  	_ =	swait.ge [sflag:s10], $0x80  }
0x46: {  	[sflag:s10] =	ssyncset.done $0x0  }
0x47: {  	s25 =	simm.s32 $0x100;
	[sflag:s10] =	ssyncadd.s32 $0xFFFFFF80  }
0x48: {  	[tilespmem:s25], [sflag:$0x1] =	stream.indirect.gather [hbm4b:s7+s26], $0x40, s5, s26, $0xb8;
	[tilespmem:$0xB780] =	vst v63  }
0x49: {  	s22 =	simm.s32 $0x0;
	s28 =	rddreg [dreg:$0x7]  }
0x4a: {  	[tilespmem:s26], [sflag:$0x6] =	stream.linear.gather [hbm4b:s28+s5], $0x80, $0x38;
	[tilespmem:$0xB780] =	vst v63  }
.LBB2_2:
0x4b: {  	_ =	swait.ge [sflag:s29], $0x80;
	p0 =	seq.s32 s22, $0x63  }
0x4c: {  	[sflag:s29] =	ssyncset.done $0x0;
	p1 =	seq.s32 @!p0 s22, $0x0  }
0x4d: {  	s8 =	simm.s32 $0x2100;
	[sflag:s29] =	ssyncadd.s32 $0xFFFFFF80;
	p1 =	por p0, !p1  }
0x4e: {  	[tilespmem:s8], [sflag:$0x2] =	stream.indirect.gather [hbm4b:s7+s26], $0x40, s26, s26, $0xb8;
	[tilespmem:$0xB780] =	vst v63  }
.Ltmp0:
0x4f: {  	s25 =	sshll.u32 @!p0 s22, $0xD;
	(pc) =	sbr.rel @!p1 .LBB2_3-.Ltmp0, $4  }
0x50: {  	s8 =	sadd.s32 @!p0 s11, s25;
	_ =	swait.ge [sflag:s31], $0x2000  }
0x51: {  	s8 =	sshrl.u32 @!p0 s8, $0x3;
	[sflag:s31] =	ssyncset.done $0x0  }
0x52: {  	s24 =	simm.s32 @!p0 $0x0;
	s8 =	sadd.s32 @!p0 s6, s8;
	[sflag:s31] =	ssyncadd.s32 $0xFFFFE000  }
0x53: {  	[tilespmem:s24], [sflag:$0x5] =	stream.linear.gather @!p0 [hbm4b:s8+s24], $0x80, $0x38;
	[tilespmem:$0xB780] =	vst v63  }
0x54: {  	_ =	swait.ge [sflag:s2], $0x400  }
0x55: {  	[sflag:s2] =	ssyncset.done $0x0  }
0x56: {  	[sflag:s2] =	ssyncadd.s32 $0xFFFFFC00  }
0x57: {  	_ =	swait.ge [sflag:s2], $0x400  }
0x58: {  	[sflag:s2] =	ssyncset.done $0x0  }
0x59: {  	[sflag:s2] =	ssyncadd.s32 $0xFFFFFC00  }
0x5a: {  	_ =	swait.ge [sflag:s2], $0x400  }
0x5b: {  	[sflag:s2] =	ssyncset.done $0x0  }
0x5c: {  	[sflag:s2] =	ssyncadd.s32 $0xFFFFFC00  }
0x5d: {  	_ =	swait.ge [sflag:s2], $0x400  }
0x5e: {  	[sflag:s2] =	ssyncset.done $0x0  }
0x5f: {  	[sflag:s2] =	ssyncadd.s32 $0xFFFFFC00  }
0x60: {  	_ =	swait.ge [sflag:s2], $0x400  }
0x61: {  	[sflag:s2] =	ssyncset.done $0x0  }
0x62: {  	[sflag:s2] =	ssyncadd.s32 $0xFFFFFC00  }
0x63: {  	_ =	swait.ge [sflag:s2], $0x400  }
0x64: {  	[sflag:s2] =	ssyncset.done $0x0  }
0x65: {  	[sflag:s2] =	ssyncadd.s32 $0xFFFFFC00  }
0x66: {  	_ =	swait.ge [sflag:s2], $0x400  }
.Ltmp1:
0x67: {  	[sflag:s2] =	ssyncset.done $0x0;
	(pc) =	sbr.rel .LBB2_5-.Ltmp1, $4  }
0x68: {  	[sflag:s2] =	ssyncadd.s32 $0xFFFFFC00  }
0x69: {  	_ =	swait.ge [sflag:s2], $0x400  }
0x6a: {  	[sflag:s2] =	ssyncset.done $0x0  }
0x6b: {  	p1 =	por $0x0, $0x0;
	[sflag:s2] =	ssyncadd.s32 $0xFFFFFC00  }
.LBB2_3:
0x6c: {  	p1 =	por @!p0 $0x1, $0x1  }
.LBB2_5:
0x6d: {  	s28 =	simm.s32 $0x200  }
0x6e: {  	v0 =	vld [tilespmem:s28+$0x0]  }
0x6f: {  	v2 =	vld [tilespmem:s28+$0x10]  }
0x70: {  	v3 =	vld [tilespmem:s28+$0x20]  }
0x71: {  	v4 =	vld [tilespmem:s28+$0x30]  }
0x72: {  	v5 =	vld [tilespmem:s28+$0x40]  }
0x73: {  	s8 =	sshll.u32 s22, $0x7;
	v6 =	vld [tilespmem:s28+$0x50]  }
0x74: {  	s8 =	sand.u32 $0x3FFFFF80, s8;
	v7 =	vld [tilespmem:s28+$0x60]  }
0x75: {  	v1 =	vld [tilespmem:s8+$0x8500]  }
0x76: {  	v19 =	vld [tilespmem:s8+$0x8510]  }
0x77: {  	v32 =	vld [tilespmem:s8+$0x8520]  }
0x78: {  	v33 =	vld [tilespmem:s8+$0x8530]  }
0x79: {  	v8 =	vld [tilespmem:s28+$0x70]  }
0x7a: {  	v9 =	vld [tilespmem:s28+$0x80]  }
0x7b: {  	v26 =	vld [tilespmem:s28+$0xFFFFFF60];
	v24 =	vadd.f32 v0, v1  }
0x7c: {  	v23 =	vadd.f32 v2, v19;
	v0 =	vld [tilespmem:s28+$0x90];
	v22 =	vadd.f32 v3, v32  }
0x7d: {  	v21 =	vadd.f32 v4, v33;
	v2 =	vld [tilespmem:s28+$0xA0];
	v20 =	vadd.f32 v5, v1  }
0x7e: {  	v41 =	vadd.f32 v6, v19;
	v3 =	vld [tilespmem:s28+$0xB0];
	v15 =	vadd.f32 v7, v32  }
0x7f: {  	v4 =	vld [tilespmem:s28+$0xC0];
	v6 =	vadd.f32 v23, v24;
	v7 =	vadd.f32 v21, v22  }
0x80: {  	v27 =	vadd.f32 v8, v33;
	v5 =	vld [tilespmem:s28+$0xD0];
	v16 =	vadd.f32 v9, v1  }
0x81: {  	v9 =	vld [tilespmem:s28+$0xFFFFFF50];
	v48 =	vadd.f32 v26, v32;
	v61 =	vadd.f32 v7, v6  }
0x82: {  	v6 =	vadd.f32 v41, v20;
	v13 =	vadd.f32 v0, v19;
	v0 =	vld [tilespmem:s28+$0xE0]  }
0x83: {  	v7 =	vadd.f32 v27, v15;
	v10 =	vadd.f32 v2, v32;
	v2 =	vld [tilespmem:s28+$0xF0]  }
0x84: {  	v8 =	vmul.f32 v23, v23;
	v17 =	vadd.f32 v3, v33;
	v31 =	vadd.f32 v4, v1;
	v3 =	vld [tilespmem:s28+$0xFFFFFF10]  }
0x85: {  	v38 =	vadd.f32 v5, v19;
	v4 =	vld [tilespmem:s28+$0xFFFFFF20];
	v62 =	vadd.f32 v7, v6;
	v7 =	vmul.f32 v24, v24  }
0x86: {  	v5 =	vadd.f32 v13, v16;
	v6 =	vadd.f32 v17, v10  }
0x87: {  	v25 =	vmul.f32 v21, v21;
	v47 =	vadd.f32 v9, v19;
	v7 =	vadd.f32 v8, v7  }
0x88: {  	v9 =	vmul.f32 v10, v10;
	v63 =	vadd.f32 v6, v5;
	v5 =	vld [tilespmem:s28+$0xFFFFFF40];
	v18 =	vadd.f32 v0, v32  }
0x89: {  	v8 =	vmul.f32 v41, v41;
	v39 =	vadd.f32 v2, v33;
	v2 =	vld [tilespmem:s28+$0xFFFFFF30];
	v35 =	vadd.f32 v3, v19  }
0x8a: {  	v3 =	vmul.f32 v22, v22;
	v36 =	vadd.f32 v4, v32;
	v4 =	vmul.f32 v20, v20  }
0x8b: {  	v29 =	vmul.f32 v17, v17;
	v0 =	vadd.f32 v38, v31;
	v6 =	vadd.f32 v39, v18  }
0x8c: {  	v3 =	vadd.f32 v25, v3;
	v25 =	vld [tilespmem:s28+$0xFFFFFF80];
	v4 =	vadd.f32 v8, v4;
	v8 =	vmul.f32 v13, v13  }
0x8d: {  	v0 =	vadd.f32 v6, v0;
	v6 =	vld [tilespmem:s28+$0xFFFFFF70];
	[tilespmem:$0x1FB00] =	vst v27;
	v46 =	vadd.f32 v5, v1;
	v5 =	vmul.f32 v16, v16  }
0x8e: {  	v27 =	vmul.f32 v27, v27;
	v37 =	vadd.f32 v2, v33;
	v2 =	vmul.f32 v15, v15;
	v28 =	vld [tilespmem:s28+$0xFFFFFF90]  }
0x8f: {  	(xrf2) =	vadd.scan.msk.f32 $0xffff, v61;
	v3 =	vadd.f32 v3, v7;
	v7 =	vld [tilespmem:s28+$0xFFFFFFA0];
	v5 =	vadd.f32 v8, v5  }
0x90: {  	(xrf2) =	vadd.scan.msk.f32 $0xffff, v62;
	v8 =	vadd.f32 v29, v9;
	v2 =	vadd.f32 v27, v2  }
0x91: {  	v9 =	vmul.f32 v38, v38;
	v29 =	vmul.f32 v39, v39;
	v27 =	vld [tilespmem:s28+$0xFFFFFFB0];
	[tilespmem:$0x1FB10] =	vst v10;
	v50 =	vadd.f32 v25, v1  }
0x92: {  	v25 =	vadd.f32 v37, v36;
	v30 =	vld [tilespmem:s28+$0xFFFFFFC0];
	[tilespmem:$0x1FB20] =	vst v31;
	v34 =	vadd.f32 v2, v4;
	v2 =	vmul.f32 v31, v31  }
0x93: {  	v4 =	vld [tilespmem:s28+$0xFFFFFF00];
	[tilespmem:$0x1FB30] =	vst v38;
	v49 =	vadd.f32 v6, v33;
	v6 =	vmul.f32 v18, v18;
	v38 =	vadd.f32 v8, v5  }
0x94: {  	(xrf2) =	vadd.scan.msk.f32 $0xffff, v63;
	v26 =	vld [tilespmem:s28+$0xFFFFFFD0];
	[tilespmem:$0x1FB40] =	vst v39;
	v58 =	vadd.f32 v28, v19;
	v52 =	vadd.f32 v7, v32  }
0x95: {  	(xrf2) =	vadd.scan.msk.f32 $0xffff, v0;
	v7 =	vmul.f32 v37, v37;
	v31 =	vld [tilespmem:s28+$0xFFFFFFE0];
	v2 =	vadd.f32 v9, v2;
	v6 =	vadd.f32 v29, v6  }
0x96: {  	(xrf2) =	vadd.scan.msk.f32 $0xffff, v3;
	v5 =	vld [tilespmem:s28+$0xFFFFFFF0];
	v9 =	vmul.f32 v36, v36;
	v59 =	vadd.f32 v27, v33;
	v27 =	vadd.f32 v49, v48  }
0x97: {  	v8 =	vmul.f32 v35, v35;
	(xrf2) =	vadd.scan.msk.f32 $0xffff, v34;
	v28 =	vadd.f32 v58, v50;
	v39 =	vadd.f32 v6, v2  }
0x98: {  	[tilespmem:$0x1FB80] =	vst v33;
	v2 =	vmul.f32 v46, v46;
	v57 =	vadd.f32 v30, v1;
	v7 =	vadd.f32 v7, v9  }
0x99: {  	[tilespmem:$0x1FBF0] =	vst v48;
	v6 =	vperm.xlane v61, v40;
	v10 =	vadd.f32 v4, v1;
	v56 =	vadd.f32 v26, v19  }
0x9a: {  	[tilespmem:$0x1FC00] =	vst v49;
	v4 =	vmul.f32 v47, v47;
	v26 =	vadd.f32 v47, v46;
	v55 =	vadd.f32 v31, v32  }
0x9b: {  	(xrf2) =	vadd.scan.msk.f32 $0xffff, v38;
	v30 =	vmul.f32 v48, v48;
	v51 =	vadd.f32 v5, v33;
	v5 =	vadd.f32 v35, v10  }
0x9c: {  	(xrf2) =	vadd.scan.msk.f32 $0xffff, v39;
	v29 =	vmul.f32 v10, v10;
	v31 =	vadd.f32 v59, v52;
	v2 =	vadd.f32 v4, v2  }
0x9d: {  	(xrf2) =	vadd.scan.msk.f32 $0xffff, v6;
	v6 =	vmul.f32 v49, v49;
	v48 =	vadd.f32 v56, v57;
	v27 =	vadd.f32 v27, v26  }
0x9e: {  	[tilespmem:$0x1FBA0] =	vst v10;
	v33, _, _ =	vpop (xrf2);
	v4 =	vmul.f32 v56, v56;
	v49 =	vadd.f32 v51, v55;
	v10 =	vadd.f32 v25, v5  }
0x9f: {  	[tilespmem:$0x1FB50] =	vst v1;
	v1, _, _ =	vpop (xrf2);
	v5 =	vmul.f32 v52, v52;
	v8 =	vadd.f32 v8, v29;
	v29 =	vmul.f32 v57, v57  }
0xa0: {  	[tilespmem:$0x1FBD0] =	vst v46;
	v46, _, _ =	vpop (xrf2);
	v28 =	vadd.f32 v31, v28;
	v31 =	vmul.f32 v59, v59;
	v6 =	vadd.f32 v6, v30  }
0xa1: {  	v26 =	vadd.f32 v49, v48;
	v4 =	vadd.f32 v4, v29;
	v29 =	vperm.xlane v62, v40;
	v48, _, _ =	vpop (xrf2)  }
0xa2: {  	[tilespmem:$0x1FBE0] =	vst v47;
	v5 =	vadd.f32 v31, v5;
	v31 =	vadd.f32 v7, v8;
	v8 =	vperm.xlane v63, v40;
	v47, _, _ =	vpop (xrf2)  }
0xa3: {  	v49, _, _ =	vpop (xrf2);
	(xrf2) =	vadd.scan.msk.f32 $0xffff, v29;
	v29 =	vadd.f32 v6, v2;
	v6 =	vperm.xlane v0, v40  }
0xa4: {  	[tilespmem:$0x1FBB0] =	vst v36;
	(xrf2) =	vadd.scan.msk.f32 $0xffff, v8  }
0xa5: {  	[tilespmem:$0x1FBC0] =	vst v37;
	v36 =	vmul.f32 v50, v50;
	v60 =	vmul.f32 v58, v58;
	(xrf2) =	vadd.scan.msk.f32 $0xffff, v6  }
0xa6: {  	[tilespmem:$0x1FC30] =	vst v52;
	v37 =	vmul.f32 v55, v55;
	v52 =	vmul.f32 v51, v51  }
0xa7: {  	s21 =	simm.s32 $0x1;
	v9 =	vadd.f32 v60, v36  }
0xa8: {  	[tilespmem:$0x1FB70] =	vst v32;
	v7 =	vadd.f32 v52, v37;
	v6 =	vmov s21;
	s21 =	simm.s32 $0x5  }
0xa9: {  	s24 =	simm.s32 $0x2;
	[tilespmem:$0x1FC10] =	vst v50;
	v32 =	vadd.f32 v5, v9;
	v9 =	vperm.xlane v3, v40;
	v8 =	vmov s21;
	s21 =	simm.s32 $0x7  }
0xaa: {  	s10 =	simm.s32 $0x0;
	[tilespmem:$0x1FC50] =	vst v57;
	v30 =	vadd.f32 v7, v4;
	v4 =	vmov s24;
	v50, _, _ =	vpop (xrf2);
	v57 =	vmov s21  }
0xab: {  	v2 =	vmov s10;
	v4 =	vshrl.u32 v4, $0x3;
	v52, _, _ =	vpop (xrf2);
	(xrf2) =	vadd.scan.msk.f32 $0xffff, v9;
	v9 =	vshrl.u32 v57, $0x3  }
0xac: {  	[tilespmem:$0x1FB60] =	vst v19;
	v2 =	vshrl.u32 v2, $0x3;
	v4 =	vshll.u32 v4, v12;
	v25, _, _ =	vpop (xrf2);
	v8 =	vshrl.u32 v8, $0x3  }
0xad: {  	[tilespmem:$0x1FC20] =	vst v58;
	v2 =	vshll.u32 v2, v12;
	v6 =	vshrl.u32 v6, $0x3;
	v8 =	vshll.u32 v8, v12;
	v60, _, _ =	vpop (xrf2)  }
0xae: {  	[tilespmem:$0x1FC80] =	vst v51;
	v2 =	vbroadcast v2, $0x0;
	v51 =	vbroadcast v8, $0x0;
	v8 =	vshll.u32 v9, v12;
	v9, _, _ =	vpop (xrf2)  }
0xaf: {  	v19 =	vmov v40;
	[tilespmem:$0x1FC90] =	vst v4;
	v6 =	vshll.u32 v6, v12;
	v37 =	vbroadcast v8, $0x0;
	v4, _, _ =	vpop (xrf2)  }
0xb0: {  	[tilespmem:$0x1FC60] =	vst v56;
	v8 =	vperm.xlane v9, v19;
	v9 =	vperm.xlane v4, v19;
	v4 =	vadd.s32 v45, v2  }
0xb1: {  	v6 =	vbroadcast v6, $0x0;
	[tilespmem:$0x1FCB0] =	vst v4;
	v4 =	vadd.s32 v14, v2  }
0xb2: {  	[tilespmem:$0x1FCC0] =	vst v4;
	v4 =	vadd.s32 v42, v2;
	v2 =	vadd.s32 v43, v2  }
0xb3: {  	[tilespmem:$0x1FCE0] =	vst v2;
	v2 =	vadd.s32 v44, v6  }
0xb4: {  	v56 =	vperm.xlane v34, v40;
	[tilespmem:$0x1FCF0] =	vst v2;
	v2 =	vadd.s32 v11, v6  }
0xb5: {  	v58 =	vperm.xlane v38, v40;
	[tilespmem:$0x1FD00] =	vst v2;
	v2 =	vadd.s32 v53, v6  }
0xb6: {  	(xrf2) =	vadd.scan.msk.f32 $0xffff, v56;
	[tilespmem:$0x1FD10] =	vst v2;
	v2 =	vperm.xlane v39, v19  }
0xb7: {  	s10 =	simm.s32 $0x4;
	(xrf2) =	vadd.scan.msk.f32 $0xffff, v58  }
0xb8: {  	v7 =	vmov s10;
	(xrf2) =	vadd.scan.msk.f32 $0xffff, v2;
	v2 =	vld [tilespmem:$0x1FE60]  }
0xb9: {  	v7 =	vshrl.u32 v7, $0x3  }
0xba: {  	v7 =	vshll.u32 v7, v12  }
0xbb: {  	v7 =	vbroadcast v7, $0x0  }
0xbc: {  	v6 =	vadd.s32 v54, v6  }
0xbd: {  	[tilespmem:$0x1FD20] =	vst v6;
	v6 =	vadd.s32 v2, v7;
	v2 =	vld [tilespmem:$0x1FE70];
	_ =	sdelay $0x1  }
0xbe: {  	v5 =	vperm.xlane v25, v40;
	v25 =	vmov v10  }
0xbf: {  	[tilespmem:$0x1FCD0] =	vst v4;
	v4 =	vperm.xlane v25, v19;
	_ =	sdelay $0x1  }
0xc0: {  	(xrf2) =	vadd.scan.msk.f32 $0xffff, v4;
	v4 =	vld [tilespmem:$0x1FE90];
	v2 =	vadd.s32 v2, v7  }
0xc1: {  	[tilespmem:$0x1FD30] =	vst v2;
	v2 =	vld [tilespmem:$0x1FE80];
	_ =	sdelay $0x3  }
0xc2: {  	[tilespmem:$0x1FC40] =	vst v59;
	s24 =	simm.s32 $0x3;
	v59 =	vadd.f32 v5, v33  }
0xc3: {  	v5 =	vmov s24;
	v2 =	vadd.s32 v2, v7;
	v7 =	vadd.s32 v4, v7;
	v4 =	vld [tilespmem:$0x1FEA0]  }
0xc4: {  	v5 =	vshrl.u32 v5, $0x3  }
0xc5: {  	v5 =	vshll.u32 v5, v12  }
0xc6: {  	[tilespmem:$0x1FCA0] =	vst v5;
	v5 =	vperm.xlane v27, v19;
	_ =	sdelay $0x1  }
0xc7: {  	(xrf2) =	vadd.scan.msk.f32 $0xffff, v5;
	v5 =	vadd.s32 v4, v51;
	v4 =	vld [tilespmem:$0x1FEB0];
	_ =	sdelay $0x4  }
0xc8: {  	v4 =	vadd.s32 v4, v51  }
0xc9: {  	s10 =	simm.s32 $0x6;
	[tilespmem:$0x1FD40] =	vst v4;
	v4 =	vld [tilespmem:$0x1FEC0]  }
0xca: {  	[tilespmem:$0x1FC70] =	vst v55;
	v55 =	vmov s10  }
0xcb: {  	[tilespmem:$0x1FB90] =	vst v35;
	v33 =	vshrl.u32 v55, $0x3  }
0xcc: {  	v35 =	vmovc v32;
	v56 =	vperm.xlane v31, v19;
	v57 =	vperm.xlane v26, v19;
	v33 =	vshll.u32 v33, v12  }
0xcd: {  	v10 =	vmov v28;
	v40 =	vbroadcast v33, $0x0;
	v33 =	vperm.xlane v60, v19;
	v60, _, _ =	vpop (xrf2)  }
0xce: {  	v55 =	vperm.xlane v29, v19;
	v58 =	vperm.xlane v28, v19;
	v42, _, _ =	vpop (xrf2);
	v4 =	vadd.s32 v4, v51  }
0xcf: {  	s8 =	simm.s32 $0x8;
	s24 =	sshllo.u32 s22, $0x1;
	v45 =	vmov v31;
	v54 =	vperm.xlane v32, v19;
	v53 =	vperm.xlane v30, v19;
	v43, _, _ =	vpop (xrf2);
	[tilespmem:$0x1FD50] =	vst v4  }
.LBB2_6:
0xd0: {  	v33 =	vadd.f32 v33, v1;
	v1 =	vld [tilespmem:$0x1FED0]  }
0xd1: {  	v19 =	vld [tilespmem:$0x1FFF0];
	_ =	sdelay $0x2  }
0xd2: {  	v9 =	vadd.f32 v9, v48  }
0xd3: {  	v32, _, _ =	vpop (xrf2)  }
0xd4: {  	v9 =	vsub.f32 v9, v0;
	v1 =	vadd.s32 v1, v51;
	v0 =	vperm.xlane v32, v19  }
0xd5: {  	[tilespmem:$0x1FAA0] =	vst v1;
	v1 =	vld [tilespmem:$0x1FEE0]  }
0xd6: {  	v8 =	vadd.f32 v8, v46;
	v46 =	vadd.f32 v0, v52;
	v0 =	vld [tilespmem:$0x1FEF0];
	_ =	sdelay $0x3  }
0xd7: {  	v1 =	vadd.s32 v1, v40  }
0xd8: {  	v60 =	vperm.xlane v60, v19;
	[tilespmem:$0x1FAB0] =	vst v1;
	v1 =	vadd.s32 v0, v40  }
0xd9: {  	[tilespmem:$0x1FAC0] =	vst v1;
	v1 =	vld [tilespmem:$0x1FF00]  }
0xda: {  	v36 =	vadd.f32 v60, v47;
	_ =	sdelay $0x1  }
0xdb: {  	v3 =	vsub.f32 v36, v3;
	_ =	sdelay $0x1  }
0xdc: {  	v47 =	vmul.f32 $1.562500000e-02, v3;
	v3 =	vadd.s32 v1, v40;
	v1 =	vld [tilespmem:$0x1FF10]  }
0xdd: {  	v43 =	vperm.xlane v43, v19  }
0xde: {  	v42 =	vperm.xlane v42, v19  }
0xdf: {  	v43 =	vadd.f32 v43, v50  }
0xe0: {  	v42 =	vadd.f32 v42, v49  }
0xe1: {  	v49 =	vmul.f32 $1.562500000e-02, v9;
	v9 =	vsub.f32 v43, v38;
	v38 =	vadd.s32 v1, v40;
	v1 =	vld [tilespmem:$0x1FF20]  }
0xe2: {  	v61 =	vsub.f32 v59, v61;
	_ =	sdelay $0x1  }
0xe3: {  	v51 =	vmul.f32 $1.562500000e-02, v61;
	v39 =	vsub.f32 v46, v39;
	_ =	sdelay $0x1  }
0xe4: {  	(xrf2) =	vadd.scan.msk.f32 $0xffff, v58;
	v50 =	vsub.f32 v24, v51;
	v24 =	vmul.f32 $1.562500000e-02, v39;
	v39 =	vadd.s32 v1, v37;
	v1 =	vld [tilespmem:$0x1FF30];
	_ =	sdelay $0x2  }
0xe5: {  	v33 =	vsub.f32 v33, v62;
	(xrf2) =	vadd.scan.msk.f32 $0xffff, v57  }
0xe6: {  	v8 =	vsub.f32 v8, v63;
	v0, _, _ =	vpop (xrf2);
	(xrf2) =	vadd.scan.msk.f32 $0xffff, v56;
	v56 =	vmul.f32 v51, v51  }
0xe7: {  	v33 =	vmul.f32 $1.562500000e-02, v33;
	v40 =	vadd.s32 v1, v37;
	v1 =	vld [tilespmem:$0x1FF40]  }
0xe8: {  	v8 =	vmul.f32 $1.562500000e-02, v8;
	v34 =	vsub.f32 v42, v34;
	v42 =	vsub.f32 v47, v56  }
0xe9: {  	v57 =	vmul.f32 v33, v33;
	v20 =	vsub.f32 v20, v33;
	v59 =	vmul.f32 v49, v49  }
0xea: {  	v58 =	vmul.f32 v8, v8;
	v52 =	vsub.f32 v23, v51;
	[tilespmem:$0x1FAD0] =	vst v0;
	v0, _, _ =	vpop (xrf2);
	v42 =	vadd.f32 $9.999999740e-06, v42  }
0xeb: {  	v34 =	vmul.f32 $1.562500000e-02, v34;
	(xrf2) =	vadd.scan.msk.f32 $0xffff, v55;
	v60 =	vsub.f32 v24, v59;
	[tilespmem:$0x1FAE0] =	vst v0  }
0xec: {  	v0, _, _ =	vpop (xrf2);
	(xrf2) =	vadd.scan.msk.f32 $0xffff, v54;
	v61 =	vshra.s32 v42, $0x1;
	v42 =	vmul.f32 $5.000000000e-01, v42;
	v59 =	vadd.s32 v1, v37;
	v1 =	vld [tilespmem:$0x1FF50]  }
0xed: {  	v9 =	vmul.f32 $1.562500000e-02, v9;
	v48 =	vadd.f32 $9.999999740e-06, v60;
	v55 =	vsub.s32 $0x5F3759DF, v61  }
0xee: {  	v21 =	vsub.f32 v21, v51;
	v43 =	vsub.f32 v34, v57;
	v42 =	vmul.f32 v55, v42  }
0xef: {  	v9 =	vsub.f32 v9, v58;
	v54 =	vsub.f32 v22, v51;
	v32 =	vshra.s32 v48, $0x1  }
0xf0: {  	v43 =	vadd.f32 $9.999999740e-06, v43;
	v57 =	vsub.s32 $0x5F3759DF, v32;
	v32 =	vld [tilespmem:$0x1FD60];
	v42 =	vmul.f32 v55, v42  }
0xf1: {  	v9 =	vadd.f32 $9.999999740e-06, v9;
	v34 =	vmul.f32 $5.000000000e-01, v48;
	v28 =	vadd.s32 v1, v37;
	v1 =	vld [tilespmem:$0x1FB00]  }
0xf2: {  	v23 =	vmovc v10;
	v22 =	vmovc v27;
	v62 =	vshra.s32 v43, $0x1;
	v43 =	vmul.f32 $5.000000000e-01, v43;
	v42 =	vsub.f32 $1.500000000e+00, v42  }
0xf3: {  	v47, _, _ =	vpop (xrf2);
	(xrf2) =	vadd.scan.msk.f32 $0xffff, v53;
	v63 =	vshra.s32 v9, $0x1;
	v9 =	vmul.f32 $5.000000000e-01, v9;
	v58 =	vmul.f32 v57, v34  }
0xf4: {  	v56 =	vsub.s32 $0x5F3759DF, v62;
	v53 =	vsub.s32 $0x5F3759DF, v63;
	v46, _, _ =	vpop (xrf2);
	(xrf2) =	vadd.scan.msk.f32 $0xffff, v25;
	v42 =	vmul.f32 v55, v42  }
0xf5: {  	v43 =	vmul.f32 v56, v43;
	v36 =	vmul.f32 v57, v58;
	v58 =	vsub.f32 v41, v33;
	v48, _, _ =	vpop (xrf2);
	(xrf2) =	vadd.scan.msk.f32 $0xffff, v27;
	v27 =	vld [tilespmem:$0x1FDA0]  }
0xf6: {  	v34, _, _ =	vpop (xrf2);
	(xrf2) =	vadd.scan.msk.f32 $0xffff, v10;
	v55 =	vsub.f32 v15, v33;
	v10 =	vsub.f32 v1, v33;
	v33 =	vmul.f32 v42, v32  }
0xf7: {  	v9 =	vmul.f32 v53, v9;
	v43 =	vmul.f32 v56, v43;
	v51 =	vsub.f32 $1.500000000e+00, v36;
	v36 =	vld [tilespmem:$0x1FD80]  }
0xf8: {  	v33 =	vmul.f32 v33, v50  }
0xf9: {  	v9 =	vmul.f32 v53, v9;
	v43 =	vsub.f32 $1.500000000e+00, v43;
	v1 =	vld [tilespmem:$0x1FD70]  }
0xfa: {  	v33 =	vadd.f32 v33, v27  }
0xfb: {  	v31 =	vld [tilespmem:$0x1FD90];
	v9 =	vsub.f32 $1.500000000e+00, v9;
	v43 =	vmul.f32 v56, v43  }
0xfc: {  	v37 =	vmul.f32 v42, v36;
	[tilespmem:v6+s0+$0x0] =	vst.idx.msk $0xffff, v33;
	v6 =	vld [tilespmem:$0x1FD30]  }
0xfd: {  	v41 =	vld [tilespmem:$0x1FDB0];
	v9 =	vmul.f32 v53, v9;
	v60 =	vmul.f32 v43, v32  }
0xfe: {  	v54 =	vmul.f32 v37, v54;
	v37 =	vld [tilespmem:$0x1FDC0];
	v53 =	vmul.f32 v42, v1  }
0xff: {  	v20 =	vmul.f32 v60, v20;
	v60 =	vld [tilespmem:$0x1FDD0]  }
0x100: {  	v42 =	vmul.f32 v42, v31;
	v52 =	vmul.f32 v53, v52;
	_ =	sdelay $0x1  }
0x101: {  	v21 =	vmul.f32 v42, v21;
	v52 =	vadd.f32 v52, v41  }
0x102: {  	v33 =	vadd.f32 v54, v37  }
0x103: {  	[tilespmem:v6+s0+$0x0] =	vst.idx.msk $0xffff, v52;
	v6 =	vadd.f32 v21, v60  }
0x104: {  	[tilespmem:v2+s0+$0x0] =	vst.idx.msk $0xffff, v33;
	v2 =	vadd.f32 v20, v27  }
0x105: {  	[tilespmem:v7+s0+$0x0] =	vst.idx.msk $0xffff, v6  }
0x106: {  	[tilespmem:v5+s0+$0x0] =	vst.idx.msk $0xffff, v2;
	v5 =	vld [tilespmem:$0x1FD40];
	_ =	sdelay $0x1  }
0x107: {  	v61 =	vmul.f32 v43, v1  }
0x108: {  	v63 =	vmul.f32 v43, v36  }
0x109: {  	v43 =	vmul.f32 v43, v31;
	v61 =	vmul.f32 v61, v58;
	_ =	sdelay $0x1  }
0x10a: {  	v4 =	vld [tilespmem:$0x1FB10];
	v10 =	vmul.f32 v43, v10;
	v7 =	vadd.f32 v61, v41  }
0x10b: {  	v13 =	vsub.f32 v13, v8;
	v11 =	vmul.f32 v9, v1  }
0x10c: {  	[tilespmem:v5+s0+$0x0] =	vst.idx.msk $0xffff, v7;
	v5 =	vadd.f32 v10, v60;
	v10 =	vld [tilespmem:$0x1FD50]  }
0x10d: {  	v7 =	vmul.f32 v11, v13;
	v11 =	vld [tilespmem:$0x1FAA0];
	_ =	sdelay $0x1  }
0x10e: {  	v62 =	vsub.f32 v4, v8;
	v4 =	vld [tilespmem:$0x1FB20]  }
0x10f: {  	v20 =	vmul.f32 v63, v55  }
0x110: {  	v16 =	vsub.f32 v16, v8;
	v8 =	vsub.f32 v17, v8  }
0x111: {  	v24, _, _ =	vpop (xrf2);
	v51 =	vmul.f32 v57, v51;
	(xrf2) =	vadd.scan.msk.f32 $0xffff, v26;
	v17 =	vmul.f32 v9, v32;
	v2 =	vadd.f32 v20, v37  }
0x112: {  	v15 =	vmov v45;
	v57, _, _ =	vpop (xrf2);
	(xrf2) =	vadd.scan.msk.f32 $0xffff, v45;
	v45 =	vmul.f32 v9, v36;
	v9 =	vmul.f32 v9, v31  }
0x113: {  	v12 =	vsub.f32 v4, v49;
	v4 =	vld [tilespmem:$0x1FB30];
	[tilespmem:v10+s0+$0x0] =	vst.idx.msk $0xffff, v2  }
0x114: {  	[tilespmem:v11+s0+$0x0] =	vst.idx.msk $0xffff, v5;
	v5 =	vadd.f32 v7, v41;
	v7 =	vmul.f32 v9, v8;
	v8 =	vld [tilespmem:$0x1FAB0];
	_ =	sdelay $0x3  }
0x115: {  	[tilespmem:$0x1FAF0] =	vst v0;
	v0 =	vsub.f32 v4, v49;
	v4 =	vld [tilespmem:$0x1FB40];
	v6 =	vmul.f32 v17, v16;
	_ =	sdelay $0x1  }
0x116: {  	v2 =	vadd.f32 v6, v27;
	_ =	sdelay $0x1  }
0x117: {  	v44, _, _ =	vpop (xrf2);
	(xrf2) =	vadd.scan.msk.f32 $0xffff, v29;
	[tilespmem:v8+s0+$0x0] =	vst.idx.msk $0xffff, v2;
	v8 =	vld [tilespmem:$0x1FAC0]  }
0x118: {  	v18 =	vsub.f32 v18, v49;
	v49 =	vsub.f32 v4, v49;
	v4, _, _ =	vpop (xrf2);
	(xrf2) =	vadd.scan.msk.f32 $0xffff, v35  }
0x119: {  	v54, _, _ =	vpop (xrf2);
	(xrf2) =	vadd.scan.msk.f32 $0xffff, v30;
	_ =	sdelay $0x2  }
0x11a: {  	v50 =	vmul.f32 v51, v32;
	v6 =	vmul.f32 v45, v62  }
0x11b: {  	v56 =	vmul.f32 v51, v36;
	v53 =	vmul.f32 v51, v1  }
0x11c: {  	v42 =	vmul.f32 v51, v31;
	v2 =	vadd.f32 v6, v37;
	v6 =	vmul.f32 v50, v12  }
0x11d: {  	[tilespmem:v8+s0+$0x0] =	vst.idx.msk $0xffff, v5;
	v5 =	vadd.f32 v7, v60;
	v7 =	vmul.f32 v53, v0  }
0x11e: {  	v21, _, _ =	vpop (xrf2);
	v0 =	vld [tilespmem:$0x1FAD0];
	[tilespmem:v3+s0+$0x0] =	vst.idx.msk $0xffff, v2;
	v2 =	vadd.f32 v6, v27;
	v3 =	vmul.f32 v56, v18  }
0x11f: {  	v10, _, _ =	vpop (xrf2);
	[tilespmem:v38+s0+$0x0] =	vst.idx.msk $0xffff, v5;
	v5 =	vadd.f32 v7, v41;
	v7 =	vmul.f32 v42, v49  }
0x120: {  	v12 =	vperm.xlane v24, v19;
	v8, _, _ =	vpop (xrf2);
	[tilespmem:v39+s0+$0x0] =	vst.idx.msk $0xffff, v2;
	v2 =	vadd.f32 v3, v37;
	v3 =	vld [tilespmem:$0x1FAE0]  }
0x121: {  	v6, _, _ =	vpop (xrf2);
	[tilespmem:v40+s0+$0x0] =	vst.idx.msk $0xffff, v5;
	v5 =	vadd.f32 v7, v60;
	v7 =	vld [tilespmem:$0x1FAF0]  }
0x122: {  	v11 =	vperm.xlane v34, v19;
	v6 =	vadd.f32 v12, v6  }
0x123: {  	v0 =	vperm.xlane v0, v19  }
0x124: {  	v9 =	vperm.xlane v47, v19;
	v8 =	vadd.f32 v11, v8;
	v6 =	vsub.f32 v6, v30  }
0x125: {  	[tilespmem:v59+s0+$0x0] =	vst.idx.msk $0xffff, v2;
	v0 =	vadd.f32 v0, v57;
	v3 =	vperm.xlane v3, v19  }
0x126: {  	[tilespmem:v28+s0+$0x0] =	vst.idx.msk $0xffff, v5;
	v5 =	vadd.f32 v9, v54;
	v7 =	vperm.xlane v7, v19  }
0x127: {  	v9 =	vperm.xlane v48, v19;
	v0 =	vsub.f32 v0, v25;
	v2 =	vadd.f32 v3, v44  }
0x128: {  	v11 =	vld [tilespmem:$0x1FBA0];
	v5 =	vsub.f32 v5, v26;
	v4 =	vadd.f32 v7, v4;
	v7 =	vperm.xlane v46, v19  }
0x129: {  	v13 =	vmul.f32 $1.562500000e-02, v0;
	v0 =	vadd.f32 v9, v10;
	v2 =	vsub.f32 v2, v22  }
0x12a: {  	v17 =	vld [tilespmem:$0x1FB90];
	v4 =	vsub.f32 v4, v23;
	v7 =	vadd.f32 v7, v21  }
0x12b: {  	v6 =	vmul.f32 $1.562500000e-02, v6;
	v0 =	vsub.f32 v0, v29;
	v9 =	vmul.f32 $1.562500000e-02, v2  }
0x12c: {  	v18 =	vld [tilespmem:$0x1FBB0];
	v5 =	vmul.f32 $1.562500000e-02, v5;
	v2 =	vsub.f32 v7, v15;
	v7 =	vmul.f32 $1.562500000e-02, v4  }
0x12d: {  	v14 =	vmovc v35;
	v11 =	vsub.f32 v11, v13;
	v0 =	vmul.f32 $1.562500000e-02, v0;
	v10 =	vmul.f32 v9, v9  }
0x12e: {  	v20 =	vld [tilespmem:$0x1FBC0];
	v4 =	vsub.f32 v8, v14;
	v8 =	vmul.f32 v13, v13;
	v2 =	vmul.f32 $1.562500000e-02, v2  }
0x12f: {  	v17 =	vsub.f32 v17, v13;
	v0 =	vsub.f32 v0, v10;
	v10 =	vmul.f32 v5, v5  }
0x130: {  	v4 =	vmul.f32 $1.562500000e-02, v4;
	v2 =	vsub.f32 v2, v8;
	v8 =	vmul.f32 v7, v7  }
0x131: {  	v18 =	vsub.f32 v18, v13;
	v6 =	vsub.f32 v6, v10  }
0x132: {  	v10 =	vadd.f32 $9.999999740e-06, v0;
	v4 =	vsub.f32 v4, v8  }
0x133: {  	v13 =	vsub.f32 v20, v13;
	v8 =	vadd.f32 $9.999999740e-06, v2  }
0x134: {  	v6 =	vadd.f32 $9.999999740e-06, v6;
	v14 =	vshra.s32 v10, $0x1;
	v4 =	vadd.f32 $9.999999740e-06, v4  }
0x135: {  	v10 =	vmul.f32 $5.000000000e-01, v10;
	v12 =	vshra.s32 v8, $0x1;
	v8 =	vmul.f32 $5.000000000e-01, v8  }
0x136: {  	v20 =	vld [tilespmem:$0x1FBD0];
	v12 =	vsub.s32 $0x5F3759DF, v12;
	v15 =	vshra.s32 v4, $0x1;
	v4 =	vmul.f32 $5.000000000e-01, v4  }
0x137: {  	v14 =	vsub.s32 $0x5F3759DF, v14;
	v8 =	vmul.f32 v12, v8;
	v15 =	vsub.s32 $0x5F3759DF, v15  }
0x138: {  	v10 =	vmul.f32 v14, v10;
	v4 =	vmul.f32 v15, v4  }
0x139: {  	v24 =	vld [tilespmem:$0x1FC20];
	v16 =	vshra.s32 v6, $0x1;
	v6 =	vmul.f32 $5.000000000e-01, v6;
	v8 =	vmul.f32 v12, v8  }
0x13a: {  	v28 =	vld [tilespmem:$0x1FC30];
	v16 =	vsub.s32 $0x5F3759DF, v16;
	v10 =	vmul.f32 v14, v10;
	v4 =	vmul.f32 v15, v4  }
0x13b: {  	v22 =	vld [tilespmem:$0x1FC10];
	v44 =	vsub.f32 v20, v9;
	v6 =	vmul.f32 v16, v6;
	v8 =	vsub.f32 $1.500000000e+00, v8  }
0x13c: {  	v29 =	vld [tilespmem:$0x1FC40];
	v10 =	vsub.f32 $1.500000000e+00, v10;
	v20 =	vsub.f32 $1.500000000e+00, v4  }
0x13d: {  	v6 =	vmul.f32 v16, v6;
	v8 =	vmul.f32 v12, v8;
	v12 =	vld [tilespmem:$0x1FBE0]  }
0x13e: {  	v10 =	vmul.f32 v14, v10;
	v14 =	vmul.f32 v15, v20;
	v15 =	vld [tilespmem:$0x1FBF0]  }
0x13f: {  	v6 =	vsub.f32 $1.500000000e+00, v6;
	v20 =	vld [tilespmem:$0x1FC00];
	_ =	sdelay $0x1  }
0x140: {  	v22 =	vsub.f32 v22, v7;
	v24 =	vsub.f32 v24, v7;
	v6 =	vmul.f32 v16, v6  }
0x141: {  	v45 =	vsub.f32 v28, v7;
	v7 =	vsub.f32 v29, v7;
	v25 =	vmul.f32 v10, v1  }
0x142: {  	v49 =	vmul.f32 v6, v1;
	v29 =	vmul.f32 v14, v1;
	v12 =	vsub.f32 v12, v9  }
0x143: {  	v15 =	vsub.f32 v15, v9;
	v9 =	vsub.f32 v20, v9;
	v20 =	vmul.f32 v8, v1;
	v1 =	vld [tilespmem:$0x1FC70];
	_ =	sdelay $0x2  }
0x144: {  	v48 =	vld [tilespmem:$0x1FC60]  }
0x145: {  	v46 =	vld [tilespmem:$0x1FC50]  }
0x146: {  	v50 =	vsub.f32 v1, v5;
	v1 =	vld [tilespmem:$0x1FC80];
	_ =	sdelay $0x3  }
0x147: {  	v33 =	vsub.f32 v48, v5  }
0x148: {  	v47 =	vsub.f32 v46, v5;
	v5 =	vsub.f32 v1, v5;
	v1 =	vld [tilespmem:$0x1FCB0];
	_ =	sdelay $0x1  }
0x149: {  	v16 =	vmul.f32 v8, v32;
	_ =	sdelay $0x1  }
0x14a: {  	v11 =	vmul.f32 v16, v11;
	_ =	sdelay $0x1  }
0x14b: {  	v11 =	vadd.f32 v11, v27;
	_ =	sdelay $0x1  }
0x14c: {  	[tilespmem:v1+s0+$0x0] =	vst.idx.msk $0xffff, v11;
	v1 =	vld [tilespmem:$0x1FCC0];
	_ =	sdelay $0x3  }
0x14d: {  	v16 =	vmul.f32 v20, v17;
	_ =	sdelay $0x1  }
0x14e: {  	v16 =	vadd.f32 v16, v41;
	_ =	sdelay $0x1  }
0x14f: {  	[tilespmem:v1+s0+$0x0] =	vst.idx.msk $0xffff, v16;
	v1 =	vld [tilespmem:$0x1FCD0];
	_ =	sdelay $0x1  }
0x150: {  	v21 =	vmul.f32 v8, v36;
	_ =	sdelay $0x1  }
0x151: {  	v17 =	vmul.f32 v21, v18;
	_ =	sdelay $0x1  }
0x152: {  	v17 =	vadd.f32 v17, v37;
	_ =	sdelay $0x1  }
0x153: {  	[tilespmem:v1+s0+$0x0] =	vst.idx.msk $0xffff, v17;
	v1 =	vld [tilespmem:$0x1FCA0];
	_ =	sdelay $0x4  }
0x154: {  	v17 =	vbroadcast v1, $0x0;
	v1 =	vld [tilespmem:$0x1FCE0];
	_ =	sdelay $0x1  }
0x155: {  	v8 =	vmul.f32 v8, v31;
	_ =	sdelay $0x1  }
0x156: {  	v8 =	vmul.f32 v8, v13;
	_ =	sdelay $0x1  }
0x157: {  	v8 =	vadd.f32 v8, v60;
	_ =	sdelay $0x1  }
0x158: {  	[tilespmem:v1+s0+$0x0] =	vst.idx.msk $0xffff, v8;
	v1 =	vld [tilespmem:$0x1FCF0];
	_ =	sdelay $0x1  }
0x159: {  	v23 =	vmul.f32 v10, v32  }
0x15a: {  	v3 =	vld [tilespmem:$0x1FC90]  }
0x15b: {  	v0 =	vld [tilespmem:$0x1FDF0];
	v13 =	vmul.f32 v23, v44  }
0x15c: {  	v2 =	vld [tilespmem:$0x1FDE0]  }
0x15d: {  	v4 =	vld [tilespmem:$0x1FE00];
	v13 =	vadd.f32 v13, v27  }
0x15e: {  	v18 =	vld [tilespmem:$0x1FE10]  }
0x15f: {  	[tilespmem:v1+s0+$0x0] =	vst.idx.msk $0xffff, v13;
	v1 =	vld [tilespmem:$0x1FE20];
	_ =	sdelay $0x1  }
0x160: {  	v3 =	vbroadcast v3, $0x0;
	_ =	sdelay $0x1  }
0x161: {  	v0 =	vadd.s32 v0, v3;
	v2 =	vadd.s32 v2, v3;
	v4 =	vadd.s32 v4, v3  }
0x162: {  	v3 =	vadd.s32 v18, v3;
	v18 =	vmul.f32 v29, v24;
	v29 =	vadd.s32 v1, v17;
	v1 =	vld [tilespmem:$0x1FE30];
	_ =	sdelay $0x2  }
0x163: {  	v30 =	vmul.f32 v14, v36;
	_ =	sdelay $0x1  }
0x164: {  	v24 =	vmul.f32 v30, v45;
	v30 =	vadd.s32 v1, v17;
	v1 =	vld [tilespmem:$0x1FD00];
	_ =	sdelay $0x3  }
0x165: {  	v12 =	vmul.f32 v25, v12;
	_ =	sdelay $0x1  }
0x166: {  	v12 =	vadd.f32 v12, v41;
	_ =	sdelay $0x1  }
0x167: {  	[tilespmem:v1+s0+$0x0] =	vst.idx.msk $0xffff, v12;
	v1 =	vld [tilespmem:$0x1FE40];
	_ =	sdelay $0x3  }
0x168: {  	v42 =	vld [tilespmem:$0x1FB80];
	v26 =	vmul.f32 v10, v36  }
0x169: {  	v10 =	vmul.f32 v10, v31;
	v28 =	vmul.f32 v14, v32;
	v12 =	vadd.s32 v1, v17;
	v1 =	vld [tilespmem:$0x1FD10]  }
0x16a: {  	s28 =	sadd.s32 $0x200, s28;
	v40 =	vld [tilespmem:$0x1FB70];
	v32 =	vmul.f32 v6, v32;
	v36 =	vmul.f32 v6, v36  }
0x16b: {  	v6 =	vmul.f32 v6, v31;
	v25 =	vld [tilespmem:s28+$0x20];
	v9 =	vmul.f32 v10, v9  }
0x16c: {  	v10 =	vmul.f32 v28, v22;
	v20 =	vld [tilespmem:s28+$0x0];
	v22 =	vmul.f32 v49, v33  }
0x16d: {  	v15 =	vmul.f32 v26, v15;
	v21 =	vld [tilespmem:s28+$0x10]  }
0x16e: {  	v26 =	vadd.f32 v22, v41;
	v22 =	vld [tilespmem:$0x1FE50];
	v5 =	vmul.f32 v6, v5  }
0x16f: {  	v15 =	vadd.f32 v15, v37;
	v23 =	vmul.f32 v36, v50;
	v36 =	vld [tilespmem:$0x1FB50]  }
0x170: {  	v28 =	vadd.f32 v5, v60;
	v5 =	vld [tilespmem:s28+$0x70]  }
0x171: {  	[tilespmem:v1+s0+$0x0] =	vst.idx.msk $0xffff, v15;
	v1 =	vld [tilespmem:$0x1FD20]  }
0x172: {  	v6 =	vld [tilespmem:s28+$0x30]  }
0x173: {  	v14 =	vmul.f32 v14, v31;
	v16 =	vadd.f32 v24, v37;
	v8 =	vadd.f32 v23, v37;
	v37 =	vld [tilespmem:$0x1FB60]  }
0x174: {  	v11 =	vadd.f32 v18, v41;
	v18 =	vld [tilespmem:s28+$0x40]  }
0x175: {  	v7 =	vmul.f32 v14, v7;
	v9 =	vadd.f32 v9, v60  }
0x176: {  	v59 =	vld [tilespmem:$0x1FFD0];
	v14 =	vmul.f32 v32, v47;
	v10 =	vadd.f32 v10, v27;
	v53 =	vadd.f32 v5, v42  }
0x177: {  	v52 =	vld [tilespmem:s28+$0x50];
	v24 =	vadd.f32 v20, v36;
	v31 =	vadd.s32 v22, v17;
	v22 =	vadd.f32 v25, v40  }
0x178: {  	v5 =	vld [tilespmem:s28+$0xC0];
	v23 =	vadd.f32 v21, v37;
	v21 =	vadd.f32 v6, v42  }
0x179: {  	v14 =	vadd.f32 v14, v27;
	v20 =	vadd.f32 v18, v36;
	v6 =	vld [tilespmem:s28+$0xA0];
	[tilespmem:v1+s0+$0x0] =	vst.idx.msk $0xffff, v9  }
0x17a: {  	v27 =	vld [tilespmem:s28+$0x60];
	v18 =	vadd.f32 v21, v22;
	[tilespmem:v2+s0+$0x0] =	vst.idx.msk $0xffff, v10;
	v2 =	vadd.f32 v23, v24  }
0x17b: {  	s21 =	sadd.s32 $0x2, s8;
	v13 =	vld [tilespmem:s28+$0x80]  }
0x17c: {  	v7 =	vadd.f32 v7, v60;
	v17 =	vld [tilespmem:s28+$0x90];
	v61 =	vadd.f32 v18, v2;
	v2 =	vmov s21;
	s21 =	sadd.s32 $0x3, s8  }
0x17d: {  	v9 =	vld [tilespmem:s28+$0xB0];
	v10 =	vadd.f32 v5, v36;
	[tilespmem:v0+s0+$0x0] =	vst.idx.msk $0xffff, v11;
	v5 =	vmov s21;
	v2 =	vshrl.u32 v2, $0x3  }
0x17e: {  	v1 =	vadd.f32 v6, v40;
	v6 =	vld [tilespmem:s28+$0xF0];
	[tilespmem:v4+s0+$0x0] =	vst.idx.msk $0xffff, v16;
	v5 =	vshrl.u32 v5, $0x3;
	v2 =	vshll.u32 v2, v59  }
0x17f: {  	v15 =	vadd.f32 v27, v40;
	v0 =	vmov s8;
	[tilespmem:$0x1FC90] =	vst v2;
	v2 =	vshll.u32 v5, v59  }
0x180: {  	s10 =	sadd.s32 $0x1, s8;
	v41 =	vadd.f32 v52, v37;
	v0 =	vshrl.u32 v0, $0x3;
	v16 =	vadd.f32 v13, v36;
	[tilespmem:$0x1FCA0] =	vst v2;
	v2 =	vld [tilespmem:$0x1FFC0]  }
0x181: {  	v11 =	vld [tilespmem:s28+$0xD0];
	v13 =	vadd.f32 v17, v37;
	v18 =	vadd.f32 v53, v15;
	[tilespmem:v3+s0+$0x0] =	vst.idx.msk $0xffff, v7;
	v3 =	vmov s10  }
0x182: {  	v7 =	vadd.f32 v41, v20;
	v0 =	vshll.u32 v0, v59;
	v17 =	vadd.f32 v9, v42  }
0x183: {  	v4 =	vld [tilespmem:s28+$0xE0];
	[tilespmem:v29+s0+$0x0] =	vst.idx.msk $0xffff, v14;
	v39 =	vadd.f32 v6, v42;
	v6 =	vbroadcast v0, $0x0;
	v29 =	vmul.f32 v21, v21  }
0x184: {  	v56 =	vmul.f32 v16, v16;
	v14 =	vld [tilespmem:s28+$0xFFFFFF10];
	[tilespmem:v30+s0+$0x0] =	vst.idx.msk $0xffff, v26;
	v62 =	vadd.f32 v18, v7;
	v7 =	vshrl.u32 v3, $0x3  }
0x185: {  	v25 =	vld [tilespmem:s28+$0xFFFFFF20];
	[tilespmem:v12+s0+$0x0] =	vst.idx.msk $0xffff, v8;
	v7 =	vshll.u32 v7, v59;
	v2 =	vadd.s32 v2, v6  }
0x186: {  	v30 =	vmul.f32 v20, v20;
	v54 =	vadd.f32 v11, v37;
	[tilespmem:$0x1FCB0] =	vst v2;
	v2 =	vbroadcast v7, $0x0;
	v7 =	vld [tilespmem:$0x1FFE0]  }
0x187: {  	v11 =	vadd.f32 v13, v16;
	v12 =	vadd.f32 v17, v1;
	v8 =	vld [tilespmem:s28+$0xFFFFFF30];
	[tilespmem:v31+s0+$0x0] =	vst.idx.msk $0xffff, v28  }
0x188: {  	[tilespmem:$0x1FB00] =	vst v53;
	v57 =	vmul.f32 v17, v17;
	v60 =	vmul.f32 v39, v39;
	v18 =	vadd.f32 v4, v40;
	v9 =	vld [tilespmem:s28+$0xFFFFFF40]  }
0x189: {  	[tilespmem:$0x1FB10] =	vst v1;
	v4 =	vmul.f32 v24, v24;
	v28 =	vmul.f32 v22, v22;
	v26 =	vld [tilespmem:s28+$0xFFFFFF50];
	v63 =	vadd.f32 v12, v11  }
0x18a: {  	(xrf2) =	vadd.scan.msk.f32 $0xffff, v61;
	v27 =	vld [tilespmem:s28+$0xFFFFFF60];
	v0 =	vadd.f32 v54, v10;
	v12 =	vmul.f32 v23, v23;
	v3 =	vadd.f32 v39, v18  }
0x18b: {  	(xrf2) =	vadd.scan.msk.f32 $0xffff, v62;
	v11 =	vld [tilespmem:s28+$0xFFFFFF70];
	v55 =	vadd.f32 v29, v28;
	v28 =	vmul.f32 v15, v15;
	v7 =	vadd.s32 v7, v6  }
0x18c: {  	v29 =	vmul.f32 v53, v53;
	v43 =	vadd.f32 v14, v37;
	v44 =	vadd.f32 v25, v40;
	[tilespmem:$0x1FCC0] =	vst v7;
	v7 =	vld [tilespmem:$0x1FF80]  }
0x18d: {  	v31 =	vld [tilespmem:s28+$0xFFFFFFA0];
	v58 =	vmul.f32 v54, v54;
	(xrf2) =	vadd.scan.msk.f32 $0xffff, v63;
	v0 =	vadd.f32 v3, v0;
	v3 =	vadd.f32 v12, v4  }
0x18e: {  	[tilespmem:$0x1FB20] =	vst v10;
	v33 =	vld [tilespmem:s28+$0xFFFFFFD0];
	v12 =	vmul.f32 v41, v41;
	v28 =	vadd.f32 v29, v28;
	v45 =	vadd.f32 v8, v42  }
0x18f: {  	v14 =	vld [tilespmem:s28+$0xFFFFFF80];
	v29 =	vmul.f32 v13, v13;
	(xrf2) =	vadd.scan.msk.f32 $0xffff, v0;
	v49 =	vadd.f32 v9, v36;
	v3 =	vadd.f32 v55, v3  }
0x190: {  	[tilespmem:$0x1FB40] =	vst v39;
	v25 =	vld [tilespmem:s28+$0xFFFFFF90];
	v12 =	vadd.f32 v12, v30;
	v50 =	vadd.f32 v26, v37;
	v30 =	vmul.f32 v1, v1  }
0x191: {  	[tilespmem:$0x1FB30] =	vst v54;
	v8 =	vld [tilespmem:s28+$0xFFFFFFB0];
	v51 =	vadd.f32 v27, v40;
	v29 =	vadd.f32 v29, v56;
	v7 =	vadd.s32 v7, v6  }
0x192: {  	v52 =	vadd.f32 v11, v42;
	v11 =	vmul.f32 v18, v18;
	v55 =	vadd.f32 v31, v40;
	[tilespmem:$0x1FCD0] =	vst v7;
	v7 =	vld [tilespmem:$0x1FF90]  }
0x193: {  	[tilespmem:$0x1FB90] =	vst v43;
	v9 =	vld [tilespmem:s28+$0xFFFFFFC0];
	v34 =	vadd.f32 v28, v12;
	v12 =	vmul.f32 v10, v10;
	v30 =	vadd.f32 v57, v30  }
0x194: {  	v26 =	vld [tilespmem:s28+$0xFFFFFFE0];
	v4, _, _ =	vpop (xrf2);
	[tilespmem:$0x1FBC0] =	vst v45;
	(xrf2) =	vadd.scan.msk.f32 $0xffff, v3;
	v53 =	vadd.f32 v14, v36;
	v11 =	vadd.f32 v60, v11  }
0x195: {  	v28 =	vld [tilespmem:s28+$0xFFFFFF00];
	v14 =	vmul.f32 v43, v43;
	[tilespmem:$0x1FBD0] =	vst v49;
	v38 =	vadd.f32 v30, v29;
	v12 =	vadd.f32 v58, v12  }
0x196: {  	v27 =	vld [tilespmem:s28+$0xFFFFFFF0];
	v31 =	vmul.f32 v49, v49;
	v57 =	vadd.f32 v33, v37;
	[tilespmem:$0x1FBE0] =	vst v50;
	v1, _, _ =	vpop (xrf2);
	(xrf2) =	vadd.scan.msk.f32 $0xffff, v34  }
0x197: {  	[tilespmem:$0x1FC00] =	vst v52;
	v39 =	vadd.f32 v11, v12;
	v46, _, _ =	vpop (xrf2);
	(xrf2) =	vadd.scan.msk.f32 $0xffff, v38;
	v6 =	vadd.s32 v7, v6  }
0x198: {  	v32 =	vmul.f32 v51, v51;
	v33 =	vmul.f32 v52, v52;
	v60 =	vadd.f32 v25, v37;
	[tilespmem:$0x1FCE0] =	vst v6;
	v6 =	vld [tilespmem:$0x1FFA0]  }
0x199: {  	v29 =	vmul.f32 v44, v44;
	v10 =	vadd.f32 v8, v42;
	v58 =	vadd.f32 v9, v36;
	v48, _, _ =	vpop (xrf2);
	(xrf2) =	vadd.scan.msk.f32 $0xffff, v39  }
0x19a: {  	[tilespmem:$0x1FC30] =	vst v55;
	v30 =	vmul.f32 v45, v45;
	v56 =	vadd.f32 v26, v40;
	v25 =	vadd.f32 v28, v36  }
0x19b: {  	v8 =	vmul.f32 v50, v50;
	[tilespmem:$0x1FC60] =	vst v57;
	v54 =	vadd.f32 v27, v42;
	v26 =	vadd.f32 v50, v49  }
0x19c: {  	v9 =	vmul.f32 v25, v25;
	[tilespmem:$0x1FBA0] =	vst v25;
	v11 =	vadd.f32 v43, v25;
	v25 =	vadd.f32 v45, v44  }
0x19d: {  	v27 =	vadd.f32 v52, v51;
	[tilespmem:$0x1FC20] =	vst v60;
	v12 =	vperm.xlane v61, v19;
	v6 =	vadd.s32 v6, v2  }
0x19e: {  	v52 =	vadd.f32 v54, v56;
	v45 =	vperm.xlane v62, v19;
	v25 =	vadd.f32 v25, v11;
	[tilespmem:$0x1FCF0] =	vst v6;
	v6 =	vld [tilespmem:$0x1FFB0]  }
0x19f: {  	v11 =	vmul.f32 v55, v55;
	v47, _, _ =	vpop (xrf2);
	(xrf2) =	vadd.scan.msk.f32 $0xffff, v12;
	v12 =	vadd.f32 v10, v55;
	v55 =	vperm.xlane v63, v19  }
0x1a0: {  	v42 =	vmul.f32 v60, v60;
	v29 =	vadd.f32 v30, v29;
	v35 =	vadd.f32 v57, v58;
	v49, _, _ =	vpop (xrf2);
	(xrf2) =	vadd.scan.msk.f32 $0xffff, v45  }
0x1a1: {  	v30 =	vperm.xlane v0, v19;
	v28 =	vadd.f32 v60, v53;
	v27 =	vadd.f32 v27, v26;
	v50, _, _ =	vpop (xrf2);
	(xrf2) =	vadd.scan.msk.f32 $0xffff, v55  }
0x1a2: {  	[tilespmem:$0x1FC40] =	vst v10;
	v60 =	vmul.f32 v58, v58;
	v43 =	vmul.f32 v10, v10;
	v26 =	vadd.f32 v52, v35  }
0x1a3: {  	v9 =	vadd.f32 v14, v9;
	v14 =	vmul.f32 v54, v54;
	v52, _, _ =	vpop (xrf2);
	(xrf2) =	vadd.scan.msk.f32 $0xffff, v30;
	v6 =	vadd.s32 v6, v2  }
0x1a4: {  	v10 =	vadd.f32 v12, v28;
	v12 =	vmul.f32 v57, v57;
	v57 =	vmul.f32 v56, v56;
	[tilespmem:$0x1FD00] =	vst v6;
	v6 =	vld [tilespmem:$0x1FF70]  }
0x1a5: {  	v40 =	vmul.f32 v53, v53;
	v8 =	vadd.f32 v8, v31;
	v31 =	vadd.f32 v33, v32  }
0x1a6: {  	[tilespmem:$0x1FBB0] =	vst v44;
	v5 =	vperm.xlane v38, v19;
	v12 =	vadd.f32 v12, v60;
	v60 =	vadd.f32 v14, v57  }
0x1a7: {  	[tilespmem:$0x1FC50] =	vst v58;
	v58 =	vadd.f32 v42, v40;
	v11 =	vadd.f32 v43, v11;
	v14 =	vperm.xlane v3, v19  }
0x1a8: {  	[tilespmem:$0x1FC80] =	vst v54;
	v28 =	vadd.f32 v29, v9;
	v30 =	vadd.f32 v60, v12;
	v12 =	vperm.xlane v34, v19  }
0x1a9: {  	s10 =	sadd.s32 $0x4, s8;
	s21 =	sadd.s32 $0x5, s8;
	v29 =	vadd.f32 v31, v8;
	v11 =	vadd.f32 v11, v58;
	v44, _, _ =	vpop (xrf2);
	(xrf2) =	vadd.scan.msk.f32 $0xffff, v14;
	v6 =	vadd.s32 v6, v2  }
0x1aa: {  	v7 =	vmov s21;
	v9, _, _ =	vpop (xrf2);
	(xrf2) =	vadd.scan.msk.f32 $0xffff, v12;
	[tilespmem:$0x1FD10] =	vst v6;
	v6 =	vmov s10;
	s10 =	sadd.s32 $0x6, s8  }
0x1ab: {  	v54 =	vperm.xlane v11, v19;
	v8, _, _ =	vpop (xrf2);
	(xrf2) =	vadd.scan.msk.f32 $0xffff, v5;
	v5 =	vperm.xlane v39, v19;
	v12 =	vmov s10  }
0x1ac: {  	v35 =	vmovc v11;
	v7 =	vshrl.u32 v7, $0x3;
	v6 =	vshrl.u32 v6, $0x3;
	v12 =	vshrl.u32 v12, $0x3  }
0x1ad: {  	v11, _, _ =	vpop (xrf2);
	(xrf2) =	vadd.scan.msk.f32 $0xffff, v5;
	v5 =	vshll.u32 v6, v59;
	v6 =	vshll.u32 v7, v59;
	v7 =	vshll.u32 v12, v59;
	v12 =	vld [tilespmem:$0x1FF60];
	_ =	sdelay $0x4  }
0x1ae: {  	v2 =	vadd.s32 v12, v2  }
0x1af: {  	[tilespmem:$0x1FD20] =	vst v2;
	v2 =	vld [tilespmem:$0x1FE60]  }
0x1b0: {  	s21 =	sadd.s32 $0x7, s8  }
0x1b1: {  	v14 =	vmov s21  }
0x1b2: {  	v14 =	vshrl.u32 v14, $0x3;
	v5 =	vbroadcast v5, $0x0  }
0x1b3: {  	[tilespmem:$0x1FBF0] =	vst v51;
	v51 =	vbroadcast v6, $0x0;
	v6 =	vshll.u32 v14, v59  }
0x1b4: {  	v37 =	vbroadcast v6, $0x0;
	v6 =	vadd.s32 v2, v5;
	v2 =	vld [tilespmem:$0x1FE70];
	_ =	sdelay $0x4  }
0x1b5: {  	v40 =	vbroadcast v7, $0x0;
	v7 =	vld [tilespmem:$0x1FE90];
	v2 =	vadd.s32 v2, v5  }
0x1b6: {  	[tilespmem:$0x1FD30] =	vst v2;
	v2 =	vld [tilespmem:$0x1FE80]  }
0x1b7: {  	v33 =	vperm.xlane v25, v19  }
0x1b8: {  	v12 =	vperm.xlane v44, v19  }
0x1b9: {  	v60, _, _ =	vpop (xrf2);
	(xrf2) =	vadd.scan.msk.f32 $0xffff, v33;
	v33 =	vperm.xlane v9, v19;
	v9 =	vld [tilespmem:$0x1FEB0]  }
0x1ba: {  	v59 =	vadd.f32 v12, v4;
	v4 =	vld [tilespmem:$0x1FEC0]  }
0x1bb: {  	p2 =	slt.u32 s8, $0x78;
	v7 =	vadd.s32 v7, v5;
	v2 =	vadd.s32 v2, v5;
	v5 =	vld [tilespmem:$0x1FEA0]  }
.Ltmp2:
0x1bc: {  	[tilespmem:$0x1FC10] =	vst v53;
	v43 =	vperm.xlane v27, v19;
	(pc) =	sbr.rel @p2 .LBB2_6-.Ltmp2, $4  }
0x1bd: {  	[tilespmem:$0x1FC70] =	vst v56;
	v58 =	vperm.xlane v10, v19;
	v57 =	vperm.xlane v26, v19  }
0x1be: {  	v45 =	vmovc v28;
	v56 =	vperm.xlane v28, v19;
	v55 =	vperm.xlane v29, v19;
	v9 =	vadd.s32 v9, v51  }
0x1bf: {  	v53 =	vperm.xlane v30, v19;
	v8 =	vperm.xlane v8, v19;
	v42, _, _ =	vpop (xrf2);
	[tilespmem:$0x1FD40] =	vst v9;
	v4 =	vadd.s32 v4, v51  }
0x1c0: {  	(xrf2) =	vadd.scan.msk.f32 $0xffff, v43;
	s8 =	sadd.s32 $0x8, s8;
	v43, _, _ =	vpop (xrf2);
	v9 =	vperm.xlane v11, v19;
	[tilespmem:$0x1FD50] =	vst v4;
	v5 =	vadd.s32 v5, v51  }
0x1c1: {  	v4 =	vadd.f32 v33, v1;
	_ =	sdelay $0x1  }
0x1c2: {  	v4 =	vsub.f32 v4, v62;
	v62 =	vld [tilespmem:$0x1FFF0];
	_ =	sdelay $0x4  }
0x1c3: {  	v9 =	vadd.f32 v9, v48;
	v12 =	vperm.xlane v60, v62  }
0x1c4: {  	v11 =	vsub.f32 v59, v61;
	v14 =	vperm.xlane v42, v62  }
0x1c5: {  	v0 =	vsub.f32 v9, v0;
	v9 =	vadd.f32 v12, v47  }
0x1c6: {  	v8 =	vadd.f32 v8, v46;
	v4 =	vmul.f32 $1.562500000e-02, v4;
	v14 =	vadd.f32 v14, v49  }
0x1c7: {  	v11 =	vmul.f32 $1.562500000e-02, v11;
	v42 =	vperm.xlane v43, v62;
	v3 =	vsub.f32 v9, v3  }
0x1c8: {  	v8 =	vsub.f32 v8, v63;
	v44 =	vmul.f32 v4, v4;
	v9 =	vsub.f32 v14, v34  }
0x1c9: {  	v1, _, _ =	vpop (xrf2);
	v43 =	vmul.f32 v11, v11;
	v33 =	vadd.f32 v42, v50;
	v3 =	vmul.f32 $1.562500000e-02, v3  }
0x1ca: {  	v12 =	vperm.xlane v1, v62;
	v9 =	vmul.f32 $1.562500000e-02, v9  }
0x1cb: {  	v8 =	vmul.f32 $1.562500000e-02, v8;
	v14 =	vsub.f32 v33, v38;
	v3 =	vsub.f32 v3, v43  }
0x1cc: {  	v0 =	vmul.f32 $1.562500000e-02, v0;
	v12 =	vadd.f32 v12, v52;
	v9 =	vsub.f32 v9, v44  }
0x1cd: {  	v46 =	vmul.f32 v8, v8;
	v14 =	vmul.f32 $1.562500000e-02, v14;
	v3 =	vadd.f32 $9.999999740e-06, v3  }
0x1ce: {  	v47 =	vmul.f32 v0, v0;
	v12 =	vsub.f32 v12, v39;
	v9 =	vadd.f32 $9.999999740e-06, v9  }
0x1cf: {  	v14 =	vsub.f32 v14, v46;
	v48 =	vshra.s32 v3, $0x1;
	v3 =	vmul.f32 $5.000000000e-01, v3  }
0x1d0: {  	v49 =	vshra.s32 v9, $0x1;
	v9 =	vmul.f32 $5.000000000e-01, v9;
	v33 =	vsub.s32 $0x5F3759DF, v48  }
0x1d1: {  	v12 =	vmul.f32 $1.562500000e-02, v12;
	v34 =	vsub.s32 $0x5F3759DF, v49;
	v3 =	vmul.f32 v33, v3  }
0x1d2: {  	v36 =	vld [tilespmem:$0x1FD80];
	v14 =	vadd.f32 $9.999999740e-06, v14;
	v9 =	vmul.f32 v34, v9  }
0x1d3: {  	v12 =	vsub.f32 v12, v47;
	v47 =	vld [tilespmem:$0x1FD70];
	v3 =	vmul.f32 v33, v3  }
0x1d4: {  	(xrf2) =	vadd.scan.msk.f32 $0xffff, v58;
	v50 =	vshra.s32 v14, $0x1;
	v14 =	vmul.f32 $5.000000000e-01, v14;
	v48 =	vld [tilespmem:$0x1FD60];
	v9 =	vmul.f32 v34, v9  }
0x1d5: {  	(xrf2) =	vadd.scan.msk.f32 $0xffff, v57;
	v46 =	vld [tilespmem:$0x1FD90];
	v38 =	vsub.s32 $0x5F3759DF, v50;
	v3 =	vsub.f32 $1.500000000e+00, v3  }
0x1d6: {  	(xrf2) =	vadd.scan.msk.f32 $0xffff, v56;
	v24 =	vsub.f32 v24, v11;
	v14 =	vmul.f32 v38, v14;
	v9 =	vsub.f32 $1.500000000e+00, v9  }
0x1d7: {  	(xrf2) =	vadd.scan.msk.f32 $0xffff, v55;
	v23 =	vsub.f32 v23, v11;
	v22 =	vsub.f32 v22, v11;
	v1 =	vld [tilespmem:$0x1FB00];
	v3 =	vmul.f32 v33, v3  }
0x1d8: {  	(xrf2) =	vadd.scan.msk.f32 $0xffff, v54;
	v20 =	vsub.f32 v20, v4;
	v14 =	vmul.f32 v38, v14;
	v9 =	vmul.f32 v34, v9  }
0x1d9: {  	(xrf2) =	vadd.scan.msk.f32 $0xffff, v53;
	v19 =	vsub.f32 v41, v4;
	v33 =	vmul.f32 v3, v48;
	v56 =	vmul.f32 v3, v47  }
0x1da: {  	(xrf2) =	vadd.scan.msk.f32 $0xffff, v25;
	v11 =	vsub.f32 v21, v11;
	v57 =	vmul.f32 v3, v36;
	v3 =	vmul.f32 v3, v46  }
0x1db: {  	(xrf2) =	vadd.scan.msk.f32 $0xffff, v27;
	v12 =	vadd.f32 $9.999999740e-06, v12;
	v58 =	vmul.f32 v9, v48;
	v21 =	vmul.f32 v33, v24  }
0x1dc: {  	(xrf2) =	vadd.scan.msk.f32 $0xffff, v10;
	v24, _, _ =	vpop (xrf2);
	v3 =	vmul.f32 v3, v11;
	v11 =	vsub.f32 v15, v4;
	v4 =	vsub.f32 v1, v4;
	v1 =	vld [tilespmem:$0x1FB10]  }
0x1dd: {  	v28 =	vmov v10;
	v52 =	vshra.s32 v12, $0x1;
	v12 =	vmul.f32 $5.000000000e-01, v12;
	(xrf2) =	vadd.scan.msk.f32 $0xffff, v26;
	v15, _, _ =	vpop (xrf2)  }
0x1de: {  	v14 =	vsub.f32 $1.500000000e+00, v14;
	v59 =	vmul.f32 v9, v47;
	v10 =	vmul.f32 v58, v20;
	v20, _, _ =	vpop (xrf2)  }
0x1df: {  	v39 =	vsub.s32 $0x5F3759DF, v52;
	v60 =	vmul.f32 v9, v36;
	v9 =	vmul.f32 v9, v46;
	v61, _, _ =	vpop (xrf2)  }
0x1e0: {  	v16 =	vsub.f32 v16, v8;
	v12 =	vmul.f32 v39, v12;
	v14 =	vmul.f32 v38, v14;
	v63, _, _ =	vpop (xrf2)  }
0x1e1: {  	v13 =	vsub.f32 v13, v8;
	v4 =	vmul.f32 v9, v4;
	v9 =	vsub.f32 v1, v8;
	v1, _, _ =	vpop (xrf2)  }
0x1e2: {  	v12 =	vmul.f32 v39, v12;
	v49 =	vmul.f32 v14, v48;
	v8 =	vsub.f32 v17, v8;
	v17, _, _ =	vpop (xrf2)  }
0x1e3: {  	v50 =	vmul.f32 v14, v47;
	v20 =	vperm.xlane v20, v62;
	v54, _, _ =	vpop (xrf2)  }
0x1e4: {  	v52 =	vmul.f32 v14, v36;
	v23 =	vmul.f32 v56, v23;
	v56, _, _ =	vpop (xrf2)  }
0x1e5: {  	v14 =	vmul.f32 v14, v46;
	v15 =	vperm.xlane v15, v62;
	v44, _, _ =	vpop (xrf2)  }
0x1e6: {  	v13 =	vmul.f32 v50, v13;
	v33 =	vperm.xlane v61, v62;
	v58, _, _ =	vpop (xrf2)  }
0x1e7: {  	(xrf2) =	vadd.scan.msk.f32 $0xffff, v45;
	v8 =	vmul.f32 v14, v8;
	v14 =	vadd.f32 v15, v44;
	v15 =	vadd.f32 v20, v58;
	v20, _, _ =	vpop (xrf2)  }
0x1e8: {  	v50 =	vmovc v29;
	(xrf2) =	vadd.scan.msk.f32 $0xffff, v29;
	v29 =	vmov v26;
	v26 =	vmov v25;
	v25 =	vld [tilespmem:$0x1FB20];
	v20 =	vadd.f32 v33, v20  }
0x1e9: {  	v12 =	vsub.f32 $1.500000000e+00, v12  }
0x1ea: {  	v20 =	vsub.f32 v20, v29;
	v29 =	vld [tilespmem:$0x1FF00]  }
0x1eb: {  	v12 =	vmul.f32 v39, v12  }
0x1ec: {  	v18 =	vsub.f32 v18, v0  }
0x1ed: {  	v53 =	vsub.f32 v25, v0;
	v25 =	vld [tilespmem:$0x1FB30];
	v14 =	vsub.f32 v14, v27;
	v27 =	vmul.f32 v12, v36;
	_ =	sdelay $0x1  }
0x1ee: {  	v18 =	vmul.f32 v27, v18;
	v27 =	vperm.xlane v54, v62;
	v54 =	vadd.s32 v29, v40;
	v29 =	vld [tilespmem:$0x1FF10]  }
0x1ef: {  	v43 =	vld [tilespmem:$0x1FDA0]  }
0x1f0: {  	v32 =	vmov v45;
	v24 =	vperm.xlane v24, v62;
	v45 =	vld [tilespmem:$0x1FEF0];
	v9 =	vmul.f32 v52, v9  }
0x1f1: {  	v52 =	vld [tilespmem:$0x1FDC0];
	v55 =	vsub.f32 v25, v0;
	v15 =	vsub.f32 v15, v28;
	v28 =	vmul.f32 v12, v47  }
0x1f2: {  	v25 =	vld [tilespmem:$0x1FB40]  }
0x1f3: {  	v24 =	vadd.f32 v24, v56;
	v28 =	vmul.f32 v28, v55;
	v55 =	vadd.s32 v29, v40;
	v29 =	vld [tilespmem:$0x1FF20]  }
0x1f4: {  	v19 =	vmul.f32 v59, v19;
	v1 =	vperm.xlane v1, v62;
	v44 =	vld [tilespmem:$0x1FEE0];
	v59, _, _ =	vpop (xrf2)  }
0x1f5: {  	v22 =	vmul.f32 v57, v22;
	v11 =	vmul.f32 v60, v11;
	v24 =	vsub.f32 v24, v26;
	v26 =	vld [tilespmem:$0x1FED0];
	v60, _, _ =	vpop (xrf2)  }
0x1f6: {  	v57 =	vmul.f32 v12, v48;
	v21 =	vadd.f32 v21, v43;
	v31 =	vadd.f32 v1, v60;
	v1 =	vld [tilespmem:$0x1FDD0]  }
0x1f7: {  	v0 =	vsub.f32 v25, v0;
	v25 =	vperm.xlane v63, v62;
	v63 =	vld [tilespmem:$0x1FDB0]  }
0x1f8: {  	v38 =	vmul.f32 v57, v53;
	v57 =	vadd.s32 v29, v37;
	v29 =	vld [tilespmem:$0x1FF30];
	[tilespmem:v6+s0+$0x0] =	vst.idx.msk $0xffff, v21  }
0x1f9: {  	v6 =	vld [tilespmem:$0x1FF40];
	_ =	sdelay $0x4  }
0x1fa: {  	v21 =	vadd.s32 v6, v37;
	v6 =	vld [tilespmem:$0x1FD30];
	_ =	sdelay $0x5  }
0x1fb: {  	(xrf2) =	vadd.scan.msk.f32 $0xffff, v35;
	v23 =	vadd.f32 v23, v63  }
0x1fc: {  	v22 =	vadd.f32 v22, v52  }
0x1fd: {  	v3 =	vadd.f32 v3, v1;
	[tilespmem:v6+s0+$0x0] =	vst.idx.msk $0xffff, v23  }
0x1fe: {  	v10 =	vadd.f32 v10, v43;
	[tilespmem:v2+s0+$0x0] =	vst.idx.msk $0xffff, v22  }
0x1ff: {  	v6 =	vld [tilespmem:$0x1FBA0];
	[tilespmem:v7+s0+$0x0] =	vst.idx.msk $0xffff, v3  }
0x200: {  	(xrf2) =	vadd.scan.msk.f32 $0xffff, v30;
	[tilespmem:v5+s0+$0x0] =	vst.idx.msk $0xffff, v10  }
0x201: {  	v5 =	vld [tilespmem:$0x1FD40];
	_ =	sdelay $0x1  }
0x202: {  	v16 =	vmul.f32 v49, v16  }
0x203: {  	v17 =	vperm.xlane v17, v62  }
0x204: {  	v16 =	vadd.f32 v16, v43;
	v11 =	vadd.f32 v11, v52;
	v61, _, _ =	vpop (xrf2)  }
0x205: {  	v17 =	vadd.f32 v17, v61;
	v25 =	vadd.f32 v25, v59  }
0x206: {  	v9 =	vadd.f32 v9, v52;
	v19 =	vadd.f32 v19, v63  }
0x207: {  	v12 =	vmul.f32 v12, v46;
	v24 =	vmul.f32 $1.562500000e-02, v24;
	v17 =	vsub.f32 v17, v35  }
0x208: {  	v56 =	vadd.f32 v38, v43;
	v14 =	vmul.f32 $1.562500000e-02, v14;
	v15 =	vmul.f32 $1.562500000e-02, v15;
	[tilespmem:v5+s0+$0x0] =	vst.idx.msk $0xffff, v19  }
0x209: {  	v0 =	vmul.f32 v12, v0;
	v12 =	vsub.f32 v25, v32;
	v25, _, _ =	vpop (xrf2);
	v7 =	vmul.f32 $1.562500000e-02, v17;
	v17 =	vld [tilespmem:$0x1FD50]  }
0x20a: {  	v53 =	vmovc v30;
	v30 =	vadd.s32 v26, v51;
	v26 =	vsub.f32 v31, v50;
	v25 =	vadd.f32 v27, v25  }
0x20b: {  	v31 =	vadd.s32 v45, v40;
	v20 =	vmul.f32 $1.562500000e-02, v20;
	v4 =	vadd.f32 v4, v1  }
0x20c: {  	v12 =	vmul.f32 $1.562500000e-02, v12;
	v23 =	vsub.f32 v25, v53;
	v25 =	vmul.f32 v24, v24  }
0x20d: {  	v8 =	vadd.f32 v8, v1;
	v13 =	vadd.f32 v13, v63;
	v27 =	vadd.s32 v44, v40  }
0x20e: {  	v2 =	vmul.f32 $1.562500000e-02, v26;
	v3 =	vsub.f32 v12, v25;
	v12 =	vmul.f32 v15, v15  }
0x20f: {  	v28 =	vadd.f32 v28, v63;
	v22 =	vmul.f32 v14, v14;
	v10 =	vmul.f32 v20, v20  }
0x210: {  	v7 =	vsub.f32 v7, v12;
	v26 =	vsub.f32 v6, v24;
	v6 =	vmul.f32 $1.562500000e-02, v23;
	v12 =	vld [tilespmem:$0x1FF50]  }
0x211: {  	v2 =	vsub.f32 v2, v22;
	v3 =	vadd.f32 $9.999999740e-06, v3;
	v5 =	vld [tilespmem:$0x1FC90];
	[tilespmem:v17+s0+$0x0] =	vst.idx.msk $0xffff, v11  }
0x212: {  	v58 =	vadd.s32 v29, v37;
	v6 =	vsub.f32 v6, v10;
	[tilespmem:v30+s0+$0x0] =	vst.idx.msk $0xffff, v4  }
0x213: {  	v2 =	vadd.f32 $9.999999740e-06, v2;
	v10 =	vshra.s32 v3, $0x1;
	v3 =	vmul.f32 $5.000000000e-01, v3;
	v4 =	vld [tilespmem:$0x1FDE0];
	[tilespmem:v27+s0+$0x0] =	vst.idx.msk $0xffff, v16  }
0x214: {  	v7 =	vadd.f32 $9.999999740e-06, v7;
	v10 =	vsub.s32 $0x5F3759DF, v10;
	v6 =	vadd.f32 $9.999999740e-06, v6;
	[tilespmem:v31+s0+$0x0] =	vst.idx.msk $0xffff, v13  }
0x215: {  	v3 =	vmul.f32 v10, v3;
	v12 =	vadd.s32 v12, v37;
	v11 =	vshra.s32 v2, $0x1;
	[tilespmem:v54+s0+$0x0] =	vst.idx.msk $0xffff, v9  }
0x216: {  	v13 =	vshra.s32 v7, $0x1;
	v7 =	vmul.f32 $5.000000000e-01, v7;
	v9 =	vsub.s32 $0x5F3759DF, v11;
	[tilespmem:v55+s0+$0x0] =	vst.idx.msk $0xffff, v8  }
0x217: {  	v11 =	vshra.s32 v6, $0x1;
	v6 =	vmul.f32 $5.000000000e-01, v6;
	v8 =	vsub.s32 $0x5F3759DF, v13;
	[tilespmem:v57+s0+$0x0] =	vst.idx.msk $0xffff, v56  }
0x218: {  	v18 =	vadd.f32 v18, v52;
	v11 =	vsub.s32 $0x5F3759DF, v11;
	v7 =	vmul.f32 v8, v7;
	v13 =	vld [tilespmem:$0x1FB90]  }
0x219: {  	v3 =	vmul.f32 v10, v3;
	v6 =	vmul.f32 v11, v6;
	v16 =	vld [tilespmem:$0x1FBB0];
	[tilespmem:v58+s0+$0x0] =	vst.idx.msk $0xffff, v28  }
0x21a: {  	v0 =	vadd.f32 v0, v1;
	v7 =	vmul.f32 v8, v7;
	v17 =	vld [tilespmem:$0x1FBC0];
	[tilespmem:v21+s0+$0x0] =	vst.idx.msk $0xffff, v18  }
0x21b: {  	v3 =	vsub.f32 $1.500000000e+00, v3;
	v6 =	vmul.f32 v11, v6;
	v18 =	vld [tilespmem:$0x1FDF0]  }
0x21c: {  	v19 =	vld [tilespmem:$0x1FBD0];
	[tilespmem:v12+s0+$0x0] =	vst.idx.msk $0xffff, v0;
	v0 =	vsub.f32 $1.500000000e+00, v7  }
0x21d: {  	v3 =	vmul.f32 v10, v3;
	v6 =	vsub.f32 $1.500000000e+00, v6;
	v10 =	vld [tilespmem:$0x1FBE0]  }
0x21e: {  	v2 =	vmul.f32 $5.000000000e-01, v2;
	v0 =	vmul.f32 v8, v0;
	v8 =	vld [tilespmem:$0x1FBF0]  }
0x21f: {  	v6 =	vmul.f32 v11, v6;
	v11 =	vld [tilespmem:$0x1FC00]  }
0x220: {  	v2 =	vmul.f32 v9, v2;
	_ =	sdelay $0x1  }
0x221: {  	v2 =	vmul.f32 v9, v2;
	v13 =	vsub.f32 v13, v24;
	v16 =	vsub.f32 v16, v24  }
0x222: {  	v12 =	vmul.f32 v3, v47;
	v19 =	vsub.f32 v19, v14;
	v10 =	vsub.f32 v10, v14  }
0x223: {  	v7 =	vld [tilespmem:$0x1FE00];
	v8 =	vsub.f32 v8, v14;
	v11 =	vsub.f32 v11, v14;
	v14 =	vmul.f32 v3, v36  }
0x224: {  	v21 =	vld [tilespmem:$0x1FC10]  }
0x225: {  	v2 =	vsub.f32 $1.500000000e+00, v2;
	v12 =	vmul.f32 v12, v13;
	v13 =	vmul.f32 v14, v16;
	v16 =	vld [tilespmem:$0x1FCB0]  }
0x226: {  	v23 =	vld [tilespmem:$0x1FC20]  }
0x227: {  	v27 =	vld [tilespmem:$0x1FC30];
	v2 =	vmul.f32 v9, v2;
	v9 =	vmul.f32 v3, v48  }
0x228: {  	v29 =	vld [tilespmem:$0x1FC40]  }
0x229: {  	v31 =	vld [tilespmem:$0x1FC50];
	v9 =	vmul.f32 v9, v26  }
0x22a: {  	v33 =	vld [tilespmem:$0x1FC60]  }
0x22b: {  	v61 =	vld [tilespmem:$0x1FC70];
	v9 =	vadd.f32 v9, v43  }
0x22c: {  	v26 =	vld [tilespmem:$0x1FC80]  }
0x22d: {  	v14 =	vld [tilespmem:$0x1FE10];
	[tilespmem:v16+s0+$0x0] =	vst.idx.msk $0xffff, v9  }
0x22e: {  	v16 =	vld [tilespmem:$0x1FCC0];
	_ =	sdelay $0x5  }
0x22f: {  	v12 =	vadd.f32 v12, v63;
	_ =	sdelay $0x1  }
0x230: {  	[tilespmem:v16+s0+$0x0] =	vst.idx.msk $0xffff, v12  }
0x231: {  	v16 =	vld [tilespmem:$0x1FCD0];
	_ =	sdelay $0x5  }
0x232: {  	v13 =	vadd.f32 v13, v52;
	_ =	sdelay $0x1  }
0x233: {  	[tilespmem:v16+s0+$0x0] =	vst.idx.msk $0xffff, v13  }
0x234: {  	v13 =	vld [tilespmem:$0x1FCE0];
	_ =	sdelay $0x1  }
0x235: {  	v17 =	vsub.f32 v17, v24;
	v3 =	vmul.f32 v3, v46;
	_ =	sdelay $0x1  }
0x236: {  	v3 =	vmul.f32 v3, v17;
	_ =	sdelay $0x1  }
0x237: {  	v3 =	vadd.f32 v3, v1;
	_ =	sdelay $0x1  }
0x238: {  	[tilespmem:v13+s0+$0x0] =	vst.idx.msk $0xffff, v3  }
0x239: {  	v13 =	vld [tilespmem:$0x1FCF0]  }
0x23a: {  	v5 =	vbroadcast v5, $0x0  }
0x23b: {  	v22 =	vmul.f32 v2, v48  }
0x23c: {  	v4 =	vadd.s32 v4, v5;
	v18 =	vadd.s32 v18, v5  }
0x23d: {  	v7 =	vadd.s32 v7, v5;
	v5 =	vadd.s32 v14, v5;
	v14 =	vmul.f32 v22, v19  }
0x23e: {  	v28 =	vmul.f32 v0, v48;
	v21 =	vsub.f32 v21, v15;
	v23 =	vsub.f32 v23, v15  }
0x23f: {  	v30 =	vmul.f32 v0, v36;
	v27 =	vsub.f32 v27, v15;
	v14 =	vadd.f32 v14, v43  }
0x240: {  	v15 =	vsub.f32 v29, v15;
	v29 =	vmul.f32 v0, v47;
	v0 =	vmul.f32 v0, v46  }
0x241: {  	[tilespmem:v13+s0+$0x0] =	vst.idx.msk $0xffff, v14  }
0x242: {  	v0 =	vmul.f32 v0, v15;
	v15 =	vld [tilespmem:$0x1FD00];
	_ =	sdelay $0x1  }
0x243: {  	v24 =	vmul.f32 v2, v47;
	_ =	sdelay $0x1  }
0x244: {  	v10 =	vmul.f32 v24, v10;
	_ =	sdelay $0x1  }
0x245: {  	v10 =	vadd.f32 v10, v63;
	_ =	sdelay $0x1  }
0x246: {  	v14 =	vld [tilespmem:$0x1FCA0];
	[tilespmem:v15+s0+$0x0] =	vst.idx.msk $0xffff, v10  }
0x247: {  	v15 =	vld [tilespmem:$0x1FD10];
	_ =	sdelay $0x1  }
0x248: {  	v25 =	vmul.f32 v2, v36;
	_ =	sdelay $0x1  }
0x249: {  	v8 =	vmul.f32 v25, v8;
	_ =	sdelay $0x1  }
0x24a: {  	v8 =	vadd.f32 v8, v52;
	_ =	sdelay $0x1  }
0x24b: {  	[tilespmem:v15+s0+$0x0] =	vst.idx.msk $0xffff, v8  }
0x24c: {  	v15 =	vld [tilespmem:$0x1FD20];
	_ =	sdelay $0x1  }
0x24d: {  	v2 =	vmul.f32 v2, v46;
	_ =	sdelay $0x1  }
0x24e: {  	v2 =	vmul.f32 v2, v11  }
0x24f: {  	v11 =	vmul.f32 v28, v21  }
0x250: {  	v2 =	vadd.f32 v2, v1;
	v9 =	vmul.f32 v29, v23  }
0x251: {  	v11 =	vadd.f32 v11, v43;
	v12 =	vmul.f32 v30, v27  }
0x252: {  	v8 =	vadd.f32 v9, v63;
	v9 =	vld [tilespmem:$0x1FE20];
	[tilespmem:v15+s0+$0x0] =	vst.idx.msk $0xffff, v2  }
0x253: {  	v2 =	vadd.f32 v12, v52;
	v12 =	vld [tilespmem:$0x1FE30];
	[tilespmem:v4+s0+$0x0] =	vst.idx.msk $0xffff, v11  }
0x254: {  	v59 =	vmul.f32 v6, v48;
	v4 =	vld [tilespmem:$0x1FE40];
	[tilespmem:v18+s0+$0x0] =	vst.idx.msk $0xffff, v8  }
0x255: {  	v60 =	vmul.f32 v6, v47;
	v31 =	vsub.f32 v31, v20;
	v14 =	vbroadcast v14, $0x0;
	v8 =	vld [tilespmem:$0x1FE50]  }
0x256: {  	v33 =	vsub.f32 v33, v20;
	v35 =	vsub.f32 v61, v20;
	v36 =	vmul.f32 v6, v36  }
0x257: {  	v6 =	vmul.f32 v6, v46;
	v3 =	vmul.f32 v59, v31;
	v9 =	vadd.s32 v9, v14  }
0x258: {  	v20 =	vsub.f32 v26, v20;
	v0 =	vadd.f32 v0, v1;
	v12 =	vadd.s32 v12, v14  }
0x259: {  	v3 =	vadd.f32 v3, v43;
	v13 =	vmul.f32 v60, v33;
	v4 =	vadd.s32 v4, v14  }
0x25a: {  	v10 =	vmul.f32 v36, v35;
	[tilespmem:v7+s0+$0x0] =	vst.idx.msk $0xffff, v2;
	v8 =	vadd.s32 v8, v14  }
0x25b: {  	v2 =	vmul.f32 v6, v20;
	v6 =	vadd.f32 v13, v63;
	[tilespmem:v5+s0+$0x0] =	vst.idx.msk $0xffff, v0  }
0x25c: {  	s8 =	sshll.u32 s22, $0x13;
	v0 =	vadd.f32 v10, v52;
	[tilespmem:v9+s0+$0x0] =	vst.idx.msk $0xffff, v3  }
0x25d: {  	s8 =	sor.u32 s13, s8;
	v2 =	vadd.f32 v2, v1;
	[tilespmem:v12+s0+$0x0] =	vst.idx.msk $0xffff, v6  }
0x25e: {  	s8 =	sshrl.u32 s8, $0x3;
	[tilespmem:v4+s0+$0x0] =	vst.idx.msk $0xffff, v0  }
0x25f: {  	s10 =	sadd.s32 s3, s8;
	[tilespmem:v8+s0+$0x0] =	vst.idx.msk $0xffff, v2  }
0x260: {  	[hbm4b:s10+s5] =	stream.linear.scatter [tilespmem:s0], [sflag:$0x3], $0x80, $0x38;
	[tilespmem:$0xB780] =	vst v63  }
0x261: {  	s28 =	simm.s32 $0x4188;
	s21 =	sadd.s32 $0x10, s10  }
0x262: {  	[hbm4b:s21+s5] =	stream.linear.scatter [tilespmem:s28], [sflag:$0x3], $0x80, $0x38;
	[tilespmem:$0xB780] =	vst v63  }
0x263: {  	s21 =	sadd.s32 $0x20, s10;
	s28 =	simm.s32 $0x4210  }
0x264: {  	[hbm4b:s21+s5] =	stream.linear.scatter [tilespmem:s28], [sflag:$0x3], $0x80, $0x38;
	[tilespmem:$0xB780] =	vst v63  }
0x265: {  	s21 =	sadd.s32 $0x30, s10;
	s28 =	simm.s32 $0x4298  }
0x266: {  	[hbm4b:s21+s5] =	stream.linear.scatter [tilespmem:s28], [sflag:$0x3], $0x80, $0x38;
	[tilespmem:$0xB780] =	vst v63  }
0x267: {  	s21 =	sadd.s32 $0x40, s10;
	s28 =	simm.s32 $0x4320  }
0x268: {  	[hbm4b:s21+s5] =	stream.linear.scatter [tilespmem:s28], [sflag:$0x3], $0x80, $0x38;
	[tilespmem:$0xB780] =	vst v63  }
0x269: {  	s21 =	sadd.s32 $0x50, s10;
	s28 =	simm.s32 $0x43A8  }
0x26a: {  	[hbm4b:s21+s5] =	stream.linear.scatter [tilespmem:s28], [sflag:$0x3], $0x80, $0x38;
	[tilespmem:$0xB780] =	vst v63  }
0x26b: {  	s21 =	sadd.s32 $0x60, s10;
	s28 =	simm.s32 $0x4430  }
0x26c: {  	[hbm4b:s21+s5] =	stream.linear.scatter [tilespmem:s28], [sflag:$0x3], $0x80, $0x38;
	[tilespmem:$0xB780] =	vst v63  }
0x26d: {  	s10 =	sadd.s32 $0x70, s10;
	s28 =	simm.s32 $0x44B8  }
0x26e: {  	[hbm4b:s10+s5] =	stream.linear.scatter [tilespmem:s28], [sflag:$0x3], $0x80, $0x38;
	[tilespmem:$0xB780] =	vst v63  }
0x26f: {  	s10 =	sadd.s32 s8, s14;
	s28 =	simm.s32 $0x4540  }
0x270: {  	[hbm4b:s10+s5] =	stream.linear.scatter [tilespmem:s28], [sflag:$0x3], $0x80, $0x38;
	[tilespmem:$0xB780] =	vst v63  }
0x271: {  	s21 =	sadd.s32 $0x10, s10;
	s28 =	simm.s32 $0x45C8  }
0x272: {  	[hbm4b:s21+s5] =	stream.linear.scatter [tilespmem:s28], [sflag:$0x3], $0x80, $0x38;
	[tilespmem:$0xB780] =	vst v63  }
0x273: {  	s21 =	sadd.s32 $0x20, s10;
	s28 =	simm.s32 $0x4650  }
0x274: {  	[hbm4b:s21+s5] =	stream.linear.scatter [tilespmem:s28], [sflag:$0x3], $0x80, $0x38;
	[tilespmem:$0xB780] =	vst v63  }
0x275: {  	s21 =	sadd.s32 $0x30, s10;
	s28 =	simm.s32 $0x46D8  }
0x276: {  	[hbm4b:s21+s5] =	stream.linear.scatter [tilespmem:s28], [sflag:$0x3], $0x80, $0x38;
	[tilespmem:$0xB780] =	vst v63  }
0x277: {  	s21 =	sadd.s32 $0x40, s10;
	s28 =	simm.s32 $0x4760  }
0x278: {  	[hbm4b:s21+s5] =	stream.linear.scatter [tilespmem:s28], [sflag:$0x3], $0x80, $0x38;
	[tilespmem:$0xB780] =	vst v63  }
0x279: {  	s21 =	sadd.s32 $0x50, s10;
	s28 =	simm.s32 $0x47E8  }
0x27a: {  	[hbm4b:s21+s5] =	stream.linear.scatter [tilespmem:s28], [sflag:$0x3], $0x80, $0x38;
	[tilespmem:$0xB780] =	vst v63  }
0x27b: {  	s21 =	sadd.s32 $0x60, s10;
	s28 =	simm.s32 $0x4870  }
0x27c: {  	[hbm4b:s21+s5] =	stream.linear.scatter [tilespmem:s28], [sflag:$0x3], $0x80, $0x38;
	[tilespmem:$0xB780] =	vst v63  }
0x27d: {  	s10 =	sadd.s32 $0x70, s10;
	s28 =	simm.s32 $0x48F8  }
0x27e: {  	[hbm4b:s10+s5] =	stream.linear.scatter [tilespmem:s28], [sflag:$0x3], $0x80, $0x38;
	[tilespmem:$0xB780] =	vst v63  }
0x27f: {  	s10 =	sadd.s32 s8, s15;
	s28 =	simm.s32 $0x4980  }
0x280: {  	[hbm4b:s10+s5] =	stream.linear.scatter [tilespmem:s28], [sflag:$0x3], $0x80, $0x38;
	[tilespmem:$0xB780] =	vst v63  }
0x281: {  	s21 =	sadd.s32 $0x10, s10;
	s28 =	simm.s32 $0x4A08  }
0x282: {  	[hbm4b:s21+s5] =	stream.linear.scatter [tilespmem:s28], [sflag:$0x3], $0x80, $0x38;
	[tilespmem:$0xB780] =	vst v63  }
0x283: {  	s21 =	sadd.s32 $0x20, s10;
	s28 =	simm.s32 $0x4A90  }
0x284: {  	[hbm4b:s21+s5] =	stream.linear.scatter [tilespmem:s28], [sflag:$0x3], $0x80, $0x38;
	[tilespmem:$0xB780] =	vst v63  }
0x285: {  	s21 =	sadd.s32 $0x30, s10;
	s28 =	simm.s32 $0x4B18  }
0x286: {  	[hbm4b:s21+s5] =	stream.linear.scatter [tilespmem:s28], [sflag:$0x3], $0x80, $0x38;
	[tilespmem:$0xB780] =	vst v63  }
0x287: {  	s21 =	sadd.s32 $0x40, s10;
	s28 =	simm.s32 $0x4BA0  }
0x288: {  	[hbm4b:s21+s5] =	stream.linear.scatter [tilespmem:s28], [sflag:$0x3], $0x80, $0x38;
	[tilespmem:$0xB780] =	vst v63  }
0x289: {  	s21 =	sadd.s32 $0x50, s10;
	s28 =	simm.s32 $0x4C28  }
0x28a: {  	[hbm4b:s21+s5] =	stream.linear.scatter [tilespmem:s28], [sflag:$0x3], $0x80, $0x38;
	[tilespmem:$0xB780] =	vst v63  }
0x28b: {  	s21 =	sadd.s32 $0x60, s10;
	s28 =	simm.s32 $0x4CB0  }
0x28c: {  	[hbm4b:s21+s5] =	stream.linear.scatter [tilespmem:s28], [sflag:$0x3], $0x80, $0x38;
	[tilespmem:$0xB780] =	vst v63  }
0x28d: {  	s10 =	sadd.s32 $0x70, s10;
	s28 =	simm.s32 $0x4D38  }
0x28e: {  	[hbm4b:s10+s5] =	stream.linear.scatter [tilespmem:s28], [sflag:$0x3], $0x80, $0x38;
	[tilespmem:$0xB780] =	vst v63  }
0x28f: {  	s10 =	sadd.s32 s8, s16;
	s28 =	simm.s32 $0x4DC0  }
0x290: {  	[hbm4b:s10+s5] =	stream.linear.scatter [tilespmem:s28], [sflag:$0x3], $0x80, $0x38;
	[tilespmem:$0xB780] =	vst v63  }
0x291: {  	s21 =	sadd.s32 $0x10, s10;
	s28 =	simm.s32 $0x4E48  }
0x292: {  	[hbm4b:s21+s5] =	stream.linear.scatter [tilespmem:s28], [sflag:$0x3], $0x80, $0x38;
	[tilespmem:$0xB780] =	vst v63  }
0x293: {  	s21 =	sadd.s32 $0x20, s10;
	s28 =	simm.s32 $0x4ED0  }
0x294: {  	[hbm4b:s21+s5] =	stream.linear.scatter [tilespmem:s28], [sflag:$0x3], $0x80, $0x38;
	[tilespmem:$0xB780] =	vst v63  }
0x295: {  	s21 =	sadd.s32 $0x30, s10;
	s28 =	simm.s32 $0x4F58  }
0x296: {  	[hbm4b:s21+s5] =	stream.linear.scatter [tilespmem:s28], [sflag:$0x3], $0x80, $0x38;
	[tilespmem:$0xB780] =	vst v63  }
0x297: {  	s21 =	sadd.s32 $0x40, s10;
	s28 =	simm.s32 $0x4FE0  }
0x298: {  	[hbm4b:s21+s5] =	stream.linear.scatter [tilespmem:s28], [sflag:$0x3], $0x80, $0x38;
	[tilespmem:$0xB780] =	vst v63  }
0x299: {  	s21 =	sadd.s32 $0x50, s10;
	s28 =	simm.s32 $0x5068  }
0x29a: {  	[hbm4b:s21+s5] =	stream.linear.scatter [tilespmem:s28], [sflag:$0x3], $0x80, $0x38;
	[tilespmem:$0xB780] =	vst v63  }
0x29b: {  	s21 =	sadd.s32 $0x60, s10;
	s28 =	simm.s32 $0x50F0  }
0x29c: {  	[hbm4b:s21+s5] =	stream.linear.scatter [tilespmem:s28], [sflag:$0x3], $0x80, $0x38;
	[tilespmem:$0xB780] =	vst v63  }
0x29d: {  	s10 =	sadd.s32 $0x70, s10;
	s28 =	simm.s32 $0x5178  }
0x29e: {  	[hbm4b:s10+s5] =	stream.linear.scatter [tilespmem:s28], [sflag:$0x3], $0x80, $0x38;
	[tilespmem:$0xB780] =	vst v63  }
0x29f: {  	s10 =	sadd.s32 s8, s17;
	s28 =	simm.s32 $0x5200  }
0x2a0: {  	[hbm4b:s10+s5] =	stream.linear.scatter [tilespmem:s28], [sflag:$0x3], $0x80, $0x38;
	[tilespmem:$0xB780] =	vst v63  }
0x2a1: {  	s21 =	sadd.s32 $0x10, s10;
	s28 =	simm.s32 $0x5288  }
0x2a2: {  	[hbm4b:s21+s5] =	stream.linear.scatter [tilespmem:s28], [sflag:$0x3], $0x80, $0x38;
	[tilespmem:$0xB780] =	vst v63  }
0x2a3: {  	s21 =	sadd.s32 $0x20, s10;
	s28 =	simm.s32 $0x5310  }
0x2a4: {  	[hbm4b:s21+s5] =	stream.linear.scatter [tilespmem:s28], [sflag:$0x3], $0x80, $0x38;
	[tilespmem:$0xB780] =	vst v63  }
0x2a5: {  	s21 =	sadd.s32 $0x30, s10;
	s28 =	simm.s32 $0x5398  }
0x2a6: {  	[hbm4b:s21+s5] =	stream.linear.scatter [tilespmem:s28], [sflag:$0x3], $0x80, $0x38;
	[tilespmem:$0xB780] =	vst v63  }
0x2a7: {  	s21 =	sadd.s32 $0x40, s10;
	s28 =	simm.s32 $0x5420  }
0x2a8: {  	[hbm4b:s21+s5] =	stream.linear.scatter [tilespmem:s28], [sflag:$0x3], $0x80, $0x38;
	[tilespmem:$0xB780] =	vst v63  }
0x2a9: {  	s21 =	sadd.s32 $0x50, s10;
	s28 =	simm.s32 $0x54A8  }
0x2aa: {  	[hbm4b:s21+s5] =	stream.linear.scatter [tilespmem:s28], [sflag:$0x3], $0x80, $0x38;
	[tilespmem:$0xB780] =	vst v63  }
0x2ab: {  	s21 =	sadd.s32 $0x60, s10;
	s28 =	simm.s32 $0x5530  }
0x2ac: {  	[hbm4b:s21+s5] =	stream.linear.scatter [tilespmem:s28], [sflag:$0x3], $0x80, $0x38;
	[tilespmem:$0xB780] =	vst v63  }
0x2ad: {  	s10 =	sadd.s32 $0x70, s10;
	s28 =	simm.s32 $0x55B8  }
0x2ae: {  	[hbm4b:s10+s5] =	stream.linear.scatter [tilespmem:s28], [sflag:$0x3], $0x80, $0x38;
	[tilespmem:$0xB780] =	vst v63  }
0x2af: {  	s10 =	sadd.s32 s8, s18;
	s28 =	simm.s32 $0x5640  }
0x2b0: {  	[hbm4b:s10+s5] =	stream.linear.scatter [tilespmem:s28], [sflag:$0x3], $0x80, $0x38;
	[tilespmem:$0xB780] =	vst v63  }
0x2b1: {  	s21 =	sadd.s32 $0x10, s10;
	s28 =	simm.s32 $0x56C8  }
0x2b2: {  	[hbm4b:s21+s5] =	stream.linear.scatter [tilespmem:s28], [sflag:$0x3], $0x80, $0x38;
	[tilespmem:$0xB780] =	vst v63  }
0x2b3: {  	s21 =	sadd.s32 $0x20, s10;
	s28 =	simm.s32 $0x5750  }
0x2b4: {  	[hbm4b:s21+s5] =	stream.linear.scatter [tilespmem:s28], [sflag:$0x3], $0x80, $0x38;
	[tilespmem:$0xB780] =	vst v63  }
0x2b5: {  	s21 =	sadd.s32 $0x30, s10;
	s28 =	simm.s32 $0x57D8  }
0x2b6: {  	[hbm4b:s21+s5] =	stream.linear.scatter [tilespmem:s28], [sflag:$0x3], $0x80, $0x38;
	[tilespmem:$0xB780] =	vst v63  }
0x2b7: {  	s21 =	sadd.s32 $0x40, s10;
	s28 =	simm.s32 $0x5860  }
0x2b8: {  	[hbm4b:s21+s5] =	stream.linear.scatter [tilespmem:s28], [sflag:$0x3], $0x80, $0x38;
	[tilespmem:$0xB780] =	vst v63  }
0x2b9: {  	s21 =	sadd.s32 $0x50, s10;
	s28 =	simm.s32 $0x58E8  }
0x2ba: {  	[hbm4b:s21+s5] =	stream.linear.scatter [tilespmem:s28], [sflag:$0x3], $0x80, $0x38;
	[tilespmem:$0xB780] =	vst v63  }
0x2bb: {  	s21 =	sadd.s32 $0x60, s10;
	s28 =	simm.s32 $0x5970  }
0x2bc: {  	[hbm4b:s21+s5] =	stream.linear.scatter [tilespmem:s28], [sflag:$0x3], $0x80, $0x38;
	[tilespmem:$0xB780] =	vst v63  }
0x2bd: {  	s10 =	sadd.s32 $0x70, s10;
	s28 =	simm.s32 $0x59F8  }
0x2be: {  	[hbm4b:s10+s5] =	stream.linear.scatter [tilespmem:s28], [sflag:$0x3], $0x80, $0x38;
	[tilespmem:$0xB780] =	vst v63  }
0x2bf: {  	s10 =	sadd.s32 s8, s19;
	s28 =	simm.s32 $0x5A80  }
0x2c0: {  	[hbm4b:s10+s5] =	stream.linear.scatter [tilespmem:s28], [sflag:$0x3], $0x80, $0x38;
	[tilespmem:$0xB780] =	vst v63  }
0x2c1: {  	s21 =	sadd.s32 $0x10, s10;
	s28 =	simm.s32 $0x5B08  }
0x2c2: {  	[hbm4b:s21+s5] =	stream.linear.scatter [tilespmem:s28], [sflag:$0x3], $0x80, $0x38;
	[tilespmem:$0xB780] =	vst v63  }
0x2c3: {  	s21 =	sadd.s32 $0x20, s10;
	s28 =	simm.s32 $0x5B90  }
0x2c4: {  	[hbm4b:s21+s5] =	stream.linear.scatter [tilespmem:s28], [sflag:$0x3], $0x80, $0x38;
	[tilespmem:$0xB780] =	vst v63  }
0x2c5: {  	s21 =	sadd.s32 $0x30, s10;
	s28 =	simm.s32 $0x5C18  }
0x2c6: {  	[hbm4b:s21+s5] =	stream.linear.scatter [tilespmem:s28], [sflag:$0x3], $0x80, $0x38;
	[tilespmem:$0xB780] =	vst v63  }
0x2c7: {  	s21 =	sadd.s32 $0x40, s10;
	s28 =	simm.s32 $0x5CA0  }
0x2c8: {  	[hbm4b:s21+s5] =	stream.linear.scatter [tilespmem:s28], [sflag:$0x3], $0x80, $0x38;
	[tilespmem:$0xB780] =	vst v63  }
0x2c9: {  	s21 =	sadd.s32 $0x50, s10;
	s28 =	simm.s32 $0x5D28  }
0x2ca: {  	[hbm4b:s21+s5] =	stream.linear.scatter [tilespmem:s28], [sflag:$0x3], $0x80, $0x38;
	[tilespmem:$0xB780] =	vst v63  }
0x2cb: {  	s21 =	sadd.s32 $0x60, s10;
	s28 =	simm.s32 $0x5DB0  }
0x2cc: {  	[hbm4b:s21+s5] =	stream.linear.scatter [tilespmem:s28], [sflag:$0x3], $0x80, $0x38;
	[tilespmem:$0xB780] =	vst v63  }
0x2cd: {  	s10 =	sadd.s32 $0x70, s10;
	s28 =	simm.s32 $0x5E38  }
0x2ce: {  	[hbm4b:s10+s5] =	stream.linear.scatter [tilespmem:s28], [sflag:$0x3], $0x80, $0x38;
	[tilespmem:$0xB780] =	vst v63  }
0x2cf: {  	s8 =	sadd.s32 s8, s20;
	s28 =	simm.s32 $0x5EC0  }
0x2d0: {  	[hbm4b:s8+s5] =	stream.linear.scatter [tilespmem:s28], [sflag:$0x3], $0x80, $0x38;
	[tilespmem:$0xB780] =	vst v63  }
0x2d1: {  	s21 =	sadd.s32 $0x10, s8;
	s28 =	simm.s32 $0x5F48  }
0x2d2: {  	[hbm4b:s21+s5] =	stream.linear.scatter [tilespmem:s28], [sflag:$0x3], $0x80, $0x38;
	[tilespmem:$0xB780] =	vst v63  }
0x2d3: {  	s21 =	sadd.s32 $0x20, s8;
	s28 =	simm.s32 $0x5FD0  }
0x2d4: {  	[hbm4b:s21+s5] =	stream.linear.scatter [tilespmem:s28], [sflag:$0x3], $0x80, $0x38;
	[tilespmem:$0xB780] =	vst v63  }
0x2d5: {  	s21 =	sadd.s32 $0x30, s8;
	s28 =	simm.s32 $0x6058  }
0x2d6: {  	[hbm4b:s21+s5] =	stream.linear.scatter [tilespmem:s28], [sflag:$0x3], $0x80, $0x38;
	[tilespmem:$0xB780] =	vst v63  }
0x2d7: {  	s21 =	sadd.s32 $0x40, s8;
	s28 =	simm.s32 $0x60E0  }
0x2d8: {  	[hbm4b:s21+s5] =	stream.linear.scatter [tilespmem:s28], [sflag:$0x3], $0x80, $0x38;
	[tilespmem:$0xB780] =	vst v63  }
0x2d9: {  	s21 =	sadd.s32 $0x50, s8;
	s28 =	simm.s32 $0x6168  }
0x2da: {  	[hbm4b:s21+s5] =	stream.linear.scatter [tilespmem:s28], [sflag:$0x3], $0x80, $0x38;
	[tilespmem:$0xB780] =	vst v63  }
0x2db: {  	s21 =	sadd.s32 $0x60, s8;
	s28 =	simm.s32 $0x61F0  }
0x2dc: {  	[hbm4b:s21+s5] =	stream.linear.scatter [tilespmem:s28], [sflag:$0x3], $0x80, $0x38;
	[tilespmem:$0xB780] =	vst v63  }
0x2dd: {  	s8 =	sadd.s32 $0x70, s8;
	s21 =	simm.s32 $0x6278  }
0x2de: {  	[hbm4b:s8+s5] =	stream.linear.scatter [tilespmem:s21], [sflag:$0x3], $0x80, $0x38;
	[tilespmem:$0xB780] =	vst v63  }
0x2df: {  	s8 =	simm.s32 @p0 $0x2  }
0x2e0: {  	_ =	swait.ge @p0 [sflag:s8], $0x2000  }
0x2e1: {  	[sflag:s8] =	ssyncset.done @p0 $0x0  }
0x2e2: {  	[sflag:s8] =	ssyncadd.s32 @p0 $0xFFFFE000;
	s8 =	simm.s32 @!p0 $0x5  }
0x2e3: {  	_ =	swait.ge @!p0 [sflag:s8], $0x80  }
0x2e4: {  	s10 =	simm.s32 @!p0 $0x0;
	[sflag:s8] =	ssyncset.done @!p0 $0x0  }
0x2e5: {  	s21 =	simm.s32 @!p0 $0x100;
	[sflag:s8] =	ssyncadd.s32 @!p0 $0xFFFFFF80;
	s8 =	simm.s32 @!p0 $0x80  }
0x2e6: {  	[tilespmem:s21], [sflag:$0x1] =	stream.indirect.gather @!p0 [hbm4b:s7+s8], $0x40, s10, s8, $0xb8;
	[tilespmem:$0xB780] =	vst v63  }
0x2e7: {  	s21 =	simm.s32 @!p0 $0x2  }
0x2e8: {  	s25 =	sadd.s32 @!p0 s12, s25;
	_ =	swait.ge @!p0 [sflag:s21], $0x2000  }
0x2e9: {  	s25 =	sshrl.u32 @!p0 s25, $0x3;
	[sflag:s21] =	ssyncset.done @!p0 $0x0  }
0x2ea: {  	[sflag:s21] =	ssyncadd.s32 @!p0 $0xFFFFE000;
	s21 =	sadd.s32 @!p0 s6, s25  }
0x2eb: {  	[tilespmem:s8], [sflag:$0x6] =	stream.linear.gather @!p0 [hbm4b:s21+s10], $0x80, $0x38;
	[tilespmem:$0xB780] =	vst v63  }
0x2ec: {  	s8 =	simm.s32 @!p1 $0x4  }
0x2ed: {  	_ =	swait.ge @!p1 [sflag:s8], $0x400  }
0x2ee: {  	[sflag:s8] =	ssyncset.done @!p1 $0x0  }
0x2ef: {  	[sflag:s8] =	ssyncadd.s32 @!p1 $0xFFFFFC00  }
0x2f0: {  	_ =	swait.ge @!p1 [sflag:s8], $0x400  }
0x2f1: {  	[sflag:s8] =	ssyncset.done @!p1 $0x0  }
0x2f2: {  	[sflag:s8] =	ssyncadd.s32 @!p1 $0xFFFFFC00  }
0x2f3: {  	_ =	swait.ge @!p1 [sflag:s8], $0x400  }
0x2f4: {  	[sflag:s8] =	ssyncset.done @!p1 $0x0  }
0x2f5: {  	[sflag:s8] =	ssyncadd.s32 @!p1 $0xFFFFFC00  }
0x2f6: {  	_ =	swait.ge @!p1 [sflag:s8], $0x400  }
0x2f7: {  	[sflag:s8] =	ssyncset.done @!p1 $0x0  }
0x2f8: {  	[sflag:s8] =	ssyncadd.s32 @!p1 $0xFFFFFC00  }
0x2f9: {  	_ =	swait.ge @!p1 [sflag:s8], $0x400  }
0x2fa: {  	[sflag:s8] =	ssyncset.done @!p1 $0x0  }
0x2fb: {  	[sflag:s8] =	ssyncadd.s32 @!p1 $0xFFFFFC00  }
0x2fc: {  	_ =	swait.ge @!p1 [sflag:s8], $0x400  }
0x2fd: {  	[sflag:s8] =	ssyncset.done @!p1 $0x0  }
0x2fe: {  	[sflag:s8] =	ssyncadd.s32 @!p1 $0xFFFFFC00  }
0x2ff: {  	_ =	swait.ge @!p1 [sflag:s8], $0x400  }
0x300: {  	[sflag:s8] =	ssyncset.done @!p1 $0x0  }
0x301: {  	[sflag:s8] =	ssyncadd.s32 @!p1 $0xFFFFFC00  }
0x302: {  	_ =	swait.ge @!p1 [sflag:s8], $0x400  }
0x303: {  	s25 =	sshll.u32 s24, $0x6;
	[sflag:s8] =	ssyncset.done @!p1 $0x0  }
0x304: {  	s28 =	sand.u32 $0x3FFFFFC0, s25;
	[sflag:s8] =	ssyncadd.s32 @!p1 $0xFFFFFC00  }
0x305: {  	v1 =	vld [tilespmem:s28+$0x8500]  }
0x306: {  	v33 =	vld [tilespmem:s28+$0x8510]  }
0x307: {  	v34 =	vld [tilespmem:s28+$0x8520]  }
0x308: {  	s25 =	simm.s32 $0x22F0;
	v35 =	vld [tilespmem:s28+$0x8530]  }
0x309: {  	v0 =	vld [tilespmem:s25+$0xFFFFFF10]  }
0x30a: {  	v2 =	vld [tilespmem:s25+$0xFFFFFF20]  }
0x30b: {  	v3 =	vld [tilespmem:s25+$0xFFFFFF30]  }
0x30c: {  	v4 =	vld [tilespmem:s25+$0xFFFFFF40]  }
0x30d: {  	v5 =	vld [tilespmem:s25+$0xFFFFFF50]  }
0x30e: {  	v6 =	vld [tilespmem:s25+$0xFFFFFF60]  }
0x30f: {  	v7 =	vld [tilespmem:s25+$0xFFFFFF70]  }
0x310: {  	v8 =	vld [tilespmem:s25+$0xFFFFFF80]  }
0x311: {  	v9 =	vld [tilespmem:s25+$0xFFFFFF90]  }
0x312: {  	v11 =	vld [tilespmem:s25+$0xFFFFFE60]  }
0x313: {  	v26 =	vld [tilespmem:s25+$0xFFFFFE70];
	v16 =	vadd.f32 v0, v1  }
0x314: {  	v27 =	vld [tilespmem:s25+$0xFFFFFE80];
	v23 =	vadd.f32 v2, v33;
	v14 =	vadd.f32 v3, v34  }
0x315: {  	v0 =	vld [tilespmem:s25+$0xFFFFFFA0];
	v21 =	vadd.f32 v4, v35;
	v20 =	vadd.f32 v5, v1  }
0x316: {  	v2 =	vld [tilespmem:s25+$0xFFFFFFB0];
	v18 =	vadd.f32 v6, v33;
	v13 =	vadd.f32 v7, v34  }
0x317: {  	v3 =	vld [tilespmem:s25+$0xFFFFFFC0];
	v24 =	vadd.f32 v8, v35;
	v17 =	vadd.f32 v9, v1  }
0x318: {  	v4 =	vld [tilespmem:s25+$0xFFFFFFD0];
	v6 =	vadd.f32 v23, v16;
	v7 =	vadd.f32 v21, v14  }
0x319: {  	v5 =	vld [tilespmem:s25+$0xFFFFFFE0];
	v58 =	vadd.f32 v11, v33;
	v59 =	vadd.f32 v26, v34  }
0x31a: {  	v8 =	vld [tilespmem:s25+$0xFFFFFFF0];
	v61 =	vadd.f32 v7, v6;
	v6 =	vadd.f32 v24, v13  }
0x31b: {  	v22 =	vadd.f32 v0, v33;
	v15 =	vadd.f32 v2, v34;
	v2 =	vld [tilespmem:s25+$0x0]  }
0x31c: {  	v0 =	vadd.f32 v18, v20;
	v19 =	vadd.f32 v3, v35;
	v3 =	vld [tilespmem:s25+$0xFFFFFE20]  }
0x31d: {  	v60 =	vadd.f32 v27, v35;
	v31 =	vadd.f32 v4, v1  }
0x31e: {  	v9 =	vmul.f32 v16, v16;
	v63 =	vadd.f32 v5, v33;
	v5 =	vld [tilespmem:s25+$0xFFFFFE30];
	v0 =	vadd.f32 v6, v0  }
0x31f: {  	v10 =	vmul.f32 v23, v23;
	v4 =	vadd.f32 v22, v17;
	v6 =	vadd.f32 v19, v15  }
0x320: {  	v25 =	vmul.f32 v21, v21;
	v7 =	vld [tilespmem:s25+$0xFFFFFE50];
	v12 =	vadd.f32 v8, v34;
	v57 =	vadd.f32 v2, v35  }
0x321: {  	v4 =	vadd.f32 v6, v4;
	v2 =	vld [tilespmem:s25+$0xFFFFFE40];
	v54 =	vadd.f32 v3, v33;
	v3 =	vmul.f32 v14, v14  }
0x322: {  	v11 =	vmul.f32 v15, v15;
	v6 =	vadd.f32 v63, v31;
	v8 =	vadd.f32 v57, v12  }
0x323: {  	v29 =	vmul.f32 v19, v19;
	v37 =	vadd.f32 v5, v34;
	v3 =	vadd.f32 v25, v3  }
0x324: {  	v25 =	vmul.f32 v24, v24;
	v5 =	vadd.f32 v8, v6;
	v6 =	vadd.f32 v10, v9;
	v10 =	vld [tilespmem:s25+$0xFFFFFE90];
	[tilespmem:$0x1F840] =	vst v24  }
0x325: {  	(xrf2) =	vadd.scan.msk.f32 $0xffff, v61;
	v40 =	vadd.f32 v7, v1;
	v8 =	vmul.f32 v20, v20;
	v9 =	vmul.f32 v18, v18;
	v28 =	vld [tilespmem:s25+$0xFFFFFEA0]  }
0x326: {  	v49 =	vadd.f32 v2, v35;
	v2 =	vmul.f32 v13, v13;
	v7 =	vld [tilespmem:s25+$0xFFFFFEB0];
	[tilespmem:$0x1F850] =	vst v22;
	v6 =	vadd.f32 v3, v6  }
0x327: {  	(xrf2) =	vadd.scan.msk.f32 $0xffff, v0;
	v3 =	vmul.f32 v17, v17;
	v8 =	vadd.f32 v9, v8;
	v9 =	vmul.f32 v22, v22;
	v30 =	vld [tilespmem:s25+$0xFFFFFED0]  }
0x328: {  	v27 =	vmul.f32 v12, v12;
	(xrf2) =	vadd.scan.msk.f32 $0xffff, v4;
	v2 =	vadd.f32 v25, v2;
	v25 =	vld [tilespmem:s25+$0xFFFFFEC0];
	[tilespmem:$0x1F860] =	vst v31  }
0x329: {  	(xrf2) =	vadd.scan.msk.f32 $0xffff, v5;
	v26 =	vld [tilespmem:s25+$0xFFFFFE10];
	v3 =	vadd.f32 v9, v3;
	v9 =	vadd.f32 v29, v11;
	[tilespmem:$0x1F870] =	vst v63  }
0x32a: {  	v11 =	vmul.f32 v63, v63;
	v2 =	vadd.f32 v2, v8;
	v8 =	vmul.f32 v31, v31;
	v29 =	vld [tilespmem:s25+$0xFFFFFEE0];
	[tilespmem:$0x1F880] =	vst v12  }
0x32b: {  	[tilespmem:$0x1F890] =	vst v57;
	v31 =	vmul.f32 v57, v57;
	v56 =	vadd.f32 v10, v1;
	v38 =	vadd.f32 v9, v3  }
0x32c: {  	(xrf2) =	vadd.scan.msk.f32 $0xffff, v6;
	v63 =	vld [tilespmem:s25+$0xFFFFFEF0];
	v57 =	vadd.f32 v28, v33;
	v52 =	vadd.f32 v7, v34  }
0x32d: {  	v3 =	vld [tilespmem:s25+$0xFFFFFF00];
	v9 =	vmul.f32 v54, v54;
	[tilespmem:$0x1F8A0] =	vst v1;
	v8 =	vadd.f32 v11, v8;
	v10 =	vadd.f32 v31, v27  }
0x32e: {  	v7 =	vmul.f32 v49, v49;
	[tilespmem:$0x1F8B0] =	vst v33;
	v28 =	vadd.f32 v60, v59;
	v47 =	vadd.f32 v30, v1  }
0x32f: {  	v11 =	vmul.f32 v37, v37;
	(xrf2) =	vadd.scan.msk.f32 $0xffff, v2;
	v27 =	vadd.f32 v58, v40;
	v39 =	vadd.f32 v10, v8  }
0x330: {  	v30 =	vmul.f32 v59, v59;
	v48 =	vadd.f32 v25, v35;
	(xrf2) =	vadd.scan.msk.f32 $0xffff, v38;
	v25 =	vperm.xlane v61, v62  }
0x331: {  	[tilespmem:$0x1F960] =	vst v56;
	v31 =	vadd.f32 v57, v56;
	v56 =	vmul.f32 v56, v56;
	(xrf2) =	vadd.scan.msk.f32 $0xffff, v39  }
0x332: {  	[tilespmem:$0x1F970] =	vst v57;
	v57 =	vmul.f32 v57, v57;
	v26 =	vadd.f32 v26, v1;
	(xrf2) =	vadd.scan.msk.f32 $0xffff, v25  }
0x333: {  	[tilespmem:$0x1F930] =	vst v58;
	v8 =	vmul.f32 v40, v40;
	v27 =	vadd.f32 v28, v27;
	v7 =	vadd.f32 v7, v11  }
0x334: {  	[tilespmem:$0x1F940] =	vst v59;
	v10 =	vmul.f32 v58, v58;
	v43 =	vadd.f32 v29, v33;
	v41 =	vadd.f32 v63, v34;
	v63, _, _ =	vpop (xrf2)  }
0x335: {  	[tilespmem:$0x1F950] =	vst v60;
	v58 =	vmul.f32 v60, v60;
	v59 =	vadd.f32 v48, v52;
	v42 =	vadd.f32 v3, v35;
	v1, _, _ =	vpop (xrf2)  }
0x336: {  	v3 =	vadd.f32 v54, v26;
	[tilespmem:$0x1F8F0] =	vst v26;
	v29 =	vmul.f32 v26, v26;
	v26 =	vadd.f32 v49, v37;
	v46, _, _ =	vpop (xrf2)  }
0x337: {  	[tilespmem:$0x1F990] =	vst v48;
	v8 =	vadd.f32 v10, v8;
	v33 =	vadd.f32 v59, v31;
	v31 =	vmul.f32 v48, v48;
	v48, _, _ =	vpop (xrf2)  }
0x338: {  	[tilespmem:$0x1F9A0] =	vst v47;
	v60 =	vadd.f32 v43, v47;
	v9 =	vadd.f32 v9, v29;
	v29 =	vmul.f32 v47, v47;
	v47, _, _ =	vpop (xrf2)  }
0x339: {  	[tilespmem:$0x1F910] =	vst v49;
	v11 =	vadd.f32 v58, v30;
	v26 =	vadd.f32 v26, v3;
	v3 =	vmul.f32 v52, v52;
	v49, _, _ =	vpop (xrf2)  }
0x33a: {  	v25 =	vadd.f32 v57, v56;
	v55 =	vadd.f32 v42, v41;
	v50, _, _ =	vpop (xrf2)  }
0x33b: {  	s10 =	simm.s32 $0x0;
	v58 =	vmul.f32 v41, v41;
	v59 =	vmul.f32 v42, v42;
	v3 =	vadd.f32 v31, v3;
	v53, _, _ =	vpop (xrf2)  }
0x33c: {  	[tilespmem:$0x1F980] =	vst v52;
	v52 =	vadd.f32 v11, v8;
	v8 =	vmov s10;
	v28 =	vadd.f32 v55, v60;
	v60, _, _ =	vpop (xrf2)  }
0x33d: {  	v31 =	vadd.f32 v3, v25;
	v3 =	vshrl.u32 v8, $0x3;
	v8 =	vperm.xlane v60, v62  }
0x33e: {  	v22 =	vadd.f32 v7, v9  }
0x33f: {  	v7 =	vadd.f32 v59, v58;
	v59 =	vadd.f32 v8, v63;
	v63 =	vld [tilespmem:$0x1FFD0]  }
0x340: {  	v10 =	vmul.f32 v43, v43;
	_ =	sdelay $0x1  }
0x341: {  	v10 =	vadd.f32 v10, v29  }
0x342: {  	s28 =	simm.s32 $0x2  }
0x343: {  	[tilespmem:$0x1F9B0] =	vst v43;
	s10 =	simm.s32 $0x3;
	v43 =	vadd.f32 v7, v10;
	v7 =	vmov s28;
	v3 =	vshll.u32 v3, v63  }
0x344: {  	v8 =	vmov s10;
	v10 =	vbroadcast v3, $0x0;
	v3 =	vshrl.u32 v7, $0x3  }
0x345: {  	v7 =	vshrl.u32 v8, $0x3;
	v3 =	vshll.u32 v3, v63  }
0x346: {  	[tilespmem:$0x1F9E0] =	vst v3;
	v3 =	vshll.u32 v7, v63;
	v7 =	vld [tilespmem:$0x1FFC0];
	_ =	sdelay $0x4  }
0x347: {  	v7 =	vadd.s32 v7, v10  }
0x348: {  	[tilespmem:$0x1FA00] =	vst v7;
	v7 =	vld [tilespmem:$0x1FFE0];
	_ =	sdelay $0x4  }
0x349: {  	v7 =	vadd.s32 v7, v10  }
0x34a: {  	[tilespmem:$0x1FA10] =	vst v7;
	v7 =	vld [tilespmem:$0x1FF80];
	_ =	sdelay $0x4  }
0x34b: {  	v7 =	vadd.s32 v7, v10  }
0x34c: {  	[tilespmem:$0x1FA20] =	vst v7;
	v7 =	vld [tilespmem:$0x1FF90];
	_ =	sdelay $0x1  }
0x34d: {  	v29 =	vperm.xlane v0, v62  }
0x34e: {  	v9 =	vperm.xlane v4, v62  }
0x34f: {  	s21 =	simm.s32 $0x1;
	(xrf2) =	vadd.scan.msk.f32 $0xffff, v29  }
0x350: {  	(xrf2) =	vadd.scan.msk.f32 $0xffff, v9;
	v9 =	vmov s21;
	v7 =	vadd.s32 v7, v10;
	v10 =	vld [tilespmem:$0x1FFA0]  }
0x351: {  	v9 =	vshrl.u32 v9, $0x3  }
0x352: {  	v8 =	vshll.u32 v9, v63  }
0x353: {  	v8 =	vbroadcast v8, $0x0;
	_ =	sdelay $0x1  }
0x354: {  	v10 =	vadd.s32 v10, v8  }
0x355: {  	[tilespmem:$0x1FA40] =	vst v10;
	v10 =	vld [tilespmem:$0x1FFB0]  }
0x356: {  	v11 =	vperm.xlane v5, v62  }
0x357: {  	s28 =	simm.s32 $0x5  }
0x358: {  	(xrf2) =	vadd.scan.msk.f32 $0xffff, v11;
	v11 =	vmov s28  }
0x359: {  	[tilespmem:$0x1F8E0] =	vst v54;
	v54 =	vperm.xlane v6, v62;
	v55 =	vperm.xlane v2, v62;
	s21 =	simm.s32 $0x4;
	s28 =	simm.s32 $0x7;
	v11 =	vshrl.u32 v11, $0x3  }
0x35a: {  	v56 =	vmov s28;
	v9 =	vmov s21;
	s21 =	simm.s32 $0x6;
	v10 =	vadd.s32 v10, v8  }
0x35b: {  	v57 =	vshrl.u32 v56, $0x3;
	v9 =	vshrl.u32 v9, $0x3;
	v51 =	vmov s21;
	[tilespmem:$0x1FA50] =	vst v10;
	v10 =	vld [tilespmem:$0x1FF70]  }
0x35c: {  	v11 =	vshll.u32 v11, v63;
	v32 =	vshrl.u32 v51, $0x3;
	v9 =	vshll.u32 v9, v63  }
0x35d: {  	[tilespmem:$0x1F8D0] =	vst v35;
	v51 =	vbroadcast v11, $0x0;
	v11 =	vshll.u32 v57, v63;
	v32 =	vshll.u32 v32, v63;
	v63 =	vld [tilespmem:$0x1FF60]  }
0x35e: {  	[tilespmem:$0x1F900] =	vst v37;
	v58 =	vperm.xlane v38, v62;
	(xrf2) =	vadd.scan.msk.f32 $0xffff, v54  }
0x35f: {  	[tilespmem:$0x1F920] =	vst v40;
	v29 =	vmovc v33;
	(xrf2) =	vadd.scan.msk.f32 $0xffff, v55;
	v35 =	vbroadcast v9, $0x0;
	v37 =	vbroadcast v11, $0x0  }
0x360: {  	v9, _, _ =	vpop (xrf2);
	(xrf2) =	vadd.scan.msk.f32 $0xffff, v58;
	v58 =	vperm.xlane v33, v62;
	v33 =	vadd.s32 v10, v8;
	v10 =	vperm.xlane v39, v62  }
0x361: {  	v11 =	vperm.xlane v27, v62;
	v60, _, _ =	vpop (xrf2);
	[tilespmem:$0x1FA30] =	vst v7;
	v7 =	vperm.xlane v26, v62  }
0x362: {  	v40 =	vbroadcast v32, $0x0;
	v32 =	vperm.xlane v9, v62;
	v9, _, _ =	vpop (xrf2);
	v8 =	vadd.s32 v63, v8;
	(xrf2) =	vadd.scan.msk.f32 $0xffff, v10  }
0x363: {  	[tilespmem:$0x1FA60] =	vst v8;
	v8 =	vld [tilespmem:$0x1FE60];
	(xrf2) =	vadd.scan.msk.f32 $0xffff, v7  }
0x364: {  	(xrf2) =	vadd.scan.msk.f32 $0xffff, v11;
	v11 =	vld [tilespmem:$0x1FEA0];
	_ =	sdelay $0x4  }
0x365: {  	v24 =	vadd.s32 v8, v35;
	v8 =	vld [tilespmem:$0x1FE70];
	v11 =	vadd.s32 v11, v51  }
0x366: {  	[tilespmem:$0x1FA80] =	vst v11;
	v11 =	vld [tilespmem:$0x1FEB0];
	_ =	sdelay $0x3  }
0x367: {  	v7 =	vld [tilespmem:$0x1FE90]  }
0x368: {  	[tilespmem:$0x1F8C0] =	vst v34;
	v25 =	vadd.s32 v8, v35;
	v8 =	vld [tilespmem:$0x1FE80];
	v11 =	vadd.s32 v11, v51  }
0x369: {  	[tilespmem:$0x1FA90] =	vst v11;
	v11 =	vld [tilespmem:$0x1FEC0]  }
0x36a: {  	[tilespmem:$0x1F9C0] =	vst v41;
	v54 =	vperm.xlane v31, v62  }
0x36b: {  	v41 =	vmovc v26;
	v30 =	vmovc v28;
	v12 =	vmov v22;
	v56 =	vperm.xlane v22, v62;
	v55 =	vperm.xlane v52, v62  }
0x36c: {  	v57 =	vperm.xlane v28, v62;
	v28 =	vmov v31;
	[tilespmem:$0x1F9F0] =	vst v3;
	v3 =	vperm.xlane v60, v62;
	v60, _, _ =	vpop (xrf2)  }
0x36d: {  	[tilespmem:$0x1F9D0] =	vst v42;
	v9 =	vperm.xlane v9, v62;
	v63 =	vmov v52;
	v52 =	vperm.xlane v43, v62;
	v10, _, _ =	vpop (xrf2)  }
0x36e: {  	s8 =	simm.s32 $0x8;
	[tilespmem:$0x1FA70] =	vst v43;
	v43 =	vld [tilespmem:$0x1FED0];
	v7 =	vadd.s32 v7, v35;
	v8 =	vadd.s32 v8, v35;
	v62 =	vadd.s32 v11, v51;
	v11, _, _ =	vpop (xrf2)  }
.LBB2_8:
0x36f: {  	(xrf2) =	vadd.scan.msk.f32 $0xffff, v58;
	_ =	sdelay $0x1  }
0x370: {  	[tilespmem:$0x1F7E0] =	vst v62;
	v62 =	vld [tilespmem:$0x1FFF0];
	_ =	sdelay $0x3  }
0x371: {  	v32 =	vadd.f32 v32, v1;
	v1 =	vadd.s32 v43, v51  }
0x372: {  	[tilespmem:$0x1F7F0] =	vst v1;
	v1 =	vperm.xlane v11, v62;
	v11, _, _ =	vpop (xrf2)  }
0x373: {  	v32 =	vsub.f32 v32, v0;
	v0, _, _ =	vpop (xrf2)  }
0x374: {  	[tilespmem:$0x1F800] =	vst v0;
	v0, _, _ =	vpop (xrf2)  }
0x375: {  	[tilespmem:$0x1F810] =	vst v0;
	v0, _, _ =	vpop (xrf2)  }
0x376: {  	[tilespmem:$0x1F820] =	vst v0;
	v0 =	vld [tilespmem:$0x1FF00]  }
0x377: {  	v10 =	vperm.xlane v10, v62;
	_ =	sdelay $0x1  }
0x378: {  	v10 =	vadd.f32 v10, v49;
	_ =	sdelay $0x1  }
0x379: {  	v10 =	vsub.f32 v10, v2;
	v2 =	vadd.s32 v0, v40;
	v0 =	vld [tilespmem:$0x1FF10]  }
0x37a: {  	v9 =	vadd.f32 v9, v48  }
0x37b: {  	v60 =	vperm.xlane v60, v62  }
0x37c: {  	v9 =	vsub.f32 v9, v5;
	v36 =	vadd.f32 v1, v50  }
0x37d: {  	v3 =	vadd.f32 v3, v46;
	v5 =	vperm.xlane v11, v62;
	v11 =	vadd.f32 v60, v47  }
0x37e: {  	v47 =	vmul.f32 $1.562500000e-02, v9;
	v9 =	vsub.f32 v36, v38;
	v38 =	vadd.s32 v0, v40;
	v0 =	vld [tilespmem:$0x1FF20];
	_ =	sdelay $0x1  }
0x37f: {  	v61 =	vsub.f32 v59, v61;
	v3 =	vsub.f32 v3, v4  }
0x380: {  	v32 =	vmul.f32 $1.562500000e-02, v32;
	v42 =	vadd.f32 v5, v53;
	v6 =	vsub.f32 v11, v6  }
0x381: {  	v3 =	vmul.f32 $1.562500000e-02, v3;
	v11 =	vmul.f32 $1.562500000e-02, v61  }
0x382: {  	v43 =	vmul.f32 $1.562500000e-02, v6;
	v6 =	vsub.f32 v42, v39;
	v39 =	vadd.s32 v0, v37;
	v0 =	vld [tilespmem:$0x1FF30]  }
0x383: {  	v4 =	vadd.s32 v44, v40;
	(xrf2) =	vadd.scan.msk.f32 $0xffff, v57;
	v57 =	vmul.f32 v32, v32;
	v58 =	vmul.f32 v3, v3  }
0x384: {  	v5 =	vadd.s32 v45, v40;
	(xrf2) =	vadd.scan.msk.f32 $0xffff, v56;
	v60 =	vmul.f32 v47, v47;
	v56 =	vmul.f32 v11, v11  }
0x385: {  	(xrf2) =	vadd.scan.msk.f32 $0xffff, v55;
	v10 =	vmul.f32 $1.562500000e-02, v10;
	v9 =	vmul.f32 $1.562500000e-02, v9;
	v49 =	vsub.f32 v16, v11  }
0x386: {  	v53 =	vsub.f32 v23, v11;
	v59 =	vmul.f32 $1.562500000e-02, v6;
	v23 =	vsub.f32 v43, v56  }
0x387: {  	v10 =	vsub.f32 v10, v57;
	v9 =	vsub.f32 v9, v58;
	v40 =	vadd.s32 v0, v37;
	v0 =	vld [tilespmem:$0x1FF40]  }
0x388: {  	[tilespmem:$0x1F830] =	vst v33;
	v61 =	vsub.f32 v59, v60;
	v33 =	vadd.f32 $9.999999740e-06, v23  }
0x389: {  	v10 =	vadd.f32 $9.999999740e-06, v10;
	v9 =	vadd.f32 $9.999999740e-06, v9  }
0x38a: {  	(xrf2) =	vadd.scan.msk.f32 $0xffff, v54;
	v50 =	vsub.f32 v14, v11;
	v46 =	vadd.f32 $9.999999740e-06, v61;
	v34 =	vshra.s32 v33, $0x1  }
0x38b: {  	v35 =	vshra.s32 v10, $0x1;
	v36 =	vshra.s32 v9, $0x1;
	v48 =	vmul.f32 $5.000000000e-01, v33  }
0x38c: {  	v10 =	vmul.f32 $5.000000000e-01, v10;
	v9 =	vmul.f32 $5.000000000e-01, v9;
	v57 =	vadd.s32 v0, v37;
	v0 =	vld [tilespmem:$0x1FF50]  }
0x38d: {  	v6, _, _ =	vpop (xrf2);
	(xrf2) =	vadd.scan.msk.f32 $0xffff, v52;
	v51 =	vsub.s32 $0x5F3759DF, v34;
	v54 =	vsub.s32 $0x5F3759DF, v35;
	v52 =	vsub.s32 $0x5F3759DF, v36  }
0x38e: {  	v23, _, _ =	vpop (xrf2);
	(xrf2) =	vadd.scan.msk.f32 $0xffff, v41;
	v42 =	vshra.s32 v46, $0x1;
	v43 =	vmul.f32 $5.000000000e-01, v46;
	v48 =	vmul.f32 v51, v48  }
0x38f: {  	v33 =	vld [tilespmem:$0x1FD60];
	v10 =	vmul.f32 v54, v10;
	v9 =	vmul.f32 v52, v9;
	v55 =	vsub.s32 $0x5F3759DF, v42;
	v46, _, _ =	vpop (xrf2);
	(xrf2) =	vadd.scan.msk.f32 $0xffff, v27  }
0x390: {  	v11 =	vsub.f32 v21, v11;
	v34 =	vld [tilespmem:$0x1FD70];
	v56 =	vmul.f32 v55, v43;
	v21 =	vmul.f32 v51, v48  }
0x391: {  	v10 =	vmul.f32 v54, v10;
	v9 =	vmul.f32 v52, v9;
	v37 =	vadd.s32 v0, v37;
	v0 =	vld [tilespmem:$0x1F840]  }
0x392: {  	v36 =	vld [tilespmem:$0x1FD80];
	v45 =	vmul.f32 v55, v56;
	v56 =	vsub.f32 v18, v32;
	v21 =	vsub.f32 $1.500000000e+00, v21  }
0x393: {  	v35 =	vmov v29;
	v10 =	vsub.f32 $1.500000000e+00, v10;
	v9 =	vsub.f32 $1.500000000e+00, v9  }
0x394: {  	v18, _, _ =	vpop (xrf2);
	(xrf2) =	vadd.scan.msk.f32 $0xffff, v29;
	v29 =	vmov v27;
	v27 =	vld [tilespmem:$0x1FD90];
	v48 =	vsub.f32 $1.500000000e+00, v45;
	v21 =	vmul.f32 v51, v21  }
0x395: {  	v10 =	vmul.f32 v54, v10;
	v9 =	vmul.f32 v52, v9  }
0x396: {  	v26 =	vmovc v63;
	v48 =	vmul.f32 v55, v48;
	v52 =	vmul.f32 v21, v34;
	v14 =	vsub.f32 v0, v32;
	v0 =	vld [tilespmem:$0x1F850]  }
0x397: {  	v20 =	vsub.f32 v20, v32;
	v16, _, _ =	vpop (xrf2);
	(xrf2) =	vadd.scan.msk.f32 $0xffff, v30;
	v54 =	vmul.f32 v21, v36;
	v58 =	vmul.f32 v10, v33  }
0x398: {  	v17 =	vsub.f32 v17, v3;
	v1 =	vld [tilespmem:$0x1FDC0];
	v59 =	vmul.f32 v10, v34;
	v60 =	vmul.f32 v10, v36;
	v55, _, _ =	vpop (xrf2);
	(xrf2) =	vadd.scan.msk.f32 $0xffff, v12  }
0x399: {  	v15 =	vsub.f32 v15, v3;
	v10 =	vmul.f32 v10, v27;
	v52 =	vmul.f32 v52, v53;
	v43, _, _ =	vpop (xrf2);
	(xrf2) =	vadd.scan.msk.f32 $0xffff, v63;
	v63 =	vld [tilespmem:$0x1FDA0]  }
0x39a: {  	v31 =	vmovc v41;
	v41 =	vld [tilespmem:$0x1FDB0];
	v51 =	vsub.f32 v13, v32;
	v20 =	vmul.f32 v58, v20;
	v32 =	vmul.f32 v21, v33  }
0x39b: {  	v58 =	vld [tilespmem:$0x1FDD0];
	v13 =	vsub.f32 v0, v3;
	v3 =	vsub.f32 v19, v3;
	v19 =	vmul.f32 v9, v33  }
0x39c: {  	v32 =	vmul.f32 v32, v49;
	v10 =	vmul.f32 v10, v14;
	v14 =	vld [tilespmem:$0x1FA80]  }
0x39d: {  	v21 =	vmul.f32 v21, v27;
	v19 =	vmul.f32 v19, v17;
	v17 =	vld [tilespmem:$0x1FA90]  }
0x39e: {  	v50 =	vmul.f32 v54, v50;
	v32 =	vadd.f32 v32, v63  }
0x39f: {  	v52 =	vadd.f32 v52, v41;
	v11 =	vmul.f32 v21, v11  }
0x3a0: {  	[tilespmem:v24+s23+$0x0] =	vst.idx.msk $0xffff, v32;
	v32 =	vadd.f32 v50, v1  }
0x3a1: {  	v59 =	vmul.f32 v59, v56;
	v24 =	vadd.f32 v11, v58;
	[tilespmem:v25+s23+$0x0] =	vst.idx.msk $0xffff, v52  }
0x3a2: {  	v0 =	vld [tilespmem:$0x1F860];
	[tilespmem:v8+s23+$0x0] =	vst.idx.msk $0xffff, v32;
	v8 =	vadd.f32 v20, v63  }
0x3a3: {  	v61 =	vmul.f32 v9, v34;
	[tilespmem:v7+s23+$0x0] =	vst.idx.msk $0xffff, v24;
	v7 =	vadd.f32 v59, v41  }
0x3a4: {  	[tilespmem:v14+s23+$0x0] =	vst.idx.msk $0xffff, v8  }
0x3a5: {  	[tilespmem:v17+s23+$0x0] =	vst.idx.msk $0xffff, v7;
	v7 =	vadd.f32 v10, v58;
	v10 =	vmul.f32 v61, v13;
	v13 =	vld [tilespmem:$0x1F7E0];
	_ =	sdelay $0x1  }
0x3a6: {  	v42 =	vsub.f32 v0, v47;
	v0 =	vld [tilespmem:$0x1F870];
	_ =	sdelay $0x1  }
0x3a7: {  	v20 =	vmul.f32 v60, v51;
	_ =	sdelay $0x1  }
0x3a8: {  	v44 =	vmul.f32 v9, v36;
	v8 =	vadd.f32 v20, v1  }
0x3a9: {  	v45 =	vsub.f32 v0, v47;
	v0 =	vld [tilespmem:$0x1F880]  }
0x3aa: {  	[tilespmem:v13+s23+$0x0] =	vst.idx.msk $0xffff, v8;
	v13 =	vmul.f32 v44, v15;
	v15 =	vld [tilespmem:$0x1F7F0];
	_ =	sdelay $0x3  }
0x3ab: {  	v22 =	vmov v12;
	v12 =	vsub.f32 v0, v47;
	v0 =	vld [tilespmem:$0x1F890];
	_ =	sdelay $0x1  }
0x3ac: {  	v9 =	vmul.f32 v9, v27  }
0x3ad: {  	v53 =	vmul.f32 v48, v34;
	v49 =	vmul.f32 v48, v33;
	v8 =	vadd.f32 v19, v63  }
0x3ae: {  	v3 =	vmul.f32 v9, v3;
	v10 =	vadd.f32 v10, v41;
	[tilespmem:v15+s23+$0x0] =	vst.idx.msk $0xffff, v7  }
0x3af: {  	v47 =	vsub.f32 v0, v47;
	v0, _, _ =	vpop (xrf2);
	(xrf2) =	vadd.scan.msk.f32 $0xffff, v28;
	[tilespmem:v4+s23+$0x0] =	vst.idx.msk $0xffff, v8;
	v4 =	vadd.f32 v13, v1  }
0x3b0: {  	v21 =	vmul.f32 v48, v27;
	v25 =	vld [tilespmem:$0x1FA70];
	v8 =	vmul.f32 v49, v42;
	[tilespmem:v5+s23+$0x0] =	vst.idx.msk $0xffff, v10  }
0x3b1: {  	v3 =	vadd.f32 v3, v58;
	v5 =	vmul.f32 v53, v45;
	[tilespmem:v2+s23+$0x0] =	vst.idx.msk $0xffff, v4;
	v2 =	vld [tilespmem:$0x1F800]  }
0x3b2: {  	v54 =	vmul.f32 v48, v36;
	v4 =	vadd.f32 v8, v63  }
0x3b3: {  	[tilespmem:v38+s23+$0x0] =	vst.idx.msk $0xffff, v3;
	v3 =	vadd.f32 v5, v41;
	v5 =	vmul.f32 v21, v47  }
0x3b4: {  	[tilespmem:v39+s23+$0x0] =	vst.idx.msk $0xffff, v4  }
0x3b5: {  	v10 =	vmul.f32 v54, v12;
	[tilespmem:v40+s23+$0x0] =	vst.idx.msk $0xffff, v3;
	v3 =	vadd.f32 v5, v58;
	v5 =	vld [tilespmem:$0x1F820]  }
0x3b6: {  	v48, _, _ =	vpop (xrf2);
	(xrf2) =	vadd.scan.msk.f32 $0xffff, v25;
	v9 =	vperm.xlane v2, v62;
	v2 =	vld [tilespmem:$0x1F810]  }
0x3b7: {  	v11, _, _ =	vpop (xrf2);
	v4 =	vadd.f32 v10, v1  }
0x3b8: {  	v14, _, _ =	vpop (xrf2);
	v10 =	vperm.xlane v18, v62  }
0x3b9: {  	v6 =	vperm.xlane v6, v62;
	v7, _, _ =	vpop (xrf2);
	[tilespmem:v57+s23+$0x0] =	vst.idx.msk $0xffff, v4  }
0x3ba: {  	v7 =	vadd.f32 v10, v7;
	[tilespmem:v37+s23+$0x0] =	vst.idx.msk $0xffff, v3  }
0x3bb: {  	v3 =	vadd.f32 v6, v48;
	v5 =	vperm.xlane v5, v62;
	v2 =	vperm.xlane v2, v62  }
0x3bc: {  	v7 =	vsub.f32 v7, v28;
	v9 =	vadd.f32 v9, v55  }
0x3bd: {  	v0 =	vadd.f32 v5, v0;
	v5 =	vperm.xlane v23, v62;
	v2 =	vadd.f32 v2, v43  }
0x3be: {  	v3 =	vsub.f32 v3, v30;
	v6 =	vsub.f32 v9, v31;
	v9 =	vperm.xlane v46, v62  }
0x3bf: {  	v12 =	vperm.xlane v16, v62;
	v5 =	vadd.f32 v5, v11;
	v2 =	vsub.f32 v2, v29  }
0x3c0: {  	v8, _, _ =	vpop (xrf2);
	v6 =	vmul.f32 $1.562500000e-02, v6;
	v9 =	vadd.f32 v9, v14;
	v0 =	vsub.f32 v0, v35  }
0x3c1: {  	v10 =	vmul.f32 $1.562500000e-02, v2;
	v2 =	vsub.f32 v5, v22;
	v5 =	vadd.f32 v12, v8  }
0x3c2: {  	v8 =	vmul.f32 $1.562500000e-02, v0;
	v0 =	vsub.f32 v9, v26;
	v9 =	vmul.f32 $1.562500000e-02, v3  }
0x3c3: {  	v3 =	vsub.f32 v5, v25;
	v2 =	vmul.f32 $1.562500000e-02, v2;
	v5 =	vmul.f32 v6, v6  }
0x3c4: {  	v17 =	vld [tilespmem:$0x1F8E0];
	v0 =	vmul.f32 $1.562500000e-02, v0;
	v11 =	vmul.f32 v10, v10  }
0x3c5: {  	v2 =	vsub.f32 v2, v5;
	v5 =	vmul.f32 $1.562500000e-02, v7;
	v7 =	vmul.f32 v8, v8  }
0x3c6: {  	v0 =	vsub.f32 v0, v11;
	v3 =	vmul.f32 $1.562500000e-02, v3;
	v11 =	vmul.f32 v9, v9  }
0x3c7: {  	v5 =	vsub.f32 v5, v7;
	v7 =	vadd.f32 $9.999999740e-06, v2  }
0x3c8: {  	v3 =	vsub.f32 v3, v11;
	v11 =	vadd.f32 $9.999999740e-06, v0  }
0x3c9: {  	v56 =	vld [tilespmem:$0x1F9B0];
	v17 =	vsub.f32 v17, v6;
	v5 =	vadd.f32 $9.999999740e-06, v5;
	v13 =	vshra.s32 v7, $0x1  }
0x3ca: {  	v18 =	vld [tilespmem:$0x1F900];
	v7 =	vmul.f32 $5.000000000e-01, v7;
	v3 =	vadd.f32 $9.999999740e-06, v3;
	v14 =	vshra.s32 v11, $0x1  }
0x3cb: {  	v12 =	vld [tilespmem:$0x1F8F0];
	v11 =	vmul.f32 $5.000000000e-01, v11;
	v13 =	vsub.s32 $0x5F3759DF, v13;
	v14 =	vsub.s32 $0x5F3759DF, v14  }
0x3cc: {  	v19 =	vld [tilespmem:$0x1F910];
	v15 =	vshra.s32 v5, $0x1;
	v5 =	vmul.f32 $5.000000000e-01, v5;
	v16 =	vshra.s32 v3, $0x1  }
0x3cd: {  	v24 =	vld [tilespmem:$0x1F970];
	v3 =	vmul.f32 $5.000000000e-01, v3;
	v7 =	vmul.f32 v13, v7;
	v15 =	vsub.s32 $0x5F3759DF, v15  }
0x3ce: {  	v57 =	vld [tilespmem:$0x1F9C0];
	v11 =	vmul.f32 v14, v11;
	v16 =	vsub.s32 $0x5F3759DF, v16;
	v5 =	vmul.f32 v15, v5  }
0x3cf: {  	v28 =	vld [tilespmem:$0x1F980];
	v18 =	vsub.f32 v18, v6;
	v7 =	vmul.f32 v13, v7;
	v3 =	vmul.f32 v16, v3  }
0x3d0: {  	v31 =	vld [tilespmem:$0x1F9A0];
	v12 =	vsub.f32 v12, v6;
	v11 =	vmul.f32 v14, v11;
	v5 =	vmul.f32 v15, v5  }
0x3d1: {  	v22 =	vld [tilespmem:$0x1F960];
	v6 =	vsub.f32 v19, v6;
	v7 =	vsub.f32 $1.500000000e+00, v7;
	v19 =	vmul.f32 v16, v3  }
0x3d2: {  	v3 =	vld [tilespmem:$0x1F920];
	v11 =	vsub.f32 $1.500000000e+00, v11;
	v5 =	vsub.f32 $1.500000000e+00, v5  }
0x3d3: {  	v7 =	vmul.f32 v13, v7;
	v13 =	vsub.f32 $1.500000000e+00, v19;
	v19 =	vld [tilespmem:$0x1F930]  }
0x3d4: {  	v11 =	vmul.f32 v14, v11;
	v14 =	vld [tilespmem:$0x1F940];
	v5 =	vmul.f32 v15, v5  }
0x3d5: {  	v13 =	vmul.f32 v16, v13;
	v15 =	vmul.f32 v7, v33;
	v16 =	vld [tilespmem:$0x1F950]  }
0x3d6: {  	v29 =	vld [tilespmem:$0x1F990];
	v24 =	vsub.f32 v24, v8;
	v54 =	vsub.f32 v28, v8  }
0x3d7: {  	v31 =	vsub.f32 v31, v9;
	v35 =	vsub.f32 v57, v9;
	v12 =	vmul.f32 v15, v12;
	v15 =	vld [tilespmem:$0x1F9D0]  }
0x3d8: {  	v22 =	vsub.f32 v22, v8;
	v21 =	vmul.f32 v7, v36;
	v23 =	vmul.f32 v11, v33  }
0x3d9: {  	v20 =	vsub.f32 v3, v10;
	v28 =	vmul.f32 v5, v33;
	v19 =	vsub.f32 v19, v10  }
0x3da: {  	v14 =	vsub.f32 v14, v10;
	v10 =	vsub.f32 v16, v10;
	v16 =	vmul.f32 v7, v34  }
0x3db: {  	v8 =	vsub.f32 v29, v8;
	v29 =	vmul.f32 v5, v34;
	v55 =	vmul.f32 v13, v33  }
0x3dc: {  	v33 =	vsub.f32 v56, v9;
	v9 =	vsub.f32 v15, v9;
	v15 =	vmul.f32 v16, v17  }
0x3dd: {  	v16 =	vmul.f32 v21, v18;
	v18 =	vmul.f32 v29, v24;
	v24 =	vld [tilespmem:$0x1FA00];
	_ =	sdelay $0x5  }
0x3de: {  	v12 =	vadd.f32 v12, v63;
	_ =	sdelay $0x1  }
0x3df: {  	[tilespmem:v24+s23+$0x0] =	vst.idx.msk $0xffff, v12;
	v24 =	vld [tilespmem:$0x1FA10];
	_ =	sdelay $0x2  }
0x3e0: {  	v25 =	vmul.f32 v11, v34  }
0x3e1: {  	v4 =	vld [tilespmem:$0x1F9E0];
	v26 =	vmul.f32 v11, v36;
	v11 =	vmul.f32 v11, v27  }
0x3e2: {  	v2 =	vld [tilespmem:$0x1FDE0];
	v34 =	vmul.f32 v13, v34  }
0x3e3: {  	v0 =	vld [tilespmem:$0x1FDF0];
	v10 =	vmul.f32 v11, v10;
	v15 =	vadd.f32 v15, v41  }
0x3e4: {  	v3 =	vld [tilespmem:$0x1FE00];
	v11 =	vmul.f32 v28, v22;
	v22 =	vmul.f32 v34, v33  }
0x3e5: {  	[tilespmem:v24+s23+$0x0] =	vst.idx.msk $0xffff, v15;
	v24 =	vld [tilespmem:$0x1FA20]  }
0x3e6: {  	v14 =	vmul.f32 v26, v14;
	v26 =	vadd.f32 v22, v41;
	v22 =	vld [tilespmem:$0x1FA30]  }
0x3e7: {  	v4 =	vbroadcast v4, $0x0;
	v7 =	vmul.f32 v7, v27;
	v17 =	vld [tilespmem:$0x1FE10]  }
0x3e8: {  	v30 =	vmul.f32 v5, v36  }
0x3e9: {  	v2 =	vadd.s32 v2, v4;
	v36 =	vmul.f32 v13, v36;
	v6 =	vmul.f32 v7, v6  }
0x3ea: {  	v0 =	vadd.s32 v0, v4;
	v3 =	vadd.s32 v3, v4;
	v7 =	vmul.f32 v23, v20  }
0x3eb: {  	v23 =	vmul.f32 v36, v35;
	v16 =	vadd.f32 v16, v1;
	v6 =	vadd.f32 v6, v58  }
0x3ec: {  	v4 =	vadd.s32 v17, v4;
	v17 =	vmul.f32 v25, v19;
	v19 =	vmul.f32 v30, v54  }
0x3ed: {  	v14 =	vadd.f32 v14, v1;
	[tilespmem:v24+s23+$0x0] =	vst.idx.msk $0xffff, v16  }
0x3ee: {  	v15 =	vadd.f32 v19, v1;
	[tilespmem:v22+s23+$0x0] =	vst.idx.msk $0xffff, v6;
	v6 =	vadd.f32 v23, v1;
	v1 =	vld [tilespmem:$0x1FA40];
	_ =	sdelay $0x5  }
0x3ef: {  	v7 =	vadd.f32 v7, v63;
	v16 =	vld [tilespmem:$0x1F9F0];
	_ =	sdelay $0x1  }
0x3f0: {  	[tilespmem:v1+s23+$0x0] =	vst.idx.msk $0xffff, v7;
	v1 =	vld [tilespmem:$0x1FE20];
	_ =	sdelay $0x2  }
0x3f1: {  	v16 =	vbroadcast v16, $0x0;
	_ =	sdelay $0x1  }
0x3f2: {  	v7 =	vadd.s32 v1, v16;
	v1 =	vld [tilespmem:$0x1FE30];
	_ =	sdelay $0x4  }
0x3f3: {  	v29 =	vadd.s32 v1, v16;
	v1 =	vld [tilespmem:$0x1FA50];
	_ =	sdelay $0x5  }
0x3f4: {  	v17 =	vadd.f32 v17, v41;
	_ =	sdelay $0x1  }
0x3f5: {  	[tilespmem:v1+s23+$0x0] =	vst.idx.msk $0xffff, v17;
	v1 =	vld [tilespmem:$0x1FE40];
	_ =	sdelay $0x1  }
0x3f6: {  	v44 =	vld [tilespmem:$0x1F8D0]  }
0x3f7: {  	s25 =	sadd.s32 $0x200, s25;
	v42 =	vld [tilespmem:$0x1F8B0];
	v5 =	vmul.f32 v5, v27  }
0x3f8: {  	v59 =	vld [tilespmem:s25+$0xFFFFFFA0]  }
0x3f9: {  	v5 =	vmul.f32 v5, v8;
	v8 =	vmul.f32 v55, v31;
	v31 =	vadd.s32 v1, v16;
	v1 =	vld [tilespmem:$0x1F830]  }
0x3fa: {  	v43 =	vld [tilespmem:$0x1F8C0]  }
0x3fb: {  	v13 =	vmul.f32 v13, v27;
	v27 =	vld [tilespmem:s25+$0xFFFFFF70]  }
0x3fc: {  	v20 =	vld [tilespmem:s25+$0xFFFFFF10]  }
0x3fd: {  	v21 =	vld [tilespmem:s25+$0xFFFFFF20]  }
0x3fe: {  	v28 =	vld [tilespmem:s25+$0xFFFFFF80]  }
0x3ff: {  	v9 =	vmul.f32 v13, v9;
	v13 =	vld [tilespmem:s25+$0xFFFFFF40]  }
0x400: {  	v25 =	vld [tilespmem:s25+$0xFFFFFF30]  }
0x401: {  	[tilespmem:v1+s23+$0x0] =	vst.idx.msk $0xffff, v14;
	v1 =	vld [tilespmem:$0x1FA60]  }
0x402: {  	v30 =	vld [tilespmem:s25+$0xFFFFFF90]  }
0x403: {  	v5 =	vadd.f32 v5, v58;
	v12 =	vadd.f32 v18, v41;
	v18 =	vld [tilespmem:s25+$0xFFFFFF50]  }
0x404: {  	v8 =	vadd.f32 v8, v63;
	v10 =	vadd.f32 v10, v58;
	v17 =	vld [tilespmem:$0x1FE50]  }
0x405: {  	v11 =	vadd.f32 v11, v63;
	v9 =	vadd.f32 v9, v58;
	v41 =	vld [tilespmem:$0x1F8A0]  }
0x406: {  	v19 =	vld [tilespmem:s25+$0xFFFFFF60];
	v24 =	vadd.f32 v28, v44;
	v23 =	vadd.f32 v21, v42  }
0x407: {  	v21 =	vadd.f32 v13, v44;
	v13 =	vadd.f32 v27, v43  }
0x408: {  	v22 =	vadd.f32 v59, v42;
	v46 =	vmul.f32 v24, v24;
	v14 =	vadd.f32 v25, v43;
	v25 =	vld [tilespmem:s25+$0xFFFFFFB0]  }
0x409: {  	v59 =	vld [tilespmem:$0x1FFD0];
	v28 =	vmul.f32 v23, v23;
	v58 =	vadd.s32 v17, v16;
	[tilespmem:v1+s23+$0x0] =	vst.idx.msk $0xffff, v10  }
0x40a: {  	v16 =	vadd.f32 v20, v41;
	v20 =	vadd.f32 v18, v41;
	v10 =	vld [tilespmem:s25+$0xFFFFFFC0];
	[tilespmem:v2+s23+$0x0] =	vst.idx.msk $0xffff, v11  }
0x40b: {  	v18 =	vadd.f32 v19, v42;
	v17 =	vadd.f32 v30, v41;
	v2 =	vld [tilespmem:s25+$0xFFFFFFD0];
	[tilespmem:v0+s23+$0x0] =	vst.idx.msk $0xffff, v12  }
0x40c: {  	v19 =	vadd.f32 v21, v14;
	v11 =	vld [tilespmem:s25+$0xFFFFFFE0];
	v12 =	vadd.f32 v23, v16;
	[tilespmem:v3+s23+$0x0] =	vst.idx.msk $0xffff, v15  }
0x40d: {  	v27 =	vld [tilespmem:s25+$0xFFFFFFF0];
	v30 =	vmul.f32 v21, v21;
	v0 =	vmov s8;
	v15 =	vadd.f32 v25, v43;
	[tilespmem:v4+s23+$0x0] =	vst.idx.msk $0xffff, v5  }
0x40e: {  	s10 =	sadd.s32 $0x1, s8;
	v3 =	vshrl.u32 v0, $0x3;
	v0 =	vadd.f32 v18, v20;
	v5 =	vld [tilespmem:s25+$0x0];
	v61 =	vadd.f32 v19, v12;
	[tilespmem:v7+s23+$0x0] =	vst.idx.msk $0xffff, v8  }
0x40f: {  	v4 =	vmov s10;
	v12 =	vadd.f32 v24, v13;
	v3 =	vshll.u32 v3, v59;
	v25 =	vld [tilespmem:s25+$0xFFFFFE20];
	[tilespmem:v29+s23+$0x0] =	vst.idx.msk $0xffff, v26  }
0x410: {  	v19 =	vadd.f32 v10, v44;
	v32 =	vshrl.u32 v4, $0x3;
	v1 =	vadd.f32 v2, v41;
	v26 =	vld [tilespmem:s25+$0xFFFFFE30];
	[tilespmem:v31+s23+$0x0] =	vst.idx.msk $0xffff, v6  }
0x411: {  	v35 =	vbroadcast v3, $0x0;
	v60 =	vadd.f32 v11, v42;
	v0 =	vadd.f32 v12, v0;
	v2 =	vld [tilespmem:s25+$0xFFFFFE40];
	[tilespmem:v58+s23+$0x0] =	vst.idx.msk $0xffff, v9  }
0x412: {  	v48 =	vmul.f32 v15, v15;
	v10 =	vadd.f32 v19, v15;
	v9 =	vadd.f32 v22, v17;
	v6 =	vld [tilespmem:s25+$0xFFFFFE50]  }
0x413: {  	v12 =	vadd.f32 v27, v43;
	v29 =	vmul.f32 v14, v14;
	v11 =	vld [tilespmem:s25+$0xFFFFFE60];
	v63 =	vadd.f32 v5, v44  }
0x414: {  	v3 =	vadd.f32 v60, v1;
	v27 =	vld [tilespmem:s25+$0xFFFFFE70];
	v4 =	vadd.f32 v10, v9;
	v10 =	vmul.f32 v16, v16  }
0x415: {  	v52 =	vmul.f32 v19, v19;
	v31 =	vld [tilespmem:s25+$0xFFFFFEB0];
	v5 =	vadd.f32 v63, v12;
	v47 =	vadd.f32 v25, v42  }
0x416: {  	v54 =	vmul.f32 v60, v60;
	v9 =	vld [tilespmem:s25+$0xFFFFFE80];
	v49 =	vadd.f32 v26, v43;
	v10 =	vadd.f32 v28, v10  }
0x417: {  	v25 =	vld [tilespmem:s25+$0xFFFFFE90];
	v28 =	vadd.f32 v30, v29;
	v29 =	vmul.f32 v18, v18;
	v5 =	vadd.f32 v5, v3  }
0x418: {  	v53 =	vld [tilespmem:s25+$0xFFFFFE10];
	v3 =	vmul.f32 v20, v20;
	v56 =	vadd.f32 v2, v44;
	v50 =	vadd.f32 v6, v41  }
0x419: {  	v36 =	vld [tilespmem:s25+$0xFFFFFED0];
	v2 =	vmul.f32 v13, v13;
	v6 =	vadd.f32 v28, v10;
	v51 =	vadd.f32 v11, v42  }
0x41a: {  	[tilespmem:$0x1F870] =	vst v60;
	v55 =	vmul.f32 v63, v63;
	v26 =	vld [tilespmem:s25+$0xFFFFFEA0];
	v45 =	vadd.f32 v27, v43;
	v60 =	vadd.f32 v31, v43  }
0x41b: {  	v30 =	vld [tilespmem:s25+$0xFFFFFEC0];
	v10 =	vmul.f32 v17, v17;
	v3 =	vadd.f32 v29, v3;
	v2 =	vadd.f32 v46, v2  }
0x41c: {  	v28 =	vld [tilespmem:s25+$0xFFFFFEE0];
	v29 =	vmul.f32 v22, v22;
	v57 =	vadd.f32 v9, v44;
	v58 =	vadd.f32 v25, v41  }
0x41d: {  	v11 =	vld [tilespmem:s25+$0xFFFFFEF0];
	v9 =	vmul.f32 v12, v12;
	v25 =	vadd.f32 v53, v41;
	v2 =	vadd.f32 v2, v3  }
0x41e: {  	v27 =	vld [tilespmem:s25+$0xFFFFFF00];
	v10 =	vadd.f32 v29, v10;
	v29 =	vadd.f32 v52, v48  }
0x41f: {  	[tilespmem:$0x1F890] =	vst v63;
	v9 =	vadd.f32 v55, v9;
	v63 =	vadd.f32 v26, v42  }
0x420: {  	v3 =	vmul.f32 v1, v1;
	v53 =	vadd.f32 v30, v44;
	v52 =	vadd.f32 v36, v41  }
0x421: {  	v31 =	vmul.f32 v50, v50;
	v26 =	vadd.f32 v56, v49;
	v38 =	vadd.f32 v29, v10  }
0x422: {  	v30 =	vmul.f32 v45, v45;
	v3 =	vadd.f32 v54, v3;
	v55 =	vadd.f32 v28, v42  }
0x423: {  	v36 =	vmul.f32 v57, v57;
	v41 =	vadd.f32 v11, v43;
	v54 =	vadd.f32 v27, v44  }
0x424: {  	(xrf2) =	vadd.scan.msk.f32 $0xffff, v61;
	v29 =	vmul.f32 v56, v56;
	v11 =	vadd.f32 v47, v25;
	v27 =	vadd.f32 v51, v50  }
0x425: {  	v28 =	vadd.f32 v57, v45;
	v33 =	vadd.f32 v63, v58;
	v44 =	vmul.f32 v58, v58  }
0x426: {  	[tilespmem:$0x1F970] =	vst v63;
	v63 =	vmul.f32 v63, v63;
	v39 =	vadd.f32 v9, v3;
	v3 =	vmul.f32 v51, v51  }
0x427: {  	[tilespmem:$0x1F910] =	vst v56;
	v56 =	vmul.f32 v53, v53;
	v30 =	vadd.f32 v36, v30;
	v26 =	vadd.f32 v26, v11  }
0x428: {  	s28 =	sadd.s32 $0x2, s8;
	v11 =	vmul.f32 v60, v60;
	v63 =	vadd.f32 v63, v44;
	v3 =	vadd.f32 v3, v31  }
0x429: {  	s21 =	sadd.s32 $0x3, s8;
	v7 =	vmov s28;
	[tilespmem:$0x1F950] =	vst v57;
	v57 =	vadd.f32 v53, v60;
	v42 =	vadd.f32 v55, v52  }
0x42a: {  	v8 =	vmov s21;
	(xrf2) =	vadd.scan.msk.f32 $0xffff, v0;
	v11 =	vadd.f32 v56, v11;
	v3 =	vadd.f32 v30, v3  }
0x42b: {  	(xrf2) =	vadd.scan.msk.f32 $0xffff, v4;
	v27 =	vadd.f32 v28, v27;
	v28 =	vadd.f32 v57, v33;
	v57 =	vmul.f32 v55, v55  }
0x42c: {  	[tilespmem:$0x1F9B0] =	vst v55;
	v11 =	vadd.f32 v11, v63;
	v63 =	vmovc v3;
	v55 =	vperm.xlane v3, v62;
	v3 =	vshrl.u32 v7, $0x3  }
0x42d: {  	v8 =	vshrl.u32 v8, $0x3;
	(xrf2) =	vadd.scan.msk.f32 $0xffff, v5;
	v3 =	vshll.u32 v3, v59  }
0x42e: {  	v34, _, _ =	vpop (xrf2);
	(xrf2) =	vadd.scan.msk.f32 $0xffff, v6;
	[tilespmem:$0x1F9E0] =	vst v3;
	v3 =	vshll.u32 v8, v59;
	v8 =	vld [tilespmem:$0x1FFE0];
	_ =	sdelay $0x4  }
0x42f: {  	[tilespmem:$0x1F860] =	vst v1;
	v8 =	vadd.s32 v8, v35  }
0x430: {  	v1, _, _ =	vpop (xrf2);
	(xrf2) =	vadd.scan.msk.f32 $0xffff, v2;
	[tilespmem:$0x1FA10] =	vst v8;
	v8 =	vld [tilespmem:$0x1FF80]  }
0x431: {  	v46, _, _ =	vpop (xrf2);
	(xrf2) =	vadd.scan.msk.f32 $0xffff, v38  }
0x432: {  	[tilespmem:$0x1F8F0] =	vst v25;
	v9 =	vmul.f32 v25, v25;
	v25 =	vperm.xlane v61, v62  }
0x433: {  	v48, _, _ =	vpop (xrf2);
	(xrf2) =	vadd.scan.msk.f32 $0xffff, v39  }
0x434: {  	v40 =	vmul.f32 v47, v47;
	[tilespmem:$0x1F8E0] =	vst v47;
	v47, _, _ =	vpop (xrf2);
	(xrf2) =	vadd.scan.msk.f32 $0xffff, v25  }
0x435: {  	v8 =	vadd.s32 v8, v35  }
0x436: {  	[tilespmem:$0x1FA20] =	vst v8;
	v8 =	vld [tilespmem:$0x1FF90]  }
0x437: {  	[tilespmem:$0x1F850] =	vst v22  }
0x438: {  	[tilespmem:$0x1F880] =	vst v12;
	v10 =	vmul.f32 v49, v49;
	v25 =	vperm.xlane v0, v62  }
0x439: {  	v12 =	vperm.xlane v4, v62;
	[tilespmem:$0x1F9F0] =	vst v3;
	v3 =	vld [tilespmem:$0x1FFC0]  }
0x43a: {  	[tilespmem:$0x1F900] =	vst v49;
	v10 =	vadd.f32 v29, v10;
	v9 =	vadd.f32 v40, v9;
	v49, _, _ =	vpop (xrf2);
	(xrf2) =	vadd.scan.msk.f32 $0xffff, v25  }
0x43b: {  	[tilespmem:$0x1F920] =	vst v50;
	v50, _, _ =	vpop (xrf2);
	(xrf2) =	vadd.scan.msk.f32 $0xffff, v12;
	v12 =	vperm.xlane v5, v62;
	v8 =	vadd.s32 v8, v35  }
0x43c: {  	v22 =	vadd.f32 v10, v9;
	v10 =	vperm.xlane v6, v62;
	[tilespmem:$0x1FA30] =	vst v8;
	v8 =	vld [tilespmem:$0x1FFA0]  }
0x43d: {  	[tilespmem:$0x1F990] =	vst v53;
	v53, _, _ =	vpop (xrf2);
	(xrf2) =	vadd.scan.msk.f32 $0xffff, v12  }
0x43e: {  	[tilespmem:$0x1F940] =	vst v45;
	v3 =	vadd.s32 v3, v35;
	v45, _, _ =	vpop (xrf2);
	(xrf2) =	vadd.scan.msk.f32 $0xffff, v10;
	v10 =	vshll.u32 v32, v59  }
0x43f: {  	[tilespmem:$0x1FA00] =	vst v3;
	v3 =	vbroadcast v10, $0x0;
	_ =	sdelay $0x1  }
0x440: {  	v8 =	vadd.s32 v8, v3  }
0x441: {  	[tilespmem:$0x1FA40] =	vst v8;
	v8 =	vld [tilespmem:$0x1FFB0];
	_ =	sdelay $0x1  }
0x442: {  	[tilespmem:$0x1F840] =	vst v24  }
0x443: {  	[tilespmem:$0x1F980] =	vst v60  }
0x444: {  	[tilespmem:$0x1F960] =	vst v58  }
0x445: {  	[tilespmem:$0x1F9A0] =	vst v52;
	v40 =	vld [tilespmem:$0x1FF60];
	v8 =	vadd.s32 v8, v3  }
0x446: {  	v52 =	vmul.f32 v52, v52;
	[tilespmem:$0x1FA50] =	vst v8;
	v8 =	vld [tilespmem:$0x1FF70]  }
0x447: {  	v43 =	vadd.f32 v54, v41;
	[tilespmem:$0x1F9C0] =	vst v41;
	v58 =	vmul.f32 v41, v41;
	v60 =	vmul.f32 v54, v54  }
0x448: {  	[tilespmem:$0x1F9D0] =	vst v54;
	v41 =	vmov v26;
	v33 =	vadd.f32 v57, v52;
	v7 =	vperm.xlane v2, v62  }
0x449: {  	v29 =	vmovc v28;
	v24 =	vadd.f32 v60, v58;
	v58 =	vperm.xlane v28, v62;
	v54 =	vperm.xlane v11, v62  }
0x44a: {  	v25 =	vadd.f32 v43, v42;
	v42 =	vperm.xlane v26, v62;
	v9, _, _ =	vpop (xrf2);
	(xrf2) =	vadd.scan.msk.f32 $0xffff, v7;
	v7 =	vperm.xlane v38, v62  }
0x44b: {  	s28 =	sadd.s32 $0x4, s8;
	v28 =	vmovc v11;
	v26 =	vadd.f32 v24, v33;
	v33 =	vadd.s32 v8, v3;
	v3 =	vadd.s32 v40, v3  }
0x44c: {  	v11, _, _ =	vpop (xrf2);
	(xrf2) =	vadd.scan.msk.f32 $0xffff, v7;
	v7 =	vperm.xlane v39, v62;
	v8 =	vmov s28;
	[tilespmem:$0x1FA60] =	vst v3;
	v3 =	vld [tilespmem:$0x1FE60]  }
0x44d: {  	v8 =	vshrl.u32 v8, $0x3  }
0x44e: {  	v43, _, _ =	vpop (xrf2);
	(xrf2) =	vadd.scan.msk.f32 $0xffff, v7;
	v7 =	vshll.u32 v8, v59  }
0x44f: {  	v7 =	vbroadcast v7, $0x0;
	_ =	sdelay $0x1  }
0x450: {  	v24 =	vadd.s32 v3, v7;
	v3 =	vld [tilespmem:$0x1FE70];
	_ =	sdelay $0x4  }
0x451: {  	s21 =	sadd.s32 $0x5, s8;
	v30 =	vmov v25;
	v57 =	vperm.xlane v25, v62;
	v25 =	vadd.s32 v3, v7;
	v3 =	vld [tilespmem:$0x1FE80]  }
0x452: {  	v10 =	vmov s21;
	s28 =	sadd.s32 $0x7, s8  }
0x453: {  	v10 =	vshrl.u32 v10, $0x3;
	v37 =	vmov s28  }
0x454: {  	v35 =	vshrl.u32 v37, $0x3;
	v8 =	vshll.u32 v10, v59  }
0x455: {  	[tilespmem:$0x1F930] =	vst v51;
	v51 =	vbroadcast v8, $0x0;
	v8 =	vshll.u32 v35, v59  }
0x456: {  	v37 =	vbroadcast v8, $0x0;
	v8 =	vadd.s32 v3, v7;
	v3 =	vld [tilespmem:$0x1FE90];
	_ =	sdelay $0x4  }
0x457: {  	v7 =	vadd.s32 v3, v7;
	v3 =	vld [tilespmem:$0x1FEA0];
	_ =	sdelay $0x1  }
0x458: {  	s21 =	sadd.s32 $0x6, s8  }
0x459: {  	v36 =	vmov s21  }
0x45a: {  	v32 =	vshrl.u32 v36, $0x3  }
0x45b: {  	v10 =	vshll.u32 v32, v59;
	v32 =	vperm.xlane v9, v62;
	v9 =	vld [tilespmem:$0x1FEB0];
	v3 =	vadd.s32 v3, v51  }
0x45c: {  	p0 =	slt.u32 s8, $0x78;
	[tilespmem:$0x1FA80] =	vst v3;
	v3 =	vperm.xlane v11, v62;
	v11 =	vld [tilespmem:$0x1FEC0]  }
.Ltmp3:
0x45d: {  	_ = 	snop;
	(pc) =	sbr.rel @p0 .LBB2_8-.Ltmp3, $4  }
0x45e: {  	v44 =	vperm.xlane v27, v62;
	v56 =	vperm.xlane v22, v62  }
0x45f: {  	[tilespmem:$0x1FA70] =	vst v26;
	v52 =	vperm.xlane v26, v62;
	v60, _, _ =	vpop (xrf2);
	(xrf2) =	vadd.scan.msk.f32 $0xffff, v42;
	v59 =	vperm.xlane v45, v62;
	v45 =	vld [tilespmem:$0x1FEF0]  }
0x460: {  	v12 =	vmov v22;
	v40 =	vbroadcast v10, $0x0;
	v10, _, _ =	vpop (xrf2);
	(xrf2) =	vadd.scan.msk.f32 $0xffff, v44;
	v44 =	vld [tilespmem:$0x1FEE0];
	v9 =	vadd.s32 v9, v51  }
0x461: {  	s8 =	sadd.s32 $0x8, s8;
	v59 =	vadd.f32 v59, v34;
	[tilespmem:$0x1FA90] =	vst v9;
	v9 =	vperm.xlane v43, v62;
	v43 =	vld [tilespmem:$0x1FED0];
	v62 =	vadd.s32 v11, v51;
	v11, _, _ =	vpop (xrf2)  }
0x462: {  	v3 =	vadd.f32 v3, v46;
	v46 =	vld [tilespmem:$0x1FFF0];
	_ =	sdelay $0x3  }
0x463: {  	v32 =	vadd.f32 v32, v1  }
0x464: {  	v9 =	vadd.f32 v9, v48;
	v36 =	vsub.f32 v59, v61;
	v42 =	vperm.xlane v60, v46  }
0x465: {  	v0 =	vsub.f32 v32, v0;
	v48 =	vperm.xlane v10, v46;
	v10 =	vperm.xlane v11, v46;
	v11, _, _ =	vpop (xrf2)  }
0x466: {  	v3 =	vsub.f32 v3, v4;
	v5 =	vsub.f32 v9, v5;
	v11 =	vperm.xlane v11, v46  }
0x467: {  	v9 =	vadd.f32 v42, v47;
	v4 =	vadd.f32 v48, v49  }
0x468: {  	v3 =	vmul.f32 $1.562500000e-02, v3;
	v10 =	vadd.f32 v10, v50;
	v11 =	vadd.f32 v11, v53  }
0x469: {  	v6 =	vsub.f32 v9, v6;
	v2 =	vsub.f32 v4, v2;
	v4 =	vmul.f32 $1.562500000e-02, v36  }
0x46a: {  	v5 =	vmul.f32 $1.562500000e-02, v5;
	v61 =	vmul.f32 v3, v3;
	v59 =	vsub.f32 v10, v38  }
0x46b: {  	v10 =	vsub.f32 v11, v39;
	v6 =	vmul.f32 $1.562500000e-02, v6;
	v11 =	vmul.f32 v4, v4  }
0x46c: {  	v9 =	vmul.f32 $1.562500000e-02, v0;
	v0 =	vmul.f32 $1.562500000e-02, v59  }
0x46d: {  	v10 =	vmul.f32 $1.562500000e-02, v10;
	v6 =	vsub.f32 v6, v11;
	v11 =	vmul.f32 v5, v5  }
0x46e: {  	v0 =	vsub.f32 v0, v61  }
0x46f: {  	v10 =	vsub.f32 v10, v11  }
0x470: {  	v6 =	vadd.f32 $9.999999740e-06, v6;
	v0 =	vadd.f32 $9.999999740e-06, v0  }
0x471: {  	v2 =	vmul.f32 $1.562500000e-02, v2;
	v60 =	vmul.f32 v9, v9;
	v10 =	vadd.f32 $9.999999740e-06, v10  }
0x472: {  	v11 =	vshra.s32 v6, $0x1;
	v6 =	vmul.f32 $5.000000000e-01, v6;
	v26 =	vshra.s32 v0, $0x1  }
0x473: {  	v0 =	vmul.f32 $5.000000000e-01, v0;
	v11 =	vsub.s32 $0x5F3759DF, v11;
	v38 =	vsub.s32 $0x5F3759DF, v26  }
0x474: {  	v6 =	vmul.f32 v11, v6;
	v35 =	vshra.s32 v10, $0x1;
	v10 =	vmul.f32 $5.000000000e-01, v10  }
0x475: {  	v2 =	vsub.f32 v2, v60;
	v0 =	vmul.f32 v38, v0;
	v39 =	vsub.s32 $0x5F3759DF, v35  }
0x476: {  	v6 =	vmul.f32 v11, v6;
	v10 =	vmul.f32 v39, v10  }
0x477: {  	v36 =	vld [tilespmem:$0x1FD70];
	v2 =	vadd.f32 $9.999999740e-06, v2;
	v0 =	vmul.f32 v38, v0  }
0x478: {  	v6 =	vsub.f32 $1.500000000e+00, v6;
	v10 =	vmul.f32 v39, v10  }
0x479: {  	(xrf2) =	vadd.scan.msk.f32 $0xffff, v58;
	v22 =	vshra.s32 v2, $0x1;
	v2 =	vmul.f32 $5.000000000e-01, v2;
	v0 =	vsub.f32 $1.500000000e+00, v0  }
0x47a: {  	v34 =	vld [tilespmem:$0x1FD60];
	(xrf2) =	vadd.scan.msk.f32 $0xffff, v57;
	v32 =	vsub.s32 $0x5F3759DF, v22;
	v6 =	vmul.f32 v11, v6;
	v10 =	vsub.f32 $1.500000000e+00, v10  }
0x47b: {  	(xrf2) =	vadd.scan.msk.f32 $0xffff, v56;
	v49 =	vmov v27;
	v27 =	vld [tilespmem:$0x1FD80];
	v2 =	vmul.f32 v32, v2;
	v11 =	vmul.f32 v38, v0  }
0x47c: {  	v48 =	vld [tilespmem:$0x1FD90];
	(xrf2) =	vadd.scan.msk.f32 $0xffff, v55;
	v0 =	vmul.f32 v39, v10;
	v10 =	vsub.f32 v23, v4;
	v47 =	vmul.f32 v6, v36  }
0x47d: {  	(xrf2) =	vadd.scan.msk.f32 $0xffff, v54;
	v57 =	vsub.f32 v13, v9;
	v13 =	vld [tilespmem:$0x1F840];
	v2 =	vmul.f32 v32, v2  }
0x47e: {  	(xrf2) =	vadd.scan.msk.f32 $0xffff, v52;
	v10 =	vmul.f32 v47, v10;
	v47 =	vld [tilespmem:$0x1FDA0]  }
0x47f: {  	v31 =	vmovc v41;
	v1 =	vsub.f32 v16, v4;
	(xrf2) =	vadd.scan.msk.f32 $0xffff, v41;
	v41 =	vld [tilespmem:$0x1FDB0];
	v2 =	vsub.f32 $1.500000000e+00, v2;
	v42 =	vmul.f32 v6, v34;
	_ =	sdelay $0x1  }
0x480: {  	v20 =	vsub.f32 v20, v9;
	v2 =	vmul.f32 v32, v2;
	v22 =	vmul.f32 v42, v1  }
0x481: {  	v56 =	vsub.f32 v18, v9;
	v9 =	vsub.f32 v13, v9  }
0x482: {  	v58, _, _ =	vpop (xrf2);
	v55 =	vmul.f32 v2, v34;
	v59 =	vmul.f32 v2, v36;
	v52 =	vadd.f32 v22, v47  }
0x483: {  	v61, _, _ =	vpop (xrf2);
	v60 =	vmul.f32 v2, v27;
	v2 =	vmul.f32 v2, v48;
	v10 =	vadd.f32 v10, v41  }
0x484: {  	v53 =	vsub.f32 v14, v4;
	v13 =	vld [tilespmem:$0x1F850];
	v14 =	vmul.f32 v55, v20;
	v20, _, _ =	vpop (xrf2);
	[tilespmem:v24+s23+$0x0] =	vst.idx.msk $0xffff, v52  }
0x485: {  	v2 =	vmul.f32 v2, v9;
	v9, _, _ =	vpop (xrf2);
	[tilespmem:v25+s23+$0x0] =	vst.idx.msk $0xffff, v10  }
0x486: {  	v26, _, _ =	vpop (xrf2);
	v1 =	vld [tilespmem:$0x1FDC0]  }
0x487: {  	v54 =	vmul.f32 v6, v27;
	v52 =	vperm.xlane v26, v46;
	v26 =	vld [tilespmem:$0x1FDD0]  }
0x488: {  	v4 =	vsub.f32 v21, v4;
	v6 =	vmul.f32 v6, v48  }
0x489: {  	v21 =	vmul.f32 v54, v53;
	v55 =	vld [tilespmem:$0x1F860]  }
0x48a: {  	(xrf2) =	vadd.scan.msk.f32 $0xffff, v49;
	v4 =	vmul.f32 v6, v4;
	v6 =	vmul.f32 v59, v56;
	v56 =	vld [tilespmem:$0x1F870]  }
0x48b: {  	(xrf2) =	vadd.scan.msk.f32 $0xffff, v29;
	v59 =	vld [tilespmem:$0x1F880];
	v21 =	vadd.f32 v21, v1  }
0x48c: {  	v35 =	vld [tilespmem:$0x1FA70];
	v4 =	vadd.f32 v4, v26  }
0x48d: {  	(xrf2) =	vadd.scan.msk.f32 $0xffff, v30;
	v38 =	vmul.f32 v11, v27;
	v53 =	vmul.f32 v11, v34;
	v25 =	vld [tilespmem:$0x1F890];
	[tilespmem:v8+s23+$0x0] =	vst.idx.msk $0xffff, v21  }
0x48e: {  	(xrf2) =	vadd.scan.msk.f32 $0xffff, v12;
	v54 =	vmul.f32 v11, v36;
	v11 =	vmul.f32 v11, v48;
	[tilespmem:v7+s23+$0x0] =	vst.idx.msk $0xffff, v4  }
0x48f: {  	v17 =	vsub.f32 v17, v3;
	v15 =	vsub.f32 v15, v3;
	v32 =	vld [tilespmem:$0x1FA80]  }
0x490: {  	v13 =	vsub.f32 v13, v3;
	v3 =	vsub.f32 v19, v3;
	v39, _, _ =	vpop (xrf2)  }
0x491: {  	v19, _, _ =	vpop (xrf2)  }
0x492: {  	v3 =	vmul.f32 v11, v3;
	v11, _, _ =	vpop (xrf2)  }
0x493: {  	v18 =	vperm.xlane v58, v46;
	v23 =	vperm.xlane v61, v46;
	(xrf2) =	vadd.scan.msk.f32 $0xffff, v63;
	v58, _, _ =	vpop (xrf2)  }
0x494: {  	v16 =	vmul.f32 v60, v57;
	v20 =	vperm.xlane v20, v46;
	v60, _, _ =	vpop (xrf2)  }
0x495: {  	v61 =	vmul.f32 v0, v34;
	(xrf2) =	vadd.scan.msk.f32 $0xffff, v28;
	v14 =	vadd.f32 v14, v47;
	v18 =	vadd.f32 v18, v58;
	v42, _, _ =	vpop (xrf2)  }
0x496: {  	v9 =	vperm.xlane v9, v46;
	v6 =	vadd.f32 v6, v41;
	v20 =	vadd.f32 v20, v42;
	(xrf2) =	vadd.scan.msk.f32 $0xffff, v35  }
0x497: {  	v10 =	vmul.f32 v38, v15;
	v38, _, _ =	vpop (xrf2);
	v18 =	vsub.f32 v18, v31;
	v31 =	vld [tilespmem:$0x1FF00];
	[tilespmem:v32+s23+$0x0] =	vst.idx.msk $0xffff, v14  }
0x498: {  	v13 =	vmul.f32 v54, v13;
	v23 =	vadd.f32 v23, v60;
	v54, _, _ =	vpop (xrf2);
	v20 =	vsub.f32 v20, v29;
	v29 =	vld [tilespmem:$0x1FA90]  }
0x499: {  	v17 =	vmul.f32 v53, v17;
	v9 =	vadd.f32 v9, v38;
	v22 =	vadd.f32 v52, v54  }
0x49a: {  	v50 =	vmovc v12;
	v42 =	vmul.f32 v0, v36;
	v15 =	vsub.f32 v55, v5;
	v57 =	vsub.f32 v56, v5  }
0x49b: {  	v18 =	vmul.f32 $1.562500000e-02, v18;
	v55 =	vperm.xlane v39, v46;
	v8 =	vsub.f32 v22, v50  }
0x49c: {  	v12 =	vsub.f32 v59, v5;
	v15 =	vmul.f32 v61, v15;
	v24 =	vmul.f32 v42, v57  }
0x49d: {  	v56, _, _ =	vpop (xrf2);
	v57 =	vadd.s32 v43, v51;
	v61 =	vmul.f32 v18, v18;
	v8 =	vmul.f32 $1.562500000e-02, v8  }
0x49e: {  	v19 =	vperm.xlane v19, v46;
	v16 =	vadd.f32 v16, v1;
	v21 =	vadd.f32 v55, v56;
	v14 =	vld [tilespmem:$0x1FF10]  }
0x49f: {  	v11 =	vperm.xlane v11, v46;
	v2 =	vadd.f32 v2, v26;
	v58, _, _ =	vpop (xrf2);
	v8 =	vsub.f32 v8, v61  }
0x4a0: {  	v60 =	vadd.f32 v19, v58;
	v21 =	vsub.f32 v21, v63;
	v59, _, _ =	vpop (xrf2);
	[tilespmem:v29+s23+$0x0] =	vst.idx.msk $0xffff, v6  }
0x4a1: {  	v8 =	vadd.f32 $9.999999740e-06, v8;
	v4 =	vadd.f32 v11, v59;
	v11 =	vadd.s32 v44, v40;
	[tilespmem:v62+s23+$0x0] =	vst.idx.msk $0xffff, v16  }
0x4a2: {  	v63 =	vadd.s32 v45, v40;
	v19 =	vadd.s32 v31, v40;
	[tilespmem:v57+s23+$0x0] =	vst.idx.msk $0xffff, v2  }
0x4a3: {  	v14 =	vadd.s32 v14, v40;
	v40 =	vshra.s32 v8, $0x1;
	v8 =	vmul.f32 $5.000000000e-01, v8;
	v22 =	vld [tilespmem:$0x1FF20]  }
0x4a4: {  	v23 =	vsub.f32 v23, v49;
	v38 =	vadd.f32 v17, v47;
	v16 =	vsub.s32 $0x5F3759DF, v40  }
0x4a5: {  	v8 =	vmul.f32 v16, v8  }
0x4a6: {  	v39 =	vmul.f32 $1.562500000e-02, v23;
	[tilespmem:v11+s23+$0x0] =	vst.idx.msk $0xffff, v38;
	v11 =	vadd.f32 v13, v41  }
0x4a7: {  	v9 =	vsub.f32 v9, v30;
	v8 =	vmul.f32 v16, v8  }
0x4a8: {  	v43 =	vmul.f32 v39, v39;
	v42 =	vmul.f32 $1.562500000e-02, v21;
	v49 =	vld [tilespmem:$0x1FF30];
	[tilespmem:v63+s23+$0x0] =	vst.idx.msk $0xffff, v11;
	v22 =	vadd.s32 v22, v37  }
0x4a9: {  	v10 =	vadd.f32 v10, v1;
	v50 =	vsub.f32 $1.500000000e+00, v8;
	v8 =	vld [tilespmem:$0x1FF40]  }
0x4aa: {  	v53 =	vmul.f32 v0, v27;
	v3 =	vadd.f32 v3, v26;
	v2 =	vsub.f32 v42, v43  }
0x4ab: {  	v7 =	vsub.f32 v60, v28;
	v51 =	vadd.f32 v15, v47;
	v11 =	vld [tilespmem:$0x1FF50];
	[tilespmem:v19+s23+$0x0] =	vst.idx.msk $0xffff, v10  }
0x4ac: {  	v0 =	vmul.f32 v0, v48;
	v5 =	vsub.f32 v25, v5;
	v2 =	vadd.f32 $9.999999740e-06, v2;
	[tilespmem:v14+s23+$0x0] =	vst.idx.msk $0xffff, v3  }
0x4ad: {  	v52 =	vmul.f32 $1.562500000e-02, v9;
	v44 =	vmul.f32 $1.562500000e-02, v7;
	v7 =	vadd.s32 v49, v37;
	[tilespmem:v22+s23+$0x0] =	vst.idx.msk $0xffff, v51  }
0x4ae: {  	v10 =	vshra.s32 v2, $0x1;
	v2 =	vmul.f32 $5.000000000e-01, v2;
	v8 =	vadd.s32 v8, v37;
	v9 =	vld [tilespmem:$0x1F8F0]  }
0x4af: {  	v12 =	vmul.f32 v53, v12;
	v0 =	vmul.f32 v0, v5;
	v10 =	vsub.s32 $0x5F3759DF, v10  }
0x4b0: {  	v13 =	vadd.f32 v24, v41;
	v2 =	vmul.f32 v10, v2;
	v11 =	vadd.s32 v11, v37  }
0x4b1: {  	v12 =	vadd.f32 v12, v1;
	v5 =	vmul.f32 v16, v50  }
0x4b2: {  	v0 =	vadd.f32 v0, v26;
	v2 =	vmul.f32 v10, v2;
	[tilespmem:v7+s23+$0x0] =	vst.idx.msk $0xffff, v13  }
0x4b3: {  	v14 =	vmul.f32 v5, v34;
	v13 =	vld [tilespmem:$0x1F8E0];
	[tilespmem:v8+s23+$0x0] =	vst.idx.msk $0xffff, v12;
	v9 =	vsub.f32 v9, v18  }
0x4b4: {  	v2 =	vsub.f32 $1.500000000e+00, v2;
	v12 =	vld [tilespmem:$0x1F900]  }
0x4b5: {  	v53 =	vmul.f32 v14, v9;
	v14 =	vld [tilespmem:$0x1F910];
	[tilespmem:v11+s23+$0x0] =	vst.idx.msk $0xffff, v0  }
0x4b6: {  	v2 =	vmul.f32 v10, v2;
	v10 =	vld [tilespmem:$0x1FA00]  }
0x4b7: {  	v20 =	vmul.f32 $1.562500000e-02, v20;
	_ =	sdelay $0x1  }
0x4b8: {  	v45 =	vmul.f32 v20, v20;
	_ =	sdelay $0x1  }
0x4b9: {  	v6 =	vsub.f32 v44, v45  }
0x4ba: {  	v7 =	vadd.f32 v53, v47  }
0x4bb: {  	v6 =	vadd.f32 $9.999999740e-06, v6;
	v55 =	vmul.f32 v5, v27;
	v12 =	vsub.f32 v12, v18  }
0x4bc: {  	[tilespmem:v10+s23+$0x0] =	vst.idx.msk $0xffff, v7  }
0x4bd: {  	v54 =	vshra.s32 v6, $0x1;
	v8 =	vmul.f32 $5.000000000e-01, v6;
	v6 =	vmul.f32 v55, v12;
	v12 =	vld [tilespmem:$0x1FA10];
	_ =	sdelay $0x1  }
0x4be: {  	v15 =	vmul.f32 v5, v36;
	v13 =	vsub.f32 v13, v18  }
0x4bf: {  	v4 =	vsub.f32 v4, v35  }
0x4c0: {  	v56 =	vmul.f32 v15, v13  }
0x4c1: {  	v4 =	vmul.f32 $1.562500000e-02, v4;
	v9 =	vmul.f32 v52, v52  }
0x4c2: {  	v7 =	vadd.f32 v56, v41  }
0x4c3: {  	v4 =	vsub.f32 v4, v9;
	v9 =	vld [tilespmem:$0x1F920]  }
0x4c4: {  	v11 =	vld [tilespmem:$0x1F930];
	[tilespmem:v12+s23+$0x0] =	vst.idx.msk $0xffff, v7  }
0x4c5: {  	v12 =	vld [tilespmem:$0x1FA20];
	_ =	sdelay $0x4  }
0x4c6: {  	v10 =	vmul.f32 v2, v34;
	v9 =	vsub.f32 v9, v39  }
0x4c7: {  	v6 =	vadd.f32 v6, v1  }
0x4c8: {  	v11 =	vsub.f32 v11, v39;
	v9 =	vmul.f32 v10, v9;
	v10 =	vmul.f32 v2, v36  }
0x4c9: {  	v7 =	vld [tilespmem:$0x1F9E0];
	[tilespmem:v12+s23+$0x0] =	vst.idx.msk $0xffff, v6  }
0x4ca: {  	v57 =	vmul.f32 v10, v11;
	v10 =	vld [tilespmem:$0x1FA30];
	_ =	sdelay $0x1  }
0x4cb: {  	v5 =	vmul.f32 v5, v48;
	v14 =	vsub.f32 v14, v18;
	_ =	sdelay $0x1  }
0x4cc: {  	v5 =	vmul.f32 v5, v14;
	_ =	sdelay $0x1  }
0x4cd: {  	v5 =	vadd.f32 v5, v26;
	_ =	sdelay $0x1  }
0x4ce: {  	[tilespmem:v10+s23+$0x0] =	vst.idx.msk $0xffff, v5  }
0x4cf: {  	v10 =	vld [tilespmem:$0x1FA40];
	_ =	sdelay $0x5  }
0x4d0: {  	v9 =	vadd.f32 v9, v47;
	_ =	sdelay $0x1  }
0x4d1: {  	v5 =	vld [tilespmem:$0x1FDE0];
	[tilespmem:v10+s23+$0x0] =	vst.idx.msk $0xffff, v9  }
0x4d2: {  	v0 =	vsub.s32 $0x5F3759DF, v54;
	v12 =	vld [tilespmem:$0x1FA50]  }
0x4d3: {  	v8 =	vmul.f32 v0, v8;
	v9 =	vld [tilespmem:$0x1F940];
	_ =	sdelay $0x1  }
0x4d4: {  	v8 =	vmul.f32 v0, v8;
	v10 =	vld [tilespmem:$0x1F950];
	_ =	sdelay $0x1  }
0x4d5: {  	v4 =	vadd.f32 $9.999999740e-06, v4;
	v8 =	vsub.f32 $1.500000000e+00, v8  }
0x4d6: {  	v11 =	vmul.f32 v2, v27;
	v6 =	vadd.f32 v57, v41;
	v9 =	vsub.f32 v9, v39  }
0x4d7: {  	v0 =	vmul.f32 v0, v8;
	v2 =	vmul.f32 v2, v48  }
0x4d8: {  	v8 =	vshra.s32 v4, $0x1;
	v10 =	vsub.f32 v10, v39;
	v9 =	vmul.f32 v11, v9;
	[tilespmem:v12+s23+$0x0] =	vst.idx.msk $0xffff, v6  }
0x4d9: {  	v58 =	vsub.s32 $0x5F3759DF, v8;
	v8 =	vld [tilespmem:$0x1F960]  }
0x4da: {  	v2 =	vmul.f32 v2, v10;
	v10 =	vld [tilespmem:$0x1FDF0];
	v9 =	vadd.f32 v9, v1  }
0x4db: {  	v12 =	vld [tilespmem:$0x1F970]  }
0x4dc: {  	v13 =	vld [tilespmem:$0x1F980];
	[tilespmem:v33+s23+$0x0] =	vst.idx.msk $0xffff, v9  }
0x4dd: {  	v14 =	vld [tilespmem:$0x1FA60]  }
0x4de: {  	v7 =	vbroadcast v7, $0x0  }
0x4df: {  	v11 =	vmul.f32 v0, v34;
	v9 =	vld [tilespmem:$0x1FE00];
	v8 =	vsub.f32 v8, v20  }
0x4e0: {  	v5 =	vadd.s32 v5, v7  }
0x4e1: {  	v12 =	vsub.f32 v12, v20;
	v8 =	vmul.f32 v11, v8;
	v11 =	vmul.f32 v0, v36  }
0x4e2: {  	v2 =	vadd.f32 v2, v26;
	v10 =	vadd.s32 v10, v7  }
0x4e3: {  	v13 =	vsub.f32 v13, v20;
	v11 =	vmul.f32 v11, v12;
	v12 =	vmul.f32 v0, v27  }
0x4e4: {  	v9 =	vadd.s32 v9, v7;
	v8 =	vadd.f32 v8, v47  }
0x4e5: {  	[tilespmem:v14+s23+$0x0] =	vst.idx.msk $0xffff, v2;
	v59 =	vmul.f32 v12, v13;
	v11 =	vadd.f32 v11, v41  }
0x4e6: {  	[tilespmem:v5+s23+$0x0] =	vst.idx.msk $0xffff, v8  }
0x4e7: {  	[tilespmem:v10+s23+$0x0] =	vst.idx.msk $0xffff, v11;
	v2 =	vadd.f32 v59, v1  }
0x4e8: {  	v4 =	vmul.f32 $5.000000000e-01, v4;
	v5 =	vld [tilespmem:$0x1F990]  }
0x4e9: {  	v60 =	vld [tilespmem:$0x1F9A0];
	[tilespmem:v9+s23+$0x0] =	vst.idx.msk $0xffff, v2  }
0x4ea: {  	v4 =	vmul.f32 v58, v4;
	v12 =	vld [tilespmem:$0x1F9D0];
	_ =	sdelay $0x1  }
0x4eb: {  	v4 =	vmul.f32 v58, v4  }
0x4ec: {  	v2 =	vld [tilespmem:$0x1F9B0]  }
0x4ed: {  	v4 =	vsub.f32 $1.500000000e+00, v4;
	v11 =	vld [tilespmem:$0x1F9C0]  }
0x4ee: {  	v3 =	vsub.f32 v12, v52;
	v12 =	vld [tilespmem:$0x1FE10]  }
0x4ef: {  	v4 =	vmul.f32 v58, v4  }
0x4f0: {  	v10 =	vld [tilespmem:$0x1F9F0]  }
0x4f1: {  	v8 =	vmul.f32 v4, v34;
	v6 =	vsub.f32 v60, v52  }
0x4f2: {  	v9 =	vmul.f32 v4, v36;
	v61 =	vld [tilespmem:$0x1FE20];
	v2 =	vsub.f32 v2, v52;
	v11 =	vsub.f32 v11, v52  }
0x4f3: {  	v6 =	vmul.f32 v8, v6;
	v8 =	vld [tilespmem:$0x1FE30];
	v7 =	vadd.s32 v12, v7;
	v12 =	vmul.f32 v4, v27  }
0x4f4: {  	v0 =	vmul.f32 v0, v48;
	v2 =	vmul.f32 v9, v2;
	v9 =	vld [tilespmem:$0x1FE40]  }
0x4f5: {  	v5 =	vsub.f32 v5, v20;
	v10 =	vbroadcast v10, $0x0;
	v11 =	vmul.f32 v12, v11;
	v12 =	vld [tilespmem:$0x1FE50];
	_ =	sdelay $0x1  }
0x4f6: {  	v0 =	vmul.f32 v0, v5;
	v5 =	vadd.s32 v61, v10  }
0x4f7: {  	v8 =	vadd.s32 v8, v10  }
0x4f8: {  	v0 =	vadd.f32 v0, v26;
	v4 =	vmul.f32 v4, v48;
	v9 =	vadd.s32 v9, v10  }
0x4f9: {  	v6 =	vadd.f32 v6, v47;
	v10 =	vadd.s32 v12, v10  }
0x4fa: {  	v2 =	vadd.f32 v2, v41;
	v62 =	vmul.f32 v4, v3;
	[tilespmem:v7+s23+$0x0] =	vst.idx.msk $0xffff, v0  }
0x4fb: {  	s8 =	sshll.u32 s24, $0x12;
	v63 =	vadd.f32 v11, v1;
	[tilespmem:v5+s23+$0x0] =	vst.idx.msk $0xffff, v6  }
0x4fc: {  	s8 =	sor.u32 s13, s8;
	v0 =	vadd.f32 v62, v26;
	[tilespmem:v8+s23+$0x0] =	vst.idx.msk $0xffff, v2  }
0x4fd: {  	s8 =	sshrl.u32 s8, $0x3;
	[tilespmem:v9+s23+$0x0] =	vst.idx.msk $0xffff, v63  }
0x4fe: {  	s10 =	sadd.s32 s3, s8;
	[tilespmem:v10+s23+$0x0] =	vst.idx.msk $0xffff, v0  }
0x4ff: {  	[hbm4b:s10+s5] =	stream.linear.scatter [tilespmem:s23], [sflag:$0x4], $0x80, $0x38;
	[tilespmem:$0xB780] =	vst v63  }
0x500: {  	s28 =	simm.s32 $0x6388;
	s21 =	sadd.s32 $0x10, s10  }
0x501: {  	[hbm4b:s21+s5] =	stream.linear.scatter [tilespmem:s28], [sflag:$0x4], $0x80, $0x38;
	[tilespmem:$0xB780] =	vst v63  }
0x502: {  	s25 =	sadd.s32 $0x20, s10;
	s28 =	simm.s32 $0x6410  }
0x503: {  	[hbm4b:s25+s5] =	stream.linear.scatter [tilespmem:s28], [sflag:$0x4], $0x80, $0x38;
	[tilespmem:$0xB780] =	vst v63  }
0x504: {  	s25 =	sadd.s32 $0x30, s10;
	s28 =	simm.s32 $0x6498  }
0x505: {  	[hbm4b:s25+s5] =	stream.linear.scatter [tilespmem:s28], [sflag:$0x4], $0x80, $0x38;
	[tilespmem:$0xB780] =	vst v63  }
0x506: {  	s25 =	sadd.s32 $0x40, s10;
	s28 =	simm.s32 $0x6520  }
0x507: {  	[hbm4b:s25+s5] =	stream.linear.scatter [tilespmem:s28], [sflag:$0x4], $0x80, $0x38;
	[tilespmem:$0xB780] =	vst v63  }
0x508: {  	s25 =	sadd.s32 $0x50, s10;
	s28 =	simm.s32 $0x65A8  }
0x509: {  	[hbm4b:s25+s5] =	stream.linear.scatter [tilespmem:s28], [sflag:$0x4], $0x80, $0x38;
	[tilespmem:$0xB780] =	vst v63  }
0x50a: {  	s24 =	sadd.s32 $0x60, s10;
	s25 =	simm.s32 $0x6630  }
0x50b: {  	[hbm4b:s24+s5] =	stream.linear.scatter [tilespmem:s25], [sflag:$0x4], $0x80, $0x38;
	[tilespmem:$0xB780] =	vst v63  }
0x50c: {  	s10 =	sadd.s32 $0x70, s10;
	s28 =	simm.s32 $0x66B8  }
0x50d: {  	[hbm4b:s10+s5] =	stream.linear.scatter [tilespmem:s28], [sflag:$0x4], $0x80, $0x38;
	[tilespmem:$0xB780] =	vst v63  }
0x50e: {  	s24 =	simm.s32 $0x6740;
	s10 =	sadd.s32 s8, s14  }
0x50f: {  	[hbm4b:s10+s5] =	stream.linear.scatter [tilespmem:s24], [sflag:$0x4], $0x80, $0x38;
	[tilespmem:$0xB780] =	vst v63  }
0x510: {  	s28 =	simm.s32 $0x67C8;
	s25 =	sadd.s32 $0x10, s10  }
0x511: {  	[hbm4b:s25+s5] =	stream.linear.scatter [tilespmem:s28], [sflag:$0x4], $0x80, $0x38;
	[tilespmem:$0xB780] =	vst v63  }
0x512: {  	s25 =	sadd.s32 $0x20, s10;
	s28 =	simm.s32 $0x6850  }
0x513: {  	[hbm4b:s25+s5] =	stream.linear.scatter [tilespmem:s28], [sflag:$0x4], $0x80, $0x38;
	[tilespmem:$0xB780] =	vst v63  }
0x514: {  	s25 =	sadd.s32 $0x30, s10;
	s28 =	simm.s32 $0x68D8  }
0x515: {  	[hbm4b:s25+s5] =	stream.linear.scatter [tilespmem:s28], [sflag:$0x4], $0x80, $0x38;
	[tilespmem:$0xB780] =	vst v63  }
0x516: {  	s25 =	sadd.s32 $0x40, s10;
	s28 =	simm.s32 $0x6960  }
0x517: {  	[hbm4b:s25+s5] =	stream.linear.scatter [tilespmem:s28], [sflag:$0x4], $0x80, $0x38;
	[tilespmem:$0xB780] =	vst v63  }
0x518: {  	s25 =	sadd.s32 $0x50, s10;
	s28 =	simm.s32 $0x69E8  }
0x519: {  	[hbm4b:s25+s5] =	stream.linear.scatter [tilespmem:s28], [sflag:$0x4], $0x80, $0x38;
	[tilespmem:$0xB780] =	vst v63  }
0x51a: {  	s24 =	sadd.s32 $0x60, s10;
	s25 =	simm.s32 $0x6A70  }
0x51b: {  	[hbm4b:s24+s5] =	stream.linear.scatter [tilespmem:s25], [sflag:$0x4], $0x80, $0x38;
	[tilespmem:$0xB780] =	vst v63  }
0x51c: {  	s10 =	sadd.s32 $0x70, s10;
	s28 =	simm.s32 $0x6AF8  }
0x51d: {  	[hbm4b:s10+s5] =	stream.linear.scatter [tilespmem:s28], [sflag:$0x4], $0x80, $0x38;
	[tilespmem:$0xB780] =	vst v63  }
0x51e: {  	s24 =	simm.s32 $0x6B80;
	s10 =	sadd.s32 s8, s15  }
0x51f: {  	[hbm4b:s10+s5] =	stream.linear.scatter [tilespmem:s24], [sflag:$0x4], $0x80, $0x38;
	[tilespmem:$0xB780] =	vst v63  }
0x520: {  	s28 =	simm.s32 $0x6C08;
	s25 =	sadd.s32 $0x10, s10  }
0x521: {  	[hbm4b:s25+s5] =	stream.linear.scatter [tilespmem:s28], [sflag:$0x4], $0x80, $0x38;
	[tilespmem:$0xB780] =	vst v63  }
0x522: {  	s25 =	sadd.s32 $0x20, s10;
	s28 =	simm.s32 $0x6C90  }
0x523: {  	[hbm4b:s25+s5] =	stream.linear.scatter [tilespmem:s28], [sflag:$0x4], $0x80, $0x38;
	[tilespmem:$0xB780] =	vst v63  }
0x524: {  	s25 =	sadd.s32 $0x30, s10;
	s28 =	simm.s32 $0x6D18  }
0x525: {  	[hbm4b:s25+s5] =	stream.linear.scatter [tilespmem:s28], [sflag:$0x4], $0x80, $0x38;
	[tilespmem:$0xB780] =	vst v63  }
0x526: {  	s25 =	sadd.s32 $0x40, s10;
	s28 =	simm.s32 $0x6DA0  }
0x527: {  	[hbm4b:s25+s5] =	stream.linear.scatter [tilespmem:s28], [sflag:$0x4], $0x80, $0x38;
	[tilespmem:$0xB780] =	vst v63  }
0x528: {  	s25 =	sadd.s32 $0x50, s10;
	s28 =	simm.s32 $0x6E28  }
0x529: {  	[hbm4b:s25+s5] =	stream.linear.scatter [tilespmem:s28], [sflag:$0x4], $0x80, $0x38;
	[tilespmem:$0xB780] =	vst v63  }
0x52a: {  	s24 =	sadd.s32 $0x60, s10;
	s25 =	simm.s32 $0x6EB0  }
0x52b: {  	[hbm4b:s24+s5] =	stream.linear.scatter [tilespmem:s25], [sflag:$0x4], $0x80, $0x38;
	[tilespmem:$0xB780] =	vst v63  }
0x52c: {  	s10 =	sadd.s32 $0x70, s10;
	s28 =	simm.s32 $0x6F38  }
0x52d: {  	[hbm4b:s10+s5] =	stream.linear.scatter [tilespmem:s28], [sflag:$0x4], $0x80, $0x38;
	[tilespmem:$0xB780] =	vst v63  }
0x52e: {  	s24 =	simm.s32 $0x6FC0;
	s10 =	sadd.s32 s8, s16  }
0x52f: {  	[hbm4b:s10+s5] =	stream.linear.scatter [tilespmem:s24], [sflag:$0x4], $0x80, $0x38;
	[tilespmem:$0xB780] =	vst v63  }
0x530: {  	s28 =	simm.s32 $0x7048;
	s25 =	sadd.s32 $0x10, s10  }
0x531: {  	[hbm4b:s25+s5] =	stream.linear.scatter [tilespmem:s28], [sflag:$0x4], $0x80, $0x38;
	[tilespmem:$0xB780] =	vst v63  }
0x532: {  	s25 =	sadd.s32 $0x20, s10;
	s28 =	simm.s32 $0x70D0  }
0x533: {  	[hbm4b:s25+s5] =	stream.linear.scatter [tilespmem:s28], [sflag:$0x4], $0x80, $0x38;
	[tilespmem:$0xB780] =	vst v63  }
0x534: {  	s25 =	sadd.s32 $0x30, s10;
	s28 =	simm.s32 $0x7158  }
0x535: {  	[hbm4b:s25+s5] =	stream.linear.scatter [tilespmem:s28], [sflag:$0x4], $0x80, $0x38;
	[tilespmem:$0xB780] =	vst v63  }
0x536: {  	s25 =	sadd.s32 $0x40, s10;
	s28 =	simm.s32 $0x71E0  }
0x537: {  	[hbm4b:s25+s5] =	stream.linear.scatter [tilespmem:s28], [sflag:$0x4], $0x80, $0x38;
	[tilespmem:$0xB780] =	vst v63  }
0x538: {  	s25 =	sadd.s32 $0x50, s10;
	s28 =	simm.s32 $0x7268  }
0x539: {  	[hbm4b:s25+s5] =	stream.linear.scatter [tilespmem:s28], [sflag:$0x4], $0x80, $0x38;
	[tilespmem:$0xB780] =	vst v63  }
0x53a: {  	s24 =	sadd.s32 $0x60, s10;
	s25 =	simm.s32 $0x72F0  }
0x53b: {  	[hbm4b:s24+s5] =	stream.linear.scatter [tilespmem:s25], [sflag:$0x4], $0x80, $0x38;
	[tilespmem:$0xB780] =	vst v63  }
0x53c: {  	s10 =	sadd.s32 $0x70, s10;
	s28 =	simm.s32 $0x7378  }
0x53d: {  	[hbm4b:s10+s5] =	stream.linear.scatter [tilespmem:s28], [sflag:$0x4], $0x80, $0x38;
	[tilespmem:$0xB780] =	vst v63  }
0x53e: {  	s24 =	simm.s32 $0x7400;
	s10 =	sadd.s32 s8, s17  }
0x53f: {  	[hbm4b:s10+s5] =	stream.linear.scatter [tilespmem:s24], [sflag:$0x4], $0x80, $0x38;
	[tilespmem:$0xB780] =	vst v63  }
0x540: {  	s28 =	simm.s32 $0x7488;
	s25 =	sadd.s32 $0x10, s10  }
0x541: {  	[hbm4b:s25+s5] =	stream.linear.scatter [tilespmem:s28], [sflag:$0x4], $0x80, $0x38;
	[tilespmem:$0xB780] =	vst v63  }
0x542: {  	s25 =	sadd.s32 $0x20, s10;
	s28 =	simm.s32 $0x7510  }
0x543: {  	[hbm4b:s25+s5] =	stream.linear.scatter [tilespmem:s28], [sflag:$0x4], $0x80, $0x38;
	[tilespmem:$0xB780] =	vst v63  }
0x544: {  	s25 =	sadd.s32 $0x30, s10;
	s28 =	simm.s32 $0x7598  }
0x545: {  	[hbm4b:s25+s5] =	stream.linear.scatter [tilespmem:s28], [sflag:$0x4], $0x80, $0x38;
	[tilespmem:$0xB780] =	vst v63  }
0x546: {  	s25 =	sadd.s32 $0x40, s10;
	s28 =	simm.s32 $0x7620  }
0x547: {  	[hbm4b:s25+s5] =	stream.linear.scatter [tilespmem:s28], [sflag:$0x4], $0x80, $0x38;
	[tilespmem:$0xB780] =	vst v63  }
0x548: {  	s25 =	sadd.s32 $0x50, s10;
	s28 =	simm.s32 $0x76A8  }
0x549: {  	[hbm4b:s25+s5] =	stream.linear.scatter [tilespmem:s28], [sflag:$0x4], $0x80, $0x38;
	[tilespmem:$0xB780] =	vst v63  }
0x54a: {  	s24 =	sadd.s32 $0x60, s10;
	s25 =	simm.s32 $0x7730  }
0x54b: {  	[hbm4b:s24+s5] =	stream.linear.scatter [tilespmem:s25], [sflag:$0x4], $0x80, $0x38;
	[tilespmem:$0xB780] =	vst v63  }
0x54c: {  	s10 =	sadd.s32 $0x70, s10;
	s28 =	simm.s32 $0x77B8  }
0x54d: {  	[hbm4b:s10+s5] =	stream.linear.scatter [tilespmem:s28], [sflag:$0x4], $0x80, $0x38;
	[tilespmem:$0xB780] =	vst v63  }
0x54e: {  	s24 =	simm.s32 $0x7840;
	s10 =	sadd.s32 s8, s18  }
0x54f: {  	[hbm4b:s10+s5] =	stream.linear.scatter [tilespmem:s24], [sflag:$0x4], $0x80, $0x38;
	[tilespmem:$0xB780] =	vst v63  }
0x550: {  	s28 =	simm.s32 $0x78C8;
	s25 =	sadd.s32 $0x10, s10  }
0x551: {  	[hbm4b:s25+s5] =	stream.linear.scatter [tilespmem:s28], [sflag:$0x4], $0x80, $0x38;
	[tilespmem:$0xB780] =	vst v63  }
0x552: {  	s25 =	sadd.s32 $0x20, s10;
	s28 =	simm.s32 $0x7950  }
0x553: {  	[hbm4b:s25+s5] =	stream.linear.scatter [tilespmem:s28], [sflag:$0x4], $0x80, $0x38;
	[tilespmem:$0xB780] =	vst v63  }
0x554: {  	s25 =	sadd.s32 $0x30, s10;
	s28 =	simm.s32 $0x79D8  }
0x555: {  	[hbm4b:s25+s5] =	stream.linear.scatter [tilespmem:s28], [sflag:$0x4], $0x80, $0x38;
	[tilespmem:$0xB780] =	vst v63  }
0x556: {  	s25 =	sadd.s32 $0x40, s10;
	s28 =	simm.s32 $0x7A60  }
0x557: {  	[hbm4b:s25+s5] =	stream.linear.scatter [tilespmem:s28], [sflag:$0x4], $0x80, $0x38;
	[tilespmem:$0xB780] =	vst v63  }
0x558: {  	s25 =	sadd.s32 $0x50, s10;
	s28 =	simm.s32 $0x7AE8  }
0x559: {  	[hbm4b:s25+s5] =	stream.linear.scatter [tilespmem:s28], [sflag:$0x4], $0x80, $0x38;
	[tilespmem:$0xB780] =	vst v63  }
0x55a: {  	s24 =	sadd.s32 $0x60, s10;
	s25 =	simm.s32 $0x7B70  }
0x55b: {  	[hbm4b:s24+s5] =	stream.linear.scatter [tilespmem:s25], [sflag:$0x4], $0x80, $0x38;
	[tilespmem:$0xB780] =	vst v63  }
0x55c: {  	s10 =	sadd.s32 $0x70, s10;
	s28 =	simm.s32 $0x7BF8  }
0x55d: {  	[hbm4b:s10+s5] =	stream.linear.scatter [tilespmem:s28], [sflag:$0x4], $0x80, $0x38;
	[tilespmem:$0xB780] =	vst v63  }
0x55e: {  	s24 =	simm.s32 $0x7C80;
	s10 =	sadd.s32 s8, s19  }
0x55f: {  	[hbm4b:s10+s5] =	stream.linear.scatter [tilespmem:s24], [sflag:$0x4], $0x80, $0x38;
	[tilespmem:$0xB780] =	vst v63  }
0x560: {  	s28 =	simm.s32 $0x7D08;
	s25 =	sadd.s32 $0x10, s10  }
0x561: {  	[hbm4b:s25+s5] =	stream.linear.scatter [tilespmem:s28], [sflag:$0x4], $0x80, $0x38;
	[tilespmem:$0xB780] =	vst v63  }
0x562: {  	s25 =	sadd.s32 $0x20, s10;
	s28 =	simm.s32 $0x7D90  }
0x563: {  	[hbm4b:s25+s5] =	stream.linear.scatter [tilespmem:s28], [sflag:$0x4], $0x80, $0x38;
	[tilespmem:$0xB780] =	vst v63  }
0x564: {  	s25 =	sadd.s32 $0x30, s10;
	s28 =	simm.s32 $0x7E18  }
0x565: {  	[hbm4b:s25+s5] =	stream.linear.scatter [tilespmem:s28], [sflag:$0x4], $0x80, $0x38;
	[tilespmem:$0xB780] =	vst v63  }
0x566: {  	s25 =	sadd.s32 $0x40, s10;
	s28 =	simm.s32 $0x7EA0  }
0x567: {  	[hbm4b:s25+s5] =	stream.linear.scatter [tilespmem:s28], [sflag:$0x4], $0x80, $0x38;
	[tilespmem:$0xB780] =	vst v63  }
0x568: {  	s25 =	sadd.s32 $0x50, s10;
	s28 =	simm.s32 $0x7F28  }
0x569: {  	[hbm4b:s25+s5] =	stream.linear.scatter [tilespmem:s28], [sflag:$0x4], $0x80, $0x38;
	[tilespmem:$0xB780] =	vst v63  }
0x56a: {  	s24 =	sadd.s32 $0x60, s10;
	s25 =	simm.s32 $0x7FB0  }
0x56b: {  	[hbm4b:s24+s5] =	stream.linear.scatter [tilespmem:s25], [sflag:$0x4], $0x80, $0x38;
	[tilespmem:$0xB780] =	vst v63  }
0x56c: {  	s10 =	sadd.s32 $0x70, s10;
	s28 =	simm.s32 $0x8038  }
0x56d: {  	[hbm4b:s10+s5] =	stream.linear.scatter [tilespmem:s28], [sflag:$0x4], $0x80, $0x38;
	[tilespmem:$0xB780] =	vst v63  }
0x56e: {  	s8 =	sadd.s32 s8, s20;
	s24 =	simm.s32 $0x80C0  }
0x56f: {  	[hbm4b:s8+s5] =	stream.linear.scatter [tilespmem:s24], [sflag:$0x4], $0x80, $0x38;
	[tilespmem:$0xB780] =	vst v63  }
0x570: {  	s25 =	sadd.s32 $0x10, s8;
	s28 =	simm.s32 $0x8148  }
0x571: {  	[hbm4b:s25+s5] =	stream.linear.scatter [tilespmem:s28], [sflag:$0x4], $0x80, $0x38;
	[tilespmem:$0xB780] =	vst v63  }
0x572: {  	s21 =	sadd.s32 $0x20, s8;
	s24 =	simm.s32 $0x81D0  }
0x573: {  	[hbm4b:s21+s5] =	stream.linear.scatter [tilespmem:s24], [sflag:$0x4], $0x80, $0x38;
	[tilespmem:$0xB780] =	vst v63  }
0x574: {  	s25 =	sadd.s32 $0x30, s8;
	s28 =	simm.s32 $0x8258  }
0x575: {  	[hbm4b:s25+s5] =	stream.linear.scatter [tilespmem:s28], [sflag:$0x4], $0x80, $0x38;
	[tilespmem:$0xB780] =	vst v63  }
0x576: {  	s22 =	sadd.s32 $0x1, s22;
	v45 =	vld [tilespmem:$0x1FFC0];
	s24 =	sadd.s32 $0x40, s8  }
0x577: {  	v12 =	vld [tilespmem:$0x1FFD0];
	[hbm4b:s24+s5] =	stream.linear.scatter [tilespmem:s9], [sflag:$0x4], $0x80, $0x38  }
0x578: {  	p0 =	sne.s32 s22, $0x64;
	v14 =	vld [tilespmem:$0x1FFE0];
	s25 =	sadd.s32 $0x50, s8  }
0x579: {  	v42 =	vld [tilespmem:$0x1FF80];
	[hbm4b:s25+s5] =	stream.linear.scatter [tilespmem:s30], [sflag:$0x4], $0x80, $0x38  }
.Ltmp4:
0x57a: {  	v43 =	vld [tilespmem:$0x1FF90];
	(pc) =	sbr.rel @p0 .LBB2_2-.Ltmp4, $4  }
0x57b: {  	v44 =	vld [tilespmem:$0x1FFA0];
	s28 =	sadd.s32 $0x60, s8  }
0x57c: {  	v11 =	vld [tilespmem:$0x1FFB0];
	[hbm4b:s28+s5] =	stream.linear.scatter [tilespmem:s4], [sflag:$0x4], $0x80, $0x38  }
0x57d: {  	v53 =	vld [tilespmem:$0x1FF70];
	s8 =	sadd.s32 $0x70, s8  }
0x57e: {  	v40 =	vmov v46;
	v54 =	vld [tilespmem:$0x1FF60];
	[hbm4b:s8+s5] =	stream.linear.scatter [tilespmem:s1], [sflag:$0x4], $0x80, $0x38  }
0x57f: {  	_ =	swait.ge [sflag:s2], $0x400  }
0x580: {  	[sflag:s2] =	ssyncset.done $0x0  }
0x581: {  	[sflag:s2] =	ssyncadd.s32 $0xFFFFFC00  }
0x582: {  	_ =	swait.ge [sflag:s2], $0x400  }
0x583: {  	[sflag:s2] =	ssyncset.done $0x0  }
0x584: {  	[sflag:s2] =	ssyncadd.s32 $0xFFFFFC00  }
0x585: {  	_ =	swait.ge [sflag:s2], $0x400  }
0x586: {  	[sflag:s2] =	ssyncset.done $0x0  }
0x587: {  	[sflag:s2] =	ssyncadd.s32 $0xFFFFFC00  }
0x588: {  	_ =	swait.ge [sflag:s2], $0x400  }
0x589: {  	[sflag:s2] =	ssyncset.done $0x0  }
0x58a: {  	[sflag:s2] =	ssyncadd.s32 $0xFFFFFC00  }
0x58b: {  	_ =	swait.ge [sflag:s2], $0x400  }
0x58c: {  	[sflag:s2] =	ssyncset.done $0x0  }
0x58d: {  	[sflag:s2] =	ssyncadd.s32 $0xFFFFFC00  }
0x58e: {  	_ =	swait.ge [sflag:s2], $0x400  }
0x58f: {  	[sflag:s2] =	ssyncset.done $0x0  }
0x590: {  	[sflag:s2] =	ssyncadd.s32 $0xFFFFFC00  }
0x591: {  	_ =	swait.ge [sflag:s2], $0x400  }
0x592: {  	[sflag:s2] =	ssyncset.done $0x0  }
0x593: {  	[sflag:s2] =	ssyncadd.s32 $0xFFFFFC00  }
0x594: {  	_ =	swait.ge [sflag:s2], $0x400  }
0x595: {  	[sflag:s2] =	ssyncset.done $0x0  }
0x596: {  	s10 =	simm.s32 $0x4;
	[sflag:s2] =	ssyncadd.s32 $0xFFFFFC00  }
0x597: {  	_ =	swait.ge [sflag:s10], $0x400  }
0x598: {  	[sflag:s10] =	ssyncset.done $0x0  }
0x599: {  	[sflag:s10] =	ssyncadd.s32 $0xFFFFFC00  }
0x59a: {  	_ =	swait.ge [sflag:s10], $0x400  }
0x59b: {  	[sflag:s10] =	ssyncset.done $0x0  }
0x59c: {  	[sflag:s10] =	ssyncadd.s32 $0xFFFFFC00  }
0x59d: {  	_ =	swait.ge [sflag:s10], $0x400  }
0x59e: {  	[sflag:s10] =	ssyncset.done $0x0  }
0x59f: {  	[sflag:s10] =	ssyncadd.s32 $0xFFFFFC00  }
0x5a0: {  	_ =	swait.ge [sflag:s10], $0x400  }
0x5a1: {  	[sflag:s10] =	ssyncset.done $0x0  }
0x5a2: {  	[sflag:s10] =	ssyncadd.s32 $0xFFFFFC00  }
0x5a3: {  	_ =	swait.ge [sflag:s10], $0x400  }
0x5a4: {  	[sflag:s10] =	ssyncset.done $0x0  }
0x5a5: {  	[sflag:s10] =	ssyncadd.s32 $0xFFFFFC00  }
0x5a6: {  	_ =	swait.ge [sflag:s10], $0x400  }
0x5a7: {  	[sflag:s10] =	ssyncset.done $0x0  }
0x5a8: {  	[sflag:s10] =	ssyncadd.s32 $0xFFFFFC00  }
0x5a9: {  	_ =	swait.ge [sflag:s10], $0x400  }
0x5aa: {  	[sflag:s10] =	ssyncset.done $0x0  }
0x5ab: {  	[sflag:s10] =	ssyncadd.s32 $0xFFFFFC00  }
0x5ac: {  	_ =	swait.ge [sflag:s10], $0x400  }
0x5ad: {  	s21 =	rddreg [dreg:$0x9]  }
0x5ae: {  	s8 =	rddreg [dreg:$0x8];
	s21 =	sadd.s32 $0x1, s21  }
0x5af: {  	p0 =	sne.s32 s21, s8  }
.Ltmp5:
0x5b0: {  	_ = 	snop;
	(pc) =	sbr.rel @p0 .LBB2_1-.Ltmp5, $3  }
0x5b1: {  	_ =	sdelay $0x1  }
0x5b2: {  	[sflag:s10] =	ssyncset.done $0x0  }
0x5b3: {  	[sflag:s10] =	ssyncadd.s32 $0xFFFFFC00  }
0x5b4: {  	_ =	sfence.sel $0x180000  }
0x5b5: {  	[bflag:$0x0] =	sbarrier.arrive $0xFFFF  }
0x5b6: {  	_ =	strace $0x90000047  }
0x5b7: {  	s0 =	stileid.u32;
	[bflag:$0x2] =	sbarrier.arrive $0xFFFF  }
0x5b8: {  	p0 =	sne.s32 s0, $0x0;
	s0 =	rddreg [dreg:$0x4]  }
0x5b9: {  	s0 =	sadd.s32 @!p0 $0x100000, s0  }
0x5ba: {  	[sflag:s0] =	ssyncadd.tile.s32 @!p0 $0x1;
	_ =	shalt  }
.Lfunc_end2:
_tile_overlayer_lowered:
.L_overlay_start_2:
0x5bb: {  	(tag) =	ssettag $0x2  }
0x5bc: {  	s0 =	rddreg [dreg:$0x0];
	s2 =	stileid.u32  }
0x5bd: {  	s1 =	rddreg [dreg:$0x1];
	p0 =	sne.s32 s2, $0x0  }
0x5be: {  	s3 =	rddreg [dreg:$0x2];
	[bflag:$0x3] =	sbarrier.arrive $0xFFFF;
	s2 =	simm.s32 @!p0 $0x1C07  }
0x5bf: {  	[timem:s3], [sflag:s2] =	dma.local @!p0 [hbm:s0], s1  }
0x5c0: {  	s0 =	simm.s32 @!p0 $0x7  }
0x5c1: {  	_ =	swait.ge @!p0 [sflag:s0], s1  }
0x5c2: {  	s1 =	ssub.s32 @!p0 $0x0, s1;
	[sflag:s0] =	ssyncset.done @!p0 $0x0  }
0x5c3: {  	[sflag:s0] =	ssyncadd.s32 @!p0 s1  }
0x5c4: {  	[bflag:$0x3] =	sbarrier.arrive $0xFFFF  }
0x5c5: {  	_ =	shalt  }

</sc_bundles>
